<compile_context>
chip_gen: v7x
topology: tpu7x:2x2x1
jax: 0.10.2.dev20260603
libtpu: 0.0.44.dev20260713+nightly
codegen_flags: <defaults>
</compile_context>

<pallas_src>
import functools

import jax
import jax.numpy as jnp
from jax import lax
from jax.experimental import pallas as pl
from jax.experimental.pallas import tpu as pltpu
from jax.experimental.pallas import tpu_sc as plsc

NW = 32
TPS = 16
CN = 4
LANES = 16
D = 2
OD = 4


def _sc_gather_reduce(x, idx_flat, npw, nch, nx, k):
  n_pad = NW * npw
  n, f = x.shape
  vlast = idx_flat.shape[0] - (NW - 1) * npw * k
  ci = CN * k
  inv = 1.0 / (k - 1)
  nfp = n // ci
  full_rounds = nfp // TPS
  rem_p = nfp % TPS
  tail = n - nfp * ci
  mesh = plsc.VectorSubcoreMesh(core_axis_name="c", subcore_axis_name="s")

  @functools.partial(
      pl.kernel,
      out_type=[jax.ShapeDtypeStruct((n_pad, f), jnp.float32),
                jax.ShapeDtypeStruct((n_pad, f), jnp.float32)],
      mesh=mesh,
      scratch_types=[
          pltpu.VMEM_SHARED((nx, f), jnp.float32),
          pltpu.VMEM((npw * k,), jnp.int32),
          pltpu.VMEM((D, ci, f), jnp.float32),
          pltpu.VMEM((OD, CN, f), jnp.float32),
          pltpu.VMEM((OD, CN, f), jnp.float32),
          [pltpu.SemaphoreType.DMA] * D,
          [pltpu.SemaphoreType.DMA] * OD,
          [pltpu.SemaphoreType.DMA] * OD,
      ],
  )
  def sc_kernel(x_hbm, idx_hbm, gl_hbm, gr_hbm, xs, idxv, rows, glo, gro,
                gsems, lsems, rsems):
    wid = lax.axis_index("s") * 2 + lax.axis_index("c")
    sid = lax.axis_index("s")
    base = wid * npw

    if vlast == npw * k:
      pltpu.sync_copy(idx_hbm.at[pl.ds(base * k, npw * k)], idxv)
    else:
      @pl.when(wid < NW - 1)
      def _():
        pltpu.sync_copy(idx_hbm.at[pl.ds(base * k, npw * k)], idxv)

      @pl.when(wid == NW - 1)
      def _():
        pltpu.sync_copy(idx_hbm.at[pl.ds(base * k, vlast)],
                        idxv.at[pl.ds(0, vlast)])
        zero = jnp.zeros((LANES,), jnp.int32)

        @pl.loop(0, (npw * k - vlast) // LANES)
        def _(z):
          idxv[pl.ds(vlast + z * LANES, LANES)] = zero

    def stage_in(p, b):
      row0 = (p * TPS + sid) * ci
      return pltpu.make_async_copy(x_hbm.at[pl.ds(row0, ci)], rows.at[b],
                                   gsems[b])

    def stage_out(p, b):
      row0 = (p * TPS + sid) * ci
      return pltpu.make_async_copy(rows.at[b], xs.at[pl.ds(row0, ci)],
                                   lsems[b])

    if full_rounds:
      stage_in(0, 0).start()
      for p in range(full_rounds):
        b = p % 2
        stage_in(p, b).wait()
        stage_out(p, b).start()
        if p + 1 < full_rounds:
          if p >= 1:
            stage_out(p - 1, 1 - b).wait()
          stage_in(p + 1, 1 - b).start()
      if full_rounds >= 2:
        stage_out(full_rounds - 2, full_rounds % 2).wait()
      stage_out(full_rounds - 1, (full_rounds - 1) % 2).wait()

    if rem_p:
      @pl.when(sid < rem_p)
      def _():
        row0 = (full_rounds * TPS + sid) * ci
        pltpu.sync_copy(x_hbm.at[pl.ds(row0, ci)], rows.at[0])
        pltpu.sync_copy(rows.at[0], xs.at[pl.ds(row0, ci)])

    if tail:
      @pl.when(sid == TPS - 1)
      def _():
        row0 = nfp * ci
        pltpu.sync_copy(x_hbm.at[pl.ds(row0, tail)],
                        rows.at[0, pl.ds(0, tail)])
        pltpu.sync_copy(rows.at[0, pl.ds(0, tail)],
                        xs.at[pl.ds(row0, tail)])

    plsc.subcore_barrier()

    def gather(c, b):
      return pltpu.make_async_copy(
          xs.at[idxv.at[pl.ds(c * ci, ci)]], rows.at[b], gsems[b])

    def store(c, ob):
      dst = pl.ds(base + c * CN, CN)
      return (pltpu.make_async_copy(glo.at[ob], gl_hbm.at[dst], lsems[ob]),
              pltpu.make_async_copy(gro.at[ob], gr_hbm.at[dst], rsems[ob]))

    for b in range(D):
      gather(b, b).start()

    nf = f // LANES

    @pl.loop(0, nch)
    def _(c):
      b = lax.rem(c, D)
      ob = lax.rem(c, OD)
      for bb in range(D):
        @pl.when(b == bb)
        def _():
          gather(c, bb).wait()

      @pl.when(c >= OD)
      def _():
        for oo in range(OD):
          @pl.when(ob == oo)
          def _():
            s_l, s_r = store(c - OD, oo)
            s_l.wait()
            s_r.wait()

      @pl.loop(0, CN)
      def _(i):
        r0 = i * k
        for g in range(0, nf, 4):
          sls = [pl.ds(fo * LANES, LANES) for fo in range(g, g + 4)]
          ss = [rows[b, r0 + (k - 1), sl] for sl in sls]
          ws = list(ss)
          for j in range(k - 2, 0, -1):
            for fo in range(4):
              v = rows[b, r0 + j, sls[fo]]
              ss[fo] = ss[fo] + v
              ws[fo] = ws[fo] + ss[fo]
          for fo in range(4):
            s = ss[fo] + rows[b, r0, sls[fo]]
            gr = ws[fo] * inv
            glo[ob, i, sls[fo]] = s - gr
            gro[ob, i, sls[fo]] = gr

      for oo in range(OD):
        @pl.when(ob == oo)
        def _():
          s_l, s_r = store(c, oo)
          s_l.start()
          s_r.start()

      nxt = c + D

      @pl.when(nxt < nch)
      def _():
        for bb in range(D):
          @pl.when(b == bb)
          def _():
            gather(nxt, bb).start()

    for cc in range(max(nch - OD, 0), nch):
      s_l, s_r = store(cc, cc % OD)
      s_l.wait()
      s_r.wait()

  return sc_kernel(x, idx_flat)


def _tc_combine(x, gl, gr, wt_t, wl_t, wr_t, bm):
  n, f = x.shape

  def body(x_ref, gl_ref, gr_ref, wt_ref, wl_ref, wr_ref, o_ref):
    acc = jnp.dot(x_ref[...], wt_ref[...], preferred_element_type=jnp.float32)
    acc += jnp.dot(gl_ref[...], wl_ref[...], preferred_element_type=jnp.float32)
    acc += jnp.dot(gr_ref[...], wr_ref[...], preferred_element_type=jnp.float32)
    o_ref[...] = acc

  row_spec = pl.BlockSpec((bm, f), lambda i: (i, 0))
  w_spec = pl.BlockSpec((f, f), lambda i: (0, 0))
  return pl.pallas_call(
      body,
      grid=(-(-n // bm),),
      in_specs=[row_spec, row_spec, row_spec, w_spec, w_spec, w_spec],
      out_specs=row_spec,
      out_shape=jax.ShapeDtypeStruct((n, f), jnp.float32),
  )(x, gl, gr, wt_t, wl_t, wr_t)


def kernel(x, child_idx, W_top, W_left, W_right):
  n, _ = x.shape
  nch = -(-n // (NW * CN))
  nch = -(-nch // OD) * OD
  npw = nch * CN
  n_pad = NW * npw
  k = child_idx.shape[1]
  ci = CN * k
  r_last = n - (NW - 1) * npw
  if 0 < r_last <= npw and (r_last * k) % LANES == 0:
    idx_flat = child_idx.astype(jnp.int32).reshape(-1)
  else:
    idx_flat = jnp.pad(child_idx.astype(jnp.int32),
                       ((0, n_pad - n), (0, 0))).reshape(-1)
  if n % 8 == 0:
    xs_src = x
  else:
    xs_src = jnp.pad(x, ((0, 8 - n % 8), (0, 0)))
  gl, gr = _sc_gather_reduce(xs_src, idx_flat, npw, nch, n_pad, k)
  bm = 2000 if n % 2000 == 0 else 640
  out = _tc_combine(x, gl, gr, W_top.T, W_left.T, W_right.T, bm=bm)
  return out

# --- scband reference (transcript-rebuilt; emitter-appended) ---
"""Pipeline reference for scband-tree-conv-unit-26070451487212 (READ-ONLY COPY).

The authoritative reference and input builder live on the scoring server;
editing this copy changes nothing except your own understanding.
"""

import jax, jax.numpy as jnp
import numpy as np

N, K, F = 10000, 32, 128

def setup_inputs(seed: int = 0) -> dict:
    key = jax.random.key(seed)
    k1, k2, k3, k4, k5 = jax.random.split(key, 5)
    x = jax.random.normal(k1, (N, F), dtype=jnp.float32)
    child_idx = jax.random.randint(k2, (N, K), 0, N)
    s = 1.0 / np.sqrt(F)
    W_top = jax.random.uniform(k3, (F, F), minval=-s, maxval=s, dtype=jnp.float32)
    W_left = jax.random.uniform(k4, (F, F), minval=-s, maxval=s, dtype=jnp.float32)
    W_right = jax.random.uniform(k5, (F, F), minval=-s, maxval=s, dtype=jnp.float32)
    return {"x": x, "child_idx": child_idx, "W_top": W_top, "W_left": W_left, "W_right": W_right}

def reference(x, child_idx, W_top, W_left, W_right):
    # One synchronous tree-conv step with fixed fanout K (DGL prop_nodes_topo
    # batches nodes by in-degree; here every node has exactly K children).
    n_children = child_idx.shape[1]
    # message_func + mailbox: gather children features -> [N, K, F]
    h = jnp.take(x, child_idx, axis=0)
    # reduce_func: apply left/right weight matrices to each child message
    sum_l_dp = h @ W_left.T   # [N, K, F]
    sum_r_dp = h @ W_right.T  # [N, K, F]
    if n_children == 1:
        binary_right = jnp.array([0.5], dtype=jnp.float32)
        binary_left = jnp.array([0.5], dtype=jnp.float32)
    else:
        step = 1.0 / (n_children - 1)
        binary_right = jnp.arange(0.0, 1.0 + step, step, dtype=jnp.float32)[:n_children]
        binary_left = 1.0 - binary_right
    sum_l = jnp.einsum('ijk,j->ik', sum_l_dp, binary_left)
    sum_r = jnp.einsum('ijk,j->ik', sum_r_dp, binary_right)
    h_sum = sum_l + sum_r
    # apply_node_func: new_h = W_top(h_self) + h_sum
    new_h = x @ W_top.T + h_sum
    return new_h

if __name__ == "__main__":
    import jax
    _d = setup_inputs()
    print(jax.jit(kernel)(*tuple(_d.values())))

</pallas_src>

<mosaic_0001>
#map = affine_map<(d0, d1) -> (0, 0)>
#map1 = affine_map<(d0, d1) -> (0)>
module attributes {stable_mosaic.version = 14 : i64} {
  func.func @sc_kernel(%arg0: i32, %arg1: i32, %arg2: memref<10000x128xf32, #tpu.memory_space<hbm>>, %arg3: memref<320000xi32, #tpu.memory_space<hbm>>, %arg4: memref<10240x128xf32, #tpu.memory_space<hbm>>, %arg5: memref<10240x128xf32, #tpu.memory_space<hbm>>, %arg6: memref<10240x128xf32, #tpu.memory_space<vmem_shared>>, %arg7: memref<10240xi32, #tpu.memory_space<vmem>>, %arg8: memref<2x128x128xf32, #tpu.memory_space<vmem>>, %arg9: memref<4x4x128xf32, #tpu.memory_space<vmem>>, %arg10: memref<4x4x128xf32, #tpu.memory_space<vmem>>, %arg11: memref<!tpu.dma_semaphore, #tpu.memory_space<semaphore_mem>>, %arg12: memref<!tpu.dma_semaphore, #tpu.memory_space<semaphore_mem>>, %arg13: memref<!tpu.dma_semaphore, #tpu.memory_space<semaphore_mem>>, %arg14: memref<!tpu.dma_semaphore, #tpu.memory_space<semaphore_mem>>, %arg15: memref<!tpu.dma_semaphore, #tpu.memory_space<semaphore_mem>>, %arg16: memref<!tpu.dma_semaphore, #tpu.memory_space<semaphore_mem>>, %arg17: memref<!tpu.dma_semaphore, #tpu.memory_space<semaphore_mem>>, %arg18: memref<!tpu.dma_semaphore, #tpu.memory_space<semaphore_mem>>, %arg19: memref<!tpu.dma_semaphore, #tpu.memory_space<semaphore_mem>>, %arg20: memref<!tpu.dma_semaphore, #tpu.memory_space<semaphore_mem>>) attributes {dimension_semantics = [#tpu.dimension_semantics<core_parallel>, #tpu.dimension_semantics<subcore_parallel>], iteration_bounds = array<i64: 2, 16>, scalar_prefetch = 0 : i64, scratch_operands = 15 : i64, tpu.core_type = #tpu.core_type<sc_vector_subcore>, window_params = [{transform_indices = #map}, {transform_indices = #map1}, {transform_indices = #map}, {transform_indices = #map}]} {
    %mul3A = arith.constant 2 : i32
    %mul3A_0 = arith.muli %arg1, %mul3A : i32
    %add3A = arith.addi %mul3A_0, %arg0 : i32
    %mul3A_1 = arith.constant 320 : i32
    %mul3A_2 = arith.muli %add3A, %mul3A_1 : i32
    %lt3A = arith.constant 31 : i32
    %lt3A_3 = arith.cmpi slt, %add3A, %lt3A : i32
    %convert_element_type3A = arith.extui %lt3A_3 : i1 to i32
    %cond3A = arith.constant 0 : i32
    %cond3A_4 = arith.cmpi ne, %convert_element_type3A, %cond3A : i32
    scf.if %cond3A_4 {
      %mul3A_425 = arith.constant 32 : i32
      %mul3A_426 = arith.muli %mul3A_2, %mul3A_425 : i32
      "tpu.region"() ({
        %run_scoped3A = tpu.sem_alloc : memref<!tpu.dma_semaphore, #tpu.memory_space<semaphore_mem>>
        %dma_start3A_427 = tpu.memref_slice %arg3[%mul3A_426] : memref<320000xi32, #tpu.memory_space<hbm>> -> memref<10240xi32, #tpu.memory_space<hbm>>
        %dma_start3A_428 = tpu.memref_slice %arg3[%mul3A_426] : memref<320000xi32, #tpu.memory_space<hbm>> -> memref<10240xi32, #tpu.memory_space<hbm>>
        tpu.enqueue_dma source(%dma_start3A_428 : memref<10240xi32, #tpu.memory_space<hbm>>) target(%arg7 : memref<10240xi32, #tpu.memory_space<vmem>>) target_semaphore(%run_scoped3A : memref<!tpu.dma_semaphore, #tpu.memory_space<semaphore_mem>>)
        %dma_wait3A_429 = tpu.memref_slice %arg3[%mul3A_426] : memref<320000xi32, #tpu.memory_space<hbm>> -> memref<10240xi32, #tpu.memory_space<hbm>>
        %dma_wait3A_430 = tpu.memref_slice %arg3[%mul3A_426] : memref<320000xi32, #tpu.memory_space<hbm>> -> memref<10240xi32, #tpu.memory_space<hbm>>
        tpu.wait_dma2 semaphore(%run_scoped3A : memref<!tpu.dma_semaphore, #tpu.memory_space<semaphore_mem>>) src(%dma_wait3A_430 : memref<10240xi32, #tpu.memory_space<hbm>>) dst(%arg7 : memref<10240xi32, #tpu.memory_space<vmem>>)
        tpu.yield
      }) : () -> ()
    } else {
    }
    %eq3A = arith.constant 31 : i32
    %eq3A_5 = arith.cmpi eq, %add3A, %eq3A : i32
    %convert_element_type3A_6 = arith.extui %eq3A_5 : i1 to i32
    %cond3A_7 = arith.constant 0 : i32
    %cond3A_8 = arith.cmpi ne, %convert_element_type3A_6, %cond3A_7 : i32
    scf.if %cond3A_8 {
      %mul3A_425 = arith.constant 32 : i32
      %mul3A_426 = arith.muli %mul3A_2, %mul3A_425 : i32
      "tpu.region"() ({
        %run_scoped3A = tpu.sem_alloc : memref<!tpu.dma_semaphore, #tpu.memory_space<semaphore_mem>>
        %dma_start3A_433 = arith.constant 0 : i32
        %dma_start3A_434 = tpu.memref_slice %arg7[%dma_start3A_433] : memref<10240xi32, #tpu.memory_space<vmem>> -> memref<2560xi32, #tpu.memory_space<vmem>>
        %dma_start3A_435 = tpu.memref_slice %arg3[%mul3A_426] : memref<320000xi32, #tpu.memory_space<hbm>> -> memref<2560xi32, #tpu.memory_space<hbm>>
        %dma_start3A_436 = arith.constant 0 : i32
        %dma_start3A_437 = tpu.memref_slice %arg7[%dma_start3A_436] : memref<10240xi32, #tpu.memory_space<vmem>> -> memref<2560xi32, #tpu.memory_space<vmem>>
        %dma_start3A_438 = tpu.memref_slice %arg3[%mul3A_426] : memref<320000xi32, #tpu.memory_space<hbm>> -> memref<2560xi32, #tpu.memory_space<hbm>>
        tpu.enqueue_dma source(%dma_start3A_438 : memref<2560xi32, #tpu.memory_space<hbm>>) target(%dma_start3A_437 : memref<2560xi32, #tpu.memory_space<vmem>>) target_semaphore(%run_scoped3A : memref<!tpu.dma_semaphore, #tpu.memory_space<semaphore_mem>>)
        %dma_wait3A_439 = arith.constant 0 : i32
        %dma_wait3A_440 = tpu.memref_slice %arg7[%dma_wait3A_439] : memref<10240xi32, #tpu.memory_space<vmem>> -> memref<2560xi32, #tpu.memory_space<vmem>>
        %dma_wait3A_441 = tpu.memref_slice %arg3[%mul3A_426] : memref<320000xi32, #tpu.memory_space<hbm>> -> memref<2560xi32, #tpu.memory_space<hbm>>
        %dma_wait3A_442 = arith.constant 0 : i32
        %dma_wait3A_443 = tpu.memref_slice %arg7[%dma_wait3A_442] : memref<10240xi32, #tpu.memory_space<vmem>> -> memref<2560xi32, #tpu.memory_space<vmem>>
        %dma_wait3A_444 = tpu.memref_slice %arg3[%mul3A_426] : memref<320000xi32, #tpu.memory_space<hbm>> -> memref<2560xi32, #tpu.memory_space<hbm>>
        tpu.wait_dma2 semaphore(%run_scoped3A : memref<!tpu.dma_semaphore, #tpu.memory_space<semaphore_mem>>) src(%dma_wait3A_444 : memref<2560xi32, #tpu.memory_space<hbm>>) dst(%dma_wait3A_443 : memref<2560xi32, #tpu.memory_space<vmem>>)
        tpu.yield
      }) : () -> ()
      %broadcast_in_dim3A = arith.constant 0 : i32
      %broadcast_in_dim3A_427 = vector.broadcast %broadcast_in_dim3A : i32 to vector<16xi32>
      %scan3A_428 = arith.constant 0 : i32
      %scan3A_429 = arith.constant 480 : i32
      %scan3A_430 = arith.addi %scan3A_428, %scan3A_429 : i32
      %scan3A_431 = arith.constant 1 : i32
      scf.for %scan3A_433 = %scan3A_428 to %scan3A_430 step %scan3A_431  : i32 {
        %mul3A_434 = arith.constant 1 : i32
        %mul3A_435 = arith.muli %scan3A_433, %mul3A_434 : i32
        %add3A_436 = arith.constant 0 : i32
        %add3A_437 = arith.addi %add3A_436, %mul3A_435 : i32
        %mul3A_438 = arith.constant 16 : i32
        %mul3A_439 = arith.muli %add3A_437, %mul3A_438 : i32
        %add3A_440 = arith.constant 2560 : i32
        %add3A_441 = arith.addi %add3A_440, %mul3A_439 : i32
        %swap3A = arith.index_cast %add3A_441 : i32 to index
        %swap3A_442 = tpu.vector_load %arg7[%swap3A] {strides = array<i32>} : memref<10240xi32, #tpu.memory_space<vmem>>, vector<16xi32>,
        %swap3A_443 = vector.shape_cast %swap3A_442 : vector<16xi32> to vector<16xi32>
        %swap3A_444 = vector.shape_cast %broadcast_in_dim3A_427 : vector<16xi32> to vector<16xi32>
        tpu.vector_store %arg7[%swap3A], %swap3A_444 {strides = array<i32>} : memref<10240xi32, #tpu.memory_space<vmem>>, vector<16xi32>,
      }
      %scan3A_432 = arith.constant 480 : i32
    } else {
    }
    %add3A_9 = arith.constant 0 : i32
    %add3A_10 = arith.addi %add3A_9, %arg1 : i32
    %mul3A_11 = arith.constant 128 : i32
    %mul3A_12 = arith.muli %add3A_10, %mul3A_11 : i32
    %dma_start3A = arith.constant 0 : i32
    %dma_start3A_13 = arith.constant 0 : i32
    %dma_start3A_14 = arith.constant 0 : i32
    %dma_start3A_15 = tpu.memref_slice %arg8[%dma_start3A, %dma_start3A_13, %dma_start3A_14] : memref<2x128x128xf32, #tpu.memory_space<vmem>> -> memref<1x128x128xf32, #tpu.memory_space<vmem>>
    %dma_start3A_16 = tpu.memref_squeeze %dma_start3A_15 : memref<1x128x128xf32, #tpu.memory_space<vmem>> -> memref<128x128xf32, #tpu.memory_space<vmem>>
    %dma_start3A_17 = arith.constant 0 : i32
    %dma_start3A_18 = tpu.memref_slice %arg2[%mul3A_12, %dma_start3A_17] : memref<10000x128xf32, #tpu.memory_space<hbm>> -> memref<128x128xf32, #tpu.memory_space<hbm>>
    %dma_start3A_19 = arith.constant 0 : i32
    %dma_start3A_20 = arith.constant 0 : i32
    %dma_start3A_21 = tpu.memref_slice %arg8[%dma_start3A, %dma_start3A_19, %dma_start3A_20] : memref<2x128x128xf32, #tpu.memory_space<vmem>> -> memref<1x128x128xf32, #tpu.memory_space<vmem>>
    %dma_start3A_22 = tpu.memref_squeeze %dma_start3A_21 : memref<1x128x128xf32, #tpu.memory_space<vmem>> -> memref<128x128xf32, #tpu.memory_space<vmem>>
    %dma_start3A_23 = arith.constant 0 : i32
    %dma_start3A_24 = tpu.memref_slice %arg2[%mul3A_12, %dma_start3A_23] : memref<10000x128xf32, #tpu.memory_space<hbm>> -> memref<128x128xf32, #tpu.memory_space<hbm>>
    tpu.enqueue_dma source(%dma_start3A_24 : memref<128x128xf32, #tpu.memory_space<hbm>>) target(%dma_start3A_22 : memref<128x128xf32, #tpu.memory_space<vmem>>) target_semaphore(%arg11 : memref<!tpu.dma_semaphore, #tpu.memory_space<semaphore_mem>>)
    %add3A_25 = arith.constant 0 : i32
    %add3A_26 = arith.addi %add3A_25, %arg1 : i32
    %mul3A_27 = arith.constant 128 : i32
    %mul3A_28 = arith.muli %add3A_26, %mul3A_27 : i32
    %dma_wait3A = arith.constant 0 : i32
    %dma_wait3A_29 = arith.constant 0 : i32
    %dma_wait3A_30 = arith.constant 0 : i32
    %dma_wait3A_31 = tpu.memref_slice %arg8[%dma_wait3A, %dma_wait3A_29, %dma_wait3A_30] : memref<2x128x128xf32, #tpu.memory_space<vmem>> -> memref<1x128x128xf32, #tpu.memory_space<vmem>>
    %dma_wait3A_32 = tpu.memref_squeeze %dma_wait3A_31 : memref<1x128x128xf32, #tpu.memory_space<vmem>> -> memref<128x128xf32, #tpu.memory_space<vmem>>
    %dma_wait3A_33 = arith.constant 0 : i32
    %dma_wait3A_34 = tpu.memref_slice %arg2[%mul3A_28, %dma_wait3A_33] : memref<10000x128xf32, #tpu.memory_space<hbm>> -> memref<128x128xf32, #tpu.memory_space<hbm>>
    %dma_wait3A_35 = arith.constant 0 : i32
    %dma_wait3A_36 = arith.constant 0 : i32
    %dma_wait3A_37 = tpu.memref_slice %arg8[%dma_wait3A, %dma_wait3A_35, %dma_wait3A_36] : memref<2x128x128xf32, #tpu.memory_space<vmem>> -> memref<1x128x128xf32, #tpu.memory_space<vmem>>
    %dma_wait3A_38 = tpu.memref_squeeze %dma_wait3A_37 : memref<1x128x128xf32, #tpu.memory_space<vmem>> -> memref<128x128xf32, #tpu.memory_space<vmem>>
    %dma_wait3A_39 = arith.constant 0 : i32
    %dma_wait3A_40 = tpu.memref_slice %arg2[%mul3A_28, %dma_wait3A_39] : memref<10000x128xf32, #tpu.memory_space<hbm>> -> memref<128x128xf32, #tpu.memory_space<hbm>>
    tpu.wait_dma2 semaphore(%arg11 : memref<!tpu.dma_semaphore, #tpu.memory_space<semaphore_mem>>) src(%dma_wait3A_40 : memref<128x128xf32, #tpu.memory_space<hbm>>) dst(%dma_wait3A_38 : memref<128x128xf32, #tpu.memory_space<vmem>>)
    %add3A_41 = arith.constant 0 : i32
    %add3A_42 = arith.addi %add3A_41, %arg1 : i32
    %mul3A_43 = arith.constant 128 : i32
    %mul3A_44 = arith.muli %add3A_42, %mul3A_43 : i32
    %dma_start3A_45 = arith.constant 0 : i32
    %dma_start3A_46 = arith.constant 0 : i32
    %dma_start3A_47 = arith.constant 0 : i32
    %dma_start3A_48 = tpu.memref_slice %arg8[%dma_start3A_45, %dma_start3A_46, %dma_start3A_47] : memref<2x128x128xf32, #tpu.memory_space<vmem>> -> memref<1x128x128xf32, #tpu.memory_space<vmem>>
    %dma_start3A_49 = tpu.memref_squeeze %dma_start3A_48 : memref<1x128x128xf32, #tpu.memory_space<vmem>> -> memref<128x128xf32, #tpu.memory_space<vmem>>
    %dma_start3A_50 = arith.constant 0 : i32
    %dma_start3A_51 = tpu.memref_slice %arg6[%mul3A_44, %dma_start3A_50] : memref<10240x128xf32, #tpu.memory_space<vmem_shared>> -> memref<128x128xf32, #tpu.memory_space<vmem_shared>>
    %dma_start3A_52 = arith.constant 0 : i32
    %dma_start3A_53 = tpu.memref_slice %arg6[%mul3A_44, %dma_start3A_52] : memref<10240x128xf32, #tpu.memory_space<vmem_shared>> -> memref<128x128xf32, #tpu.memory_space<vmem_shared>>
    %dma_start3A_54 = arith.constant 0 : i32
    %dma_start3A_55 = arith.constant 0 : i32
    %dma_start3A_56 = tpu.memref_slice %arg8[%dma_start3A_45, %dma_start3A_54, %dma_start3A_55] : memref<2x128x128xf32, #tpu.memory_space<vmem>> -> memref<1x128x128xf32, #tpu.memory_space<vmem>>
    %dma_start3A_57 = tpu.memref_squeeze %dma_start3A_56 : memref<1x128x128xf32, #tpu.memory_space<vmem>> -> memref<128x128xf32, #tpu.memory_space<vmem>>
    tpu.enqueue_dma source(%dma_start3A_57 : memref<128x128xf32, #tpu.memory_space<vmem>>) target(%dma_start3A_53 : memref<128x128xf32, #tpu.memory_space<vmem_shared>>) target_semaphore(%arg13 : memref<!tpu.dma_semaphore, #tpu.memory_space<semaphore_mem>>)
    %add3A_58 = arith.constant 16 : i32
    %add3A_59 = arith.addi %add3A_58, %arg1 : i32
    %mul3A_60 = arith.constant 128 : i32
    %mul3A_61 = arith.muli %add3A_59, %mul3A_60 : i32
    %dma_start3A_62 = arith.constant 1 : i32
    %dma_start3A_63 = arith.constant 0 : i32
    %dma_start3A_64 = arith.constant 0 : i32
    %dma_start3A_65 = tpu.memref_slice %arg8[%dma_start3A_62, %dma_start3A_63, %dma_start3A_64] : memref<2x128x128xf32, #tpu.memory_space<vmem>> -> memref<1x128x128xf32, #tpu.memory_space<vmem>>
    %dma_start3A_66 = tpu.memref_squeeze %dma_start3A_65 : memref<1x128x128xf32, #tpu.memory_space<vmem>> -> memref<128x128xf32, #tpu.memory_space<vmem>>
    %dma_start3A_67 = arith.constant 0 : i32
    %dma_start3A_68 = tpu.memref_slice %arg2[%mul3A_61, %dma_start3A_67] : memref<10000x128xf32, #tpu.memory_space<hbm>> -> memref<128x128xf32, #tpu.memory_space<hbm>>
    %dma_start3A_69 = arith.constant 0 : i32
    %dma_start3A_70 = arith.constant 0 : i32
    %dma_start3A_71 = tpu.memref_slice %arg8[%dma_start3A_62, %dma_start3A_69, %dma_start3A_70] : memref<2x128x128xf32, #tpu.memory_space<vmem>> -> memref<1x128x128xf32, #tpu.memory_space<vmem>>
    %dma_start3A_72 = tpu.memref_squeeze %dma_start3A_71 : memref<1x128x128xf32, #tpu.memory_space<vmem>> -> memref<128x128xf32, #tpu.memory_space<vmem>>
    %dma_start3A_73 = arith.constant 0 : i32
    %dma_start3A_74 = tpu.memref_slice %arg2[%mul3A_61, %dma_start3A_73] : memref<10000x128xf32, #tpu.memory_space<hbm>> -> memref<128x128xf32, #tpu.memory_space<hbm>>
    tpu.enqueue_dma source(%dma_start3A_74 : memref<128x128xf32, #tpu.memory_space<hbm>>) target(%dma_start3A_72 : memref<128x128xf32, #tpu.memory_space<vmem>>) target_semaphore(%arg12 : memref<!tpu.dma_semaphore, #tpu.memory_space<semaphore_mem>>)
    %add3A_75 = arith.constant 16 : i32
    %add3A_76 = arith.addi %add3A_75, %arg1 : i32
    %mul3A_77 = arith.constant 128 : i32
    %mul3A_78 = arith.muli %add3A_76, %mul3A_77 : i32
    %dma_wait3A_79 = arith.constant 1 : i32
    %dma_wait3A_80 = arith.constant 0 : i32
    %dma_wait3A_81 = arith.constant 0 : i32
    %dma_wait3A_82 = tpu.memref_slice %arg8[%dma_wait3A_79, %dma_wait3A_80, %dma_wait3A_81] : memref<2x128x128xf32, #tpu.memory_space<vmem>> -> memref<1x128x128xf32, #tpu.memory_space<vmem>>
    %dma_wait3A_83 = tpu.memref_squeeze %dma_wait3A_82 : memref<1x128x128xf32, #tpu.memory_space<vmem>> -> memref<128x128xf32, #tpu.memory_space<vmem>>
    %dma_wait3A_84 = arith.constant 0 : i32
    %dma_wait3A_85 = tpu.memref_slice %arg2[%mul3A_78, %dma_wait3A_84] : memref<10000x128xf32, #tpu.memory_space<hbm>> -> memref<128x128xf32, #tpu.memory_space<hbm>>
    %dma_wait3A_86 = arith.constant 0 : i32
    %dma_wait3A_87 = arith.constant 0 : i32
    %dma_wait3A_88 = tpu.memref_slice %arg8[%dma_wait3A_79, %dma_wait3A_86, %dma_wait3A_87] : memref<2x128x128xf32, #tpu.memory_space<vmem>> -> memref<1x128x128xf32, #tpu.memory_space<vmem>>
    %dma_wait3A_89 = tpu.memref_squeeze %dma_wait3A_88 : memref<1x128x128xf32, #tpu.memory_space<vmem>> -> memref<128x128xf32, #tpu.memory_space<vmem>>
    %dma_wait3A_90 = arith.constant 0 : i32
    %dma_wait3A_91 = tpu.memref_slice %arg2[%mul3A_78, %dma_wait3A_90] : memref<10000x128xf32, #tpu.memory_space<hbm>> -> memref<128x128xf32, #tpu.memory_space<hbm>>
    tpu.wait_dma2 semaphore(%arg12 : memref<!tpu.dma_semaphore, #tpu.memory_space<semaphore_mem>>) src(%dma_wait3A_91 : memref<128x128xf32, #tpu.memory_space<hbm>>) dst(%dma_wait3A_89 : memref<128x128xf32, #tpu.memory_space<vmem>>)
    %add3A_92 = arith.constant 16 : i32
    %add3A_93 = arith.addi %add3A_92, %arg1 : i32
    %mul3A_94 = arith.constant 128 : i32
    %mul3A_95 = arith.muli %add3A_93, %mul3A_94 : i32
    %dma_start3A_96 = arith.constant 1 : i32
    %dma_start3A_97 = arith.constant 0 : i32
    %dma_start3A_98 = arith.constant 0 : i32
    %dma_start3A_99 = tpu.memref_slice %arg8[%dma_start3A_96, %dma_start3A_97, %dma_start3A_98] : memref<2x128x128xf32, #tpu.memory_space<vmem>> -> memref<1x128x128xf32, #tpu.memory_space<vmem>>
    %dma_start3A_100 = tpu.memref_squeeze %dma_start3A_99 : memref<1x128x128xf32, #tpu.memory_space<vmem>> -> memref<128x128xf32, #tpu.memory_space<vmem>>
    %dma_start3A_101 = arith.constant 0 : i32
    %dma_start3A_102 = tpu.memref_slice %arg6[%mul3A_95, %dma_start3A_101] : memref<10240x128xf32, #tpu.memory_space<vmem_shared>> -> memref<128x128xf32, #tpu.memory_space<vmem_shared>>
    %dma_start3A_103 = arith.constant 0 : i32
    %dma_start3A_104 = tpu.memref_slice %arg6[%mul3A_95, %dma_start3A_103] : memref<10240x128xf32, #tpu.memory_space<vmem_shared>> -> memref<128x128xf32, #tpu.memory_space<vmem_shared>>
    %dma_start3A_105 = arith.constant 0 : i32
    %dma_start3A_106 = arith.constant 0 : i32
    %dma_start3A_107 = tpu.memref_slice %arg8[%dma_start3A_96, %dma_start3A_105, %dma_start3A_106] : memref<2x128x128xf32, #tpu.memory_space<vmem>> -> memref<1x128x128xf32, #tpu.memory_space<vmem>>
    %dma_start3A_108 = tpu.memref_squeeze %dma_start3A_107 : memref<1x128x128xf32, #tpu.memory_space<vmem>> -> memref<128x128xf32, #tpu.memory_space<vmem>>
    tpu.enqueue_dma source(%dma_start3A_108 : memref<128x128xf32, #tpu.memory_space<vmem>>) target(%dma_start3A_104 : memref<128x128xf32, #tpu.memory_space<vmem_shared>>) target_semaphore(%arg14 : memref<!tpu.dma_semaphore, #tpu.memory_space<semaphore_mem>>)
    %add3A_109 = arith.constant 0 : i32
    %add3A_110 = arith.addi %add3A_109, %arg1 : i32
    %mul3A_111 = arith.constant 128 : i32
    %mul3A_112 = arith.muli %add3A_110, %mul3A_111 : i32
    %dma_wait3A_113 = arith.constant 0 : i32
    %dma_wait3A_114 = arith.constant 0 : i32
    %dma_wait3A_115 = arith.constant 0 : i32
    %dma_wait3A_116 = tpu.memref_slice %arg8[%dma_wait3A_113, %dma_wait3A_114, %dma_wait3A_115] : memref<2x128x128xf32, #tpu.memory_space<vmem>> -> memref<1x128x128xf32, #tpu.memory_space<vmem>>
    %dma_wait3A_117 = tpu.memref_squeeze %dma_wait3A_116 : memref<1x128x128xf32, #tpu.memory_space<vmem>> -> memref<128x128xf32, #tpu.memory_space<vmem>>
    %dma_wait3A_118 = arith.constant 0 : i32
    %dma_wait3A_119 = tpu.memref_slice %arg6[%mul3A_112, %dma_wait3A_118] : memref<10240x128xf32, #tpu.memory_space<vmem_shared>> -> memref<128x128xf32, #tpu.memory_space<vmem_shared>>
    %dma_wait3A_120 = arith.constant 0 : i32
    %dma_wait3A_121 = tpu.memref_slice %arg6[%mul3A_112, %dma_wait3A_120] : memref<10240x128xf32, #tpu.memory_space<vmem_shared>> -> memref<128x128xf32, #tpu.memory_space<vmem_shared>>
    %dma_wait3A_122 = arith.constant 0 : i32
    %dma_wait3A_123 = arith.constant 0 : i32
    %dma_wait3A_124 = tpu.memref_slice %arg8[%dma_wait3A_113, %dma_wait3A_122, %dma_wait3A_123] : memref<2x128x128xf32, #tpu.memory_space<vmem>> -> memref<1x128x128xf32, #tpu.memory_space<vmem>>
    %dma_wait3A_125 = tpu.memref_squeeze %dma_wait3A_124 : memref<1x128x128xf32, #tpu.memory_space<vmem>> -> memref<128x128xf32, #tpu.memory_space<vmem>>
    tpu.wait_dma2 semaphore(%arg13 : memref<!tpu.dma_semaphore, #tpu.memory_space<semaphore_mem>>) src(%dma_wait3A_125 : memref<128x128xf32, #tpu.memory_space<vmem>>) dst(%dma_wait3A_121 : memref<128x128xf32, #tpu.memory_space<vmem_shared>>)
    %add3A_126 = arith.constant 32 : i32
    %add3A_127 = arith.addi %add3A_126, %arg1 : i32
    %mul3A_128 = arith.constant 128 : i32
    %mul3A_129 = arith.muli %add3A_127, %mul3A_128 : i32
    %dma_start3A_130 = arith.constant 0 : i32
    %dma_start3A_131 = arith.constant 0 : i32
    %dma_start3A_132 = arith.constant 0 : i32
    %dma_start3A_133 = tpu.memref_slice %arg8[%dma_start3A_130, %dma_start3A_131, %dma_start3A_132] : memref<2x128x128xf32, #tpu.memory_space<vmem>> -> memref<1x128x128xf32, #tpu.memory_space<vmem>>
    %dma_start3A_134 = tpu.memref_squeeze %dma_start3A_133 : memref<1x128x128xf32, #tpu.memory_space<vmem>> -> memref<128x128xf32, #tpu.memory_space<vmem>>
    %dma_start3A_135 = arith.constant 0 : i32
    %dma_start3A_136 = tpu.memref_slice %arg2[%mul3A_129, %dma_start3A_135] : memref<10000x128xf32, #tpu.memory_space<hbm>> -> memref<128x128xf32, #tpu.memory_space<hbm>>
    %dma_start3A_137 = arith.constant 0 : i32
    %dma_start3A_138 = arith.constant 0 : i32
    %dma_start3A_139 = tpu.memref_slice %arg8[%dma_start3A_130, %dma_start3A_137, %dma_start3A_138] : memref<2x128x128xf32, #tpu.memory_space<vmem>> -> memref<1x128x128xf32, #tpu.memory_space<vmem>>
    %dma_start3A_140 = tpu.memref_squeeze %dma_start3A_139 : memref<1x128x128xf32, #tpu.memory_space<vmem>> -> memref<128x128xf32, #tpu.memory_space<vmem>>
    %dma_start3A_141 = arith.constant 0 : i32
    %dma_start3A_142 = tpu.memref_slice %arg2[%mul3A_129, %dma_start3A_141] : memref<10000x128xf32, #tpu.memory_space<hbm>> -> memref<128x128xf32, #tpu.memory_space<hbm>>
    tpu.enqueue_dma source(%dma_start3A_142 : memref<128x128xf32, #tpu.memory_space<hbm>>) target(%dma_start3A_140 : memref<128x128xf32, #tpu.memory_space<vmem>>) target_semaphore(%arg11 : memref<!tpu.dma_semaphore, #tpu.memory_space<semaphore_mem>>)
    %add3A_143 = arith.constant 32 : i32
    %add3A_144 = arith.addi %add3A_143, %arg1 : i32
    %mul3A_145 = arith.constant 128 : i32
    %mul3A_146 = arith.muli %add3A_144, %mul3A_145 : i32
    %dma_wait3A_147 = arith.constant 0 : i32
    %dma_wait3A_148 = arith.constant 0 : i32
    %dma_wait3A_149 = arith.constant 0 : i32
    %dma_wait3A_150 = tpu.memref_slice %arg8[%dma_wait3A_147, %dma_wait3A_148, %dma_wait3A_149] : memref<2x128x128xf32, #tpu.memory_space<vmem>> -> memref<1x128x128xf32, #tpu.memory_space<vmem>>
    %dma_wait3A_151 = tpu.memref_squeeze %dma_wait3A_150 : memref<1x128x128xf32, #tpu.memory_space<vmem>> -> memref<128x128xf32, #tpu.memory_space<vmem>>
    %dma_wait3A_152 = arith.constant 0 : i32
    %dma_wait3A_153 = tpu.memref_slice %arg2[%mul3A_146, %dma_wait3A_152] : memref<10000x128xf32, #tpu.memory_space<hbm>> -> memref<128x128xf32, #tpu.memory_space<hbm>>
    %dma_wait3A_154 = arith.constant 0 : i32
    %dma_wait3A_155 = arith.constant 0 : i32
    %dma_wait3A_156 = tpu.memref_slice %arg8[%dma_wait3A_147, %dma_wait3A_154, %dma_wait3A_155] : memref<2x128x128xf32, #tpu.memory_space<vmem>> -> memref<1x128x128xf32, #tpu.memory_space<vmem>>
    %dma_wait3A_157 = tpu.memref_squeeze %dma_wait3A_156 : memref<1x128x128xf32, #tpu.memory_space<vmem>> -> memref<128x128xf32, #tpu.memory_space<vmem>>
    %dma_wait3A_158 = arith.constant 0 : i32
    %dma_wait3A_159 = tpu.memref_slice %arg2[%mul3A_146, %dma_wait3A_158] : memref<10000x128xf32, #tpu.memory_space<hbm>> -> memref<128x128xf32, #tpu.memory_space<hbm>>
    tpu.wait_dma2 semaphore(%arg11 : memref<!tpu.dma_semaphore, #tpu.memory_space<semaphore_mem>>) src(%dma_wait3A_159 : memref<128x128xf32, #tpu.memory_space<hbm>>) dst(%dma_wait3A_157 : memref<128x128xf32, #tpu.memory_space<vmem>>)
    %add3A_160 = arith.constant 32 : i32
    %add3A_161 = arith.addi %add3A_160, %arg1 : i32
    %mul3A_162 = arith.constant 128 : i32
    %mul3A_163 = arith.muli %add3A_161, %mul3A_162 : i32
    %dma_start3A_164 = arith.constant 0 : i32
    %dma_start3A_165 = arith.constant 0 : i32
    %dma_start3A_166 = arith.constant 0 : i32
    %dma_start3A_167 = tpu.memref_slice %arg8[%dma_start3A_164, %dma_start3A_165, %dma_start3A_166] : memref<2x128x128xf32, #tpu.memory_space<vmem>> -> memref<1x128x128xf32, #tpu.memory_space<vmem>>
    %dma_start3A_168 = tpu.memref_squeeze %dma_start3A_167 : memref<1x128x128xf32, #tpu.memory_space<vmem>> -> memref<128x128xf32, #tpu.memory_space<vmem>>
    %dma_start3A_169 = arith.constant 0 : i32
    %dma_start3A_170 = tpu.memref_slice %arg6[%mul3A_163, %dma_start3A_169] : memref<10240x128xf32, #tpu.memory_space<vmem_shared>> -> memref<128x128xf32, #tpu.memory_space<vmem_shared>>
    %dma_start3A_171 = arith.constant 0 : i32
    %dma_start3A_172 = tpu.memref_slice %arg6[%mul3A_163, %dma_start3A_171] : memref<10240x128xf32, #tpu.memory_space<vmem_shared>> -> memref<128x128xf32, #tpu.memory_space<vmem_shared>>
    %dma_start3A_173 = arith.constant 0 : i32
    %dma_start3A_174 = arith.constant 0 : i32
    %dma_start3A_175 = tpu.memref_slice %arg8[%dma_start3A_164, %dma_start3A_173, %dma_start3A_174] : memref<2x128x128xf32, #tpu.memory_space<vmem>> -> memref<1x128x128xf32, #tpu.memory_space<vmem>>
    %dma_start3A_176 = tpu.memref_squeeze %dma_start3A_175 : memref<1x128x128xf32, #tpu.memory_space<vmem>> -> memref<128x128xf32, #tpu.memory_space<vmem>>
    tpu.enqueue_dma source(%dma_start3A_176 : memref<128x128xf32, #tpu.memory_space<vmem>>) target(%dma_start3A_172 : memref<128x128xf32, #tpu.memory_space<vmem_shared>>) target_semaphore(%arg13 : memref<!tpu.dma_semaphore, #tpu.memory_space<semaphore_mem>>)
    %add3A_177 = arith.constant 16 : i32
    %add3A_178 = arith.addi %add3A_177, %arg1 : i32
    %mul3A_179 = arith.constant 128 : i32
    %mul3A_180 = arith.muli %add3A_178, %mul3A_179 : i32
    %dma_wait3A_181 = arith.constant 1 : i32
    %dma_wait3A_182 = arith.constant 0 : i32
    %dma_wait3A_183 = arith.constant 0 : i32
    %dma_wait3A_184 = tpu.memref_slice %arg8[%dma_wait3A_181, %dma_wait3A_182, %dma_wait3A_183] : memref<2x128x128xf32, #tpu.memory_space<vmem>> -> memref<1x128x128xf32, #tpu.memory_space<vmem>>
    %dma_wait3A_185 = tpu.memref_squeeze %dma_wait3A_184 : memref<1x128x128xf32, #tpu.memory_space<vmem>> -> memref<128x128xf32, #tpu.memory_space<vmem>>
    %dma_wait3A_186 = arith.constant 0 : i32
    %dma_wait3A_187 = tpu.memref_slice %arg6[%mul3A_180, %dma_wait3A_186] : memref<10240x128xf32, #tpu.memory_space<vmem_shared>> -> memref<128x128xf32, #tpu.memory_space<vmem_shared>>
    %dma_wait3A_188 = arith.constant 0 : i32
    %dma_wait3A_189 = tpu.memref_slice %arg6[%mul3A_180, %dma_wait3A_188] : memref<10240x128xf32, #tpu.memory_space<vmem_shared>> -> memref<128x128xf32, #tpu.memory_space<vmem_shared>>
    %dma_wait3A_190 = arith.constant 0 : i32
    %dma_wait3A_191 = arith.constant 0 : i32
    %dma_wait3A_192 = tpu.memref_slice %arg8[%dma_wait3A_181, %dma_wait3A_190, %dma_wait3A_191] : memref<2x128x128xf32, #tpu.memory_space<vmem>> -> memref<1x128x128xf32, #tpu.memory_space<vmem>>
    %dma_wait3A_193 = tpu.memref_squeeze %dma_wait3A_192 : memref<1x128x128xf32, #tpu.memory_space<vmem>> -> memref<128x128xf32, #tpu.memory_space<vmem>>
    tpu.wait_dma2 semaphore(%arg14 : memref<!tpu.dma_semaphore, #tpu.memory_space<semaphore_mem>>) src(%dma_wait3A_193 : memref<128x128xf32, #tpu.memory_space<vmem>>) dst(%dma_wait3A_189 : memref<128x128xf32, #tpu.memory_space<vmem_shared>>)
    %add3A_194 = arith.constant 48 : i32
    %add3A_195 = arith.addi %add3A_194, %arg1 : i32
    %mul3A_196 = arith.constant 128 : i32
    %mul3A_197 = arith.muli %add3A_195, %mul3A_196 : i32
    %dma_start3A_198 = arith.constant 1 : i32
    %dma_start3A_199 = arith.constant 0 : i32
    %dma_start3A_200 = arith.constant 0 : i32
    %dma_start3A_201 = tpu.memref_slice %arg8[%dma_start3A_198, %dma_start3A_199, %dma_start3A_200] : memref<2x128x128xf32, #tpu.memory_space<vmem>> -> memref<1x128x128xf32, #tpu.memory_space<vmem>>
    %dma_start3A_202 = tpu.memref_squeeze %dma_start3A_201 : memref<1x128x128xf32, #tpu.memory_space<vmem>> -> memref<128x128xf32, #tpu.memory_space<vmem>>
    %dma_start3A_203 = arith.constant 0 : i32
    %dma_start3A_204 = tpu.memref_slice %arg2[%mul3A_197, %dma_start3A_203] : memref<10000x128xf32, #tpu.memory_space<hbm>> -> memref<128x128xf32, #tpu.memory_space<hbm>>
    %dma_start3A_205 = arith.constant 0 : i32
    %dma_start3A_206 = arith.constant 0 : i32
    %dma_start3A_207 = tpu.memref_slice %arg8[%dma_start3A_198, %dma_start3A_205, %dma_start3A_206] : memref<2x128x128xf32, #tpu.memory_space<vmem>> -> memref<1x128x128xf32, #tpu.memory_space<vmem>>
    %dma_start3A_208 = tpu.memref_squeeze %dma_start3A_207 : memref<1x128x128xf32, #tpu.memory_space<vmem>> -> memref<128x128xf32, #tpu.memory_space<vmem>>
    %dma_start3A_209 = arith.constant 0 : i32
    %dma_start3A_210 = tpu.memref_slice %arg2[%mul3A_197, %dma_start3A_209] : memref<10000x128xf32, #tpu.memory_space<hbm>> -> memref<128x128xf32, #tpu.memory_space<hbm>>
    tpu.enqueue_dma source(%dma_start3A_210 : memref<128x128xf32, #tpu.memory_space<hbm>>) target(%dma_start3A_208 : memref<128x128xf32, #tpu.memory_space<vmem>>) target_semaphore(%arg12 : memref<!tpu.dma_semaphore, #tpu.memory_space<semaphore_mem>>)
    %add3A_211 = arith.constant 48 : i32
    %add3A_212 = arith.addi %add3A_211, %arg1 : i32
    %mul3A_213 = arith.constant 128 : i32
    %mul3A_214 = arith.muli %add3A_212, %mul3A_213 : i32
    %dma_wait3A_215 = arith.constant 1 : i32
    %dma_wait3A_216 = arith.constant 0 : i32
    %dma_wait3A_217 = arith.constant 0 : i32
    %dma_wait3A_218 = tpu.memref_slice %arg8[%dma_wait3A_215, %dma_wait3A_216, %dma_wait3A_217] : memref<2x128x128xf32, #tpu.memory_space<vmem>> -> memref<1x128x128xf32, #tpu.memory_space<vmem>>
    %dma_wait3A_219 = tpu.memref_squeeze %dma_wait3A_218 : memref<1x128x128xf32, #tpu.memory_space<vmem>> -> memref<128x128xf32, #tpu.memory_space<vmem>>
    %dma_wait3A_220 = arith.constant 0 : i32
    %dma_wait3A_221 = tpu.memref_slice %arg2[%mul3A_214, %dma_wait3A_220] : memref<10000x128xf32, #tpu.memory_space<hbm>> -> memref<128x128xf32, #tpu.memory_space<hbm>>
    %dma_wait3A_222 = arith.constant 0 : i32
    %dma_wait3A_223 = arith.constant 0 : i32
    %dma_wait3A_224 = tpu.memref_slice %arg8[%dma_wait3A_215, %dma_wait3A_222, %dma_wait3A_223] : memref<2x128x128xf32, #tpu.memory_space<vmem>> -> memref<1x128x128xf32, #tpu.memory_space<vmem>>
    %dma_wait3A_225 = tpu.memref_squeeze %dma_wait3A_224 : memref<1x128x128xf32, #tpu.memory_space<vmem>> -> memref<128x128xf32, #tpu.memory_space<vmem>>
    %dma_wait3A_226 = arith.constant 0 : i32
    %dma_wait3A_227 = tpu.memref_slice %arg2[%mul3A_214, %dma_wait3A_226] : memref<10000x128xf32, #tpu.memory_space<hbm>> -> memref<128x128xf32, #tpu.memory_space<hbm>>
    tpu.wait_dma2 semaphore(%arg12 : memref<!tpu.dma_semaphore, #tpu.memory_space<semaphore_mem>>) src(%dma_wait3A_227 : memref<128x128xf32, #tpu.memory_space<hbm>>) dst(%dma_wait3A_225 : memref<128x128xf32, #tpu.memory_space<vmem>>)
    %add3A_228 = arith.constant 48 : i32
    %add3A_229 = arith.addi %add3A_228, %arg1 : i32
    %mul3A_230 = arith.constant 128 : i32
    %mul3A_231 = arith.muli %add3A_229, %mul3A_230 : i32
    %dma_start3A_232 = arith.constant 1 : i32
    %dma_start3A_233 = arith.constant 0 : i32
    %dma_start3A_234 = arith.constant 0 : i32
    %dma_start3A_235 = tpu.memref_slice %arg8[%dma_start3A_232, %dma_start3A_233, %dma_start3A_234] : memref<2x128x128xf32, #tpu.memory_space<vmem>> -> memref<1x128x128xf32, #tpu.memory_space<vmem>>
    %dma_start3A_236 = tpu.memref_squeeze %dma_start3A_235 : memref<1x128x128xf32, #tpu.memory_space<vmem>> -> memref<128x128xf32, #tpu.memory_space<vmem>>
    %dma_start3A_237 = arith.constant 0 : i32
    %dma_start3A_238 = tpu.memref_slice %arg6[%mul3A_231, %dma_start3A_237] : memref<10240x128xf32, #tpu.memory_space<vmem_shared>> -> memref<128x128xf32, #tpu.memory_space<vmem_shared>>
    %dma_start3A_239 = arith.constant 0 : i32
    %dma_start3A_240 = tpu.memref_slice %arg6[%mul3A_231, %dma_start3A_239] : memref<10240x128xf32, #tpu.memory_space<vmem_shared>> -> memref<128x128xf32, #tpu.memory_space<vmem_shared>>
    %dma_start3A_241 = arith.constant 0 : i32
    %dma_start3A_242 = arith.constant 0 : i32
    %dma_start3A_243 = tpu.memref_slice %arg8[%dma_start3A_232, %dma_start3A_241, %dma_start3A_242] : memref<2x128x128xf32, #tpu.memory_space<vmem>> -> memref<1x128x128xf32, #tpu.memory_space<vmem>>
    %dma_start3A_244 = tpu.memref_squeeze %dma_start3A_243 : memref<1x128x128xf32, #tpu.memory_space<vmem>> -> memref<128x128xf32, #tpu.memory_space<vmem>>
    tpu.enqueue_dma source(%dma_start3A_244 : memref<128x128xf32, #tpu.memory_space<vmem>>) target(%dma_start3A_240 : memref<128x128xf32, #tpu.memory_space<vmem_shared>>) target_semaphore(%arg14 : memref<!tpu.dma_semaphore, #tpu.memory_space<semaphore_mem>>)
    %add3A_245 = arith.constant 32 : i32
    %add3A_246 = arith.addi %add3A_245, %arg1 : i32
    %mul3A_247 = arith.constant 128 : i32
    %mul3A_248 = arith.muli %add3A_246, %mul3A_247 : i32
    %dma_wait3A_249 = arith.constant 0 : i32
    %dma_wait3A_250 = arith.constant 0 : i32
    %dma_wait3A_251 = arith.constant 0 : i32
    %dma_wait3A_252 = tpu.memref_slice %arg8[%dma_wait3A_249, %dma_wait3A_250, %dma_wait3A_251] : memref<2x128x128xf32, #tpu.memory_space<vmem>> -> memref<1x128x128xf32, #tpu.memory_space<vmem>>
    %dma_wait3A_253 = tpu.memref_squeeze %dma_wait3A_252 : memref<1x128x128xf32, #tpu.memory_space<vmem>> -> memref<128x128xf32, #tpu.memory_space<vmem>>
    %dma_wait3A_254 = arith.constant 0 : i32
    %dma_wait3A_255 = tpu.memref_slice %arg6[%mul3A_248, %dma_wait3A_254] : memref<10240x128xf32, #tpu.memory_space<vmem_shared>> -> memref<128x128xf32, #tpu.memory_space<vmem_shared>>
    %dma_wait3A_256 = arith.constant 0 : i32
    %dma_wait3A_257 = tpu.memref_slice %arg6[%mul3A_248, %dma_wait3A_256] : memref<10240x128xf32, #tpu.memory_space<vmem_shared>> -> memref<128x128xf32, #tpu.memory_space<vmem_shared>>
    %dma_wait3A_258 = arith.constant 0 : i32
    %dma_wait3A_259 = arith.constant 0 : i32
    %dma_wait3A_260 = tpu.memref_slice %arg8[%dma_wait3A_249, %dma_wait3A_258, %dma_wait3A_259] : memref<2x128x128xf32, #tpu.memory_space<vmem>> -> memref<1x128x128xf32, #tpu.memory_space<vmem>>
    %dma_wait3A_261 = tpu.memref_squeeze %dma_wait3A_260 : memref<1x128x128xf32, #tpu.memory_space<vmem>> -> memref<128x128xf32, #tpu.memory_space<vmem>>
    tpu.wait_dma2 semaphore(%arg13 : memref<!tpu.dma_semaphore, #tpu.memory_space<semaphore_mem>>) src(%dma_wait3A_261 : memref<128x128xf32, #tpu.memory_space<vmem>>) dst(%dma_wait3A_257 : memref<128x128xf32, #tpu.memory_space<vmem_shared>>)
    %add3A_262 = arith.constant 48 : i32
    %add3A_263 = arith.addi %add3A_262, %arg1 : i32
    %mul3A_264 = arith.constant 128 : i32
    %mul3A_265 = arith.muli %add3A_263, %mul3A_264 : i32
    %dma_wait3A_266 = arith.constant 1 : i32
    %dma_wait3A_267 = arith.constant 0 : i32
    %dma_wait3A_268 = arith.constant 0 : i32
    %dma_wait3A_269 = tpu.memref_slice %arg8[%dma_wait3A_266, %dma_wait3A_267, %dma_wait3A_268] : memref<2x128x128xf32, #tpu.memory_space<vmem>> -> memref<1x128x128xf32, #tpu.memory_space<vmem>>
    %dma_wait3A_270 = tpu.memref_squeeze %dma_wait3A_269 : memref<1x128x128xf32, #tpu.memory_space<vmem>> -> memref<128x128xf32, #tpu.memory_space<vmem>>
    %dma_wait3A_271 = arith.constant 0 : i32
    %dma_wait3A_272 = tpu.memref_slice %arg6[%mul3A_265, %dma_wait3A_271] : memref<10240x128xf32, #tpu.memory_space<vmem_shared>> -> memref<128x128xf32, #tpu.memory_space<vmem_shared>>
    %dma_wait3A_273 = arith.constant 0 : i32
    %dma_wait3A_274 = tpu.memref_slice %arg6[%mul3A_265, %dma_wait3A_273] : memref<10240x128xf32, #tpu.memory_space<vmem_shared>> -> memref<128x128xf32, #tpu.memory_space<vmem_shared>>
    %dma_wait3A_275 = arith.constant 0 : i32
    %dma_wait3A_276 = arith.constant 0 : i32
    %dma_wait3A_277 = tpu.memref_slice %arg8[%dma_wait3A_266, %dma_wait3A_275, %dma_wait3A_276] : memref<2x128x128xf32, #tpu.memory_space<vmem>> -> memref<1x128x128xf32, #tpu.memory_space<vmem>>
    %dma_wait3A_278 = tpu.memref_squeeze %dma_wait3A_277 : memref<1x128x128xf32, #tpu.memory_space<vmem>> -> memref<128x128xf32, #tpu.memory_space<vmem>>
    tpu.wait_dma2 semaphore(%arg14 : memref<!tpu.dma_semaphore, #tpu.memory_space<semaphore_mem>>) src(%dma_wait3A_278 : memref<128x128xf32, #tpu.memory_space<vmem>>) dst(%dma_wait3A_274 : memref<128x128xf32, #tpu.memory_space<vmem_shared>>)
    %lt3A_279 = arith.constant 14 : i32
    %lt3A_280 = arith.cmpi slt, %arg1, %lt3A_279 : i32
    %convert_element_type3A_281 = arith.extui %lt3A_280 : i1 to i32
    %cond3A_282 = arith.constant 0 : i32
    %cond3A_283 = arith.cmpi ne, %convert_element_type3A_281, %cond3A_282 : i32
    scf.if %cond3A_283 {
      %add3A_425 = arith.constant 64 : i32
      %add3A_426 = arith.addi %add3A_425, %arg1 : i32
      %mul3A_427 = arith.constant 128 : i32
      %mul3A_428 = arith.muli %add3A_426, %mul3A_427 : i32
      %run_scoped3A = arith.constant 0 : i32
      "tpu.region"() ({
        %run_scoped3A_430 = tpu.sem_alloc : memref<!tpu.dma_semaphore, #tpu.memory_space<semaphore_mem>>
        %dma_start3A_431 = arith.constant 0 : i32
        %dma_start3A_432 = arith.constant 0 : i32
        %dma_start3A_433 = tpu.memref_slice %arg8[%run_scoped3A, %dma_start3A_431, %dma_start3A_432] : memref<2x128x128xf32, #tpu.memory_space<vmem>> -> memref<1x128x128xf32, #tpu.memory_space<vmem>>
        %dma_start3A_434 = tpu.memref_squeeze %dma_start3A_433 : memref<1x128x128xf32, #tpu.memory_space<vmem>> -> memref<128x128xf32, #tpu.memory_space<vmem>>
        %dma_start3A_435 = arith.constant 0 : i32
        %dma_start3A_436 = tpu.memref_slice %arg2[%mul3A_428, %dma_start3A_435] : memref<10000x128xf32, #tpu.memory_space<hbm>> -> memref<128x128xf32, #tpu.memory_space<hbm>>
        %dma_start3A_437 = arith.constant 0 : i32
        %dma_start3A_438 = arith.constant 0 : i32
        %dma_start3A_439 = tpu.memref_slice %arg8[%run_scoped3A, %dma_start3A_437, %dma_start3A_438] : memref<2x128x128xf32, #tpu.memory_space<vmem>> -> memref<1x128x128xf32, #tpu.memory_space<vmem>>
        %dma_start3A_440 = tpu.memref_squeeze %dma_start3A_439 : memref<1x128x128xf32, #tpu.memory_space<vmem>> -> memref<128x128xf32, #tpu.memory_space<vmem>>
        %dma_start3A_441 = arith.constant 0 : i32
        %dma_start3A_442 = tpu.memref_slice %arg2[%mul3A_428, %dma_start3A_441] : memref<10000x128xf32, #tpu.memory_space<hbm>> -> memref<128x128xf32, #tpu.memory_space<hbm>>
        tpu.enqueue_dma source(%dma_start3A_442 : memref<128x128xf32, #tpu.memory_space<hbm>>) target(%dma_start3A_440 : memref<128x128xf32, #tpu.memory_space<vmem>>) target_semaphore(%run_scoped3A_430 : memref<!tpu.dma_semaphore, #tpu.memory_space<semaphore_mem>>)
        %dma_wait3A_443 = arith.constant 0 : i32
        %dma_wait3A_444 = arith.constant 0 : i32
        %dma_wait3A_445 = tpu.memref_slice %arg8[%run_scoped3A, %dma_wait3A_443, %dma_wait3A_444] : memref<2x128x128xf32, #tpu.memory_space<vmem>> -> memref<1x128x128xf32, #tpu.memory_space<vmem>>
        %dma_wait3A_446 = tpu.memref_squeeze %dma_wait3A_445 : memref<1x128x128xf32, #tpu.memory_space<vmem>> -> memref<128x128xf32, #tpu.memory_space<vmem>>
        %dma_wait3A_447 = arith.constant 0 : i32
        %dma_wait3A_448 = tpu.memref_slice %arg2[%mul3A_428, %dma_wait3A_447] : memref<10000x128xf32, #tpu.memory_space<hbm>> -> memref<128x128xf32, #tpu.memory_space<hbm>>
        %dma_wait3A_449 = arith.constant 0 : i32
        %dma_wait3A_450 = arith.constant 0 : i32
        %dma_wait3A_451 = tpu.memref_slice %arg8[%run_scoped3A, %dma_wait3A_449, %dma_wait3A_450] : memref<2x128x128xf32, #tpu.memory_space<vmem>> -> memref<1x128x128xf32, #tpu.memory_space<vmem>>
        %dma_wait3A_452 = tpu.memref_squeeze %dma_wait3A_451 : memref<1x128x128xf32, #tpu.memory_space<vmem>> -> memref<128x128xf32, #tpu.memory_space<vmem>>
        %dma_wait3A_453 = arith.constant 0 : i32
        %dma_wait3A_454 = tpu.memref_slice %arg2[%mul3A_428, %dma_wait3A_453] : memref<10000x128xf32, #tpu.memory_space<hbm>> -> memref<128x128xf32, #tpu.memory_space<hbm>>
        tpu.wait_dma2 semaphore(%run_scoped3A_430 : memref<!tpu.dma_semaphore, #tpu.memory_space<semaphore_mem>>) src(%dma_wait3A_454 : memref<128x128xf32, #tpu.memory_space<hbm>>) dst(%dma_wait3A_452 : memref<128x128xf32, #tpu.memory_space<vmem>>)
        tpu.yield
      }) : () -> ()
      %run_scoped3A_429 = arith.constant 0 : i32
      "tpu.region"() ({
        %run_scoped3A_430 = tpu.sem_alloc : memref<!tpu.dma_semaphore, #tpu.memory_space<semaphore_mem>>
        %dma_start3A_431 = arith.constant 0 : i32
        %dma_start3A_432 = arith.constant 0 : i32
        %dma_start3A_433 = tpu.memref_slice %arg8[%run_scoped3A_429, %dma_start3A_431, %dma_start3A_432] : memref<2x128x128xf32, #tpu.memory_space<vmem>> -> memref<1x128x128xf32, #tpu.memory_space<vmem>>
        %dma_start3A_434 = tpu.memref_squeeze %dma_start3A_433 : memref<1x128x128xf32, #tpu.memory_space<vmem>> -> memref<128x128xf32, #tpu.memory_space<vmem>>
        %dma_start3A_435 = arith.constant 0 : i32
        %dma_start3A_436 = tpu.memref_slice %arg6[%mul3A_428, %dma_start3A_435] : memref<10240x128xf32, #tpu.memory_space<vmem_shared>> -> memref<128x128xf32, #tpu.memory_space<vmem_shared>>
        %dma_start3A_437 = arith.constant 0 : i32
        %dma_start3A_438 = tpu.memref_slice %arg6[%mul3A_428, %dma_start3A_437] : memref<10240x128xf32, #tpu.memory_space<vmem_shared>> -> memref<128x128xf32, #tpu.memory_space<vmem_shared>>
        %dma_start3A_439 = arith.constant 0 : i32
        %dma_start3A_440 = arith.constant 0 : i32
        %dma_start3A_441 = tpu.memref_slice %arg8[%run_scoped3A_429, %dma_start3A_439, %dma_start3A_440] : memref<2x128x128xf32, #tpu.memory_space<vmem>> -> memref<1x128x128xf32, #tpu.memory_space<vmem>>
        %dma_start3A_442 = tpu.memref_squeeze %dma_start3A_441 : memref<1x128x128xf32, #tpu.memory_space<vmem>> -> memref<128x128xf32, #tpu.memory_space<vmem>>
        tpu.enqueue_dma source(%dma_start3A_442 : memref<128x128xf32, #tpu.memory_space<vmem>>) target(%dma_start3A_438 : memref<128x128xf32, #tpu.memory_space<vmem_shared>>) target_semaphore(%run_scoped3A_430 : memref<!tpu.dma_semaphore, #tpu.memory_space<semaphore_mem>>)
        %dma_wait3A_443 = arith.constant 0 : i32
        %dma_wait3A_444 = arith.constant 0 : i32
        %dma_wait3A_445 = tpu.memref_slice %arg8[%run_scoped3A_429, %dma_wait3A_443, %dma_wait3A_444] : memref<2x128x128xf32, #tpu.memory_space<vmem>> -> memref<1x128x128xf32, #tpu.memory_space<vmem>>
        %dma_wait3A_446 = tpu.memref_squeeze %dma_wait3A_445 : memref<1x128x128xf32, #tpu.memory_space<vmem>> -> memref<128x128xf32, #tpu.memory_space<vmem>>
        %dma_wait3A_447 = arith.constant 0 : i32
        %dma_wait3A_448 = tpu.memref_slice %arg6[%mul3A_428, %dma_wait3A_447] : memref<10240x128xf32, #tpu.memory_space<vmem_shared>> -> memref<128x128xf32, #tpu.memory_space<vmem_shared>>
        %dma_wait3A_449 = arith.constant 0 : i32
        %dma_wait3A_450 = tpu.memref_slice %arg6[%mul3A_428, %dma_wait3A_449] : memref<10240x128xf32, #tpu.memory_space<vmem_shared>> -> memref<128x128xf32, #tpu.memory_space<vmem_shared>>
        %dma_wait3A_451 = arith.constant 0 : i32
        %dma_wait3A_452 = arith.constant 0 : i32
        %dma_wait3A_453 = tpu.memref_slice %arg8[%run_scoped3A_429, %dma_wait3A_451, %dma_wait3A_452] : memref<2x128x128xf32, #tpu.memory_space<vmem>> -> memref<1x128x128xf32, #tpu.memory_space<vmem>>
        %dma_wait3A_454 = tpu.memref_squeeze %dma_wait3A_453 : memref<1x128x128xf32, #tpu.memory_space<vmem>> -> memref<128x128xf32, #tpu.memory_space<vmem>>
        tpu.wait_dma2 semaphore(%run_scoped3A_430 : memref<!tpu.dma_semaphore, #tpu.memory_space<semaphore_mem>>) src(%dma_wait3A_454 : memref<128x128xf32, #tpu.memory_space<vmem>>) dst(%dma_wait3A_450 : memref<128x128xf32, #tpu.memory_space<vmem_shared>>)
        tpu.yield
      }) : () -> ()
    } else {
    }
    %eq3A_284 = arith.constant 15 : i32
    %eq3A_285 = arith.cmpi eq, %arg1, %eq3A_284 : i32
    %convert_element_type3A_286 = arith.extui %eq3A_285 : i1 to i32
    %cond3A_287 = arith.constant 0 : i32
    %cond3A_288 = arith.cmpi ne, %convert_element_type3A_286, %cond3A_287 : i32
    scf.if %cond3A_288 {
      %run_scoped3A = arith.constant 0 : i32
      "tpu.region"() ({
        %run_scoped3A_426 = tpu.sem_alloc : memref<!tpu.dma_semaphore, #tpu.memory_space<semaphore_mem>>
        %dma_start3A_427 = arith.constant 0 : i32
        %dma_start3A_428 = arith.constant 0 : i32
        %dma_start3A_429 = tpu.memref_slice %arg8[%run_scoped3A, %dma_start3A_427, %dma_start3A_428] : memref<2x128x128xf32, #tpu.memory_space<vmem>> -> memref<1x16x128xf32, #tpu.memory_space<vmem>>
        %dma_start3A_430 = tpu.memref_squeeze %dma_start3A_429 : memref<1x16x128xf32, #tpu.memory_space<vmem>> -> memref<16x128xf32, #tpu.memory_space<vmem>>
        %dma_start3A_431 = arith.constant 9984 : i32
        %dma_start3A_432 = arith.constant 0 : i32
        %dma_start3A_433 = tpu.memref_slice %arg2[%dma_start3A_431, %dma_start3A_432] : memref<10000x128xf32, #tpu.memory_space<hbm>> -> memref<16x128xf32, #tpu.memory_space<hbm>>
        %dma_start3A_434 = arith.constant 0 : i32
        %dma_start3A_435 = arith.constant 0 : i32
        %dma_start3A_436 = tpu.memref_slice %arg8[%run_scoped3A, %dma_start3A_434, %dma_start3A_435] : memref<2x128x128xf32, #tpu.memory_space<vmem>> -> memref<1x16x128xf32, #tpu.memory_space<vmem>>
        %dma_start3A_437 = tpu.memref_squeeze %dma_start3A_436 : memref<1x16x128xf32, #tpu.memory_space<vmem>> -> memref<16x128xf32, #tpu.memory_space<vmem>>
        %dma_start3A_438 = arith.constant 9984 : i32
        %dma_start3A_439 = arith.constant 0 : i32
        %dma_start3A_440 = tpu.memref_slice %arg2[%dma_start3A_438, %dma_start3A_439] : memref<10000x128xf32, #tpu.memory_space<hbm>> -> memref<16x128xf32, #tpu.memory_space<hbm>>
        tpu.enqueue_dma source(%dma_start3A_440 : memref<16x128xf32, #tpu.memory_space<hbm>>) target(%dma_start3A_437 : memref<16x128xf32, #tpu.memory_space<vmem>>) target_semaphore(%run_scoped3A_426 : memref<!tpu.dma_semaphore, #tpu.memory_space<semaphore_mem>>)
        %dma_wait3A_441 = arith.constant 0 : i32
        %dma_wait3A_442 = arith.constant 0 : i32
        %dma_wait3A_443 = tpu.memref_slice %arg8[%run_scoped3A, %dma_wait3A_441, %dma_wait3A_442] : memref<2x128x128xf32, #tpu.memory_space<vmem>> -> memref<1x16x128xf32, #tpu.memory_space<vmem>>
        %dma_wait3A_444 = tpu.memref_squeeze %dma_wait3A_443 : memref<1x16x128xf32, #tpu.memory_space<vmem>> -> memref<16x128xf32, #tpu.memory_space<vmem>>
        %dma_wait3A_445 = arith.constant 9984 : i32
        %dma_wait3A_446 = arith.constant 0 : i32
        %dma_wait3A_447 = tpu.memref_slice %arg2[%dma_wait3A_445, %dma_wait3A_446] : memref<10000x128xf32, #tpu.memory_space<hbm>> -> memref<16x128xf32, #tpu.memory_space<hbm>>
        %dma_wait3A_448 = arith.constant 0 : i32
        %dma_wait3A_449 = arith.constant 0 : i32
        %dma_wait3A_450 = tpu.memref_slice %arg8[%run_scoped3A, %dma_wait3A_448, %dma_wait3A_449] : memref<2x128x128xf32, #tpu.memory_space<vmem>> -> memref<1x16x128xf32, #tpu.memory_space<vmem>>
        %dma_wait3A_451 = tpu.memref_squeeze %dma_wait3A_450 : memref<1x16x128xf32, #tpu.memory_space<vmem>> -> memref<16x128xf32, #tpu.memory_space<vmem>>
        %dma_wait3A_452 = arith.constant 9984 : i32
        %dma_wait3A_453 = arith.constant 0 : i32
        %dma_wait3A_454 = tpu.memref_slice %arg2[%dma_wait3A_452, %dma_wait3A_453] : memref<10000x128xf32, #tpu.memory_space<hbm>> -> memref<16x128xf32, #tpu.memory_space<hbm>>
        tpu.wait_dma2 semaphore(%run_scoped3A_426 : memref<!tpu.dma_semaphore, #tpu.memory_space<semaphore_mem>>) src(%dma_wait3A_454 : memref<16x128xf32, #tpu.memory_space<hbm>>) dst(%dma_wait3A_451 : memref<16x128xf32, #tpu.memory_space<vmem>>)
        tpu.yield
      }) : () -> ()
      %run_scoped3A_425 = arith.constant 0 : i32
      "tpu.region"() ({
        %run_scoped3A_426 = tpu.sem_alloc : memref<!tpu.dma_semaphore, #tpu.memory_space<semaphore_mem>>
        %dma_start3A_427 = arith.constant 0 : i32
        %dma_start3A_428 = arith.constant 0 : i32
        %dma_start3A_429 = tpu.memref_slice %arg8[%run_scoped3A_425, %dma_start3A_427, %dma_start3A_428] : memref<2x128x128xf32, #tpu.memory_space<vmem>> -> memref<1x16x128xf32, #tpu.memory_space<vmem>>
        %dma_start3A_430 = tpu.memref_squeeze %dma_start3A_429 : memref<1x16x128xf32, #tpu.memory_space<vmem>> -> memref<16x128xf32, #tpu.memory_space<vmem>>
        %dma_start3A_431 = arith.constant 9984 : i32
        %dma_start3A_432 = arith.constant 0 : i32
        %dma_start3A_433 = tpu.memref_slice %arg6[%dma_start3A_431, %dma_start3A_432] : memref<10240x128xf32, #tpu.memory_space<vmem_shared>> -> memref<16x128xf32, #tpu.memory_space<vmem_shared>>
        %dma_start3A_434 = arith.constant 9984 : i32
        %dma_start3A_435 = arith.constant 0 : i32
        %dma_start3A_436 = tpu.memref_slice %arg6[%dma_start3A_434, %dma_start3A_435] : memref<10240x128xf32, #tpu.memory_space<vmem_shared>> -> memref<16x128xf32, #tpu.memory_space<vmem_shared>>
        %dma_start3A_437 = arith.constant 0 : i32
        %dma_start3A_438 = arith.constant 0 : i32
        %dma_start3A_439 = tpu.memref_slice %arg8[%run_scoped3A_425, %dma_start3A_437, %dma_start3A_438] : memref<2x128x128xf32, #tpu.memory_space<vmem>> -> memref<1x16x128xf32, #tpu.memory_space<vmem>>
        %dma_start3A_440 = tpu.memref_squeeze %dma_start3A_439 : memref<1x16x128xf32, #tpu.memory_space<vmem>> -> memref<16x128xf32, #tpu.memory_space<vmem>>
        tpu.enqueue_dma source(%dma_start3A_440 : memref<16x128xf32, #tpu.memory_space<vmem>>) target(%dma_start3A_436 : memref<16x128xf32, #tpu.memory_space<vmem_shared>>) target_semaphore(%run_scoped3A_426 : memref<!tpu.dma_semaphore, #tpu.memory_space<semaphore_mem>>)
        %dma_wait3A_441 = arith.constant 0 : i32
        %dma_wait3A_442 = arith.constant 0 : i32
        %dma_wait3A_443 = tpu.memref_slice %arg8[%run_scoped3A_425, %dma_wait3A_441, %dma_wait3A_442] : memref<2x128x128xf32, #tpu.memory_space<vmem>> -> memref<1x16x128xf32, #tpu.memory_space<vmem>>
        %dma_wait3A_444 = tpu.memref_squeeze %dma_wait3A_443 : memref<1x16x128xf32, #tpu.memory_space<vmem>> -> memref<16x128xf32, #tpu.memory_space<vmem>>
        %dma_wait3A_445 = arith.constant 9984 : i32
        %dma_wait3A_446 = arith.constant 0 : i32
        %dma_wait3A_447 = tpu.memref_slice %arg6[%dma_wait3A_445, %dma_wait3A_446] : memref<10240x128xf32, #tpu.memory_space<vmem_shared>> -> memref<16x128xf32, #tpu.memory_space<vmem_shared>>
        %dma_wait3A_448 = arith.constant 9984 : i32
        %dma_wait3A_449 = arith.constant 0 : i32
        %dma_wait3A_450 = tpu.memref_slice %arg6[%dma_wait3A_448, %dma_wait3A_449] : memref<10240x128xf32, #tpu.memory_space<vmem_shared>> -> memref<16x128xf32, #tpu.memory_space<vmem_shared>>
        %dma_wait3A_451 = arith.constant 0 : i32
        %dma_wait3A_452 = arith.constant 0 : i32
        %dma_wait3A_453 = tpu.memref_slice %arg8[%run_scoped3A_425, %dma_wait3A_451, %dma_wait3A_452] : memref<2x128x128xf32, #tpu.memory_space<vmem>> -> memref<1x16x128xf32, #tpu.memory_space<vmem>>
        %dma_wait3A_454 = tpu.memref_squeeze %dma_wait3A_453 : memref<1x16x128xf32, #tpu.memory_space<vmem>> -> memref<16x128xf32, #tpu.memory_space<vmem>>
        tpu.wait_dma2 semaphore(%run_scoped3A_426 : memref<!tpu.dma_semaphore, #tpu.memory_space<semaphore_mem>>) src(%dma_wait3A_454 : memref<16x128xf32, #tpu.memory_space<vmem>>) dst(%dma_wait3A_450 : memref<16x128xf32, #tpu.memory_space<vmem_shared>>)
        tpu.yield
      }) : () -> ()
    } else {
    }
    %barrier3A = arith.constant 0 : index
    tpu.barrier barrier_id(%barrier3A)
    %dma_start3A_289 = arith.constant 0 : i32
    %dma_start3A_290 = arith.constant 0 : i32
    %dma_start3A_291 = arith.constant 0 : i32
    %dma_start3A_292 = tpu.memref_slice %arg8[%dma_start3A_289, %dma_start3A_290, %dma_start3A_291] : memref<2x128x128xf32, #tpu.memory_space<vmem>> -> memref<1x128x128xf32, #tpu.memory_space<vmem>>
    %dma_start3A_293 = tpu.memref_squeeze %dma_start3A_292 : memref<1x128x128xf32, #tpu.memory_space<vmem>> -> memref<128x128xf32, #tpu.memory_space<vmem>>
    %dma_start3A_294 = arith.constant 0 : i32
    %dma_start3A_295 = tpu.memref_slice %arg7[%dma_start3A_294] : memref<10240xi32, #tpu.memory_space<vmem>> -> memref<128xi32, #tpu.memory_space<vmem>>
    %dma_start3A_296 = arith.constant 0 : i32
    %dma_start3A_297 = arith.constant 0 : i32
    %dma_start3A_298 = tpu.memref_slice %arg6[%dma_start3A_296, %dma_start3A_297] : memref<10240x128xf32, #tpu.memory_space<vmem_shared>> -> memref<10240x128xf32, #tpu.memory_space<vmem_shared>>
    tpu.enqueue_indirect_dma source(%dma_start3A_298 : memref<10240x128xf32, #tpu.memory_space<vmem_shared>>) target(%dma_start3A_293 : memref<128x128xf32, #tpu.memory_space<vmem>>) offsets(%dma_start3A_295 : memref<128xi32, #tpu.memory_space<vmem>>) semaphore(%arg11 : memref<!tpu.dma_semaphore, #tpu.memory_space<semaphore_mem>>)
    %dma_start3A_299 = arith.constant 1 : i32
    %dma_start3A_300 = arith.constant 0 : i32
    %dma_start3A_301 = arith.constant 0 : i32
    %dma_start3A_302 = tpu.memref_slice %arg8[%dma_start3A_299, %dma_start3A_300, %dma_start3A_301] : memref<2x128x128xf32, #tpu.memory_space<vmem>> -> memref<1x128x128xf32, #tpu.memory_space<vmem>>
    %dma_start3A_303 = tpu.memref_squeeze %dma_start3A_302 : memref<1x128x128xf32, #tpu.memory_space<vmem>> -> memref<128x128xf32, #tpu.memory_space<vmem>>
    %dma_start3A_304 = arith.constant 128 : i32
    %dma_start3A_305 = tpu.memref_slice %arg7[%dma_start3A_304] : memref<10240xi32, #tpu.memory_space<vmem>> -> memref<128xi32, #tpu.memory_space<vmem>>
    %dma_start3A_306 = arith.constant 0 : i32
    %dma_start3A_307 = arith.constant 0 : i32
    %dma_start3A_308 = tpu.memref_slice %arg6[%dma_start3A_306, %dma_start3A_307] : memref<10240x128xf32, #tpu.memory_space<vmem_shared>> -> memref<10240x128xf32, #tpu.memory_space<vmem_shared>>
    tpu.enqueue_indirect_dma source(%dma_start3A_308 : memref<10240x128xf32, #tpu.memory_space<vmem_shared>>) target(%dma_start3A_303 : memref<128x128xf32, #tpu.memory_space<vmem>>) offsets(%dma_start3A_305 : memref<128xi32, #tpu.memory_space<vmem>>) semaphore(%arg12 : memref<!tpu.dma_semaphore, #tpu.memory_space<semaphore_mem>>)
    %scan3A = arith.constant 0 : i32
    %scan3A_309 = arith.constant 80 : i32
    %scan3A_310 = arith.addi %scan3A, %scan3A_309 : i32
    %scan3A_311 = arith.constant 1 : i32
    scf.for %scan3A_425 = %scan3A to %scan3A_310 step %scan3A_311  : i32 {
      %mul3A_426 = arith.constant 1 : i32
      %mul3A_427 = arith.muli %scan3A_425, %mul3A_426 : i32
      %add3A_428 = arith.constant 0 : i32
      %add3A_429 = arith.addi %add3A_428, %mul3A_427 : i32
      %rem3A = arith.constant 2 : i32
      %rem3A_430 = arith.remsi %add3A_429, %rem3A : i32
      %rem3A_431 = arith.constant 4 : i32
      %rem3A_432 = arith.remsi %add3A_429, %rem3A_431 : i32
      %eq3A_433 = arith.constant 0 : i32
      %eq3A_434 = arith.cmpi eq, %rem3A_430, %eq3A_433 : i32
      %convert_element_type3A_435 = arith.extui %eq3A_434 : i1 to i32
      %cond3A_436 = arith.constant 0 : i32
      %cond3A_437 = arith.cmpi ne, %convert_element_type3A_435, %cond3A_436 : i32
      scf.if %cond3A_437 {
        %mul3A_479 = arith.constant 128 : i32
        %mul3A_480 = arith.muli %add3A_429, %mul3A_479 : i32
        %dma_wait3A_481 = arith.constant 0 : i32
        %dma_wait3A_482 = arith.constant 0 : i32
        %dma_wait3A_483 = arith.constant 0 : i32
        %dma_wait3A_484 = tpu.memref_slice %arg8[%dma_wait3A_481, %dma_wait3A_482, %dma_wait3A_483] : memref<2x128x128xf32, #tpu.memory_space<vmem>> -> memref<1x128x128xf32, #tpu.memory_space<vmem>>
        %dma_wait3A_485 = tpu.memref_squeeze %dma_wait3A_484 : memref<1x128x128xf32, #tpu.memory_space<vmem>> -> memref<128x128xf32, #tpu.memory_space<vmem>>
        %dma_wait3A_486 = tpu.memref_slice %arg7[%mul3A_480] : memref<10240xi32, #tpu.memory_space<vmem>> -> memref<128xi32, #tpu.memory_space<vmem>>
        %dma_wait3A_487 = arith.constant 0 : i32
        %dma_wait3A_488 = arith.constant 0 : i32
        %dma_wait3A_489 = tpu.memref_slice %arg6[%dma_wait3A_487, %dma_wait3A_488] : memref<10240x128xf32, #tpu.memory_space<vmem_shared>> -> memref<10240x128xf32, #tpu.memory_space<vmem_shared>>
        tpu.wait_indirect_dma semaphore(%arg11 : memref<!tpu.dma_semaphore, #tpu.memory_space<semaphore_mem>>) src(%dma_wait3A_489 : memref<10240x128xf32, #tpu.memory_space<vmem_shared>>) dst(%dma_wait3A_485 : memref<128x128xf32, #tpu.memory_space<vmem>>)
      } else {
      }
      %eq3A_438 = arith.constant 1 : i32
      %eq3A_439 = arith.cmpi eq, %rem3A_430, %eq3A_438 : i32
      %convert_element_type3A_440 = arith.extui %eq3A_439 : i1 to i32
      %cond3A_441 = arith.constant 0 : i32
      %cond3A_442 = arith.cmpi ne, %convert_element_type3A_440, %cond3A_441 : i32
      scf.if %cond3A_442 {
        %mul3A_479 = arith.constant 128 : i32
        %mul3A_480 = arith.muli %add3A_429, %mul3A_479 : i32
        %dma_wait3A_481 = arith.constant 1 : i32
        %dma_wait3A_482 = arith.constant 0 : i32
        %dma_wait3A_483 = arith.constant 0 : i32
        %dma_wait3A_484 = tpu.memref_slice %arg8[%dma_wait3A_481, %dma_wait3A_482, %dma_wait3A_483] : memref<2x128x128xf32, #tpu.memory_space<vmem>> -> memref<1x128x128xf32, #tpu.memory_space<vmem>>
        %dma_wait3A_485 = tpu.memref_squeeze %dma_wait3A_484 : memref<1x128x128xf32, #tpu.memory_space<vmem>> -> memref<128x128xf32, #tpu.memory_space<vmem>>
        %dma_wait3A_486 = tpu.memref_slice %arg7[%mul3A_480] : memref<10240xi32, #tpu.memory_space<vmem>> -> memref<128xi32, #tpu.memory_space<vmem>>
        %dma_wait3A_487 = arith.constant 0 : i32
        %dma_wait3A_488 = arith.constant 0 : i32
        %dma_wait3A_489 = tpu.memref_slice %arg6[%dma_wait3A_487, %dma_wait3A_488] : memref<10240x128xf32, #tpu.memory_space<vmem_shared>> -> memref<10240x128xf32, #tpu.memory_space<vmem_shared>>
        tpu.wait_indirect_dma semaphore(%arg12 : memref<!tpu.dma_semaphore, #tpu.memory_space<semaphore_mem>>) src(%dma_wait3A_489 : memref<10240x128xf32, #tpu.memory_space<vmem_shared>>) dst(%dma_wait3A_485 : memref<128x128xf32, #tpu.memory_space<vmem>>)
      } else {
      }
      %ge3A = arith.constant 4 : i32
      %ge3A_443 = arith.cmpi sge, %add3A_429, %ge3A : i32
      %convert_element_type3A_444 = arith.extui %ge3A_443 : i1 to i32
      %cond3A_445 = arith.constant 0 : i32
      %cond3A_446 = arith.cmpi ne, %convert_element_type3A_444, %cond3A_445 : i32
      scf.if %cond3A_446 {
        %eq3A_479 = arith.constant 0 : i32
        %eq3A_480 = arith.cmpi eq, %rem3A_432, %eq3A_479 : i32
        %convert_element_type3A_481 = arith.extui %eq3A_480 : i1 to i32
        %cond3A_482 = arith.constant 0 : i32
        %cond3A_483 = arith.cmpi ne, %convert_element_type3A_481, %cond3A_482 : i32
        scf.if %cond3A_483 {
          %sub3A = arith.constant 4 : i32
          %sub3A_499 = arith.subi %add3A_429, %sub3A : i32
          %mul3A_500 = arith.constant 4 : i32
          %mul3A_501 = arith.muli %sub3A_499, %mul3A_500 : i32
          %add3A_502 = arith.addi %mul3A_2, %mul3A_501 : i32
          %dma_wait3A_503 = arith.constant 0 : i32
          %dma_wait3A_504 = arith.constant 0 : i32
          %dma_wait3A_505 = arith.constant 0 : i32
          %dma_wait3A_506 = tpu.memref_slice %arg9[%dma_wait3A_503, %dma_wait3A_504, %dma_wait3A_505] : memref<4x4x128xf32, #tpu.memory_space<vmem>> -> memref<1x4x128xf32, #tpu.memory_space<vmem>>
          %dma_wait3A_507 = tpu.memref_squeeze %dma_wait3A_506 : memref<1x4x128xf32, #tpu.memory_space<vmem>> -> memref<4x128xf32, #tpu.memory_space<vmem>>
          %dma_wait3A_508 = arith.constant 0 : i32
          %dma_wait3A_509 = tpu.memref_slice %arg4[%add3A_502, %dma_wait3A_508] : memref<10240x128xf32, #tpu.memory_space<hbm>> -> memref<4x128xf32, #tpu.memory_space<hbm>>
          %dma_wait3A_510 = arith.constant 0 : i32
          %dma_wait3A_511 = tpu.memref_slice %arg4[%add3A_502, %dma_wait3A_510] : memref<10240x128xf32, #tpu.memory_space<hbm>> -> memref<4x128xf32, #tpu.memory_space<hbm>>
          %dma_wait3A_512 = arith.constant 0 : i32
          %dma_wait3A_513 = arith.constant 0 : i32
          %dma_wait3A_514 = tpu.memref_slice %arg9[%dma_wait3A_503, %dma_wait3A_512, %dma_wait3A_513] : memref<4x4x128xf32, #tpu.memory_space<vmem>> -> memref<1x4x128xf32, #tpu.memory_space<vmem>>
          %dma_wait3A_515 = tpu.memref_squeeze %dma_wait3A_514 : memref<1x4x128xf32, #tpu.memory_space<vmem>> -> memref<4x128xf32, #tpu.memory_space<vmem>>
          tpu.wait_dma2 semaphore(%arg13 : memref<!tpu.dma_semaphore, #tpu.memory_space<semaphore_mem>>) src(%dma_wait3A_515 : memref<4x128xf32, #tpu.memory_space<vmem>>) dst(%dma_wait3A_511 : memref<4x128xf32, #tpu.memory_space<hbm>>)
          %dma_wait3A_516 = arith.constant 0 : i32
          %dma_wait3A_517 = arith.constant 0 : i32
          %dma_wait3A_518 = arith.constant 0 : i32
          %dma_wait3A_519 = tpu.memref_slice %arg10[%dma_wait3A_516, %dma_wait3A_517, %dma_wait3A_518] : memref<4x4x128xf32, #tpu.memory_space<vmem>> -> memref<1x4x128xf32, #tpu.memory_space<vmem>>
          %dma_wait3A_520 = tpu.memref_squeeze %dma_wait3A_519 : memref<1x4x128xf32, #tpu.memory_space<vmem>> -> memref<4x128xf32, #tpu.memory_space<vmem>>
          %dma_wait3A_521 = arith.constant 0 : i32
          %dma_wait3A_522 = tpu.memref_slice %arg5[%add3A_502, %dma_wait3A_521] : memref<10240x128xf32, #tpu.memory_space<hbm>> -> memref<4x128xf32, #tpu.memory_space<hbm>>
          %dma_wait3A_523 = arith.constant 0 : i32
          %dma_wait3A_524 = tpu.memref_slice %arg5[%add3A_502, %dma_wait3A_523] : memref<10240x128xf32, #tpu.memory_space<hbm>> -> memref<4x128xf32, #tpu.memory_space<hbm>>
          %dma_wait3A_525 = arith.constant 0 : i32
          %dma_wait3A_526 = arith.constant 0 : i32
          %dma_wait3A_527 = tpu.memref_slice %arg10[%dma_wait3A_516, %dma_wait3A_525, %dma_wait3A_526] : memref<4x4x128xf32, #tpu.memory_space<vmem>> -> memref<1x4x128xf32, #tpu.memory_space<vmem>>
          %dma_wait3A_528 = tpu.memref_squeeze %dma_wait3A_527 : memref<1x4x128xf32, #tpu.memory_space<vmem>> -> memref<4x128xf32, #tpu.memory_space<vmem>>
          tpu.wait_dma2 semaphore(%arg17 : memref<!tpu.dma_semaphore, #tpu.memory_space<semaphore_mem>>) src(%dma_wait3A_528 : memref<4x128xf32, #tpu.memory_space<vmem>>) dst(%dma_wait3A_524 : memref<4x128xf32, #tpu.memory_space<hbm>>)
        } else {
        }
        %eq3A_484 = arith.constant 1 : i32
        %eq3A_485 = arith.cmpi eq, %rem3A_432, %eq3A_484 : i32
        %convert_element_type3A_486 = arith.extui %eq3A_485 : i1 to i32
        %cond3A_487 = arith.constant 0 : i32
        %cond3A_488 = arith.cmpi ne, %convert_element_type3A_486, %cond3A_487 : i32
        scf.if %cond3A_488 {
          %sub3A = arith.constant 4 : i32
          %sub3A_499 = arith.subi %add3A_429, %sub3A : i32
          %mul3A_500 = arith.constant 4 : i32
          %mul3A_501 = arith.muli %sub3A_499, %mul3A_500 : i32
          %add3A_502 = arith.addi %mul3A_2, %mul3A_501 : i32
          %dma_wait3A_503 = arith.constant 1 : i32
          %dma_wait3A_504 = arith.constant 0 : i32
          %dma_wait3A_505 = arith.constant 0 : i32
          %dma_wait3A_506 = tpu.memref_slice %arg9[%dma_wait3A_503, %dma_wait3A_504, %dma_wait3A_505] : memref<4x4x128xf32, #tpu.memory_space<vmem>> -> memref<1x4x128xf32, #tpu.memory_space<vmem>>
          %dma_wait3A_507 = tpu.memref_squeeze %dma_wait3A_506 : memref<1x4x128xf32, #tpu.memory_space<vmem>> -> memref<4x128xf32, #tpu.memory_space<vmem>>
          %dma_wait3A_508 = arith.constant 0 : i32
          %dma_wait3A_509 = tpu.memref_slice %arg4[%add3A_502, %dma_wait3A_508] : memref<10240x128xf32, #tpu.memory_space<hbm>> -> memref<4x128xf32, #tpu.memory_space<hbm>>
          %dma_wait3A_510 = arith.constant 0 : i32
          %dma_wait3A_511 = tpu.memref_slice %arg4[%add3A_502, %dma_wait3A_510] : memref<10240x128xf32, #tpu.memory_space<hbm>> -> memref<4x128xf32, #tpu.memory_space<hbm>>
          %dma_wait3A_512 = arith.constant 0 : i32
          %dma_wait3A_513 = arith.constant 0 : i32
          %dma_wait3A_514 = tpu.memref_slice %arg9[%dma_wait3A_503, %dma_wait3A_512, %dma_wait3A_513] : memref<4x4x128xf32, #tpu.memory_space<vmem>> -> memref<1x4x128xf32, #tpu.memory_space<vmem>>
          %dma_wait3A_515 = tpu.memref_squeeze %dma_wait3A_514 : memref<1x4x128xf32, #tpu.memory_space<vmem>> -> memref<4x128xf32, #tpu.memory_space<vmem>>
          tpu.wait_dma2 semaphore(%arg14 : memref<!tpu.dma_semaphore, #tpu.memory_space<semaphore_mem>>) src(%dma_wait3A_515 : memref<4x128xf32, #tpu.memory_space<vmem>>) dst(%dma_wait3A_511 : memref<4x128xf32, #tpu.memory_space<hbm>>)
          %dma_wait3A_516 = arith.constant 1 : i32
          %dma_wait3A_517 = arith.constant 0 : i32
          %dma_wait3A_518 = arith.constant 0 : i32
          %dma_wait3A_519 = tpu.memref_slice %arg10[%dma_wait3A_516, %dma_wait3A_517, %dma_wait3A_518] : memref<4x4x128xf32, #tpu.memory_space<vmem>> -> memref<1x4x128xf32, #tpu.memory_space<vmem>>
          %dma_wait3A_520 = tpu.memref_squeeze %dma_wait3A_519 : memref<1x4x128xf32, #tpu.memory_space<vmem>> -> memref<4x128xf32, #tpu.memory_space<vmem>>
          %dma_wait3A_521 = arith.constant 0 : i32
          %dma_wait3A_522 = tpu.memref_slice %arg5[%add3A_502, %dma_wait3A_521] : memref<10240x128xf32, #tpu.memory_space<hbm>> -> memref<4x128xf32, #tpu.memory_space<hbm>>
          %dma_wait3A_523 = arith.constant 0 : i32
          %dma_wait3A_524 = tpu.memref_slice %arg5[%add3A_502, %dma_wait3A_523] : memref<10240x128xf32, #tpu.memory_space<hbm>> -> memref<4x128xf32, #tpu.memory_space<hbm>>
          %dma_wait3A_525 = arith.constant 0 : i32
          %dma_wait3A_526 = arith.constant 0 : i32
          %dma_wait3A_527 = tpu.memref_slice %arg10[%dma_wait3A_516, %dma_wait3A_525, %dma_wait3A_526] : memref<4x4x128xf32, #tpu.memory_space<vmem>> -> memref<1x4x128xf32, #tpu.memory_space<vmem>>
          %dma_wait3A_528 = tpu.memref_squeeze %dma_wait3A_527 : memref<1x4x128xf32, #tpu.memory_space<vmem>> -> memref<4x128xf32, #tpu.memory_space<vmem>>
          tpu.wait_dma2 semaphore(%arg18 : memref<!tpu.dma_semaphore, #tpu.memory_space<semaphore_mem>>) src(%dma_wait3A_528 : memref<4x128xf32, #tpu.memory_space<vmem>>) dst(%dma_wait3A_524 : memref<4x128xf32, #tpu.memory_space<hbm>>)
        } else {
        }
        %eq3A_489 = arith.constant 2 : i32
        %eq3A_490 = arith.cmpi eq, %rem3A_432, %eq3A_489 : i32
        %convert_element_type3A_491 = arith.extui %eq3A_490 : i1 to i32
        %cond3A_492 = arith.constant 0 : i32
        %cond3A_493 = arith.cmpi ne, %convert_element_type3A_491, %cond3A_492 : i32
        scf.if %cond3A_493 {
          %sub3A = arith.constant 4 : i32
          %sub3A_499 = arith.subi %add3A_429, %sub3A : i32
          %mul3A_500 = arith.constant 4 : i32
          %mul3A_501 = arith.muli %sub3A_499, %mul3A_500 : i32
          %add3A_502 = arith.addi %mul3A_2, %mul3A_501 : i32
          %dma_wait3A_503 = arith.constant 2 : i32
          %dma_wait3A_504 = arith.constant 0 : i32
          %dma_wait3A_505 = arith.constant 0 : i32
          %dma_wait3A_506 = tpu.memref_slice %arg9[%dma_wait3A_503, %dma_wait3A_504, %dma_wait3A_505] : memref<4x4x128xf32, #tpu.memory_space<vmem>> -> memref<1x4x128xf32, #tpu.memory_space<vmem>>
          %dma_wait3A_507 = tpu.memref_squeeze %dma_wait3A_506 : memref<1x4x128xf32, #tpu.memory_space<vmem>> -> memref<4x128xf32, #tpu.memory_space<vmem>>
          %dma_wait3A_508 = arith.constant 0 : i32
          %dma_wait3A_509 = tpu.memref_slice %arg4[%add3A_502, %dma_wait3A_508] : memref<10240x128xf32, #tpu.memory_space<hbm>> -> memref<4x128xf32, #tpu.memory_space<hbm>>
          %dma_wait3A_510 = arith.constant 0 : i32
          %dma_wait3A_511 = tpu.memref_slice %arg4[%add3A_502, %dma_wait3A_510] : memref<10240x128xf32, #tpu.memory_space<hbm>> -> memref<4x128xf32, #tpu.memory_space<hbm>>
          %dma_wait3A_512 = arith.constant 0 : i32
          %dma_wait3A_513 = arith.constant 0 : i32
          %dma_wait3A_514 = tpu.memref_slice %arg9[%dma_wait3A_503, %dma_wait3A_512, %dma_wait3A_513] : memref<4x4x128xf32, #tpu.memory_space<vmem>> -> memref<1x4x128xf32, #tpu.memory_space<vmem>>
          %dma_wait3A_515 = tpu.memref_squeeze %dma_wait3A_514 : memref<1x4x128xf32, #tpu.memory_space<vmem>> -> memref<4x128xf32, #tpu.memory_space<vmem>>
          tpu.wait_dma2 semaphore(%arg15 : memref<!tpu.dma_semaphore, #tpu.memory_space<semaphore_mem>>) src(%dma_wait3A_515 : memref<4x128xf32, #tpu.memory_space<vmem>>) dst(%dma_wait3A_511 : memref<4x128xf32, #tpu.memory_space<hbm>>)
          %dma_wait3A_516 = arith.constant 2 : i32
          %dma_wait3A_517 = arith.constant 0 : i32
          %dma_wait3A_518 = arith.constant 0 : i32
          %dma_wait3A_519 = tpu.memref_slice %arg10[%dma_wait3A_516, %dma_wait3A_517, %dma_wait3A_518] : memref<4x4x128xf32, #tpu.memory_space<vmem>> -> memref<1x4x128xf32, #tpu.memory_space<vmem>>
          %dma_wait3A_520 = tpu.memref_squeeze %dma_wait3A_519 : memref<1x4x128xf32, #tpu.memory_space<vmem>> -> memref<4x128xf32, #tpu.memory_space<vmem>>
          %dma_wait3A_521 = arith.constant 0 : i32
          %dma_wait3A_522 = tpu.memref_slice %arg5[%add3A_502, %dma_wait3A_521] : memref<10240x128xf32, #tpu.memory_space<hbm>> -> memref<4x128xf32, #tpu.memory_space<hbm>>
          %dma_wait3A_523 = arith.constant 0 : i32
          %dma_wait3A_524 = tpu.memref_slice %arg5[%add3A_502, %dma_wait3A_523] : memref<10240x128xf32, #tpu.memory_space<hbm>> -> memref<4x128xf32, #tpu.memory_space<hbm>>
          %dma_wait3A_525 = arith.constant 0 : i32
          %dma_wait3A_526 = arith.constant 0 : i32
          %dma_wait3A_527 = tpu.memref_slice %arg10[%dma_wait3A_516, %dma_wait3A_525, %dma_wait3A_526] : memref<4x4x128xf32, #tpu.memory_space<vmem>> -> memref<1x4x128xf32, #tpu.memory_space<vmem>>
          %dma_wait3A_528 = tpu.memref_squeeze %dma_wait3A_527 : memref<1x4x128xf32, #tpu.memory_space<vmem>> -> memref<4x128xf32, #tpu.memory_space<vmem>>
          tpu.wait_dma2 semaphore(%arg19 : memref<!tpu.dma_semaphore, #tpu.memory_space<semaphore_mem>>) src(%dma_wait3A_528 : memref<4x128xf32, #tpu.memory_space<vmem>>) dst(%dma_wait3A_524 : memref<4x128xf32, #tpu.memory_space<hbm>>)
        } else {
        }
        %eq3A_494 = arith.constant 3 : i32
        %eq3A_495 = arith.cmpi eq, %rem3A_432, %eq3A_494 : i32
        %convert_element_type3A_496 = arith.extui %eq3A_495 : i1 to i32
        %cond3A_497 = arith.constant 0 : i32
        %cond3A_498 = arith.cmpi ne, %convert_element_type3A_496, %cond3A_497 : i32
        scf.if %cond3A_498 {
          %sub3A = arith.constant 4 : i32
          %sub3A_499 = arith.subi %add3A_429, %sub3A : i32
          %mul3A_500 = arith.constant 4 : i32
          %mul3A_501 = arith.muli %sub3A_499, %mul3A_500 : i32
          %add3A_502 = arith.addi %mul3A_2, %mul3A_501 : i32
          %dma_wait3A_503 = arith.constant 3 : i32
          %dma_wait3A_504 = arith.constant 0 : i32
          %dma_wait3A_505 = arith.constant 0 : i32
          %dma_wait3A_506 = tpu.memref_slice %arg9[%dma_wait3A_503, %dma_wait3A_504, %dma_wait3A_505] : memref<4x4x128xf32, #tpu.memory_space<vmem>> -> memref<1x4x128xf32, #tpu.memory_space<vmem>>
          %dma_wait3A_507 = tpu.memref_squeeze %dma_wait3A_506 : memref<1x4x128xf32, #tpu.memory_space<vmem>> -> memref<4x128xf32, #tpu.memory_space<vmem>>
          %dma_wait3A_508 = arith.constant 0 : i32
          %dma_wait3A_509 = tpu.memref_slice %arg4[%add3A_502, %dma_wait3A_508] : memref<10240x128xf32, #tpu.memory_space<hbm>> -> memref<4x128xf32, #tpu.memory_space<hbm>>
          %dma_wait3A_510 = arith.constant 0 : i32
          %dma_wait3A_511 = tpu.memref_slice %arg4[%add3A_502, %dma_wait3A_510] : memref<10240x128xf32, #tpu.memory_space<hbm>> -> memref<4x128xf32, #tpu.memory_space<hbm>>
          %dma_wait3A_512 = arith.constant 0 : i32
          %dma_wait3A_513 = arith.constant 0 : i32
          %dma_wait3A_514 = tpu.memref_slice %arg9[%dma_wait3A_503, %dma_wait3A_512, %dma_wait3A_513] : memref<4x4x128xf32, #tpu.memory_space<vmem>> -> memref<1x4x128xf32, #tpu.memory_space<vmem>>
          %dma_wait3A_515 = tpu.memref_squeeze %dma_wait3A_514 : memref<1x4x128xf32, #tpu.memory_space<vmem>> -> memref<4x128xf32, #tpu.memory_space<vmem>>
          tpu.wait_dma2 semaphore(%arg16 : memref<!tpu.dma_semaphore, #tpu.memory_space<semaphore_mem>>) src(%dma_wait3A_515 : memref<4x128xf32, #tpu.memory_space<vmem>>) dst(%dma_wait3A_511 : memref<4x128xf32, #tpu.memory_space<hbm>>)
          %dma_wait3A_516 = arith.constant 3 : i32
          %dma_wait3A_517 = arith.constant 0 : i32
          %dma_wait3A_518 = arith.constant 0 : i32
          %dma_wait3A_519 = tpu.memref_slice %arg10[%dma_wait3A_516, %dma_wait3A_517, %dma_wait3A_518] : memref<4x4x128xf32, #tpu.memory_space<vmem>> -> memref<1x4x128xf32, #tpu.memory_space<vmem>>
          %dma_wait3A_520 = tpu.memref_squeeze %dma_wait3A_519 : memref<1x4x128xf32, #tpu.memory_space<vmem>> -> memref<4x128xf32, #tpu.memory_space<vmem>>
          %dma_wait3A_521 = arith.constant 0 : i32
          %dma_wait3A_522 = tpu.memref_slice %arg5[%add3A_502, %dma_wait3A_521] : memref<10240x128xf32, #tpu.memory_space<hbm>> -> memref<4x128xf32, #tpu.memory_space<hbm>>
          %dma_wait3A_523 = arith.constant 0 : i32
          %dma_wait3A_524 = tpu.memref_slice %arg5[%add3A_502, %dma_wait3A_523] : memref<10240x128xf32, #tpu.memory_space<hbm>> -> memref<4x128xf32, #tpu.memory_space<hbm>>
          %dma_wait3A_525 = arith.constant 0 : i32
          %dma_wait3A_526 = arith.constant 0 : i32
          %dma_wait3A_527 = tpu.memref_slice %arg10[%dma_wait3A_516, %dma_wait3A_525, %dma_wait3A_526] : memref<4x4x128xf32, #tpu.memory_space<vmem>> -> memref<1x4x128xf32, #tpu.memory_space<vmem>>
          %dma_wait3A_528 = tpu.memref_squeeze %dma_wait3A_527 : memref<1x4x128xf32, #tpu.memory_space<vmem>> -> memref<4x128xf32, #tpu.memory_space<vmem>>
          tpu.wait_dma2 semaphore(%arg20 : memref<!tpu.dma_semaphore, #tpu.memory_space<semaphore_mem>>) src(%dma_wait3A_528 : memref<4x128xf32, #tpu.memory_space<vmem>>) dst(%dma_wait3A_524 : memref<4x128xf32, #tpu.memory_space<hbm>>)
        } else {
        }
      } else {
      }
      %scan3A_447 = arith.constant 0 : i32
      %scan3A_448 = arith.constant 4 : i32
      %scan3A_449 = arith.addi %scan3A_447, %scan3A_448 : i32
      %scan3A_450 = arith.constant 1 : i32
      scf.for %scan3A_479 = %scan3A_447 to %scan3A_449 step %scan3A_450  : i32 {
        %mul3A_480 = arith.constant 1 : i32
        %mul3A_481 = arith.muli %scan3A_479, %mul3A_480 : i32
        %add3A_482 = arith.constant 0 : i32
        %add3A_483 = arith.addi %add3A_482, %mul3A_481 : i32
        %mul3A_484 = arith.constant 32 : i32
        %mul3A_485 = arith.muli %add3A_483, %mul3A_484 : i32
        %add3A_486 = arith.constant 31 : i32
        %add3A_487 = arith.addi %mul3A_485, %add3A_486 : i32
        %get3A = arith.index_cast %rem3A_430 : i32 to index
        %get3A_488 = arith.index_cast %add3A_487 : i32 to index
        %get3A_489 = arith.constant 0 : index
        %get3A_490 = tpu.vector_load %arg8[%get3A, %get3A_488, %get3A_489] {strides = array<i32>} : memref<2x128x128xf32, #tpu.memory_space<vmem>>, vector<1x1x16xf32>,
        %get3A_491 = vector.shape_cast %get3A_490 : vector<1x1x16xf32> to vector<16xf32>
        %add3A_492 = arith.constant 31 : i32
        %add3A_493 = arith.addi %mul3A_485, %add3A_492 : i32
        %get3A_494 = arith.index_cast %rem3A_430 : i32 to index
        %get3A_495 = arith.index_cast %add3A_493 : i32 to index
        %get3A_496 = arith.constant 16 : index
        %get3A_497 = tpu.vector_load %arg8[%get3A_494, %get3A_495, %get3A_496] {strides = array<i32>} : memref<2x128x128xf32, #tpu.memory_space<vmem>>, vector<1x1x16xf32>,
        %get3A_498 = vector.shape_cast %get3A_497 : vector<1x1x16xf32> to vector<16xf32>
        %add3A_499 = arith.constant 31 : i32
        %add3A_500 = arith.addi %mul3A_485, %add3A_499 : i32
        %get3A_501 = arith.index_cast %rem3A_430 : i32 to index
        %get3A_502 = arith.index_cast %add3A_500 : i32 to index
        %get3A_503 = arith.constant 32 : index
        %get3A_504 = tpu.vector_load %arg8[%get3A_501, %get3A_502, %get3A_503] {strides = array<i32>} : memref<2x128x128xf32, #tpu.memory_space<vmem>>, vector<1x1x16xf32>,
        %get3A_505 = vector.shape_cast %get3A_504 : vector<1x1x16xf32> to vector<16xf32>
        %add3A_506 = arith.constant 31 : i32
        %add3A_507 = arith.addi %mul3A_485, %add3A_506 : i32
        %get3A_508 = arith.index_cast %rem3A_430 : i32 to index
        %get3A_509 = arith.index_cast %add3A_507 : i32 to index
        %get3A_510 = arith.constant 48 : index
        %get3A_511 = tpu.vector_load %arg8[%get3A_508, %get3A_509, %get3A_510] {strides = array<i32>} : memref<2x128x128xf32, #tpu.memory_space<vmem>>, vector<1x1x16xf32>,
        %get3A_512 = vector.shape_cast %get3A_511 : vector<1x1x16xf32> to vector<16xf32>
        %add3A_513 = arith.constant 30 : i32
        %add3A_514 = arith.addi %mul3A_485, %add3A_513 : i32
        %get3A_515 = arith.index_cast %rem3A_430 : i32 to index
        %get3A_516 = arith.index_cast %add3A_514 : i32 to index
        %get3A_517 = arith.constant 0 : index
        %get3A_518 = tpu.vector_load %arg8[%get3A_515, %get3A_516, %get3A_517] {strides = array<i32>} : memref<2x128x128xf32, #tpu.memory_space<vmem>>, vector<1x1x16xf32>,
        %get3A_519 = vector.shape_cast %get3A_518 : vector<1x1x16xf32> to vector<16xf32>
        %add3A_520 = arith.addf %get3A_491, %get3A_519 : vector<16xf32>
        %add3A_521 = arith.addf %get3A_491, %add3A_520 : vector<16xf32>
        %add3A_522 = arith.constant 30 : i32
        %add3A_523 = arith.addi %mul3A_485, %add3A_522 : i32
        %get3A_524 = arith.index_cast %rem3A_430 : i32 to index
        %get3A_525 = arith.index_cast %add3A_523 : i32 to index
        %get3A_526 = arith.constant 16 : index
        %get3A_527 = tpu.vector_load %arg8[%get3A_524, %get3A_525, %get3A_526] {strides = array<i32>} : memref<2x128x128xf32, #tpu.memory_space<vmem>>, vector<1x1x16xf32>,
        %get3A_528 = vector.shape_cast %get3A_527 : vector<1x1x16xf32> to vector<16xf32>
        %add3A_529 = arith.addf %get3A_498, %get3A_528 : vector<16xf32>
        %add3A_530 = arith.addf %get3A_498, %add3A_529 : vector<16xf32>
        %add3A_531 = arith.constant 30 : i32
        %add3A_532 = arith.addi %mul3A_485, %add3A_531 : i32
        %get3A_533 = arith.index_cast %rem3A_430 : i32 to index
        %get3A_534 = arith.index_cast %add3A_532 : i32 to index
        %get3A_535 = arith.constant 32 : index
        %get3A_536 = tpu.vector_load %arg8[%get3A_533, %get3A_534, %get3A_535] {strides = array<i32>} : memref<2x128x128xf32, #tpu.memory_space<vmem>>, vector<1x1x16xf32>,
        %get3A_537 = vector.shape_cast %get3A_536 : vector<1x1x16xf32> to vector<16xf32>
        %add3A_538 = arith.addf %get3A_505, %get3A_537 : vector<16xf32>
        %add3A_539 = arith.addf %get3A_505, %add3A_538 : vector<16xf32>
        %add3A_540 = arith.constant 30 : i32
        %add3A_541 = arith.addi %mul3A_485, %add3A_540 : i32
        %get3A_542 = arith.index_cast %rem3A_430 : i32 to index
        %get3A_543 = arith.index_cast %add3A_541 : i32 to index
        %get3A_544 = arith.constant 48 : index
        %get3A_545 = tpu.vector_load %arg8[%get3A_542, %get3A_543, %get3A_544] {strides = array<i32>} : memref<2x128x128xf32, #tpu.memory_space<vmem>>, vector<1x1x16xf32>,
        %get3A_546 = vector.shape_cast %get3A_545 : vector<1x1x16xf32> to vector<16xf32>
        %add3A_547 = arith.addf %get3A_512, %get3A_546 : vector<16xf32>
        %add3A_548 = arith.addf %get3A_512, %add3A_547 : vector<16xf32>
        %add3A_549 = arith.constant 29 : i32
        %add3A_550 = arith.addi %mul3A_485, %add3A_549 : i32
        %get3A_551 = arith.index_cast %rem3A_430 : i32 to index
        %get3A_552 = arith.index_cast %add3A_550 : i32 to index
        %get3A_553 = arith.constant 0 : index
        %get3A_554 = tpu.vector_load %arg8[%get3A_551, %get3A_552, %get3A_553] {strides = array<i32>} : memref<2x128x128xf32, #tpu.memory_space<vmem>>, vector<1x1x16xf32>,
        %get3A_555 = vector.shape_cast %get3A_554 : vector<1x1x16xf32> to vector<16xf32>
        %add3A_556 = arith.addf %add3A_520, %get3A_555 : vector<16xf32>
        %add3A_557 = arith.addf %add3A_521, %add3A_556 : vector<16xf32>
        %add3A_558 = arith.constant 29 : i32
        %add3A_559 = arith.addi %mul3A_485, %add3A_558 : i32
        %get3A_560 = arith.index_cast %rem3A_430 : i32 to index
        %get3A_561 = arith.index_cast %add3A_559 : i32 to index
        %get3A_562 = arith.constant 16 : index
        %get3A_563 = tpu.vector_load %arg8[%get3A_560, %get3A_561, %get3A_562] {strides = array<i32>} : memref<2x128x128xf32, #tpu.memory_space<vmem>>, vector<1x1x16xf32>,
        %get3A_564 = vector.shape_cast %get3A_563 : vector<1x1x16xf32> to vector<16xf32>
        %add3A_565 = arith.addf %add3A_529, %get3A_564 : vector<16xf32>
        %add3A_566 = arith.addf %add3A_530, %add3A_565 : vector<16xf32>
        %add3A_567 = arith.constant 29 : i32
        %add3A_568 = arith.addi %mul3A_485, %add3A_567 : i32
        %get3A_569 = arith.index_cast %rem3A_430 : i32 to index
        %get3A_570 = arith.index_cast %add3A_568 : i32 to index
        %get3A_571 = arith.constant 32 : index
        %get3A_572 = tpu.vector_load %arg8[%get3A_569, %get3A_570, %get3A_571] {strides = array<i32>} : memref<2x128x128xf32, #tpu.memory_space<vmem>>, vector<1x1x16xf32>,
        %get3A_573 = vector.shape_cast %get3A_572 : vector<1x1x16xf32> to vector<16xf32>
        %add3A_574 = arith.addf %add3A_538, %get3A_573 : vector<16xf32>
        %add3A_575 = arith.addf %add3A_539, %add3A_574 : vector<16xf32>
        %add3A_576 = arith.constant 29 : i32
        %add3A_577 = arith.addi %mul3A_485, %add3A_576 : i32
        %get3A_578 = arith.index_cast %rem3A_430 : i32 to index
        %get3A_579 = arith.index_cast %add3A_577 : i32 to index
        %get3A_580 = arith.constant 48 : index
        %get3A_581 = tpu.vector_load %arg8[%get3A_578, %get3A_579, %get3A_580] {strides = array<i32>} : memref<2x128x128xf32, #tpu.memory_space<vmem>>, vector<1x1x16xf32>,
        %get3A_582 = vector.shape_cast %get3A_581 : vector<1x1x16xf32> to vector<16xf32>
        %add3A_583 = arith.addf %add3A_547, %get3A_582 : vector<16xf32>
        %add3A_584 = arith.addf %add3A_548, %add3A_583 : vector<16xf32>
        %add3A_585 = arith.constant 28 : i32
        %add3A_586 = arith.addi %mul3A_485, %add3A_585 : i32
        %get3A_587 = arith.index_cast %rem3A_430 : i32 to index
        %get3A_588 = arith.index_cast %add3A_586 : i32 to index
        %get3A_589 = arith.constant 0 : index
        %get3A_590 = tpu.vector_load %arg8[%get3A_587, %get3A_588, %get3A_589] {strides = array<i32>} : memref<2x128x128xf32, #tpu.memory_space<vmem>>, vector<1x1x16xf32>,
        %get3A_591 = vector.shape_cast %get3A_590 : vector<1x1x16xf32> to vector<16xf32>
        %add3A_592 = arith.addf %add3A_556, %get3A_591 : vector<16xf32>
        %add3A_593 = arith.addf %add3A_557, %add3A_592 : vector<16xf32>
        %add3A_594 = arith.constant 28 : i32
        %add3A_595 = arith.addi %mul3A_485, %add3A_594 : i32
        %get3A_596 = arith.index_cast %rem3A_430 : i32 to index
        %get3A_597 = arith.index_cast %add3A_595 : i32 to index
        %get3A_598 = arith.constant 16 : index
        %get3A_599 = tpu.vector_load %arg8[%get3A_596, %get3A_597, %get3A_598] {strides = array<i32>} : memref<2x128x128xf32, #tpu.memory_space<vmem>>, vector<1x1x16xf32>,
        %get3A_600 = vector.shape_cast %get3A_599 : vector<1x1x16xf32> to vector<16xf32>
        %add3A_601 = arith.addf %add3A_565, %get3A_600 : vector<16xf32>
        %add3A_602 = arith.addf %add3A_566, %add3A_601 : vector<16xf32>
        %add3A_603 = arith.constant 28 : i32
        %add3A_604 = arith.addi %mul3A_485, %add3A_603 : i32
        %get3A_605 = arith.index_cast %rem3A_430 : i32 to index
        %get3A_606 = arith.index_cast %add3A_604 : i32 to index
        %get3A_607 = arith.constant 32 : index
        %get3A_608 = tpu.vector_load %arg8[%get3A_605, %get3A_606, %get3A_607] {strides = array<i32>} : memref<2x128x128xf32, #tpu.memory_space<vmem>>, vector<1x1x16xf32>,
        %get3A_609 = vector.shape_cast %get3A_608 : vector<1x1x16xf32> to vector<16xf32>
        %add3A_610 = arith.addf %add3A_574, %get3A_609 : vector<16xf32>
        %add3A_611 = arith.addf %add3A_575, %add3A_610 : vector<16xf32>
        %add3A_612 = arith.constant 28 : i32
        %add3A_613 = arith.addi %mul3A_485, %add3A_612 : i32
        %get3A_614 = arith.index_cast %rem3A_430 : i32 to index
        %get3A_615 = arith.index_cast %add3A_613 : i32 to index
        %get3A_616 = arith.constant 48 : index
        %get3A_617 = tpu.vector_load %arg8[%get3A_614, %get3A_615, %get3A_616] {strides = array<i32>} : memref<2x128x128xf32, #tpu.memory_space<vmem>>, vector<1x1x16xf32>,
        %get3A_618 = vector.shape_cast %get3A_617 : vector<1x1x16xf32> to vector<16xf32>
        %add3A_619 = arith.addf %add3A_583, %get3A_618 : vector<16xf32>
        %add3A_620 = arith.addf %add3A_584, %add3A_619 : vector<16xf32>
        %add3A_621 = arith.constant 27 : i32
        %add3A_622 = arith.addi %mul3A_485, %add3A_621 : i32
        %get3A_623 = arith.index_cast %rem3A_430 : i32 to index
        %get3A_624 = arith.index_cast %add3A_622 : i32 to index
        %get3A_625 = arith.constant 0 : index
        %get3A_626 = tpu.vector_load %arg8[%get3A_623, %get3A_624, %get3A_625] {strides = array<i32>} : memref<2x128x128xf32, #tpu.memory_space<vmem>>, vector<1x1x16xf32>,
        %get3A_627 = vector.shape_cast %get3A_626 : vector<1x1x16xf32> to vector<16xf32>
        %add3A_628 = arith.addf %add3A_592, %get3A_627 : vector<16xf32>
        %add3A_629 = arith.addf %add3A_593, %add3A_628 : vector<16xf32>
        %add3A_630 = arith.constant 27 : i32
        %add3A_631 = arith.addi %mul3A_485, %add3A_630 : i32
        %get3A_632 = arith.index_cast %rem3A_430 : i32 to index
        %get3A_633 = arith.index_cast %add3A_631 : i32 to index
        %get3A_634 = arith.constant 16 : index
        %get3A_635 = tpu.vector_load %arg8[%get3A_632, %get3A_633, %get3A_634] {strides = array<i32>} : memref<2x128x128xf32, #tpu.memory_space<vmem>>, vector<1x1x16xf32>,
        %get3A_636 = vector.shape_cast %get3A_635 : vector<1x1x16xf32> to vector<16xf32>
        %add3A_637 = arith.addf %add3A_601, %get3A_636 : vector<16xf32>
        %add3A_638 = arith.addf %add3A_602, %add3A_637 : vector<16xf32>
        %add3A_639 = arith.constant 27 : i32
        %add3A_640 = arith.addi %mul3A_485, %add3A_639 : i32
        %get3A_641 = arith.index_cast %rem3A_430 : i32 to index
        %get3A_642 = arith.index_cast %add3A_640 : i32 to index
        %get3A_643 = arith.constant 32 : index
        %get3A_644 = tpu.vector_load %arg8[%get3A_641, %get3A_642, %get3A_643] {strides = array<i32>} : memref<2x128x128xf32, #tpu.memory_space<vmem>>, vector<1x1x16xf32>,
        %get3A_645 = vector.shape_cast %get3A_644 : vector<1x1x16xf32> to vector<16xf32>
        %add3A_646 = arith.addf %add3A_610, %get3A_645 : vector<16xf32>
        %add3A_647 = arith.addf %add3A_611, %add3A_646 : vector<16xf32>
        %add3A_648 = arith.constant 27 : i32
        %add3A_649 = arith.addi %mul3A_485, %add3A_648 : i32
        %get3A_650 = arith.index_cast %rem3A_430 : i32 to index
        %get3A_651 = arith.index_cast %add3A_649 : i32 to index
        %get3A_652 = arith.constant 48 : index
        %get3A_653 = tpu.vector_load %arg8[%get3A_650, %get3A_651, %get3A_652] {strides = array<i32>} : memref<2x128x128xf32, #tpu.memory_space<vmem>>, vector<1x1x16xf32>,
        %get3A_654 = vector.shape_cast %get3A_653 : vector<1x1x16xf32> to vector<16xf32>
        %add3A_655 = arith.addf %add3A_619, %get3A_654 : vector<16xf32>
        %add3A_656 = arith.addf %add3A_620, %add3A_655 : vector<16xf32>
        %add3A_657 = arith.constant 26 : i32
        %add3A_658 = arith.addi %mul3A_485, %add3A_657 : i32
        %get3A_659 = arith.index_cast %rem3A_430 : i32 to index
        %get3A_660 = arith.index_cast %add3A_658 : i32 to index
        %get3A_661 = arith.constant 0 : index
        %get3A_662 = tpu.vector_load %arg8[%get3A_659, %get3A_660, %get3A_661] {strides = array<i32>} : memref<2x128x128xf32, #tpu.memory_space<vmem>>, vector<1x1x16xf32>,
        %get3A_663 = vector.shape_cast %get3A_662 : vector<1x1x16xf32> to vector<16xf32>
        %add3A_664 = arith.addf %add3A_628, %get3A_663 : vector<16xf32>
        %add3A_665 = arith.addf %add3A_629, %add3A_664 : vector<16xf32>
        %add3A_666 = arith.constant 26 : i32
        %add3A_667 = arith.addi %mul3A_485, %add3A_666 : i32
        %get3A_668 = arith.index_cast %rem3A_430 : i32 to index
        %get3A_669 = arith.index_cast %add3A_667 : i32 to index
        %get3A_670 = arith.constant 16 : index
        %get3A_671 = tpu.vector_load %arg8[%get3A_668, %get3A_669, %get3A_670] {strides = array<i32>} : memref<2x128x128xf32, #tpu.memory_space<vmem>>, vector<1x1x16xf32>,
        %get3A_672 = vector.shape_cast %get3A_671 : vector<1x1x16xf32> to vector<16xf32>
        %add3A_673 = arith.addf %add3A_637, %get3A_672 : vector<16xf32>
        %add3A_674 = arith.addf %add3A_638, %add3A_673 : vector<16xf32>
        %add3A_675 = arith.constant 26 : i32
        %add3A_676 = arith.addi %mul3A_485, %add3A_675 : i32
        %get3A_677 = arith.index_cast %rem3A_430 : i32 to index
        %get3A_678 = arith.index_cast %add3A_676 : i32 to index
        %get3A_679 = arith.constant 32 : index
        %get3A_680 = tpu.vector_load %arg8[%get3A_677, %get3A_678, %get3A_679] {strides = array<i32>} : memref<2x128x128xf32, #tpu.memory_space<vmem>>, vector<1x1x16xf32>,
        %get3A_681 = vector.shape_cast %get3A_680 : vector<1x1x16xf32> to vector<16xf32>
        %add3A_682 = arith.addf %add3A_646, %get3A_681 : vector<16xf32>
        %add3A_683 = arith.addf %add3A_647, %add3A_682 : vector<16xf32>
        %add3A_684 = arith.constant 26 : i32
        %add3A_685 = arith.addi %mul3A_485, %add3A_684 : i32
        %get3A_686 = arith.index_cast %rem3A_430 : i32 to index
        %get3A_687 = arith.index_cast %add3A_685 : i32 to index
        %get3A_688 = arith.constant 48 : index
        %get3A_689 = tpu.vector_load %arg8[%get3A_686, %get3A_687, %get3A_688] {strides = array<i32>} : memref<2x128x128xf32, #tpu.memory_space<vmem>>, vector<1x1x16xf32>,
        %get3A_690 = vector.shape_cast %get3A_689 : vector<1x1x16xf32> to vector<16xf32>
        %add3A_691 = arith.addf %add3A_655, %get3A_690 : vector<16xf32>
        %add3A_692 = arith.addf %add3A_656, %add3A_691 : vector<16xf32>
        %add3A_693 = arith.constant 25 : i32
        %add3A_694 = arith.addi %mul3A_485, %add3A_693 : i32
        %get3A_695 = arith.index_cast %rem3A_430 : i32 to index
        %get3A_696 = arith.index_cast %add3A_694 : i32 to index
        %get3A_697 = arith.constant 0 : index
        %get3A_698 = tpu.vector_load %arg8[%get3A_695, %get3A_696, %get3A_697] {strides = array<i32>} : memref<2x128x128xf32, #tpu.memory_space<vmem>>, vector<1x1x16xf32>,
        %get3A_699 = vector.shape_cast %get3A_698 : vector<1x1x16xf32> to vector<16xf32>
        %add3A_700 = arith.addf %add3A_664, %get3A_699 : vector<16xf32>
        %add3A_701 = arith.addf %add3A_665, %add3A_700 : vector<16xf32>
        %add3A_702 = arith.constant 25 : i32
        %add3A_703 = arith.addi %mul3A_485, %add3A_702 : i32
        %get3A_704 = arith.index_cast %rem3A_430 : i32 to index
        %get3A_705 = arith.index_cast %add3A_703 : i32 to index
        %get3A_706 = arith.constant 16 : index
        %get3A_707 = tpu.vector_load %arg8[%get3A_704, %get3A_705, %get3A_706] {strides = array<i32>} : memref<2x128x128xf32, #tpu.memory_space<vmem>>, vector<1x1x16xf32>,
        %get3A_708 = vector.shape_cast %get3A_707 : vector<1x1x16xf32> to vector<16xf32>
        %add3A_709 = arith.addf %add3A_673, %get3A_708 : vector<16xf32>
        %add3A_710 = arith.addf %add3A_674, %add3A_709 : vector<16xf32>
        %add3A_711 = arith.constant 25 : i32
        %add3A_712 = arith.addi %mul3A_485, %add3A_711 : i32
        %get3A_713 = arith.index_cast %rem3A_430 : i32 to index
        %get3A_714 = arith.index_cast %add3A_712 : i32 to index
        %get3A_715 = arith.constant 32 : index
        %get3A_716 = tpu.vector_load %arg8[%get3A_713, %get3A_714, %get3A_715] {strides = array<i32>} : memref<2x128x128xf32, #tpu.memory_space<vmem>>, vector<1x1x16xf32>,
        %get3A_717 = vector.shape_cast %get3A_716 : vector<1x1x16xf32> to vector<16xf32>
        %add3A_718 = arith.addf %add3A_682, %get3A_717 : vector<16xf32>
        %add3A_719 = arith.addf %add3A_683, %add3A_718 : vector<16xf32>
        %add3A_720 = arith.constant 25 : i32
        %add3A_721 = arith.addi %mul3A_485, %add3A_720 : i32
        %get3A_722 = arith.index_cast %rem3A_430 : i32 to index
        %get3A_723 = arith.index_cast %add3A_721 : i32 to index
        %get3A_724 = arith.constant 48 : index
        %get3A_725 = tpu.vector_load %arg8[%get3A_722, %get3A_723, %get3A_724] {strides = array<i32>} : memref<2x128x128xf32, #tpu.memory_space<vmem>>, vector<1x1x16xf32>,
        %get3A_726 = vector.shape_cast %get3A_725 : vector<1x1x16xf32> to vector<16xf32>
        %add3A_727 = arith.addf %add3A_691, %get3A_726 : vector<16xf32>
        %add3A_728 = arith.addf %add3A_692, %add3A_727 : vector<16xf32>
        %add3A_729 = arith.constant 24 : i32
        %add3A_730 = arith.addi %mul3A_485, %add3A_729 : i32
        %get3A_731 = arith.index_cast %rem3A_430 : i32 to index
        %get3A_732 = arith.index_cast %add3A_730 : i32 to index
        %get3A_733 = arith.constant 0 : index
        %get3A_734 = tpu.vector_load %arg8[%get3A_731, %get3A_732, %get3A_733] {strides = array<i32>} : memref<2x128x128xf32, #tpu.memory_space<vmem>>, vector<1x1x16xf32>,
        %get3A_735 = vector.shape_cast %get3A_734 : vector<1x1x16xf32> to vector<16xf32>
        %add3A_736 = arith.addf %add3A_700, %get3A_735 : vector<16xf32>
        %add3A_737 = arith.addf %add3A_701, %add3A_736 : vector<16xf32>
        %add3A_738 = arith.constant 24 : i32
        %add3A_739 = arith.addi %mul3A_485, %add3A_738 : i32
        %get3A_740 = arith.index_cast %rem3A_430 : i32 to index
        %get3A_741 = arith.index_cast %add3A_739 : i32 to index
        %get3A_742 = arith.constant 16 : index
        %get3A_743 = tpu.vector_load %arg8[%get3A_740, %get3A_741, %get3A_742] {strides = array<i32>} : memref<2x128x128xf32, #tpu.memory_space<vmem>>, vector<1x1x16xf32>,
        %get3A_744 = vector.shape_cast %get3A_743 : vector<1x1x16xf32> to vector<16xf32>
        %add3A_745 = arith.addf %add3A_709, %get3A_744 : vector<16xf32>
        %add3A_746 = arith.addf %add3A_710, %add3A_745 : vector<16xf32>
        %add3A_747 = arith.constant 24 : i32
        %add3A_748 = arith.addi %mul3A_485, %add3A_747 : i32
        %get3A_749 = arith.index_cast %rem3A_430 : i32 to index
        %get3A_750 = arith.index_cast %add3A_748 : i32 to index
        %get3A_751 = arith.constant 32 : index
        %get3A_752 = tpu.vector_load %arg8[%get3A_749, %get3A_750, %get3A_751] {strides = array<i32>} : memref<2x128x128xf32, #tpu.memory_space<vmem>>, vector<1x1x16xf32>,
        %get3A_753 = vector.shape_cast %get3A_752 : vector<1x1x16xf32> to vector<16xf32>
        %add3A_754 = arith.addf %add3A_718, %get3A_753 : vector<16xf32>
        %add3A_755 = arith.addf %add3A_719, %add3A_754 : vector<16xf32>
        %add3A_756 = arith.constant 24 : i32
        %add3A_757 = arith.addi %mul3A_485, %add3A_756 : i32
        %get3A_758 = arith.index_cast %rem3A_430 : i32 to index
        %get3A_759 = arith.index_cast %add3A_757 : i32 to index
        %get3A_760 = arith.constant 48 : index
        %get3A_761 = tpu.vector_load %arg8[%get3A_758, %get3A_759, %get3A_760] {strides = array<i32>} : memref<2x128x128xf32, #tpu.memory_space<vmem>>, vector<1x1x16xf32>,
        %get3A_762 = vector.shape_cast %get3A_761 : vector<1x1x16xf32> to vector<16xf32>
        %add3A_763 = arith.addf %add3A_727, %get3A_762 : vector<16xf32>
        %add3A_764 = arith.addf %add3A_728, %add3A_763 : vector<16xf32>
        %add3A_765 = arith.constant 23 : i32
        %add3A_766 = arith.addi %mul3A_485, %add3A_765 : i32
        %get3A_767 = arith.index_cast %rem3A_430 : i32 to index
        %get3A_768 = arith.index_cast %add3A_766 : i32 to index
        %get3A_769 = arith.constant 0 : index
        %get3A_770 = tpu.vector_load %arg8[%get3A_767, %get3A_768, %get3A_769] {strides = array<i32>} : memref<2x128x128xf32, #tpu.memory_space<vmem>>, vector<1x1x16xf32>,
        %get3A_771 = vector.shape_cast %get3A_770 : vector<1x1x16xf32> to vector<16xf32>
        %add3A_772 = arith.addf %add3A_736, %get3A_771 : vector<16xf32>
        %add3A_773 = arith.addf %add3A_737, %add3A_772 : vector<16xf32>
        %add3A_774 = arith.constant 23 : i32
        %add3A_775 = arith.addi %mul3A_485, %add3A_774 : i32
        %get3A_776 = arith.index_cast %rem3A_430 : i32 to index
        %get3A_777 = arith.index_cast %add3A_775 : i32 to index
        %get3A_778 = arith.constant 16 : index
        %get3A_779 = tpu.vector_load %arg8[%get3A_776, %get3A_777, %get3A_778] {strides = array<i32>} : memref<2x128x128xf32, #tpu.memory_space<vmem>>, vector<1x1x16xf32>,
        %get3A_780 = vector.shape_cast %get3A_779 : vector<1x1x16xf32> to vector<16xf32>
        %add3A_781 = arith.addf %add3A_745, %get3A_780 : vector<16xf32>
        %add3A_782 = arith.addf %add3A_746, %add3A_781 : vector<16xf32>
        %add3A_783 = arith.constant 23 : i32
        %add3A_784 = arith.addi %mul3A_485, %add3A_783 : i32
        %get3A_785 = arith.index_cast %rem3A_430 : i32 to index
        %get3A_786 = arith.index_cast %add3A_784 : i32 to index
        %get3A_787 = arith.constant 32 : index
        %get3A_788 = tpu.vector_load %arg8[%get3A_785, %get3A_786, %get3A_787] {strides = array<i32>} : memref<2x128x128xf32, #tpu.memory_space<vmem>>, vector<1x1x16xf32>,
        %get3A_789 = vector.shape_cast %get3A_788 : vector<1x1x16xf32> to vector<16xf32>
        %add3A_790 = arith.addf %add3A_754, %get3A_789 : vector<16xf32>
        %add3A_791 = arith.addf %add3A_755, %add3A_790 : vector<16xf32>
        %add3A_792 = arith.constant 23 : i32
        %add3A_793 = arith.addi %mul3A_485, %add3A_792 : i32
        %get3A_794 = arith.index_cast %rem3A_430 : i32 to index
        %get3A_795 = arith.index_cast %add3A_793 : i32 to index
        %get3A_796 = arith.constant 48 : index
        %get3A_797 = tpu.vector_load %arg8[%get3A_794, %get3A_795, %get3A_796] {strides = array<i32>} : memref<2x128x128xf32, #tpu.memory_space<vmem>>, vector<1x1x16xf32>,
        %get3A_798 = vector.shape_cast %get3A_797 : vector<1x1x16xf32> to vector<16xf32>
        %add3A_799 = arith.addf %add3A_763, %get3A_798 : vector<16xf32>
        %add3A_800 = arith.addf %add3A_764, %add3A_799 : vector<16xf32>
        %add3A_801 = arith.constant 22 : i32
        %add3A_802 = arith.addi %mul3A_485, %add3A_801 : i32
        %get3A_803 = arith.index_cast %rem3A_430 : i32 to index
        %get3A_804 = arith.index_cast %add3A_802 : i32 to index
        %get3A_805 = arith.constant 0 : index
        %get3A_806 = tpu.vector_load %arg8[%get3A_803, %get3A_804, %get3A_805] {strides = array<i32>} : memref<2x128x128xf32, #tpu.memory_space<vmem>>, vector<1x1x16xf32>,
        %get3A_807 = vector.shape_cast %get3A_806 : vector<1x1x16xf32> to vector<16xf32>
        %add3A_808 = arith.addf %add3A_772, %get3A_807 : vector<16xf32>
        %add3A_809 = arith.addf %add3A_773, %add3A_808 : vector<16xf32>
        %add3A_810 = arith.constant 22 : i32
        %add3A_811 = arith.addi %mul3A_485, %add3A_810 : i32
        %get3A_812 = arith.index_cast %rem3A_430 : i32 to index
        %get3A_813 = arith.index_cast %add3A_811 : i32 to index
        %get3A_814 = arith.constant 16 : index
        %get3A_815 = tpu.vector_load %arg8[%get3A_812, %get3A_813, %get3A_814] {strides = array<i32>} : memref<2x128x128xf32, #tpu.memory_space<vmem>>, vector<1x1x16xf32>,
        %get3A_816 = vector.shape_cast %get3A_815 : vector<1x1x16xf32> to vector<16xf32>
        %add3A_817 = arith.addf %add3A_781, %get3A_816 : vector<16xf32>
        %add3A_818 = arith.addf %add3A_782, %add3A_817 : vector<16xf32>
        %add3A_819 = arith.constant 22 : i32
        %add3A_820 = arith.addi %mul3A_485, %add3A_819 : i32
        %get3A_821 = arith.index_cast %rem3A_430 : i32 to index
        %get3A_822 = arith.index_cast %add3A_820 : i32 to index
        %get3A_823 = arith.constant 32 : index
        %get3A_824 = tpu.vector_load %arg8[%get3A_821, %get3A_822, %get3A_823] {strides = array<i32>} : memref<2x128x128xf32, #tpu.memory_space<vmem>>, vector<1x1x16xf32>,
        %get3A_825 = vector.shape_cast %get3A_824 : vector<1x1x16xf32> to vector<16xf32>
        %add3A_826 = arith.addf %add3A_790, %get3A_825 : vector<16xf32>
        %add3A_827 = arith.addf %add3A_791, %add3A_826 : vector<16xf32>
        %add3A_828 = arith.constant 22 : i32
        %add3A_829 = arith.addi %mul3A_485, %add3A_828 : i32
        %get3A_830 = arith.index_cast %rem3A_430 : i32 to index
        %get3A_831 = arith.index_cast %add3A_829 : i32 to index
        %get3A_832 = arith.constant 48 : index
        %get3A_833 = tpu.vector_load %arg8[%get3A_830, %get3A_831, %get3A_832] {strides = array<i32>} : memref<2x128x128xf32, #tpu.memory_space<vmem>>, vector<1x1x16xf32>,
        %get3A_834 = vector.shape_cast %get3A_833 : vector<1x1x16xf32> to vector<16xf32>
        %add3A_835 = arith.addf %add3A_799, %get3A_834 : vector<16xf32>
        %add3A_836 = arith.addf %add3A_800, %add3A_835 : vector<16xf32>
        %add3A_837 = arith.constant 21 : i32
        %add3A_838 = arith.addi %mul3A_485, %add3A_837 : i32
        %get3A_839 = arith.index_cast %rem3A_430 : i32 to index
        %get3A_840 = arith.index_cast %add3A_838 : i32 to index
        %get3A_841 = arith.constant 0 : index
        %get3A_842 = tpu.vector_load %arg8[%get3A_839, %get3A_840, %get3A_841] {strides = array<i32>} : memref<2x128x128xf32, #tpu.memory_space<vmem>>, vector<1x1x16xf32>,
        %get3A_843 = vector.shape_cast %get3A_842 : vector<1x1x16xf32> to vector<16xf32>
        %add3A_844 = arith.addf %add3A_808, %get3A_843 : vector<16xf32>
        %add3A_845 = arith.addf %add3A_809, %add3A_844 : vector<16xf32>
        %add3A_846 = arith.constant 21 : i32
        %add3A_847 = arith.addi %mul3A_485, %add3A_846 : i32
        %get3A_848 = arith.index_cast %rem3A_430 : i32 to index
        %get3A_849 = arith.index_cast %add3A_847 : i32 to index
        %get3A_850 = arith.constant 16 : index
        %get3A_851 = tpu.vector_load %arg8[%get3A_848, %get3A_849, %get3A_850] {strides = array<i32>} : memref<2x128x128xf32, #tpu.memory_space<vmem>>, vector<1x1x16xf32>,
        %get3A_852 = vector.shape_cast %get3A_851 : vector<1x1x16xf32> to vector<16xf32>
        %add3A_853 = arith.addf %add3A_817, %get3A_852 : vector<16xf32>
        %add3A_854 = arith.addf %add3A_818, %add3A_853 : vector<16xf32>
        %add3A_855 = arith.constant 21 : i32
        %add3A_856 = arith.addi %mul3A_485, %add3A_855 : i32
        %get3A_857 = arith.index_cast %rem3A_430 : i32 to index
        %get3A_858 = arith.index_cast %add3A_856 : i32 to index
        %get3A_859 = arith.constant 32 : index
        %get3A_860 = tpu.vector_load %arg8[%get3A_857, %get3A_858, %get3A_859] {strides = array<i32>} : memref<2x128x128xf32, #tpu.memory_space<vmem>>, vector<1x1x16xf32>,
        %get3A_861 = vector.shape_cast %get3A_860 : vector<1x1x16xf32> to vector<16xf32>
        %add3A_862 = arith.addf %add3A_826, %get3A_861 : vector<16xf32>
        %add3A_863 = arith.addf %add3A_827, %add3A_862 : vector<16xf32>
        %add3A_864 = arith.constant 21 : i32
        %add3A_865 = arith.addi %mul3A_485, %add3A_864 : i32
        %get3A_866 = arith.index_cast %rem3A_430 : i32 to index
        %get3A_867 = arith.index_cast %add3A_865 : i32 to index
        %get3A_868 = arith.constant 48 : index
        %get3A_869 = tpu.vector_load %arg8[%get3A_866, %get3A_867, %get3A_868] {strides = array<i32>} : memref<2x128x128xf32, #tpu.memory_space<vmem>>, vector<1x1x16xf32>,
        %get3A_870 = vector.shape_cast %get3A_869 : vector<1x1x16xf32> to vector<16xf32>
        %add3A_871 = arith.addf %add3A_835, %get3A_870 : vector<16xf32>
        %add3A_872 = arith.addf %add3A_836, %add3A_871 : vector<16xf32>
        %add3A_873 = arith.constant 20 : i32
        %add3A_874 = arith.addi %mul3A_485, %add3A_873 : i32
        %get3A_875 = arith.index_cast %rem3A_430 : i32 to index
        %get3A_876 = arith.index_cast %add3A_874 : i32 to index
        %get3A_877 = arith.constant 0 : index
        %get3A_878 = tpu.vector_load %arg8[%get3A_875, %get3A_876, %get3A_877] {strides = array<i32>} : memref<2x128x128xf32, #tpu.memory_space<vmem>>, vector<1x1x16xf32>,
        %get3A_879 = vector.shape_cast %get3A_878 : vector<1x1x16xf32> to vector<16xf32>
        %add3A_880 = arith.addf %add3A_844, %get3A_879 : vector<16xf32>
        %add3A_881 = arith.addf %add3A_845, %add3A_880 : vector<16xf32>
        %add3A_882 = arith.constant 20 : i32
        %add3A_883 = arith.addi %mul3A_485, %add3A_882 : i32
        %get3A_884 = arith.index_cast %rem3A_430 : i32 to index
        %get3A_885 = arith.index_cast %add3A_883 : i32 to index
        %get3A_886 = arith.constant 16 : index
        %get3A_887 = tpu.vector_load %arg8[%get3A_884, %get3A_885, %get3A_886] {strides = array<i32>} : memref<2x128x128xf32, #tpu.memory_space<vmem>>, vector<1x1x16xf32>,
        %get3A_888 = vector.shape_cast %get3A_887 : vector<1x1x16xf32> to vector<16xf32>
        %add3A_889 = arith.addf %add3A_853, %get3A_888 : vector<16xf32>
        %add3A_890 = arith.addf %add3A_854, %add3A_889 : vector<16xf32>
        %add3A_891 = arith.constant 20 : i32
        %add3A_892 = arith.addi %mul3A_485, %add3A_891 : i32
        %get3A_893 = arith.index_cast %rem3A_430 : i32 to index
        %get3A_894 = arith.index_cast %add3A_892 : i32 to index
        %get3A_895 = arith.constant 32 : index
        %get3A_896 = tpu.vector_load %arg8[%get3A_893, %get3A_894, %get3A_895] {strides = array<i32>} : memref<2x128x128xf32, #tpu.memory_space<vmem>>, vector<1x1x16xf32>,
        %get3A_897 = vector.shape_cast %get3A_896 : vector<1x1x16xf32> to vector<16xf32>
        %add3A_898 = arith.addf %add3A_862, %get3A_897 : vector<16xf32>
        %add3A_899 = arith.addf %add3A_863, %add3A_898 : vector<16xf32>
        %add3A_900 = arith.constant 20 : i32
        %add3A_901 = arith.addi %mul3A_485, %add3A_900 : i32
        %get3A_902 = arith.index_cast %rem3A_430 : i32 to index
        %get3A_903 = arith.index_cast %add3A_901 : i32 to index
        %get3A_904 = arith.constant 48 : index
        %get3A_905 = tpu.vector_load %arg8[%get3A_902, %get3A_903, %get3A_904] {strides = array<i32>} : memref<2x128x128xf32, #tpu.memory_space<vmem>>, vector<1x1x16xf32>,
        %get3A_906 = vector.shape_cast %get3A_905 : vector<1x1x16xf32> to vector<16xf32>
        %add3A_907 = arith.addf %add3A_871, %get3A_906 : vector<16xf32>
        %add3A_908 = arith.addf %add3A_872, %add3A_907 : vector<16xf32>
        %add3A_909 = arith.constant 19 : i32
        %add3A_910 = arith.addi %mul3A_485, %add3A_909 : i32
        %get3A_911 = arith.index_cast %rem3A_430 : i32 to index
        %get3A_912 = arith.index_cast %add3A_910 : i32 to index
        %get3A_913 = arith.constant 0 : index
        %get3A_914 = tpu.vector_load %arg8[%get3A_911, %get3A_912, %get3A_913] {strides = array<i32>} : memref<2x128x128xf32, #tpu.memory_space<vmem>>, vector<1x1x16xf32>,
        %get3A_915 = vector.shape_cast %get3A_914 : vector<1x1x16xf32> to vector<16xf32>
        %add3A_916 = arith.addf %add3A_880, %get3A_915 : vector<16xf32>
        %add3A_917 = arith.addf %add3A_881, %add3A_916 : vector<16xf32>
        %add3A_918 = arith.constant 19 : i32
        %add3A_919 = arith.addi %mul3A_485, %add3A_918 : i32
        %get3A_920 = arith.index_cast %rem3A_430 : i32 to index
        %get3A_921 = arith.index_cast %add3A_919 : i32 to index
        %get3A_922 = arith.constant 16 : index
        %get3A_923 = tpu.vector_load %arg8[%get3A_920, %get3A_921, %get3A_922] {strides = array<i32>} : memref<2x128x128xf32, #tpu.memory_space<vmem>>, vector<1x1x16xf32>,
        %get3A_924 = vector.shape_cast %get3A_923 : vector<1x1x16xf32> to vector<16xf32>
        %add3A_925 = arith.addf %add3A_889, %get3A_924 : vector<16xf32>
        %add3A_926 = arith.addf %add3A_890, %add3A_925 : vector<16xf32>
        %add3A_927 = arith.constant 19 : i32
        %add3A_928 = arith.addi %mul3A_485, %add3A_927 : i32
        %get3A_929 = arith.index_cast %rem3A_430 : i32 to index
        %get3A_930 = arith.index_cast %add3A_928 : i32 to index
        %get3A_931 = arith.constant 32 : index
        %get3A_932 = tpu.vector_load %arg8[%get3A_929, %get3A_930, %get3A_931] {strides = array<i32>} : memref<2x128x128xf32, #tpu.memory_space<vmem>>, vector<1x1x16xf32>,
        %get3A_933 = vector.shape_cast %get3A_932 : vector<1x1x16xf32> to vector<16xf32>
        %add3A_934 = arith.addf %add3A_898, %get3A_933 : vector<16xf32>
        %add3A_935 = arith.addf %add3A_899, %add3A_934 : vector<16xf32>
        %add3A_936 = arith.constant 19 : i32
        %add3A_937 = arith.addi %mul3A_485, %add3A_936 : i32
        %get3A_938 = arith.index_cast %rem3A_430 : i32 to index
        %get3A_939 = arith.index_cast %add3A_937 : i32 to index
        %get3A_940 = arith.constant 48 : index
        %get3A_941 = tpu.vector_load %arg8[%get3A_938, %get3A_939, %get3A_940] {strides = array<i32>} : memref<2x128x128xf32, #tpu.memory_space<vmem>>, vector<1x1x16xf32>,
        %get3A_942 = vector.shape_cast %get3A_941 : vector<1x1x16xf32> to vector<16xf32>
        %add3A_943 = arith.addf %add3A_907, %get3A_942 : vector<16xf32>
        %add3A_944 = arith.addf %add3A_908, %add3A_943 : vector<16xf32>
        %add3A_945 = arith.constant 18 : i32
        %add3A_946 = arith.addi %mul3A_485, %add3A_945 : i32
        %get3A_947 = arith.index_cast %rem3A_430 : i32 to index
        %get3A_948 = arith.index_cast %add3A_946 : i32 to index
        %get3A_949 = arith.constant 0 : index
        %get3A_950 = tpu.vector_load %arg8[%get3A_947, %get3A_948, %get3A_949] {strides = array<i32>} : memref<2x128x128xf32, #tpu.memory_space<vmem>>, vector<1x1x16xf32>,
        %get3A_951 = vector.shape_cast %get3A_950 : vector<1x1x16xf32> to vector<16xf32>
        %add3A_952 = arith.addf %add3A_916, %get3A_951 : vector<16xf32>
        %add3A_953 = arith.addf %add3A_917, %add3A_952 : vector<16xf32>
        %add3A_954 = arith.constant 18 : i32
        %add3A_955 = arith.addi %mul3A_485, %add3A_954 : i32
        %get3A_956 = arith.index_cast %rem3A_430 : i32 to index
        %get3A_957 = arith.index_cast %add3A_955 : i32 to index
        %get3A_958 = arith.constant 16 : index
        %get3A_959 = tpu.vector_load %arg8[%get3A_956, %get3A_957, %get3A_958] {strides = array<i32>} : memref<2x128x128xf32, #tpu.memory_space<vmem>>, vector<1x1x16xf32>,
        %get3A_960 = vector.shape_cast %get3A_959 : vector<1x1x16xf32> to vector<16xf32>
        %add3A_961 = arith.addf %add3A_925, %get3A_960 : vector<16xf32>
        %add3A_962 = arith.addf %add3A_926, %add3A_961 : vector<16xf32>
        %add3A_963 = arith.constant 18 : i32
        %add3A_964 = arith.addi %mul3A_485, %add3A_963 : i32
        %get3A_965 = arith.index_cast %rem3A_430 : i32 to index
        %get3A_966 = arith.index_cast %add3A_964 : i32 to index
        %get3A_967 = arith.constant 32 : index
        %get3A_968 = tpu.vector_load %arg8[%get3A_965, %get3A_966, %get3A_967] {strides = array<i32>} : memref<2x128x128xf32, #tpu.memory_space<vmem>>, vector<1x1x16xf32>,
        %get3A_969 = vector.shape_cast %get3A_968 : vector<1x1x16xf32> to vector<16xf32>
        %add3A_970 = arith.addf %add3A_934, %get3A_969 : vector<16xf32>
        %add3A_971 = arith.addf %add3A_935, %add3A_970 : vector<16xf32>
        %add3A_972 = arith.constant 18 : i32
        %add3A_973 = arith.addi %mul3A_485, %add3A_972 : i32
        %get3A_974 = arith.index_cast %rem3A_430 : i32 to index
        %get3A_975 = arith.index_cast %add3A_973 : i32 to index
        %get3A_976 = arith.constant 48 : index
        %get3A_977 = tpu.vector_load %arg8[%get3A_974, %get3A_975, %get3A_976] {strides = array<i32>} : memref<2x128x128xf32, #tpu.memory_space<vmem>>, vector<1x1x16xf32>,
        %get3A_978 = vector.shape_cast %get3A_977 : vector<1x1x16xf32> to vector<16xf32>
        %add3A_979 = arith.addf %add3A_943, %get3A_978 : vector<16xf32>
        %add3A_980 = arith.addf %add3A_944, %add3A_979 : vector<16xf32>
        %add3A_981 = arith.constant 17 : i32
        %add3A_982 = arith.addi %mul3A_485, %add3A_981 : i32
        %get3A_983 = arith.index_cast %rem3A_430 : i32 to index
        %get3A_984 = arith.index_cast %add3A_982 : i32 to index
        %get3A_985 = arith.constant 0 : index
        %get3A_986 = tpu.vector_load %arg8[%get3A_983, %get3A_984, %get3A_985] {strides = array<i32>} : memref<2x128x128xf32, #tpu.memory_space<vmem>>, vector<1x1x16xf32>,
        %get3A_987 = vector.shape_cast %get3A_986 : vector<1x1x16xf32> to vector<16xf32>
        %add3A_988 = arith.addf %add3A_952, %get3A_987 : vector<16xf32>
        %add3A_989 = arith.addf %add3A_953, %add3A_988 : vector<16xf32>
        %add3A_990 = arith.constant 17 : i32
        %add3A_991 = arith.addi %mul3A_485, %add3A_990 : i32
        %get3A_992 = arith.index_cast %rem3A_430 : i32 to index
        %get3A_993 = arith.index_cast %add3A_991 : i32 to index
        %get3A_994 = arith.constant 16 : index
        %get3A_995 = tpu.vector_load %arg8[%get3A_992, %get3A_993, %get3A_994] {strides = array<i32>} : memref<2x128x128xf32, #tpu.memory_space<vmem>>, vector<1x1x16xf32>,
        %get3A_996 = vector.shape_cast %get3A_995 : vector<1x1x16xf32> to vector<16xf32>
        %add3A_997 = arith.addf %add3A_961, %get3A_996 : vector<16xf32>
        %add3A_998 = arith.addf %add3A_962, %add3A_997 : vector<16xf32>
        %add3A_999 = arith.constant 17 : i32
        %add3A_1000 = arith.addi %mul3A_485, %add3A_999 : i32
        %get3A_1001 = arith.index_cast %rem3A_430 : i32 to index
        %get3A_1002 = arith.index_cast %add3A_1000 : i32 to index
        %get3A_1003 = arith.constant 32 : index
        %get3A_1004 = tpu.vector_load %arg8[%get3A_1001, %get3A_1002, %get3A_1003] {strides = array<i32>} : memref<2x128x128xf32, #tpu.memory_space<vmem>>, vector<1x1x16xf32>,
        %get3A_1005 = vector.shape_cast %get3A_1004 : vector<1x1x16xf32> to vector<16xf32>
        %add3A_1006 = arith.addf %add3A_970, %get3A_1005 : vector<16xf32>
        %add3A_1007 = arith.addf %add3A_971, %add3A_1006 : vector<16xf32>
        %add3A_1008 = arith.constant 17 : i32
        %add3A_1009 = arith.addi %mul3A_485, %add3A_1008 : i32
        %get3A_1010 = arith.index_cast %rem3A_430 : i32 to index
        %get3A_1011 = arith.index_cast %add3A_1009 : i32 to index
        %get3A_1012 = arith.constant 48 : index
        %get3A_1013 = tpu.vector_load %arg8[%get3A_1010, %get3A_1011, %get3A_1012] {strides = array<i32>} : memref<2x128x128xf32, #tpu.memory_space<vmem>>, vector<1x1x16xf32>,
        %get3A_1014 = vector.shape_cast %get3A_1013 : vector<1x1x16xf32> to vector<16xf32>
        %add3A_1015 = arith.addf %add3A_979, %get3A_1014 : vector<16xf32>
        %add3A_1016 = arith.addf %add3A_980, %add3A_1015 : vector<16xf32>
        %add3A_1017 = arith.constant 16 : i32
        %add3A_1018 = arith.addi %mul3A_485, %add3A_1017 : i32
        %get3A_1019 = arith.index_cast %rem3A_430 : i32 to index
        %get3A_1020 = arith.index_cast %add3A_1018 : i32 to index
        %get3A_1021 = arith.constant 0 : index
        %get3A_1022 = tpu.vector_load %arg8[%get3A_1019, %get3A_1020, %get3A_1021] {strides = array<i32>} : memref<2x128x128xf32, #tpu.memory_space<vmem>>, vector<1x1x16xf32>,
        %get3A_1023 = vector.shape_cast %get3A_1022 : vector<1x1x16xf32> to vector<16xf32>
        %add3A_1024 = arith.addf %add3A_988, %get3A_1023 : vector<16xf32>
        %add3A_1025 = arith.addf %add3A_989, %add3A_1024 : vector<16xf32>
        %add3A_1026 = arith.constant 16 : i32
        %add3A_1027 = arith.addi %mul3A_485, %add3A_1026 : i32
        %get3A_1028 = arith.index_cast %rem3A_430 : i32 to index
        %get3A_1029 = arith.index_cast %add3A_1027 : i32 to index
        %get3A_1030 = arith.constant 16 : index
        %get3A_1031 = tpu.vector_load %arg8[%get3A_1028, %get3A_1029, %get3A_1030] {strides = array<i32>} : memref<2x128x128xf32, #tpu.memory_space<vmem>>, vector<1x1x16xf32>,
        %get3A_1032 = vector.shape_cast %get3A_1031 : vector<1x1x16xf32> to vector<16xf32>
        %add3A_1033 = arith.addf %add3A_997, %get3A_1032 : vector<16xf32>
        %add3A_1034 = arith.addf %add3A_998, %add3A_1033 : vector<16xf32>
        %add3A_1035 = arith.constant 16 : i32
        %add3A_1036 = arith.addi %mul3A_485, %add3A_1035 : i32
        %get3A_1037 = arith.index_cast %rem3A_430 : i32 to index
        %get3A_1038 = arith.index_cast %add3A_1036 : i32 to index
        %get3A_1039 = arith.constant 32 : index
        %get3A_1040 = tpu.vector_load %arg8[%get3A_1037, %get3A_1038, %get3A_1039] {strides = array<i32>} : memref<2x128x128xf32, #tpu.memory_space<vmem>>, vector<1x1x16xf32>,
        %get3A_1041 = vector.shape_cast %get3A_1040 : vector<1x1x16xf32> to vector<16xf32>
        %add3A_1042 = arith.addf %add3A_1006, %get3A_1041 : vector<16xf32>
        %add3A_1043 = arith.addf %add3A_1007, %add3A_1042 : vector<16xf32>
        %add3A_1044 = arith.constant 16 : i32
        %add3A_1045 = arith.addi %mul3A_485, %add3A_1044 : i32
        %get3A_1046 = arith.index_cast %rem3A_430 : i32 to index
        %get3A_1047 = arith.index_cast %add3A_1045 : i32 to index
        %get3A_1048 = arith.constant 48 : index
        %get3A_1049 = tpu.vector_load %arg8[%get3A_1046, %get3A_1047, %get3A_1048] {strides = array<i32>} : memref<2x128x128xf32, #tpu.memory_space<vmem>>, vector<1x1x16xf32>,
        %get3A_1050 = vector.shape_cast %get3A_1049 : vector<1x1x16xf32> to vector<16xf32>
        %add3A_1051 = arith.addf %add3A_1015, %get3A_1050 : vector<16xf32>
        %add3A_1052 = arith.addf %add3A_1016, %add3A_1051 : vector<16xf32>
        %add3A_1053 = arith.constant 15 : i32
        %add3A_1054 = arith.addi %mul3A_485, %add3A_1053 : i32
        %get3A_1055 = arith.index_cast %rem3A_430 : i32 to index
        %get3A_1056 = arith.index_cast %add3A_1054 : i32 to index
        %get3A_1057 = arith.constant 0 : index
        %get3A_1058 = tpu.vector_load %arg8[%get3A_1055, %get3A_1056, %get3A_1057] {strides = array<i32>} : memref<2x128x128xf32, #tpu.memory_space<vmem>>, vector<1x1x16xf32>,
        %get3A_1059 = vector.shape_cast %get3A_1058 : vector<1x1x16xf32> to vector<16xf32>
        %add3A_1060 = arith.addf %add3A_1024, %get3A_1059 : vector<16xf32>
        %add3A_1061 = arith.addf %add3A_1025, %add3A_1060 : vector<16xf32>
        %add3A_1062 = arith.constant 15 : i32
        %add3A_1063 = arith.addi %mul3A_485, %add3A_1062 : i32
        %get3A_1064 = arith.index_cast %rem3A_430 : i32 to index
        %get3A_1065 = arith.index_cast %add3A_1063 : i32 to index
        %get3A_1066 = arith.constant 16 : index
        %get3A_1067 = tpu.vector_load %arg8[%get3A_1064, %get3A_1065, %get3A_1066] {strides = array<i32>} : memref<2x128x128xf32, #tpu.memory_space<vmem>>, vector<1x1x16xf32>,
        %get3A_1068 = vector.shape_cast %get3A_1067 : vector<1x1x16xf32> to vector<16xf32>
        %add3A_1069 = arith.addf %add3A_1033, %get3A_1068 : vector<16xf32>
        %add3A_1070 = arith.addf %add3A_1034, %add3A_1069 : vector<16xf32>
        %add3A_1071 = arith.constant 15 : i32
        %add3A_1072 = arith.addi %mul3A_485, %add3A_1071 : i32
        %get3A_1073 = arith.index_cast %rem3A_430 : i32 to index
        %get3A_1074 = arith.index_cast %add3A_1072 : i32 to index
        %get3A_1075 = arith.constant 32 : index
        %get3A_1076 = tpu.vector_load %arg8[%get3A_1073, %get3A_1074, %get3A_1075] {strides = array<i32>} : memref<2x128x128xf32, #tpu.memory_space<vmem>>, vector<1x1x16xf32>,
        %get3A_1077 = vector.shape_cast %get3A_1076 : vector<1x1x16xf32> to vector<16xf32>
        %add3A_1078 = arith.addf %add3A_1042, %get3A_1077 : vector<16xf32>
        %add3A_1079 = arith.addf %add3A_1043, %add3A_1078 : vector<16xf32>
        %add3A_1080 = arith.constant 15 : i32
        %add3A_1081 = arith.addi %mul3A_485, %add3A_1080 : i32
        %get3A_1082 = arith.index_cast %rem3A_430 : i32 to index
        %get3A_1083 = arith.index_cast %add3A_1081 : i32 to index
        %get3A_1084 = arith.constant 48 : index
        %get3A_1085 = tpu.vector_load %arg8[%get3A_1082, %get3A_1083, %get3A_1084] {strides = array<i32>} : memref<2x128x128xf32, #tpu.memory_space<vmem>>, vector<1x1x16xf32>,
        %get3A_1086 = vector.shape_cast %get3A_1085 : vector<1x1x16xf32> to vector<16xf32>
        %add3A_1087 = arith.addf %add3A_1051, %get3A_1086 : vector<16xf32>
        %add3A_1088 = arith.addf %add3A_1052, %add3A_1087 : vector<16xf32>
        %add3A_1089 = arith.constant 14 : i32
        %add3A_1090 = arith.addi %mul3A_485, %add3A_1089 : i32
        %get3A_1091 = arith.index_cast %rem3A_430 : i32 to index
        %get3A_1092 = arith.index_cast %add3A_1090 : i32 to index
        %get3A_1093 = arith.constant 0 : index
        %get3A_1094 = tpu.vector_load %arg8[%get3A_1091, %get3A_1092, %get3A_1093] {strides = array<i32>} : memref<2x128x128xf32, #tpu.memory_space<vmem>>, vector<1x1x16xf32>,
        %get3A_1095 = vector.shape_cast %get3A_1094 : vector<1x1x16xf32> to vector<16xf32>
        %add3A_1096 = arith.addf %add3A_1060, %get3A_1095 : vector<16xf32>
        %add3A_1097 = arith.addf %add3A_1061, %add3A_1096 : vector<16xf32>
        %add3A_1098 = arith.constant 14 : i32
        %add3A_1099 = arith.addi %mul3A_485, %add3A_1098 : i32
        %get3A_1100 = arith.index_cast %rem3A_430 : i32 to index
        %get3A_1101 = arith.index_cast %add3A_1099 : i32 to index
        %get3A_1102 = arith.constant 16 : index
        %get3A_1103 = tpu.vector_load %arg8[%get3A_1100, %get3A_1101, %get3A_1102] {strides = array<i32>} : memref<2x128x128xf32, #tpu.memory_space<vmem>>, vector<1x1x16xf32>,
        %get3A_1104 = vector.shape_cast %get3A_1103 : vector<1x1x16xf32> to vector<16xf32>
        %add3A_1105 = arith.addf %add3A_1069, %get3A_1104 : vector<16xf32>
        %add3A_1106 = arith.addf %add3A_1070, %add3A_1105 : vector<16xf32>
        %add3A_1107 = arith.constant 14 : i32
        %add3A_1108 = arith.addi %mul3A_485, %add3A_1107 : i32
        %get3A_1109 = arith.index_cast %rem3A_430 : i32 to index
        %get3A_1110 = arith.index_cast %add3A_1108 : i32 to index
        %get3A_1111 = arith.constant 32 : index
        %get3A_1112 = tpu.vector_load %arg8[%get3A_1109, %get3A_1110, %get3A_1111] {strides = array<i32>} : memref<2x128x128xf32, #tpu.memory_space<vmem>>, vector<1x1x16xf32>,
        %get3A_1113 = vector.shape_cast %get3A_1112 : vector<1x1x16xf32> to vector<16xf32>
        %add3A_1114 = arith.addf %add3A_1078, %get3A_1113 : vector<16xf32>
        %add3A_1115 = arith.addf %add3A_1079, %add3A_1114 : vector<16xf32>
        %add3A_1116 = arith.constant 14 : i32
        %add3A_1117 = arith.addi %mul3A_485, %add3A_1116 : i32
        %get3A_1118 = arith.index_cast %rem3A_430 : i32 to index
        %get3A_1119 = arith.index_cast %add3A_1117 : i32 to index
        %get3A_1120 = arith.constant 48 : index
        %get3A_1121 = tpu.vector_load %arg8[%get3A_1118, %get3A_1119, %get3A_1120] {strides = array<i32>} : memref<2x128x128xf32, #tpu.memory_space<vmem>>, vector<1x1x16xf32>,
        %get3A_1122 = vector.shape_cast %get3A_1121 : vector<1x1x16xf32> to vector<16xf32>
        %add3A_1123 = arith.addf %add3A_1087, %get3A_1122 : vector<16xf32>
        %add3A_1124 = arith.addf %add3A_1088, %add3A_1123 : vector<16xf32>
        %add3A_1125 = arith.constant 13 : i32
        %add3A_1126 = arith.addi %mul3A_485, %add3A_1125 : i32
        %get3A_1127 = arith.index_cast %rem3A_430 : i32 to index
        %get3A_1128 = arith.index_cast %add3A_1126 : i32 to index
        %get3A_1129 = arith.constant 0 : index
        %get3A_1130 = tpu.vector_load %arg8[%get3A_1127, %get3A_1128, %get3A_1129] {strides = array<i32>} : memref<2x128x128xf32, #tpu.memory_space<vmem>>, vector<1x1x16xf32>,
        %get3A_1131 = vector.shape_cast %get3A_1130 : vector<1x1x16xf32> to vector<16xf32>
        %add3A_1132 = arith.addf %add3A_1096, %get3A_1131 : vector<16xf32>
        %add3A_1133 = arith.addf %add3A_1097, %add3A_1132 : vector<16xf32>
        %add3A_1134 = arith.constant 13 : i32
        %add3A_1135 = arith.addi %mul3A_485, %add3A_1134 : i32
        %get3A_1136 = arith.index_cast %rem3A_430 : i32 to index
        %get3A_1137 = arith.index_cast %add3A_1135 : i32 to index
        %get3A_1138 = arith.constant 16 : index
        %get3A_1139 = tpu.vector_load %arg8[%get3A_1136, %get3A_1137, %get3A_1138] {strides = array<i32>} : memref<2x128x128xf32, #tpu.memory_space<vmem>>, vector<1x1x16xf32>,
        %get3A_1140 = vector.shape_cast %get3A_1139 : vector<1x1x16xf32> to vector<16xf32>
        %add3A_1141 = arith.addf %add3A_1105, %get3A_1140 : vector<16xf32>
        %add3A_1142 = arith.addf %add3A_1106, %add3A_1141 : vector<16xf32>
        %add3A_1143 = arith.constant 13 : i32
        %add3A_1144 = arith.addi %mul3A_485, %add3A_1143 : i32
        %get3A_1145 = arith.index_cast %rem3A_430 : i32 to index
        %get3A_1146 = arith.index_cast %add3A_1144 : i32 to index
        %get3A_1147 = arith.constant 32 : index
        %get3A_1148 = tpu.vector_load %arg8[%get3A_1145, %get3A_1146, %get3A_1147] {strides = array<i32>} : memref<2x128x128xf32, #tpu.memory_space<vmem>>, vector<1x1x16xf32>,
        %get3A_1149 = vector.shape_cast %get3A_1148 : vector<1x1x16xf32> to vector<16xf32>
        %add3A_1150 = arith.addf %add3A_1114, %get3A_1149 : vector<16xf32>
        %add3A_1151 = arith.addf %add3A_1115, %add3A_1150 : vector<16xf32>
        %add3A_1152 = arith.constant 13 : i32
        %add3A_1153 = arith.addi %mul3A_485, %add3A_1152 : i32
        %get3A_1154 = arith.index_cast %rem3A_430 : i32 to index
        %get3A_1155 = arith.index_cast %add3A_1153 : i32 to index
        %get3A_1156 = arith.constant 48 : index
        %get3A_1157 = tpu.vector_load %arg8[%get3A_1154, %get3A_1155, %get3A_1156] {strides = array<i32>} : memref<2x128x128xf32, #tpu.memory_space<vmem>>, vector<1x1x16xf32>,
        %get3A_1158 = vector.shape_cast %get3A_1157 : vector<1x1x16xf32> to vector<16xf32>
        %add3A_1159 = arith.addf %add3A_1123, %get3A_1158 : vector<16xf32>
        %add3A_1160 = arith.addf %add3A_1124, %add3A_1159 : vector<16xf32>
        %add3A_1161 = arith.constant 12 : i32
        %add3A_1162 = arith.addi %mul3A_485, %add3A_1161 : i32
        %get3A_1163 = arith.index_cast %rem3A_430 : i32 to index
        %get3A_1164 = arith.index_cast %add3A_1162 : i32 to index
        %get3A_1165 = arith.constant 0 : index
        %get3A_1166 = tpu.vector_load %arg8[%get3A_1163, %get3A_1164, %get3A_1165] {strides = array<i32>} : memref<2x128x128xf32, #tpu.memory_space<vmem>>, vector<1x1x16xf32>,
        %get3A_1167 = vector.shape_cast %get3A_1166 : vector<1x1x16xf32> to vector<16xf32>
        %add3A_1168 = arith.addf %add3A_1132, %get3A_1167 : vector<16xf32>
        %add3A_1169 = arith.addf %add3A_1133, %add3A_1168 : vector<16xf32>
        %add3A_1170 = arith.constant 12 : i32
        %add3A_1171 = arith.addi %mul3A_485, %add3A_1170 : i32
        %get3A_1172 = arith.index_cast %rem3A_430 : i32 to index
        %get3A_1173 = arith.index_cast %add3A_1171 : i32 to index
        %get3A_1174 = arith.constant 16 : index
        %get3A_1175 = tpu.vector_load %arg8[%get3A_1172, %get3A_1173, %get3A_1174] {strides = array<i32>} : memref<2x128x128xf32, #tpu.memory_space<vmem>>, vector<1x1x16xf32>,
        %get3A_1176 = vector.shape_cast %get3A_1175 : vector<1x1x16xf32> to vector<16xf32>
        %add3A_1177 = arith.addf %add3A_1141, %get3A_1176 : vector<16xf32>
        %add3A_1178 = arith.addf %add3A_1142, %add3A_1177 : vector<16xf32>
        %add3A_1179 = arith.constant 12 : i32
        %add3A_1180 = arith.addi %mul3A_485, %add3A_1179 : i32
        %get3A_1181 = arith.index_cast %rem3A_430 : i32 to index
        %get3A_1182 = arith.index_cast %add3A_1180 : i32 to index
        %get3A_1183 = arith.constant 32 : index
        %get3A_1184 = tpu.vector_load %arg8[%get3A_1181, %get3A_1182, %get3A_1183] {strides = array<i32>} : memref<2x128x128xf32, #tpu.memory_space<vmem>>, vector<1x1x16xf32>,
        %get3A_1185 = vector.shape_cast %get3A_1184 : vector<1x1x16xf32> to vector<16xf32>
        %add3A_1186 = arith.addf %add3A_1150, %get3A_1185 : vector<16xf32>
        %add3A_1187 = arith.addf %add3A_1151, %add3A_1186 : vector<16xf32>
        %add3A_1188 = arith.constant 12 : i32
        %add3A_1189 = arith.addi %mul3A_485, %add3A_1188 : i32
        %get3A_1190 = arith.index_cast %rem3A_430 : i32 to index
        %get3A_1191 = arith.index_cast %add3A_1189 : i32 to index
        %get3A_1192 = arith.constant 48 : index
        %get3A_1193 = tpu.vector_load %arg8[%get3A_1190, %get3A_1191, %get3A_1192] {strides = array<i32>} : memref<2x128x128xf32, #tpu.memory_space<vmem>>, vector<1x1x16xf32>,
        %get3A_1194 = vector.shape_cast %get3A_1193 : vector<1x1x16xf32> to vector<16xf32>
        %add3A_1195 = arith.addf %add3A_1159, %get3A_1194 : vector<16xf32>
        %add3A_1196 = arith.addf %add3A_1160, %add3A_1195 : vector<16xf32>
        %add3A_1197 = arith.constant 11 : i32
        %add3A_1198 = arith.addi %mul3A_485, %add3A_1197 : i32
        %get3A_1199 = arith.index_cast %rem3A_430 : i32 to index
        %get3A_1200 = arith.index_cast %add3A_1198 : i32 to index
        %get3A_1201 = arith.constant 0 : index
        %get3A_1202 = tpu.vector_load %arg8[%get3A_1199, %get3A_1200, %get3A_1201] {strides = array<i32>} : memref<2x128x128xf32, #tpu.memory_space<vmem>>, vector<1x1x16xf32>,
        %get3A_1203 = vector.shape_cast %get3A_1202 : vector<1x1x16xf32> to vector<16xf32>
        %add3A_1204 = arith.addf %add3A_1168, %get3A_1203 : vector<16xf32>
        %add3A_1205 = arith.addf %add3A_1169, %add3A_1204 : vector<16xf32>
        %add3A_1206 = arith.constant 11 : i32
        %add3A_1207 = arith.addi %mul3A_485, %add3A_1206 : i32
        %get3A_1208 = arith.index_cast %rem3A_430 : i32 to index
        %get3A_1209 = arith.index_cast %add3A_1207 : i32 to index
        %get3A_1210 = arith.constant 16 : index
        %get3A_1211 = tpu.vector_load %arg8[%get3A_1208, %get3A_1209, %get3A_1210] {strides = array<i32>} : memref<2x128x128xf32, #tpu.memory_space<vmem>>, vector<1x1x16xf32>,
        %get3A_1212 = vector.shape_cast %get3A_1211 : vector<1x1x16xf32> to vector<16xf32>
        %add3A_1213 = arith.addf %add3A_1177, %get3A_1212 : vector<16xf32>
        %add3A_1214 = arith.addf %add3A_1178, %add3A_1213 : vector<16xf32>
        %add3A_1215 = arith.constant 11 : i32
        %add3A_1216 = arith.addi %mul3A_485, %add3A_1215 : i32
        %get3A_1217 = arith.index_cast %rem3A_430 : i32 to index
        %get3A_1218 = arith.index_cast %add3A_1216 : i32 to index
        %get3A_1219 = arith.constant 32 : index
        %get3A_1220 = tpu.vector_load %arg8[%get3A_1217, %get3A_1218, %get3A_1219] {strides = array<i32>} : memref<2x128x128xf32, #tpu.memory_space<vmem>>, vector<1x1x16xf32>,
        %get3A_1221 = vector.shape_cast %get3A_1220 : vector<1x1x16xf32> to vector<16xf32>
        %add3A_1222 = arith.addf %add3A_1186, %get3A_1221 : vector<16xf32>
        %add3A_1223 = arith.addf %add3A_1187, %add3A_1222 : vector<16xf32>
        %add3A_1224 = arith.constant 11 : i32
        %add3A_1225 = arith.addi %mul3A_485, %add3A_1224 : i32
        %get3A_1226 = arith.index_cast %rem3A_430 : i32 to index
        %get3A_1227 = arith.index_cast %add3A_1225 : i32 to index
        %get3A_1228 = arith.constant 48 : index
        %get3A_1229 = tpu.vector_load %arg8[%get3A_1226, %get3A_1227, %get3A_1228] {strides = array<i32>} : memref<2x128x128xf32, #tpu.memory_space<vmem>>, vector<1x1x16xf32>,
        %get3A_1230 = vector.shape_cast %get3A_1229 : vector<1x1x16xf32> to vector<16xf32>
        %add3A_1231 = arith.addf %add3A_1195, %get3A_1230 : vector<16xf32>
        %add3A_1232 = arith.addf %add3A_1196, %add3A_1231 : vector<16xf32>
        %add3A_1233 = arith.constant 10 : i32
        %add3A_1234 = arith.addi %mul3A_485, %add3A_1233 : i32
        %get3A_1235 = arith.index_cast %rem3A_430 : i32 to index
        %get3A_1236 = arith.index_cast %add3A_1234 : i32 to index
        %get3A_1237 = arith.constant 0 : index
        %get3A_1238 = tpu.vector_load %arg8[%get3A_1235, %get3A_1236, %get3A_1237] {strides = array<i32>} : memref<2x128x128xf32, #tpu.memory_space<vmem>>, vector<1x1x16xf32>,
        %get3A_1239 = vector.shape_cast %get3A_1238 : vector<1x1x16xf32> to vector<16xf32>
        %add3A_1240 = arith.addf %add3A_1204, %get3A_1239 : vector<16xf32>
        %add3A_1241 = arith.addf %add3A_1205, %add3A_1240 : vector<16xf32>
        %add3A_1242 = arith.constant 10 : i32
        %add3A_1243 = arith.addi %mul3A_485, %add3A_1242 : i32
        %get3A_1244 = arith.index_cast %rem3A_430 : i32 to index
        %get3A_1245 = arith.index_cast %add3A_1243 : i32 to index
        %get3A_1246 = arith.constant 16 : index
        %get3A_1247 = tpu.vector_load %arg8[%get3A_1244, %get3A_1245, %get3A_1246] {strides = array<i32>} : memref<2x128x128xf32, #tpu.memory_space<vmem>>, vector<1x1x16xf32>,
        %get3A_1248 = vector.shape_cast %get3A_1247 : vector<1x1x16xf32> to vector<16xf32>
        %add3A_1249 = arith.addf %add3A_1213, %get3A_1248 : vector<16xf32>
        %add3A_1250 = arith.addf %add3A_1214, %add3A_1249 : vector<16xf32>
        %add3A_1251 = arith.constant 10 : i32
        %add3A_1252 = arith.addi %mul3A_485, %add3A_1251 : i32
        %get3A_1253 = arith.index_cast %rem3A_430 : i32 to index
        %get3A_1254 = arith.index_cast %add3A_1252 : i32 to index
        %get3A_1255 = arith.constant 32 : index
        %get3A_1256 = tpu.vector_load %arg8[%get3A_1253, %get3A_1254, %get3A_1255] {strides = array<i32>} : memref<2x128x128xf32, #tpu.memory_space<vmem>>, vector<1x1x16xf32>,
        %get3A_1257 = vector.shape_cast %get3A_1256 : vector<1x1x16xf32> to vector<16xf32>
        %add3A_1258 = arith.addf %add3A_1222, %get3A_1257 : vector<16xf32>
        %add3A_1259 = arith.addf %add3A_1223, %add3A_1258 : vector<16xf32>
        %add3A_1260 = arith.constant 10 : i32
        %add3A_1261 = arith.addi %mul3A_485, %add3A_1260 : i32
        %get3A_1262 = arith.index_cast %rem3A_430 : i32 to index
        %get3A_1263 = arith.index_cast %add3A_1261 : i32 to index
        %get3A_1264 = arith.constant 48 : index
        %get3A_1265 = tpu.vector_load %arg8[%get3A_1262, %get3A_1263, %get3A_1264] {strides = array<i32>} : memref<2x128x128xf32, #tpu.memory_space<vmem>>, vector<1x1x16xf32>,
        %get3A_1266 = vector.shape_cast %get3A_1265 : vector<1x1x16xf32> to vector<16xf32>
        %add3A_1267 = arith.addf %add3A_1231, %get3A_1266 : vector<16xf32>
        %add3A_1268 = arith.addf %add3A_1232, %add3A_1267 : vector<16xf32>
        %add3A_1269 = arith.constant 9 : i32
        %add3A_1270 = arith.addi %mul3A_485, %add3A_1269 : i32
        %get3A_1271 = arith.index_cast %rem3A_430 : i32 to index
        %get3A_1272 = arith.index_cast %add3A_1270 : i32 to index
        %get3A_1273 = arith.constant 0 : index
        %get3A_1274 = tpu.vector_load %arg8[%get3A_1271, %get3A_1272, %get3A_1273] {strides = array<i32>} : memref<2x128x128xf32, #tpu.memory_space<vmem>>, vector<1x1x16xf32>,
        %get3A_1275 = vector.shape_cast %get3A_1274 : vector<1x1x16xf32> to vector<16xf32>
        %add3A_1276 = arith.addf %add3A_1240, %get3A_1275 : vector<16xf32>
        %add3A_1277 = arith.addf %add3A_1241, %add3A_1276 : vector<16xf32>
        %add3A_1278 = arith.constant 9 : i32
        %add3A_1279 = arith.addi %mul3A_485, %add3A_1278 : i32
        %get3A_1280 = arith.index_cast %rem3A_430 : i32 to index
        %get3A_1281 = arith.index_cast %add3A_1279 : i32 to index
        %get3A_1282 = arith.constant 16 : index
        %get3A_1283 = tpu.vector_load %arg8[%get3A_1280, %get3A_1281, %get3A_1282] {strides = array<i32>} : memref<2x128x128xf32, #tpu.memory_space<vmem>>, vector<1x1x16xf32>,
        %get3A_1284 = vector.shape_cast %get3A_1283 : vector<1x1x16xf32> to vector<16xf32>
        %add3A_1285 = arith.addf %add3A_1249, %get3A_1284 : vector<16xf32>
        %add3A_1286 = arith.addf %add3A_1250, %add3A_1285 : vector<16xf32>
        %add3A_1287 = arith.constant 9 : i32
        %add3A_1288 = arith.addi %mul3A_485, %add3A_1287 : i32
        %get3A_1289 = arith.index_cast %rem3A_430 : i32 to index
        %get3A_1290 = arith.index_cast %add3A_1288 : i32 to index
        %get3A_1291 = arith.constant 32 : index
        %get3A_1292 = tpu.vector_load %arg8[%get3A_1289, %get3A_1290, %get3A_1291] {strides = array<i32>} : memref<2x128x128xf32, #tpu.memory_space<vmem>>, vector<1x1x16xf32>,
        %get3A_1293 = vector.shape_cast %get3A_1292 : vector<1x1x16xf32> to vector<16xf32>
        %add3A_1294 = arith.addf %add3A_1258, %get3A_1293 : vector<16xf32>
        %add3A_1295 = arith.addf %add3A_1259, %add3A_1294 : vector<16xf32>
        %add3A_1296 = arith.constant 9 : i32
        %add3A_1297 = arith.addi %mul3A_485, %add3A_1296 : i32
        %get3A_1298 = arith.index_cast %rem3A_430 : i32 to index
        %get3A_1299 = arith.index_cast %add3A_1297 : i32 to index
        %get3A_1300 = arith.constant 48 : index
        %get3A_1301 = tpu.vector_load %arg8[%get3A_1298, %get3A_1299, %get3A_1300] {strides = array<i32>} : memref<2x128x128xf32, #tpu.memory_space<vmem>>, vector<1x1x16xf32>,
        %get3A_1302 = vector.shape_cast %get3A_1301 : vector<1x1x16xf32> to vector<16xf32>
        %add3A_1303 = arith.addf %add3A_1267, %get3A_1302 : vector<16xf32>
        %add3A_1304 = arith.addf %add3A_1268, %add3A_1303 : vector<16xf32>
        %add3A_1305 = arith.constant 8 : i32
        %add3A_1306 = arith.addi %mul3A_485, %add3A_1305 : i32
        %get3A_1307 = arith.index_cast %rem3A_430 : i32 to index
        %get3A_1308 = arith.index_cast %add3A_1306 : i32 to index
        %get3A_1309 = arith.constant 0 : index
        %get3A_1310 = tpu.vector_load %arg8[%get3A_1307, %get3A_1308, %get3A_1309] {strides = array<i32>} : memref<2x128x128xf32, #tpu.memory_space<vmem>>, vector<1x1x16xf32>,
        %get3A_1311 = vector.shape_cast %get3A_1310 : vector<1x1x16xf32> to vector<16xf32>
        %add3A_1312 = arith.addf %add3A_1276, %get3A_1311 : vector<16xf32>
        %add3A_1313 = arith.addf %add3A_1277, %add3A_1312 : vector<16xf32>
        %add3A_1314 = arith.constant 8 : i32
        %add3A_1315 = arith.addi %mul3A_485, %add3A_1314 : i32
        %get3A_1316 = arith.index_cast %rem3A_430 : i32 to index
        %get3A_1317 = arith.index_cast %add3A_1315 : i32 to index
        %get3A_1318 = arith.constant 16 : index
        %get3A_1319 = tpu.vector_load %arg8[%get3A_1316, %get3A_1317, %get3A_1318] {strides = array<i32>} : memref<2x128x128xf32, #tpu.memory_space<vmem>>, vector<1x1x16xf32>,
        %get3A_1320 = vector.shape_cast %get3A_1319 : vector<1x1x16xf32> to vector<16xf32>
        %add3A_1321 = arith.addf %add3A_1285, %get3A_1320 : vector<16xf32>
        %add3A_1322 = arith.addf %add3A_1286, %add3A_1321 : vector<16xf32>
        %add3A_1323 = arith.constant 8 : i32
        %add3A_1324 = arith.addi %mul3A_485, %add3A_1323 : i32
        %get3A_1325 = arith.index_cast %rem3A_430 : i32 to index
        %get3A_1326 = arith.index_cast %add3A_1324 : i32 to index
        %get3A_1327 = arith.constant 32 : index
        %get3A_1328 = tpu.vector_load %arg8[%get3A_1325, %get3A_1326, %get3A_1327] {strides = array<i32>} : memref<2x128x128xf32, #tpu.memory_space<vmem>>, vector<1x1x16xf32>,
        %get3A_1329 = vector.shape_cast %get3A_1328 : vector<1x1x16xf32> to vector<16xf32>
        %add3A_1330 = arith.addf %add3A_1294, %get3A_1329 : vector<16xf32>
        %add3A_1331 = arith.addf %add3A_1295, %add3A_1330 : vector<16xf32>
        %add3A_1332 = arith.constant 8 : i32
        %add3A_1333 = arith.addi %mul3A_485, %add3A_1332 : i32
        %get3A_1334 = arith.index_cast %rem3A_430 : i32 to index
        %get3A_1335 = arith.index_cast %add3A_1333 : i32 to index
        %get3A_1336 = arith.constant 48 : index
        %get3A_1337 = tpu.vector_load %arg8[%get3A_1334, %get3A_1335, %get3A_1336] {strides = array<i32>} : memref<2x128x128xf32, #tpu.memory_space<vmem>>, vector<1x1x16xf32>,
        %get3A_1338 = vector.shape_cast %get3A_1337 : vector<1x1x16xf32> to vector<16xf32>
        %add3A_1339 = arith.addf %add3A_1303, %get3A_1338 : vector<16xf32>
        %add3A_1340 = arith.addf %add3A_1304, %add3A_1339 : vector<16xf32>
        %add3A_1341 = arith.constant 7 : i32
        %add3A_1342 = arith.addi %mul3A_485, %add3A_1341 : i32
        %get3A_1343 = arith.index_cast %rem3A_430 : i32 to index
        %get3A_1344 = arith.index_cast %add3A_1342 : i32 to index
        %get3A_1345 = arith.constant 0 : index
        %get3A_1346 = tpu.vector_load %arg8[%get3A_1343, %get3A_1344, %get3A_1345] {strides = array<i32>} : memref<2x128x128xf32, #tpu.memory_space<vmem>>, vector<1x1x16xf32>,
        %get3A_1347 = vector.shape_cast %get3A_1346 : vector<1x1x16xf32> to vector<16xf32>
        %add3A_1348 = arith.addf %add3A_1312, %get3A_1347 : vector<16xf32>
        %add3A_1349 = arith.addf %add3A_1313, %add3A_1348 : vector<16xf32>
        %add3A_1350 = arith.constant 7 : i32
        %add3A_1351 = arith.addi %mul3A_485, %add3A_1350 : i32
        %get3A_1352 = arith.index_cast %rem3A_430 : i32 to index
        %get3A_1353 = arith.index_cast %add3A_1351 : i32 to index
        %get3A_1354 = arith.constant 16 : index
        %get3A_1355 = tpu.vector_load %arg8[%get3A_1352, %get3A_1353, %get3A_1354] {strides = array<i32>} : memref<2x128x128xf32, #tpu.memory_space<vmem>>, vector<1x1x16xf32>,
        %get3A_1356 = vector.shape_cast %get3A_1355 : vector<1x1x16xf32> to vector<16xf32>
        %add3A_1357 = arith.addf %add3A_1321, %get3A_1356 : vector<16xf32>
        %add3A_1358 = arith.addf %add3A_1322, %add3A_1357 : vector<16xf32>
        %add3A_1359 = arith.constant 7 : i32
        %add3A_1360 = arith.addi %mul3A_485, %add3A_1359 : i32
        %get3A_1361 = arith.index_cast %rem3A_430 : i32 to index
        %get3A_1362 = arith.index_cast %add3A_1360 : i32 to index
        %get3A_1363 = arith.constant 32 : index
        %get3A_1364 = tpu.vector_load %arg8[%get3A_1361, %get3A_1362, %get3A_1363] {strides = array<i32>} : memref<2x128x128xf32, #tpu.memory_space<vmem>>, vector<1x1x16xf32>,
        %get3A_1365 = vector.shape_cast %get3A_1364 : vector<1x1x16xf32> to vector<16xf32>
        %add3A_1366 = arith.addf %add3A_1330, %get3A_1365 : vector<16xf32>
        %add3A_1367 = arith.addf %add3A_1331, %add3A_1366 : vector<16xf32>
        %add3A_1368 = arith.constant 7 : i32
        %add3A_1369 = arith.addi %mul3A_485, %add3A_1368 : i32
        %get3A_1370 = arith.index_cast %rem3A_430 : i32 to index
        %get3A_1371 = arith.index_cast %add3A_1369 : i32 to index
        %get3A_1372 = arith.constant 48 : index
        %get3A_1373 = tpu.vector_load %arg8[%get3A_1370, %get3A_1371, %get3A_1372] {strides = array<i32>} : memref<2x128x128xf32, #tpu.memory_space<vmem>>, vector<1x1x16xf32>,
        %get3A_1374 = vector.shape_cast %get3A_1373 : vector<1x1x16xf32> to vector<16xf32>
        %add3A_1375 = arith.addf %add3A_1339, %get3A_1374 : vector<16xf32>
        %add3A_1376 = arith.addf %add3A_1340, %add3A_1375 : vector<16xf32>
        %add3A_1377 = arith.constant 6 : i32
        %add3A_1378 = arith.addi %mul3A_485, %add3A_1377 : i32
        %get3A_1379 = arith.index_cast %rem3A_430 : i32 to index
        %get3A_1380 = arith.index_cast %add3A_1378 : i32 to index
        %get3A_1381 = arith.constant 0 : index
        %get3A_1382 = tpu.vector_load %arg8[%get3A_1379, %get3A_1380, %get3A_1381] {strides = array<i32>} : memref<2x128x128xf32, #tpu.memory_space<vmem>>, vector<1x1x16xf32>,
        %get3A_1383 = vector.shape_cast %get3A_1382 : vector<1x1x16xf32> to vector<16xf32>
        %add3A_1384 = arith.addf %add3A_1348, %get3A_1383 : vector<16xf32>
        %add3A_1385 = arith.addf %add3A_1349, %add3A_1384 : vector<16xf32>
        %add3A_1386 = arith.constant 6 : i32
        %add3A_1387 = arith.addi %mul3A_485, %add3A_1386 : i32
        %get3A_1388 = arith.index_cast %rem3A_430 : i32 to index
        %get3A_1389 = arith.index_cast %add3A_1387 : i32 to index
        %get3A_1390 = arith.constant 16 : index
        %get3A_1391 = tpu.vector_load %arg8[%get3A_1388, %get3A_1389, %get3A_1390] {strides = array<i32>} : memref<2x128x128xf32, #tpu.memory_space<vmem>>, vector<1x1x16xf32>,
        %get3A_1392 = vector.shape_cast %get3A_1391 : vector<1x1x16xf32> to vector<16xf32>
        %add3A_1393 = arith.addf %add3A_1357, %get3A_1392 : vector<16xf32>
        %add3A_1394 = arith.addf %add3A_1358, %add3A_1393 : vector<16xf32>
        %add3A_1395 = arith.constant 6 : i32
        %add3A_1396 = arith.addi %mul3A_485, %add3A_1395 : i32
        %get3A_1397 = arith.index_cast %rem3A_430 : i32 to index
        %get3A_1398 = arith.index_cast %add3A_1396 : i32 to index
        %get3A_1399 = arith.constant 32 : index
        %get3A_1400 = tpu.vector_load %arg8[%get3A_1397, %get3A_1398, %get3A_1399] {strides = array<i32>} : memref<2x128x128xf32, #tpu.memory_space<vmem>>, vector<1x1x16xf32>,
        %get3A_1401 = vector.shape_cast %get3A_1400 : vector<1x1x16xf32> to vector<16xf32>
        %add3A_1402 = arith.addf %add3A_1366, %get3A_1401 : vector<16xf32>
        %add3A_1403 = arith.addf %add3A_1367, %add3A_1402 : vector<16xf32>
        %add3A_1404 = arith.constant 6 : i32
        %add3A_1405 = arith.addi %mul3A_485, %add3A_1404 : i32
        %get3A_1406 = arith.index_cast %rem3A_430 : i32 to index
        %get3A_1407 = arith.index_cast %add3A_1405 : i32 to index
        %get3A_1408 = arith.constant 48 : index
        %get3A_1409 = tpu.vector_load %arg8[%get3A_1406, %get3A_1407, %get3A_1408] {strides = array<i32>} : memref<2x128x128xf32, #tpu.memory_space<vmem>>, vector<1x1x16xf32>,
        %get3A_1410 = vector.shape_cast %get3A_1409 : vector<1x1x16xf32> to vector<16xf32>
        %add3A_1411 = arith.addf %add3A_1375, %get3A_1410 : vector<16xf32>
        %add3A_1412 = arith.addf %add3A_1376, %add3A_1411 : vector<16xf32>
        %add3A_1413 = arith.constant 5 : i32
        %add3A_1414 = arith.addi %mul3A_485, %add3A_1413 : i32
        %get3A_1415 = arith.index_cast %rem3A_430 : i32 to index
        %get3A_1416 = arith.index_cast %add3A_1414 : i32 to index
        %get3A_1417 = arith.constant 0 : index
        %get3A_1418 = tpu.vector_load %arg8[%get3A_1415, %get3A_1416, %get3A_1417] {strides = array<i32>} : memref<2x128x128xf32, #tpu.memory_space<vmem>>, vector<1x1x16xf32>,
        %get3A_1419 = vector.shape_cast %get3A_1418 : vector<1x1x16xf32> to vector<16xf32>
        %add3A_1420 = arith.addf %add3A_1384, %get3A_1419 : vector<16xf32>
        %add3A_1421 = arith.addf %add3A_1385, %add3A_1420 : vector<16xf32>
        %add3A_1422 = arith.constant 5 : i32
        %add3A_1423 = arith.addi %mul3A_485, %add3A_1422 : i32
        %get3A_1424 = arith.index_cast %rem3A_430 : i32 to index
        %get3A_1425 = arith.index_cast %add3A_1423 : i32 to index
        %get3A_1426 = arith.constant 16 : index
        %get3A_1427 = tpu.vector_load %arg8[%get3A_1424, %get3A_1425, %get3A_1426] {strides = array<i32>} : memref<2x128x128xf32, #tpu.memory_space<vmem>>, vector<1x1x16xf32>,
        %get3A_1428 = vector.shape_cast %get3A_1427 : vector<1x1x16xf32> to vector<16xf32>
        %add3A_1429 = arith.addf %add3A_1393, %get3A_1428 : vector<16xf32>
        %add3A_1430 = arith.addf %add3A_1394, %add3A_1429 : vector<16xf32>
        %add3A_1431 = arith.constant 5 : i32
        %add3A_1432 = arith.addi %mul3A_485, %add3A_1431 : i32
        %get3A_1433 = arith.index_cast %rem3A_430 : i32 to index
        %get3A_1434 = arith.index_cast %add3A_1432 : i32 to index
        %get3A_1435 = arith.constant 32 : index
        %get3A_1436 = tpu.vector_load %arg8[%get3A_1433, %get3A_1434, %get3A_1435] {strides = array<i32>} : memref<2x128x128xf32, #tpu.memory_space<vmem>>, vector<1x1x16xf32>,
        %get3A_1437 = vector.shape_cast %get3A_1436 : vector<1x1x16xf32> to vector<16xf32>
        %add3A_1438 = arith.addf %add3A_1402, %get3A_1437 : vector<16xf32>
        %add3A_1439 = arith.addf %add3A_1403, %add3A_1438 : vector<16xf32>
        %add3A_1440 = arith.constant 5 : i32
        %add3A_1441 = arith.addi %mul3A_485, %add3A_1440 : i32
        %get3A_1442 = arith.index_cast %rem3A_430 : i32 to index
        %get3A_1443 = arith.index_cast %add3A_1441 : i32 to index
        %get3A_1444 = arith.constant 48 : index
        %get3A_1445 = tpu.vector_load %arg8[%get3A_1442, %get3A_1443, %get3A_1444] {strides = array<i32>} : memref<2x128x128xf32, #tpu.memory_space<vmem>>, vector<1x1x16xf32>,
        %get3A_1446 = vector.shape_cast %get3A_1445 : vector<1x1x16xf32> to vector<16xf32>
        %add3A_1447 = arith.addf %add3A_1411, %get3A_1446 : vector<16xf32>
        %add3A_1448 = arith.addf %add3A_1412, %add3A_1447 : vector<16xf32>
        %add3A_1449 = arith.constant 4 : i32
        %add3A_1450 = arith.addi %mul3A_485, %add3A_1449 : i32
        %get3A_1451 = arith.index_cast %rem3A_430 : i32 to index
        %get3A_1452 = arith.index_cast %add3A_1450 : i32 to index
        %get3A_1453 = arith.constant 0 : index
        %get3A_1454 = tpu.vector_load %arg8[%get3A_1451, %get3A_1452, %get3A_1453] {strides = array<i32>} : memref<2x128x128xf32, #tpu.memory_space<vmem>>, vector<1x1x16xf32>,
        %get3A_1455 = vector.shape_cast %get3A_1454 : vector<1x1x16xf32> to vector<16xf32>
        %add3A_1456 = arith.addf %add3A_1420, %get3A_1455 : vector<16xf32>
        %add3A_1457 = arith.addf %add3A_1421, %add3A_1456 : vector<16xf32>
        %add3A_1458 = arith.constant 4 : i32
        %add3A_1459 = arith.addi %mul3A_485, %add3A_1458 : i32
        %get3A_1460 = arith.index_cast %rem3A_430 : i32 to index
        %get3A_1461 = arith.index_cast %add3A_1459 : i32 to index
        %get3A_1462 = arith.constant 16 : index
        %get3A_1463 = tpu.vector_load %arg8[%get3A_1460, %get3A_1461, %get3A_1462] {strides = array<i32>} : memref<2x128x128xf32, #tpu.memory_space<vmem>>, vector<1x1x16xf32>,
        %get3A_1464 = vector.shape_cast %get3A_1463 : vector<1x1x16xf32> to vector<16xf32>
        %add3A_1465 = arith.addf %add3A_1429, %get3A_1464 : vector<16xf32>
        %add3A_1466 = arith.addf %add3A_1430, %add3A_1465 : vector<16xf32>
        %add3A_1467 = arith.constant 4 : i32
        %add3A_1468 = arith.addi %mul3A_485, %add3A_1467 : i32
        %get3A_1469 = arith.index_cast %rem3A_430 : i32 to index
        %get3A_1470 = arith.index_cast %add3A_1468 : i32 to index
        %get3A_1471 = arith.constant 32 : index
        %get3A_1472 = tpu.vector_load %arg8[%get3A_1469, %get3A_1470, %get3A_1471] {strides = array<i32>} : memref<2x128x128xf32, #tpu.memory_space<vmem>>, vector<1x1x16xf32>,
        %get3A_1473 = vector.shape_cast %get3A_1472 : vector<1x1x16xf32> to vector<16xf32>
        %add3A_1474 = arith.addf %add3A_1438, %get3A_1473 : vector<16xf32>
        %add3A_1475 = arith.addf %add3A_1439, %add3A_1474 : vector<16xf32>
        %add3A_1476 = arith.constant 4 : i32
        %add3A_1477 = arith.addi %mul3A_485, %add3A_1476 : i32
        %get3A_1478 = arith.index_cast %rem3A_430 : i32 to index
        %get3A_1479 = arith.index_cast %add3A_1477 : i32 to index
        %get3A_1480 = arith.constant 48 : index
        %get3A_1481 = tpu.vector_load %arg8[%get3A_1478, %get3A_1479, %get3A_1480] {strides = array<i32>} : memref<2x128x128xf32, #tpu.memory_space<vmem>>, vector<1x1x16xf32>,
        %get3A_1482 = vector.shape_cast %get3A_1481 : vector<1x1x16xf32> to vector<16xf32>
        %add3A_1483 = arith.addf %add3A_1447, %get3A_1482 : vector<16xf32>
        %add3A_1484 = arith.addf %add3A_1448, %add3A_1483 : vector<16xf32>
        %add3A_1485 = arith.constant 3 : i32
        %add3A_1486 = arith.addi %mul3A_485, %add3A_1485 : i32
        %get3A_1487 = arith.index_cast %rem3A_430 : i32 to index
        %get3A_1488 = arith.index_cast %add3A_1486 : i32 to index
        %get3A_1489 = arith.constant 0 : index
        %get3A_1490 = tpu.vector_load %arg8[%get3A_1487, %get3A_1488, %get3A_1489] {strides = array<i32>} : memref<2x128x128xf32, #tpu.memory_space<vmem>>, vector<1x1x16xf32>,
        %get3A_1491 = vector.shape_cast %get3A_1490 : vector<1x1x16xf32> to vector<16xf32>
        %add3A_1492 = arith.addf %add3A_1456, %get3A_1491 : vector<16xf32>
        %add3A_1493 = arith.addf %add3A_1457, %add3A_1492 : vector<16xf32>
        %add3A_1494 = arith.constant 3 : i32
        %add3A_1495 = arith.addi %mul3A_485, %add3A_1494 : i32
        %get3A_1496 = arith.index_cast %rem3A_430 : i32 to index
        %get3A_1497 = arith.index_cast %add3A_1495 : i32 to index
        %get3A_1498 = arith.constant 16 : index
        %get3A_1499 = tpu.vector_load %arg8[%get3A_1496, %get3A_1497, %get3A_1498] {strides = array<i32>} : memref<2x128x128xf32, #tpu.memory_space<vmem>>, vector<1x1x16xf32>,
        %get3A_1500 = vector.shape_cast %get3A_1499 : vector<1x1x16xf32> to vector<16xf32>
        %add3A_1501 = arith.addf %add3A_1465, %get3A_1500 : vector<16xf32>
        %add3A_1502 = arith.addf %add3A_1466, %add3A_1501 : vector<16xf32>
        %add3A_1503 = arith.constant 3 : i32
        %add3A_1504 = arith.addi %mul3A_485, %add3A_1503 : i32
        %get3A_1505 = arith.index_cast %rem3A_430 : i32 to index
        %get3A_1506 = arith.index_cast %add3A_1504 : i32 to index
        %get3A_1507 = arith.constant 32 : index
        %get3A_1508 = tpu.vector_load %arg8[%get3A_1505, %get3A_1506, %get3A_1507] {strides = array<i32>} : memref<2x128x128xf32, #tpu.memory_space<vmem>>, vector<1x1x16xf32>,
        %get3A_1509 = vector.shape_cast %get3A_1508 : vector<1x1x16xf32> to vector<16xf32>
        %add3A_1510 = arith.addf %add3A_1474, %get3A_1509 : vector<16xf32>
        %add3A_1511 = arith.addf %add3A_1475, %add3A_1510 : vector<16xf32>
        %add3A_1512 = arith.constant 3 : i32
        %add3A_1513 = arith.addi %mul3A_485, %add3A_1512 : i32
        %get3A_1514 = arith.index_cast %rem3A_430 : i32 to index
        %get3A_1515 = arith.index_cast %add3A_1513 : i32 to index
        %get3A_1516 = arith.constant 48 : index
        %get3A_1517 = tpu.vector_load %arg8[%get3A_1514, %get3A_1515, %get3A_1516] {strides = array<i32>} : memref<2x128x128xf32, #tpu.memory_space<vmem>>, vector<1x1x16xf32>,
        %get3A_1518 = vector.shape_cast %get3A_1517 : vector<1x1x16xf32> to vector<16xf32>
        %add3A_1519 = arith.addf %add3A_1483, %get3A_1518 : vector<16xf32>
        %add3A_1520 = arith.addf %add3A_1484, %add3A_1519 : vector<16xf32>
        %add3A_1521 = arith.constant 2 : i32
        %add3A_1522 = arith.addi %mul3A_485, %add3A_1521 : i32
        %get3A_1523 = arith.index_cast %rem3A_430 : i32 to index
        %get3A_1524 = arith.index_cast %add3A_1522 : i32 to index
        %get3A_1525 = arith.constant 0 : index
        %get3A_1526 = tpu.vector_load %arg8[%get3A_1523, %get3A_1524, %get3A_1525] {strides = array<i32>} : memref<2x128x128xf32, #tpu.memory_space<vmem>>, vector<1x1x16xf32>,
        %get3A_1527 = vector.shape_cast %get3A_1526 : vector<1x1x16xf32> to vector<16xf32>
        %add3A_1528 = arith.addf %add3A_1492, %get3A_1527 : vector<16xf32>
        %add3A_1529 = arith.addf %add3A_1493, %add3A_1528 : vector<16xf32>
        %add3A_1530 = arith.constant 2 : i32
        %add3A_1531 = arith.addi %mul3A_485, %add3A_1530 : i32
        %get3A_1532 = arith.index_cast %rem3A_430 : i32 to index
        %get3A_1533 = arith.index_cast %add3A_1531 : i32 to index
        %get3A_1534 = arith.constant 16 : index
        %get3A_1535 = tpu.vector_load %arg8[%get3A_1532, %get3A_1533, %get3A_1534] {strides = array<i32>} : memref<2x128x128xf32, #tpu.memory_space<vmem>>, vector<1x1x16xf32>,
        %get3A_1536 = vector.shape_cast %get3A_1535 : vector<1x1x16xf32> to vector<16xf32>
        %add3A_1537 = arith.addf %add3A_1501, %get3A_1536 : vector<16xf32>
        %add3A_1538 = arith.addf %add3A_1502, %add3A_1537 : vector<16xf32>
        %add3A_1539 = arith.constant 2 : i32
        %add3A_1540 = arith.addi %mul3A_485, %add3A_1539 : i32
        %get3A_1541 = arith.index_cast %rem3A_430 : i32 to index
        %get3A_1542 = arith.index_cast %add3A_1540 : i32 to index
        %get3A_1543 = arith.constant 32 : index
        %get3A_1544 = tpu.vector_load %arg8[%get3A_1541, %get3A_1542, %get3A_1543] {strides = array<i32>} : memref<2x128x128xf32, #tpu.memory_space<vmem>>, vector<1x1x16xf32>,
        %get3A_1545 = vector.shape_cast %get3A_1544 : vector<1x1x16xf32> to vector<16xf32>
        %add3A_1546 = arith.addf %add3A_1510, %get3A_1545 : vector<16xf32>
        %add3A_1547 = arith.addf %add3A_1511, %add3A_1546 : vector<16xf32>
        %add3A_1548 = arith.constant 2 : i32
        %add3A_1549 = arith.addi %mul3A_485, %add3A_1548 : i32
        %get3A_1550 = arith.index_cast %rem3A_430 : i32 to index
        %get3A_1551 = arith.index_cast %add3A_1549 : i32 to index
        %get3A_1552 = arith.constant 48 : index
        %get3A_1553 = tpu.vector_load %arg8[%get3A_1550, %get3A_1551, %get3A_1552] {strides = array<i32>} : memref<2x128x128xf32, #tpu.memory_space<vmem>>, vector<1x1x16xf32>,
        %get3A_1554 = vector.shape_cast %get3A_1553 : vector<1x1x16xf32> to vector<16xf32>
        %add3A_1555 = arith.addf %add3A_1519, %get3A_1554 : vector<16xf32>
        %add3A_1556 = arith.addf %add3A_1520, %add3A_1555 : vector<16xf32>
        %add3A_1557 = arith.constant 1 : i32
        %add3A_1558 = arith.addi %mul3A_485, %add3A_1557 : i32
        %get3A_1559 = arith.index_cast %rem3A_430 : i32 to index
        %get3A_1560 = arith.index_cast %add3A_1558 : i32 to index
        %get3A_1561 = arith.constant 0 : index
        %get3A_1562 = tpu.vector_load %arg8[%get3A_1559, %get3A_1560, %get3A_1561] {strides = array<i32>} : memref<2x128x128xf32, #tpu.memory_space<vmem>>, vector<1x1x16xf32>,
        %get3A_1563 = vector.shape_cast %get3A_1562 : vector<1x1x16xf32> to vector<16xf32>
        %add3A_1564 = arith.addf %add3A_1528, %get3A_1563 : vector<16xf32>
        %add3A_1565 = arith.addf %add3A_1529, %add3A_1564 : vector<16xf32>
        %add3A_1566 = arith.constant 1 : i32
        %add3A_1567 = arith.addi %mul3A_485, %add3A_1566 : i32
        %get3A_1568 = arith.index_cast %rem3A_430 : i32 to index
        %get3A_1569 = arith.index_cast %add3A_1567 : i32 to index
        %get3A_1570 = arith.constant 16 : index
        %get3A_1571 = tpu.vector_load %arg8[%get3A_1568, %get3A_1569, %get3A_1570] {strides = array<i32>} : memref<2x128x128xf32, #tpu.memory_space<vmem>>, vector<1x1x16xf32>,
        %get3A_1572 = vector.shape_cast %get3A_1571 : vector<1x1x16xf32> to vector<16xf32>
        %add3A_1573 = arith.addf %add3A_1537, %get3A_1572 : vector<16xf32>
        %add3A_1574 = arith.addf %add3A_1538, %add3A_1573 : vector<16xf32>
        %add3A_1575 = arith.constant 1 : i32
        %add3A_1576 = arith.addi %mul3A_485, %add3A_1575 : i32
        %get3A_1577 = arith.index_cast %rem3A_430 : i32 to index
        %get3A_1578 = arith.index_cast %add3A_1576 : i32 to index
        %get3A_1579 = arith.constant 32 : index
        %get3A_1580 = tpu.vector_load %arg8[%get3A_1577, %get3A_1578, %get3A_1579] {strides = array<i32>} : memref<2x128x128xf32, #tpu.memory_space<vmem>>, vector<1x1x16xf32>,
        %get3A_1581 = vector.shape_cast %get3A_1580 : vector<1x1x16xf32> to vector<16xf32>
        %add3A_1582 = arith.addf %add3A_1546, %get3A_1581 : vector<16xf32>
        %add3A_1583 = arith.addf %add3A_1547, %add3A_1582 : vector<16xf32>
        %add3A_1584 = arith.constant 1 : i32
        %add3A_1585 = arith.addi %mul3A_485, %add3A_1584 : i32
        %get3A_1586 = arith.index_cast %rem3A_430 : i32 to index
        %get3A_1587 = arith.index_cast %add3A_1585 : i32 to index
        %get3A_1588 = arith.constant 48 : index
        %get3A_1589 = tpu.vector_load %arg8[%get3A_1586, %get3A_1587, %get3A_1588] {strides = array<i32>} : memref<2x128x128xf32, #tpu.memory_space<vmem>>, vector<1x1x16xf32>,
        %get3A_1590 = vector.shape_cast %get3A_1589 : vector<1x1x16xf32> to vector<16xf32>
        %add3A_1591 = arith.addf %add3A_1555, %get3A_1590 : vector<16xf32>
        %add3A_1592 = arith.addf %add3A_1556, %add3A_1591 : vector<16xf32>
        %get3A_1593 = arith.index_cast %rem3A_430 : i32 to index
        %get3A_1594 = arith.index_cast %mul3A_485 : i32 to index
        %get3A_1595 = arith.constant 0 : index
        %get3A_1596 = tpu.vector_load %arg8[%get3A_1593, %get3A_1594, %get3A_1595] {strides = array<i32>} : memref<2x128x128xf32, #tpu.memory_space<vmem>>, vector<1x1x16xf32>,
        %get3A_1597 = vector.shape_cast %get3A_1596 : vector<1x1x16xf32> to vector<16xf32>
        %add3A_1598 = arith.addf %add3A_1564, %get3A_1597 : vector<16xf32>
        %mul3A_1599 = arith.constant 0.0322580636 : f32
        %mul3A_1600 = vector.broadcast %mul3A_1599 : f32 to vector<16xf32>
        %mul3A_1601 = arith.mulf %add3A_1565, %mul3A_1600 : vector<16xf32>
        %sub3A = arith.subf %add3A_1598, %mul3A_1601 : vector<16xf32>
        %swap3A = arith.index_cast %rem3A_432 : i32 to index
        %swap3A_1602 = arith.index_cast %add3A_483 : i32 to index
        %swap3A_1603 = arith.constant 0 : index
        %swap3A_1604 = tpu.vector_load %arg9[%swap3A, %swap3A_1602, %swap3A_1603] {strides = array<i32>} : memref<4x4x128xf32, #tpu.memory_space<vmem>>, vector<1x1x16xf32>,
        %swap3A_1605 = vector.shape_cast %swap3A_1604 : vector<1x1x16xf32> to vector<16xf32>
        %swap3A_1606 = vector.shape_cast %sub3A : vector<16xf32> to vector<1x1x16xf32>
        tpu.vector_store %arg9[%swap3A, %swap3A_1602, %swap3A_1603], %swap3A_1606 {strides = array<i32>} : memref<4x4x128xf32, #tpu.memory_space<vmem>>, vector<1x1x16xf32>,
        %swap3A_1607 = arith.index_cast %rem3A_432 : i32 to index
        %swap3A_1608 = arith.index_cast %add3A_483 : i32 to index
        %swap3A_1609 = arith.constant 0 : index
        %swap3A_1610 = tpu.vector_load %arg10[%swap3A_1607, %swap3A_1608, %swap3A_1609] {strides = array<i32>} : memref<4x4x128xf32, #tpu.memory_space<vmem>>, vector<1x1x16xf32>,
        %swap3A_1611 = vector.shape_cast %swap3A_1610 : vector<1x1x16xf32> to vector<16xf32>
        %swap3A_1612 = vector.shape_cast %mul3A_1601 : vector<16xf32> to vector<1x1x16xf32>
        tpu.vector_store %arg10[%swap3A_1607, %swap3A_1608, %swap3A_1609], %swap3A_1612 {strides = array<i32>} : memref<4x4x128xf32, #tpu.memory_space<vmem>>, vector<1x1x16xf32>,
        %get3A_1613 = arith.index_cast %rem3A_430 : i32 to index
        %get3A_1614 = arith.index_cast %mul3A_485 : i32 to index
        %get3A_1615 = arith.constant 16 : index
        %get3A_1616 = tpu.vector_load %arg8[%get3A_1613, %get3A_1614, %get3A_1615] {strides = array<i32>} : memref<2x128x128xf32, #tpu.memory_space<vmem>>, vector<1x1x16xf32>,
        %get3A_1617 = vector.shape_cast %get3A_1616 : vector<1x1x16xf32> to vector<16xf32>
        %add3A_1618 = arith.addf %add3A_1573, %get3A_1617 : vector<16xf32>
        %mul3A_1619 = arith.constant 0.0322580636 : f32
        %mul3A_1620 = vector.broadcast %mul3A_1619 : f32 to vector<16xf32>
        %mul3A_1621 = arith.mulf %add3A_1574, %mul3A_1620 : vector<16xf32>
        %sub3A_1622 = arith.subf %add3A_1618, %mul3A_1621 : vector<16xf32>
        %swap3A_1623 = arith.index_cast %rem3A_432 : i32 to index
        %swap3A_1624 = arith.index_cast %add3A_483 : i32 to index
        %swap3A_1625 = arith.constant 16 : index
        %swap3A_1626 = tpu.vector_load %arg9[%swap3A_1623, %swap3A_1624, %swap3A_1625] {strides = array<i32>} : memref<4x4x128xf32, #tpu.memory_space<vmem>>, vector<1x1x16xf32>,
        %swap3A_1627 = vector.shape_cast %swap3A_1626 : vector<1x1x16xf32> to vector<16xf32>
        %swap3A_1628 = vector.shape_cast %sub3A_1622 : vector<16xf32> to vector<1x1x16xf32>
        tpu.vector_store %arg9[%swap3A_1623, %swap3A_1624, %swap3A_1625], %swap3A_1628 {strides = array<i32>} : memref<4x4x128xf32, #tpu.memory_space<vmem>>, vector<1x1x16xf32>,
        %swap3A_1629 = arith.index_cast %rem3A_432 : i32 to index
        %swap3A_1630 = arith.index_cast %add3A_483 : i32 to index
        %swap3A_1631 = arith.constant 16 : index
        %swap3A_1632 = tpu.vector_load %arg10[%swap3A_1629, %swap3A_1630, %swap3A_1631] {strides = array<i32>} : memref<4x4x128xf32, #tpu.memory_space<vmem>>, vector<1x1x16xf32>,
        %swap3A_1633 = vector.shape_cast %swap3A_1632 : vector<1x1x16xf32> to vector<16xf32>
        %swap3A_1634 = vector.shape_cast %mul3A_1621 : vector<16xf32> to vector<1x1x16xf32>
        tpu.vector_store %arg10[%swap3A_1629, %swap3A_1630, %swap3A_1631], %swap3A_1634 {strides = array<i32>} : memref<4x4x128xf32, #tpu.memory_space<vmem>>, vector<1x1x16xf32>,
        %get3A_1635 = arith.index_cast %rem3A_430 : i32 to index
        %get3A_1636 = arith.index_cast %mul3A_485 : i32 to index
        %get3A_1637 = arith.constant 32 : index
        %get3A_1638 = tpu.vector_load %arg8[%get3A_1635, %get3A_1636, %get3A_1637] {strides = array<i32>} : memref<2x128x128xf32, #tpu.memory_space<vmem>>, vector<1x1x16xf32>,
        %get3A_1639 = vector.shape_cast %get3A_1638 : vector<1x1x16xf32> to vector<16xf32>
        %add3A_1640 = arith.addf %add3A_1582, %get3A_1639 : vector<16xf32>
        %mul3A_1641 = arith.constant 0.0322580636 : f32
        %mul3A_1642 = vector.broadcast %mul3A_1641 : f32 to vector<16xf32>
        %mul3A_1643 = arith.mulf %add3A_1583, %mul3A_1642 : vector<16xf32>
        %sub3A_1644 = arith.subf %add3A_1640, %mul3A_1643 : vector<16xf32>
        %swap3A_1645 = arith.index_cast %rem3A_432 : i32 to index
        %swap3A_1646 = arith.index_cast %add3A_483 : i32 to index
        %swap3A_1647 = arith.constant 32 : index
        %swap3A_1648 = tpu.vector_load %arg9[%swap3A_1645, %swap3A_1646, %swap3A_1647] {strides = array<i32>} : memref<4x4x128xf32, #tpu.memory_space<vmem>>, vector<1x1x16xf32>,
        %swap3A_1649 = vector.shape_cast %swap3A_1648 : vector<1x1x16xf32> to vector<16xf32>
        %swap3A_1650 = vector.shape_cast %sub3A_1644 : vector<16xf32> to vector<1x1x16xf32>
        tpu.vector_store %arg9[%swap3A_1645, %swap3A_1646, %swap3A_1647], %swap3A_1650 {strides = array<i32>} : memref<4x4x128xf32, #tpu.memory_space<vmem>>, vector<1x1x16xf32>,
        %swap3A_1651 = arith.index_cast %rem3A_432 : i32 to index
        %swap3A_1652 = arith.index_cast %add3A_483 : i32 to index
        %swap3A_1653 = arith.constant 32 : index
        %swap3A_1654 = tpu.vector_load %arg10[%swap3A_1651, %swap3A_1652, %swap3A_1653] {strides = array<i32>} : memref<4x4x128xf32, #tpu.memory_space<vmem>>, vector<1x1x16xf32>,
        %swap3A_1655 = vector.shape_cast %swap3A_1654 : vector<1x1x16xf32> to vector<16xf32>
        %swap3A_1656 = vector.shape_cast %mul3A_1643 : vector<16xf32> to vector<1x1x16xf32>
        tpu.vector_store %arg10[%swap3A_1651, %swap3A_1652, %swap3A_1653], %swap3A_1656 {strides = array<i32>} : memref<4x4x128xf32, #tpu.memory_space<vmem>>, vector<1x1x16xf32>,
        %get3A_1657 = arith.index_cast %rem3A_430 : i32 to index
        %get3A_1658 = arith.index_cast %mul3A_485 : i32 to index
        %get3A_1659 = arith.constant 48 : index
        %get3A_1660 = tpu.vector_load %arg8[%get3A_1657, %get3A_1658, %get3A_1659] {strides = array<i32>} : memref<2x128x128xf32, #tpu.memory_space<vmem>>, vector<1x1x16xf32>,
        %get3A_1661 = vector.shape_cast %get3A_1660 : vector<1x1x16xf32> to vector<16xf32>
        %add3A_1662 = arith.addf %add3A_1591, %get3A_1661 : vector<16xf32>
        %mul3A_1663 = arith.constant 0.0322580636 : f32
        %mul3A_1664 = vector.broadcast %mul3A_1663 : f32 to vector<16xf32>
        %mul3A_1665 = arith.mulf %add3A_1592, %mul3A_1664 : vector<16xf32>
        %sub3A_1666 = arith.subf %add3A_1662, %mul3A_1665 : vector<16xf32>
        %swap3A_1667 = arith.index_cast %rem3A_432 : i32 to index
        %swap3A_1668 = arith.index_cast %add3A_483 : i32 to index
        %swap3A_1669 = arith.constant 48 : index
        %swap3A_1670 = tpu.vector_load %arg9[%swap3A_1667, %swap3A_1668, %swap3A_1669] {strides = array<i32>} : memref<4x4x128xf32, #tpu.memory_space<vmem>>, vector<1x1x16xf32>,
        %swap3A_1671 = vector.shape_cast %swap3A_1670 : vector<1x1x16xf32> to vector<16xf32>
        %swap3A_1672 = vector.shape_cast %sub3A_1666 : vector<16xf32> to vector<1x1x16xf32>
        tpu.vector_store %arg9[%swap3A_1667, %swap3A_1668, %swap3A_1669], %swap3A_1672 {strides = array<i32>} : memref<4x4x128xf32, #tpu.memory_space<vmem>>, vector<1x1x16xf32>,
        %swap3A_1673 = arith.index_cast %rem3A_432 : i32 to index
        %swap3A_1674 = arith.index_cast %add3A_483 : i32 to index
        %swap3A_1675 = arith.constant 48 : index
        %swap3A_1676 = tpu.vector_load %arg10[%swap3A_1673, %swap3A_1674, %swap3A_1675] {strides = array<i32>} : memref<4x4x128xf32, #tpu.memory_space<vmem>>, vector<1x1x16xf32>,
        %swap3A_1677 = vector.shape_cast %swap3A_1676 : vector<1x1x16xf32> to vector<16xf32>
        %swap3A_1678 = vector.shape_cast %mul3A_1665 : vector<16xf32> to vector<1x1x16xf32>
        tpu.vector_store %arg10[%swap3A_1673, %swap3A_1674, %swap3A_1675], %swap3A_1678 {strides = array<i32>} : memref<4x4x128xf32, #tpu.memory_space<vmem>>, vector<1x1x16xf32>,
        %add3A_1679 = arith.constant 31 : i32
        %add3A_1680 = arith.addi %mul3A_485, %add3A_1679 : i32
        %get3A_1681 = arith.index_cast %rem3A_430 : i32 to index
        %get3A_1682 = arith.index_cast %add3A_1680 : i32 to index
        %get3A_1683 = arith.constant 64 : index
        %get3A_1684 = tpu.vector_load %arg8[%get3A_1681, %get3A_1682, %get3A_1683] {strides = array<i32>} : memref<2x128x128xf32, #tpu.memory_space<vmem>>, vector<1x1x16xf32>,
        %get3A_1685 = vector.shape_cast %get3A_1684 : vector<1x1x16xf32> to vector<16xf32>
        %add3A_1686 = arith.constant 31 : i32
        %add3A_1687 = arith.addi %mul3A_485, %add3A_1686 : i32
        %get3A_1688 = arith.index_cast %rem3A_430 : i32 to index
        %get3A_1689 = arith.index_cast %add3A_1687 : i32 to index
        %get3A_1690 = arith.constant 80 : index
        %get3A_1691 = tpu.vector_load %arg8[%get3A_1688, %get3A_1689, %get3A_1690] {strides = array<i32>} : memref<2x128x128xf32, #tpu.memory_space<vmem>>, vector<1x1x16xf32>,
        %get3A_1692 = vector.shape_cast %get3A_1691 : vector<1x1x16xf32> to vector<16xf32>
        %add3A_1693 = arith.constant 31 : i32
        %add3A_1694 = arith.addi %mul3A_485, %add3A_1693 : i32
        %get3A_1695 = arith.index_cast %rem3A_430 : i32 to index
        %get3A_1696 = arith.index_cast %add3A_1694 : i32 to index
        %get3A_1697 = arith.constant 96 : index
        %get3A_1698 = tpu.vector_load %arg8[%get3A_1695, %get3A_1696, %get3A_1697] {strides = array<i32>} : memref<2x128x128xf32, #tpu.memory_space<vmem>>, vector<1x1x16xf32>,
        %get3A_1699 = vector.shape_cast %get3A_1698 : vector<1x1x16xf32> to vector<16xf32>
        %add3A_1700 = arith.constant 31 : i32
        %add3A_1701 = arith.addi %mul3A_485, %add3A_1700 : i32
        %get3A_1702 = arith.index_cast %rem3A_430 : i32 to index
        %get3A_1703 = arith.index_cast %add3A_1701 : i32 to index
        %get3A_1704 = arith.constant 112 : index
        %get3A_1705 = tpu.vector_load %arg8[%get3A_1702, %get3A_1703, %get3A_1704] {strides = array<i32>} : memref<2x128x128xf32, #tpu.memory_space<vmem>>, vector<1x1x16xf32>,
        %get3A_1706 = vector.shape_cast %get3A_1705 : vector<1x1x16xf32> to vector<16xf32>
        %add3A_1707 = arith.constant 30 : i32
        %add3A_1708 = arith.addi %mul3A_485, %add3A_1707 : i32
        %get3A_1709 = arith.index_cast %rem3A_430 : i32 to index
        %get3A_1710 = arith.index_cast %add3A_1708 : i32 to index
        %get3A_1711 = arith.constant 64 : index
        %get3A_1712 = tpu.vector_load %arg8[%get3A_1709, %get3A_1710, %get3A_1711] {strides = array<i32>} : memref<2x128x128xf32, #tpu.memory_space<vmem>>, vector<1x1x16xf32>,
        %get3A_1713 = vector.shape_cast %get3A_1712 : vector<1x1x16xf32> to vector<16xf32>
        %add3A_1714 = arith.addf %get3A_1685, %get3A_1713 : vector<16xf32>
        %add3A_1715 = arith.addf %get3A_1685, %add3A_1714 : vector<16xf32>
        %add3A_1716 = arith.constant 30 : i32
        %add3A_1717 = arith.addi %mul3A_485, %add3A_1716 : i32
        %get3A_1718 = arith.index_cast %rem3A_430 : i32 to index
        %get3A_1719 = arith.index_cast %add3A_1717 : i32 to index
        %get3A_1720 = arith.constant 80 : index
        %get3A_1721 = tpu.vector_load %arg8[%get3A_1718, %get3A_1719, %get3A_1720] {strides = array<i32>} : memref<2x128x128xf32, #tpu.memory_space<vmem>>, vector<1x1x16xf32>,
        %get3A_1722 = vector.shape_cast %get3A_1721 : vector<1x1x16xf32> to vector<16xf32>
        %add3A_1723 = arith.addf %get3A_1692, %get3A_1722 : vector<16xf32>
        %add3A_1724 = arith.addf %get3A_1692, %add3A_1723 : vector<16xf32>
        %add3A_1725 = arith.constant 30 : i32
        %add3A_1726 = arith.addi %mul3A_485, %add3A_1725 : i32
        %get3A_1727 = arith.index_cast %rem3A_430 : i32 to index
        %get3A_1728 = arith.index_cast %add3A_1726 : i32 to index
        %get3A_1729 = arith.constant 96 : index
        %get3A_1730 = tpu.vector_load %arg8[%get3A_1727, %get3A_1728, %get3A_1729] {strides = array<i32>} : memref<2x128x128xf32, #tpu.memory_space<vmem>>, vector<1x1x16xf32>,
        %get3A_1731 = vector.shape_cast %get3A_1730 : vector<1x1x16xf32> to vector<16xf32>
        %add3A_1732 = arith.addf %get3A_1699, %get3A_1731 : vector<16xf32>
        %add3A_1733 = arith.addf %get3A_1699, %add3A_1732 : vector<16xf32>
        %add3A_1734 = arith.constant 30 : i32
        %add3A_1735 = arith.addi %mul3A_485, %add3A_1734 : i32
        %get3A_1736 = arith.index_cast %rem3A_430 : i32 to index
        %get3A_1737 = arith.index_cast %add3A_1735 : i32 to index
        %get3A_1738 = arith.constant 112 : index
        %get3A_1739 = tpu.vector_load %arg8[%get3A_1736, %get3A_1737, %get3A_1738] {strides = array<i32>} : memref<2x128x128xf32, #tpu.memory_space<vmem>>, vector<1x1x16xf32>,
        %get3A_1740 = vector.shape_cast %get3A_1739 : vector<1x1x16xf32> to vector<16xf32>
        %add3A_1741 = arith.addf %get3A_1706, %get3A_1740 : vector<16xf32>
        %add3A_1742 = arith.addf %get3A_1706, %add3A_1741 : vector<16xf32>
        %add3A_1743 = arith.constant 29 : i32
        %add3A_1744 = arith.addi %mul3A_485, %add3A_1743 : i32
        %get3A_1745 = arith.index_cast %rem3A_430 : i32 to index
        %get3A_1746 = arith.index_cast %add3A_1744 : i32 to index
        %get3A_1747 = arith.constant 64 : index
        %get3A_1748 = tpu.vector_load %arg8[%get3A_1745, %get3A_1746, %get3A_1747] {strides = array<i32>} : memref<2x128x128xf32, #tpu.memory_space<vmem>>, vector<1x1x16xf32>,
        %get3A_1749 = vector.shape_cast %get3A_1748 : vector<1x1x16xf32> to vector<16xf32>
        %add3A_1750 = arith.addf %add3A_1714, %get3A_1749 : vector<16xf32>
        %add3A_1751 = arith.addf %add3A_1715, %add3A_1750 : vector<16xf32>
        %add3A_1752 = arith.constant 29 : i32
        %add3A_1753 = arith.addi %mul3A_485, %add3A_1752 : i32
        %get3A_1754 = arith.index_cast %rem3A_430 : i32 to index
        %get3A_1755 = arith.index_cast %add3A_1753 : i32 to index
        %get3A_1756 = arith.constant 80 : index
        %get3A_1757 = tpu.vector_load %arg8[%get3A_1754, %get3A_1755, %get3A_1756] {strides = array<i32>} : memref<2x128x128xf32, #tpu.memory_space<vmem>>, vector<1x1x16xf32>,
        %get3A_1758 = vector.shape_cast %get3A_1757 : vector<1x1x16xf32> to vector<16xf32>
        %add3A_1759 = arith.addf %add3A_1723, %get3A_1758 : vector<16xf32>
        %add3A_1760 = arith.addf %add3A_1724, %add3A_1759 : vector<16xf32>
        %add3A_1761 = arith.constant 29 : i32
        %add3A_1762 = arith.addi %mul3A_485, %add3A_1761 : i32
        %get3A_1763 = arith.index_cast %rem3A_430 : i32 to index
        %get3A_1764 = arith.index_cast %add3A_1762 : i32 to index
        %get3A_1765 = arith.constant 96 : index
        %get3A_1766 = tpu.vector_load %arg8[%get3A_1763, %get3A_1764, %get3A_1765] {strides = array<i32>} : memref<2x128x128xf32, #tpu.memory_space<vmem>>, vector<1x1x16xf32>,
        %get3A_1767 = vector.shape_cast %get3A_1766 : vector<1x1x16xf32> to vector<16xf32>
        %add3A_1768 = arith.addf %add3A_1732, %get3A_1767 : vector<16xf32>
        %add3A_1769 = arith.addf %add3A_1733, %add3A_1768 : vector<16xf32>
        %add3A_1770 = arith.constant 29 : i32
        %add3A_1771 = arith.addi %mul3A_485, %add3A_1770 : i32
        %get3A_1772 = arith.index_cast %rem3A_430 : i32 to index
        %get3A_1773 = arith.index_cast %add3A_1771 : i32 to index
        %get3A_1774 = arith.constant 112 : index
        %get3A_1775 = tpu.vector_load %arg8[%get3A_1772, %get3A_1773, %get3A_1774] {strides = array<i32>} : memref<2x128x128xf32, #tpu.memory_space<vmem>>, vector<1x1x16xf32>,
        %get3A_1776 = vector.shape_cast %get3A_1775 : vector<1x1x16xf32> to vector<16xf32>
        %add3A_1777 = arith.addf %add3A_1741, %get3A_1776 : vector<16xf32>
        %add3A_1778 = arith.addf %add3A_1742, %add3A_1777 : vector<16xf32>
        %add3A_1779 = arith.constant 28 : i32
        %add3A_1780 = arith.addi %mul3A_485, %add3A_1779 : i32
        %get3A_1781 = arith.index_cast %rem3A_430 : i32 to index
        %get3A_1782 = arith.index_cast %add3A_1780 : i32 to index
        %get3A_1783 = arith.constant 64 : index
        %get3A_1784 = tpu.vector_load %arg8[%get3A_1781, %get3A_1782, %get3A_1783] {strides = array<i32>} : memref<2x128x128xf32, #tpu.memory_space<vmem>>, vector<1x1x16xf32>,
        %get3A_1785 = vector.shape_cast %get3A_1784 : vector<1x1x16xf32> to vector<16xf32>
        %add3A_1786 = arith.addf %add3A_1750, %get3A_1785 : vector<16xf32>
        %add3A_1787 = arith.addf %add3A_1751, %add3A_1786 : vector<16xf32>
        %add3A_1788 = arith.constant 28 : i32
        %add3A_1789 = arith.addi %mul3A_485, %add3A_1788 : i32
        %get3A_1790 = arith.index_cast %rem3A_430 : i32 to index
        %get3A_1791 = arith.index_cast %add3A_1789 : i32 to index
        %get3A_1792 = arith.constant 80 : index
        %get3A_1793 = tpu.vector_load %arg8[%get3A_1790, %get3A_1791, %get3A_1792] {strides = array<i32>} : memref<2x128x128xf32, #tpu.memory_space<vmem>>, vector<1x1x16xf32>,
        %get3A_1794 = vector.shape_cast %get3A_1793 : vector<1x1x16xf32> to vector<16xf32>
        %add3A_1795 = arith.addf %add3A_1759, %get3A_1794 : vector<16xf32>
        %add3A_1796 = arith.addf %add3A_1760, %add3A_1795 : vector<16xf32>
        %add3A_1797 = arith.constant 28 : i32
        %add3A_1798 = arith.addi %mul3A_485, %add3A_1797 : i32
        %get3A_1799 = arith.index_cast %rem3A_430 : i32 to index
        %get3A_1800 = arith.index_cast %add3A_1798 : i32 to index
        %get3A_1801 = arith.constant 96 : index
        %get3A_1802 = tpu.vector_load %arg8[%get3A_1799, %get3A_1800, %get3A_1801] {strides = array<i32>} : memref<2x128x128xf32, #tpu.memory_space<vmem>>, vector<1x1x16xf32>,
        %get3A_1803 = vector.shape_cast %get3A_1802 : vector<1x1x16xf32> to vector<16xf32>
        %add3A_1804 = arith.addf %add3A_1768, %get3A_1803 : vector<16xf32>
        %add3A_1805 = arith.addf %add3A_1769, %add3A_1804 : vector<16xf32>
        %add3A_1806 = arith.constant 28 : i32
        %add3A_1807 = arith.addi %mul3A_485, %add3A_1806 : i32
        %get3A_1808 = arith.index_cast %rem3A_430 : i32 to index
        %get3A_1809 = arith.index_cast %add3A_1807 : i32 to index
        %get3A_1810 = arith.constant 112 : index
        %get3A_1811 = tpu.vector_load %arg8[%get3A_1808, %get3A_1809, %get3A_1810] {strides = array<i32>} : memref<2x128x128xf32, #tpu.memory_space<vmem>>, vector<1x1x16xf32>,
        %get3A_1812 = vector.shape_cast %get3A_1811 : vector<1x1x16xf32> to vector<16xf32>
        %add3A_1813 = arith.addf %add3A_1777, %get3A_1812 : vector<16xf32>
        %add3A_1814 = arith.addf %add3A_1778, %add3A_1813 : vector<16xf32>
        %add3A_1815 = arith.constant 27 : i32
        %add3A_1816 = arith.addi %mul3A_485, %add3A_1815 : i32
        %get3A_1817 = arith.index_cast %rem3A_430 : i32 to index
        %get3A_1818 = arith.index_cast %add3A_1816 : i32 to index
        %get3A_1819 = arith.constant 64 : index
        %get3A_1820 = tpu.vector_load %arg8[%get3A_1817, %get3A_1818, %get3A_1819] {strides = array<i32>} : memref<2x128x128xf32, #tpu.memory_space<vmem>>, vector<1x1x16xf32>,
        %get3A_1821 = vector.shape_cast %get3A_1820 : vector<1x1x16xf32> to vector<16xf32>
        %add3A_1822 = arith.addf %add3A_1786, %get3A_1821 : vector<16xf32>
        %add3A_1823 = arith.addf %add3A_1787, %add3A_1822 : vector<16xf32>
        %add3A_1824 = arith.constant 27 : i32
        %add3A_1825 = arith.addi %mul3A_485, %add3A_1824 : i32
        %get3A_1826 = arith.index_cast %rem3A_430 : i32 to index
        %get3A_1827 = arith.index_cast %add3A_1825 : i32 to index
        %get3A_1828 = arith.constant 80 : index
        %get3A_1829 = tpu.vector_load %arg8[%get3A_1826, %get3A_1827, %get3A_1828] {strides = array<i32>} : memref<2x128x128xf32, #tpu.memory_space<vmem>>, vector<1x1x16xf32>,
        %get3A_1830 = vector.shape_cast %get3A_1829 : vector<1x1x16xf32> to vector<16xf32>
        %add3A_1831 = arith.addf %add3A_1795, %get3A_1830 : vector<16xf32>
        %add3A_1832 = arith.addf %add3A_1796, %add3A_1831 : vector<16xf32>
        %add3A_1833 = arith.constant 27 : i32
        %add3A_1834 = arith.addi %mul3A_485, %add3A_1833 : i32
        %get3A_1835 = arith.index_cast %rem3A_430 : i32 to index
        %get3A_1836 = arith.index_cast %add3A_1834 : i32 to index
        %get3A_1837 = arith.constant 96 : index
        %get3A_1838 = tpu.vector_load %arg8[%get3A_1835, %get3A_1836, %get3A_1837] {strides = array<i32>} : memref<2x128x128xf32, #tpu.memory_space<vmem>>, vector<1x1x16xf32>,
        %get3A_1839 = vector.shape_cast %get3A_1838 : vector<1x1x16xf32> to vector<16xf32>
        %add3A_1840 = arith.addf %add3A_1804, %get3A_1839 : vector<16xf32>
        %add3A_1841 = arith.addf %add3A_1805, %add3A_1840 : vector<16xf32>
        %add3A_1842 = arith.constant 27 : i32
        %add3A_1843 = arith.addi %mul3A_485, %add3A_1842 : i32
        %get3A_1844 = arith.index_cast %rem3A_430 : i32 to index
        %get3A_1845 = arith.index_cast %add3A_1843 : i32 to index
        %get3A_1846 = arith.constant 112 : index
        %get3A_1847 = tpu.vector_load %arg8[%get3A_1844, %get3A_1845, %get3A_1846] {strides = array<i32>} : memref<2x128x128xf32, #tpu.memory_space<vmem>>, vector<1x1x16xf32>,
        %get3A_1848 = vector.shape_cast %get3A_1847 : vector<1x1x16xf32> to vector<16xf32>
        %add3A_1849 = arith.addf %add3A_1813, %get3A_1848 : vector<16xf32>
        %add3A_1850 = arith.addf %add3A_1814, %add3A_1849 : vector<16xf32>
        %add3A_1851 = arith.constant 26 : i32
        %add3A_1852 = arith.addi %mul3A_485, %add3A_1851 : i32
        %get3A_1853 = arith.index_cast %rem3A_430 : i32 to index
        %get3A_1854 = arith.index_cast %add3A_1852 : i32 to index
        %get3A_1855 = arith.constant 64 : index
        %get3A_1856 = tpu.vector_load %arg8[%get3A_1853, %get3A_1854, %get3A_1855] {strides = array<i32>} : memref<2x128x128xf32, #tpu.memory_space<vmem>>, vector<1x1x16xf32>,
        %get3A_1857 = vector.shape_cast %get3A_1856 : vector<1x1x16xf32> to vector<16xf32>
        %add3A_1858 = arith.addf %add3A_1822, %get3A_1857 : vector<16xf32>
        %add3A_1859 = arith.addf %add3A_1823, %add3A_1858 : vector<16xf32>
        %add3A_1860 = arith.constant 26 : i32
        %add3A_1861 = arith.addi %mul3A_485, %add3A_1860 : i32
        %get3A_1862 = arith.index_cast %rem3A_430 : i32 to index
        %get3A_1863 = arith.index_cast %add3A_1861 : i32 to index
        %get3A_1864 = arith.constant 80 : index
        %get3A_1865 = tpu.vector_load %arg8[%get3A_1862, %get3A_1863, %get3A_1864] {strides = array<i32>} : memref<2x128x128xf32, #tpu.memory_space<vmem>>, vector<1x1x16xf32>,
        %get3A_1866 = vector.shape_cast %get3A_1865 : vector<1x1x16xf32> to vector<16xf32>
        %add3A_1867 = arith.addf %add3A_1831, %get3A_1866 : vector<16xf32>
        %add3A_1868 = arith.addf %add3A_1832, %add3A_1867 : vector<16xf32>
        %add3A_1869 = arith.constant 26 : i32
        %add3A_1870 = arith.addi %mul3A_485, %add3A_1869 : i32
        %get3A_1871 = arith.index_cast %rem3A_430 : i32 to index
        %get3A_1872 = arith.index_cast %add3A_1870 : i32 to index
        %get3A_1873 = arith.constant 96 : index
        %get3A_1874 = tpu.vector_load %arg8[%get3A_1871, %get3A_1872, %get3A_1873] {strides = array<i32>} : memref<2x128x128xf32, #tpu.memory_space<vmem>>, vector<1x1x16xf32>,
        %get3A_1875 = vector.shape_cast %get3A_1874 : vector<1x1x16xf32> to vector<16xf32>
        %add3A_1876 = arith.addf %add3A_1840, %get3A_1875 : vector<16xf32>
        %add3A_1877 = arith.addf %add3A_1841, %add3A_1876 : vector<16xf32>
        %add3A_1878 = arith.constant 26 : i32
        %add3A_1879 = arith.addi %mul3A_485, %add3A_1878 : i32
        %get3A_1880 = arith.index_cast %rem3A_430 : i32 to index
        %get3A_1881 = arith.index_cast %add3A_1879 : i32 to index
        %get3A_1882 = arith.constant 112 : index
        %get3A_1883 = tpu.vector_load %arg8[%get3A_1880, %get3A_1881, %get3A_1882] {strides = array<i32>} : memref<2x128x128xf32, #tpu.memory_space<vmem>>, vector<1x1x16xf32>,
        %get3A_1884 = vector.shape_cast %get3A_1883 : vector<1x1x16xf32> to vector<16xf32>
        %add3A_1885 = arith.addf %add3A_1849, %get3A_1884 : vector<16xf32>
        %add3A_1886 = arith.addf %add3A_1850, %add3A_1885 : vector<16xf32>
        %add3A_1887 = arith.constant 25 : i32
        %add3A_1888 = arith.addi %mul3A_485, %add3A_1887 : i32
        %get3A_1889 = arith.index_cast %rem3A_430 : i32 to index
        %get3A_1890 = arith.index_cast %add3A_1888 : i32 to index
        %get3A_1891 = arith.constant 64 : index
        %get3A_1892 = tpu.vector_load %arg8[%get3A_1889, %get3A_1890, %get3A_1891] {strides = array<i32>} : memref<2x128x128xf32, #tpu.memory_space<vmem>>, vector<1x1x16xf32>,
        %get3A_1893 = vector.shape_cast %get3A_1892 : vector<1x1x16xf32> to vector<16xf32>
        %add3A_1894 = arith.addf %add3A_1858, %get3A_1893 : vector<16xf32>
        %add3A_1895 = arith.addf %add3A_1859, %add3A_1894 : vector<16xf32>
        %add3A_1896 = arith.constant 25 : i32
        %add3A_1897 = arith.addi %mul3A_485, %add3A_1896 : i32
        %get3A_1898 = arith.index_cast %rem3A_430 : i32 to index
        %get3A_1899 = arith.index_cast %add3A_1897 : i32 to index
        %get3A_1900 = arith.constant 80 : index
        %get3A_1901 = tpu.vector_load %arg8[%get3A_1898, %get3A_1899, %get3A_1900] {strides = array<i32>} : memref<2x128x128xf32, #tpu.memory_space<vmem>>, vector<1x1x16xf32>,
        %get3A_1902 = vector.shape_cast %get3A_1901 : vector<1x1x16xf32> to vector<16xf32>
        %add3A_1903 = arith.addf %add3A_1867, %get3A_1902 : vector<16xf32>
        %add3A_1904 = arith.addf %add3A_1868, %add3A_1903 : vector<16xf32>
        %add3A_1905 = arith.constant 25 : i32
        %add3A_1906 = arith.addi %mul3A_485, %add3A_1905 : i32
        %get3A_1907 = arith.index_cast %rem3A_430 : i32 to index
        %get3A_1908 = arith.index_cast %add3A_1906 : i32 to index
        %get3A_1909 = arith.constant 96 : index
        %get3A_1910 = tpu.vector_load %arg8[%get3A_1907, %get3A_1908, %get3A_1909] {strides = array<i32>} : memref<2x128x128xf32, #tpu.memory_space<vmem>>, vector<1x1x16xf32>,
        %get3A_1911 = vector.shape_cast %get3A_1910 : vector<1x1x16xf32> to vector<16xf32>
        %add3A_1912 = arith.addf %add3A_1876, %get3A_1911 : vector<16xf32>
        %add3A_1913 = arith.addf %add3A_1877, %add3A_1912 : vector<16xf32>
        %add3A_1914 = arith.constant 25 : i32
        %add3A_1915 = arith.addi %mul3A_485, %add3A_1914 : i32
        %get3A_1916 = arith.index_cast %rem3A_430 : i32 to index
        %get3A_1917 = arith.index_cast %add3A_1915 : i32 to index
        %get3A_1918 = arith.constant 112 : index
        %get3A_1919 = tpu.vector_load %arg8[%get3A_1916, %get3A_1917, %get3A_1918] {strides = array<i32>} : memref<2x128x128xf32, #tpu.memory_space<vmem>>, vector<1x1x16xf32>,
        %get3A_1920 = vector.shape_cast %get3A_1919 : vector<1x1x16xf32> to vector<16xf32>
        %add3A_1921 = arith.addf %add3A_1885, %get3A_1920 : vector<16xf32>
        %add3A_1922 = arith.addf %add3A_1886, %add3A_1921 : vector<16xf32>
        %add3A_1923 = arith.constant 24 : i32
        %add3A_1924 = arith.addi %mul3A_485, %add3A_1923 : i32
        %get3A_1925 = arith.index_cast %rem3A_430 : i32 to index
        %get3A_1926 = arith.index_cast %add3A_1924 : i32 to index
        %get3A_1927 = arith.constant 64 : index
        %get3A_1928 = tpu.vector_load %arg8[%get3A_1925, %get3A_1926, %get3A_1927] {strides = array<i32>} : memref<2x128x128xf32, #tpu.memory_space<vmem>>, vector<1x1x16xf32>,
        %get3A_1929 = vector.shape_cast %get3A_1928 : vector<1x1x16xf32> to vector<16xf32>
        %add3A_1930 = arith.addf %add3A_1894, %get3A_1929 : vector<16xf32>
        %add3A_1931 = arith.addf %add3A_1895, %add3A_1930 : vector<16xf32>
        %add3A_1932 = arith.constant 24 : i32
        %add3A_1933 = arith.addi %mul3A_485, %add3A_1932 : i32
        %get3A_1934 = arith.index_cast %rem3A_430 : i32 to index
        %get3A_1935 = arith.index_cast %add3A_1933 : i32 to index
        %get3A_1936 = arith.constant 80 : index
        %get3A_1937 = tpu.vector_load %arg8[%get3A_1934, %get3A_1935, %get3A_1936] {strides = array<i32>} : memref<2x128x128xf32, #tpu.memory_space<vmem>>, vector<1x1x16xf32>,
        %get3A_1938 = vector.shape_cast %get3A_1937 : vector<1x1x16xf32> to vector<16xf32>
        %add3A_1939 = arith.addf %add3A_1903, %get3A_1938 : vector<16xf32>
        %add3A_1940 = arith.addf %add3A_1904, %add3A_1939 : vector<16xf32>
        %add3A_1941 = arith.constant 24 : i32
        %add3A_1942 = arith.addi %mul3A_485, %add3A_1941 : i32
        %get3A_1943 = arith.index_cast %rem3A_430 : i32 to index
        %get3A_1944 = arith.index_cast %add3A_1942 : i32 to index
        %get3A_1945 = arith.constant 96 : index
        %get3A_1946 = tpu.vector_load %arg8[%get3A_1943, %get3A_1944, %get3A_1945] {strides = array<i32>} : memref<2x128x128xf32, #tpu.memory_space<vmem>>, vector<1x1x16xf32>,
        %get3A_1947 = vector.shape_cast %get3A_1946 : vector<1x1x16xf32> to vector<16xf32>
        %add3A_1948 = arith.addf %add3A_1912, %get3A_1947 : vector<16xf32>
        %add3A_1949 = arith.addf %add3A_1913, %add3A_1948 : vector<16xf32>
        %add3A_1950 = arith.constant 24 : i32
        %add3A_1951 = arith.addi %mul3A_485, %add3A_1950 : i32
        %get3A_1952 = arith.index_cast %rem3A_430 : i32 to index
        %get3A_1953 = arith.index_cast %add3A_1951 : i32 to index
        %get3A_1954 = arith.constant 112 : index
        %get3A_1955 = tpu.vector_load %arg8[%get3A_1952, %get3A_1953, %get3A_1954] {strides = array<i32>} : memref<2x128x128xf32, #tpu.memory_space<vmem>>, vector<1x1x16xf32>,
        %get3A_1956 = vector.shape_cast %get3A_1955 : vector<1x1x16xf32> to vector<16xf32>
        %add3A_1957 = arith.addf %add3A_1921, %get3A_1956 : vector<16xf32>
        %add3A_1958 = arith.addf %add3A_1922, %add3A_1957 : vector<16xf32>
        %add3A_1959 = arith.constant 23 : i32
        %add3A_1960 = arith.addi %mul3A_485, %add3A_1959 : i32
        %get3A_1961 = arith.index_cast %rem3A_430 : i32 to index
        %get3A_1962 = arith.index_cast %add3A_1960 : i32 to index
        %get3A_1963 = arith.constant 64 : index
        %get3A_1964 = tpu.vector_load %arg8[%get3A_1961, %get3A_1962, %get3A_1963] {strides = array<i32>} : memref<2x128x128xf32, #tpu.memory_space<vmem>>, vector<1x1x16xf32>,
        %get3A_1965 = vector.shape_cast %get3A_1964 : vector<1x1x16xf32> to vector<16xf32>
        %add3A_1966 = arith.addf %add3A_1930, %get3A_1965 : vector<16xf32>
        %add3A_1967 = arith.addf %add3A_1931, %add3A_1966 : vector<16xf32>
        %add3A_1968 = arith.constant 23 : i32
        %add3A_1969 = arith.addi %mul3A_485, %add3A_1968 : i32
        %get3A_1970 = arith.index_cast %rem3A_430 : i32 to index
        %get3A_1971 = arith.index_cast %add3A_1969 : i32 to index
        %get3A_1972 = arith.constant 80 : index
        %get3A_1973 = tpu.vector_load %arg8[%get3A_1970, %get3A_1971, %get3A_1972] {strides = array<i32>} : memref<2x128x128xf32, #tpu.memory_space<vmem>>, vector<1x1x16xf32>,
        %get3A_1974 = vector.shape_cast %get3A_1973 : vector<1x1x16xf32> to vector<16xf32>
        %add3A_1975 = arith.addf %add3A_1939, %get3A_1974 : vector<16xf32>
        %add3A_1976 = arith.addf %add3A_1940, %add3A_1975 : vector<16xf32>
        %add3A_1977 = arith.constant 23 : i32
        %add3A_1978 = arith.addi %mul3A_485, %add3A_1977 : i32
        %get3A_1979 = arith.index_cast %rem3A_430 : i32 to index
        %get3A_1980 = arith.index_cast %add3A_1978 : i32 to index
        %get3A_1981 = arith.constant 96 : index
        %get3A_1982 = tpu.vector_load %arg8[%get3A_1979, %get3A_1980, %get3A_1981] {strides = array<i32>} : memref<2x128x128xf32, #tpu.memory_space<vmem>>, vector<1x1x16xf32>,
        %get3A_1983 = vector.shape_cast %get3A_1982 : vector<1x1x16xf32> to vector<16xf32>
        %add3A_1984 = arith.addf %add3A_1948, %get3A_1983 : vector<16xf32>
        %add3A_1985 = arith.addf %add3A_1949, %add3A_1984 : vector<16xf32>
        %add3A_1986 = arith.constant 23 : i32
        %add3A_1987 = arith.addi %mul3A_485, %add3A_1986 : i32
        %get3A_1988 = arith.index_cast %rem3A_430 : i32 to index
        %get3A_1989 = arith.index_cast %add3A_1987 : i32 to index
        %get3A_1990 = arith.constant 112 : index
        %get3A_1991 = tpu.vector_load %arg8[%get3A_1988, %get3A_1989, %get3A_1990] {strides = array<i32>} : memref<2x128x128xf32, #tpu.memory_space<vmem>>, vector<1x1x16xf32>,
        %get3A_1992 = vector.shape_cast %get3A_1991 : vector<1x1x16xf32> to vector<16xf32>
        %add3A_1993 = arith.addf %add3A_1957, %get3A_1992 : vector<16xf32>
        %add3A_1994 = arith.addf %add3A_1958, %add3A_1993 : vector<16xf32>
        %add3A_1995 = arith.constant 22 : i32
        %add3A_1996 = arith.addi %mul3A_485, %add3A_1995 : i32
        %get3A_1997 = arith.index_cast %rem3A_430 : i32 to index
        %get3A_1998 = arith.index_cast %add3A_1996 : i32 to index
        %get3A_1999 = arith.constant 64 : index
        %get3A_2000 = tpu.vector_load %arg8[%get3A_1997, %get3A_1998, %get3A_1999] {strides = array<i32>} : memref<2x128x128xf32, #tpu.memory_space<vmem>>, vector<1x1x16xf32>,
        %get3A_2001 = vector.shape_cast %get3A_2000 : vector<1x1x16xf32> to vector<16xf32>
        %add3A_2002 = arith.addf %add3A_1966, %get3A_2001 : vector<16xf32>
        %add3A_2003 = arith.addf %add3A_1967, %add3A_2002 : vector<16xf32>
        %add3A_2004 = arith.constant 22 : i32
        %add3A_2005 = arith.addi %mul3A_485, %add3A_2004 : i32
        %get3A_2006 = arith.index_cast %rem3A_430 : i32 to index
        %get3A_2007 = arith.index_cast %add3A_2005 : i32 to index
        %get3A_2008 = arith.constant 80 : index
        %get3A_2009 = tpu.vector_load %arg8[%get3A_2006, %get3A_2007, %get3A_2008] {strides = array<i32>} : memref<2x128x128xf32, #tpu.memory_space<vmem>>, vector<1x1x16xf32>,
        %get3A_2010 = vector.shape_cast %get3A_2009 : vector<1x1x16xf32> to vector<16xf32>
        %add3A_2011 = arith.addf %add3A_1975, %get3A_2010 : vector<16xf32>
        %add3A_2012 = arith.addf %add3A_1976, %add3A_2011 : vector<16xf32>
        %add3A_2013 = arith.constant 22 : i32
        %add3A_2014 = arith.addi %mul3A_485, %add3A_2013 : i32
        %get3A_2015 = arith.index_cast %rem3A_430 : i32 to index
        %get3A_2016 = arith.index_cast %add3A_2014 : i32 to index
        %get3A_2017 = arith.constant 96 : index
        %get3A_2018 = tpu.vector_load %arg8[%get3A_2015, %get3A_2016, %get3A_2017] {strides = array<i32>} : memref<2x128x128xf32, #tpu.memory_space<vmem>>, vector<1x1x16xf32>,
        %get3A_2019 = vector.shape_cast %get3A_2018 : vector<1x1x16xf32> to vector<16xf32>
        %add3A_2020 = arith.addf %add3A_1984, %get3A_2019 : vector<16xf32>
        %add3A_2021 = arith.addf %add3A_1985, %add3A_2020 : vector<16xf32>
        %add3A_2022 = arith.constant 22 : i32
        %add3A_2023 = arith.addi %mul3A_485, %add3A_2022 : i32
        %get3A_2024 = arith.index_cast %rem3A_430 : i32 to index
        %get3A_2025 = arith.index_cast %add3A_2023 : i32 to index
        %get3A_2026 = arith.constant 112 : index
        %get3A_2027 = tpu.vector_load %arg8[%get3A_2024, %get3A_2025, %get3A_2026] {strides = array<i32>} : memref<2x128x128xf32, #tpu.memory_space<vmem>>, vector<1x1x16xf32>,
        %get3A_2028 = vector.shape_cast %get3A_2027 : vector<1x1x16xf32> to vector<16xf32>
        %add3A_2029 = arith.addf %add3A_1993, %get3A_2028 : vector<16xf32>
        %add3A_2030 = arith.addf %add3A_1994, %add3A_2029 : vector<16xf32>
        %add3A_2031 = arith.constant 21 : i32
        %add3A_2032 = arith.addi %mul3A_485, %add3A_2031 : i32
        %get3A_2033 = arith.index_cast %rem3A_430 : i32 to index
        %get3A_2034 = arith.index_cast %add3A_2032 : i32 to index
        %get3A_2035 = arith.constant 64 : index
        %get3A_2036 = tpu.vector_load %arg8[%get3A_2033, %get3A_2034, %get3A_2035] {strides = array<i32>} : memref<2x128x128xf32, #tpu.memory_space<vmem>>, vector<1x1x16xf32>,
        %get3A_2037 = vector.shape_cast %get3A_2036 : vector<1x1x16xf32> to vector<16xf32>
        %add3A_2038 = arith.addf %add3A_2002, %get3A_2037 : vector<16xf32>
        %add3A_2039 = arith.addf %add3A_2003, %add3A_2038 : vector<16xf32>
        %add3A_2040 = arith.constant 21 : i32
        %add3A_2041 = arith.addi %mul3A_485, %add3A_2040 : i32
        %get3A_2042 = arith.index_cast %rem3A_430 : i32 to index
        %get3A_2043 = arith.index_cast %add3A_2041 : i32 to index
        %get3A_2044 = arith.constant 80 : index
        %get3A_2045 = tpu.vector_load %arg8[%get3A_2042, %get3A_2043, %get3A_2044] {strides = array<i32>} : memref<2x128x128xf32, #tpu.memory_space<vmem>>, vector<1x1x16xf32>,
        %get3A_2046 = vector.shape_cast %get3A_2045 : vector<1x1x16xf32> to vector<16xf32>
        %add3A_2047 = arith.addf %add3A_2011, %get3A_2046 : vector<16xf32>
        %add3A_2048 = arith.addf %add3A_2012, %add3A_2047 : vector<16xf32>
        %add3A_2049 = arith.constant 21 : i32
        %add3A_2050 = arith.addi %mul3A_485, %add3A_2049 : i32
        %get3A_2051 = arith.index_cast %rem3A_430 : i32 to index
        %get3A_2052 = arith.index_cast %add3A_2050 : i32 to index
        %get3A_2053 = arith.constant 96 : index
        %get3A_2054 = tpu.vector_load %arg8[%get3A_2051, %get3A_2052, %get3A_2053] {strides = array<i32>} : memref<2x128x128xf32, #tpu.memory_space<vmem>>, vector<1x1x16xf32>,
        %get3A_2055 = vector.shape_cast %get3A_2054 : vector<1x1x16xf32> to vector<16xf32>
        %add3A_2056 = arith.addf %add3A_2020, %get3A_2055 : vector<16xf32>
        %add3A_2057 = arith.addf %add3A_2021, %add3A_2056 : vector<16xf32>
        %add3A_2058 = arith.constant 21 : i32
        %add3A_2059 = arith.addi %mul3A_485, %add3A_2058 : i32
        %get3A_2060 = arith.index_cast %rem3A_430 : i32 to index
        %get3A_2061 = arith.index_cast %add3A_2059 : i32 to index
        %get3A_2062 = arith.constant 112 : index
        %get3A_2063 = tpu.vector_load %arg8[%get3A_2060, %get3A_2061, %get3A_2062] {strides = array<i32>} : memref<2x128x128xf32, #tpu.memory_space<vmem>>, vector<1x1x16xf32>,
        %get3A_2064 = vector.shape_cast %get3A_2063 : vector<1x1x16xf32> to vector<16xf32>
        %add3A_2065 = arith.addf %add3A_2029, %get3A_2064 : vector<16xf32>
        %add3A_2066 = arith.addf %add3A_2030, %add3A_2065 : vector<16xf32>
        %add3A_2067 = arith.constant 20 : i32
        %add3A_2068 = arith.addi %mul3A_485, %add3A_2067 : i32
        %get3A_2069 = arith.index_cast %rem3A_430 : i32 to index
        %get3A_2070 = arith.index_cast %add3A_2068 : i32 to index
        %get3A_2071 = arith.constant 64 : index
        %get3A_2072 = tpu.vector_load %arg8[%get3A_2069, %get3A_2070, %get3A_2071] {strides = array<i32>} : memref<2x128x128xf32, #tpu.memory_space<vmem>>, vector<1x1x16xf32>,
        %get3A_2073 = vector.shape_cast %get3A_2072 : vector<1x1x16xf32> to vector<16xf32>
        %add3A_2074 = arith.addf %add3A_2038, %get3A_2073 : vector<16xf32>
        %add3A_2075 = arith.addf %add3A_2039, %add3A_2074 : vector<16xf32>
        %add3A_2076 = arith.constant 20 : i32
        %add3A_2077 = arith.addi %mul3A_485, %add3A_2076 : i32
        %get3A_2078 = arith.index_cast %rem3A_430 : i32 to index
        %get3A_2079 = arith.index_cast %add3A_2077 : i32 to index
        %get3A_2080 = arith.constant 80 : index
        %get3A_2081 = tpu.vector_load %arg8[%get3A_2078, %get3A_2079, %get3A_2080] {strides = array<i32>} : memref<2x128x128xf32, #tpu.memory_space<vmem>>, vector<1x1x16xf32>,
        %get3A_2082 = vector.shape_cast %get3A_2081 : vector<1x1x16xf32> to vector<16xf32>
        %add3A_2083 = arith.addf %add3A_2047, %get3A_2082 : vector<16xf32>
        %add3A_2084 = arith.addf %add3A_2048, %add3A_2083 : vector<16xf32>
        %add3A_2085 = arith.constant 20 : i32
        %add3A_2086 = arith.addi %mul3A_485, %add3A_2085 : i32
        %get3A_2087 = arith.index_cast %rem3A_430 : i32 to index
        %get3A_2088 = arith.index_cast %add3A_2086 : i32 to index
        %get3A_2089 = arith.constant 96 : index
        %get3A_2090 = tpu.vector_load %arg8[%get3A_2087, %get3A_2088, %get3A_2089] {strides = array<i32>} : memref<2x128x128xf32, #tpu.memory_space<vmem>>, vector<1x1x16xf32>,
        %get3A_2091 = vector.shape_cast %get3A_2090 : vector<1x1x16xf32> to vector<16xf32>
        %add3A_2092 = arith.addf %add3A_2056, %get3A_2091 : vector<16xf32>
        %add3A_2093 = arith.addf %add3A_2057, %add3A_2092 : vector<16xf32>
        %add3A_2094 = arith.constant 20 : i32
        %add3A_2095 = arith.addi %mul3A_485, %add3A_2094 : i32
        %get3A_2096 = arith.index_cast %rem3A_430 : i32 to index
        %get3A_2097 = arith.index_cast %add3A_2095 : i32 to index
        %get3A_2098 = arith.constant 112 : index
        %get3A_2099 = tpu.vector_load %arg8[%get3A_2096, %get3A_2097, %get3A_2098] {strides = array<i32>} : memref<2x128x128xf32, #tpu.memory_space<vmem>>, vector<1x1x16xf32>,
        %get3A_2100 = vector.shape_cast %get3A_2099 : vector<1x1x16xf32> to vector<16xf32>
        %add3A_2101 = arith.addf %add3A_2065, %get3A_2100 : vector<16xf32>
        %add3A_2102 = arith.addf %add3A_2066, %add3A_2101 : vector<16xf32>
        %add3A_2103 = arith.constant 19 : i32
        %add3A_2104 = arith.addi %mul3A_485, %add3A_2103 : i32
        %get3A_2105 = arith.index_cast %rem3A_430 : i32 to index
        %get3A_2106 = arith.index_cast %add3A_2104 : i32 to index
        %get3A_2107 = arith.constant 64 : index
        %get3A_2108 = tpu.vector_load %arg8[%get3A_2105, %get3A_2106, %get3A_2107] {strides = array<i32>} : memref<2x128x128xf32, #tpu.memory_space<vmem>>, vector<1x1x16xf32>,
        %get3A_2109 = vector.shape_cast %get3A_2108 : vector<1x1x16xf32> to vector<16xf32>
        %add3A_2110 = arith.addf %add3A_2074, %get3A_2109 : vector<16xf32>
        %add3A_2111 = arith.addf %add3A_2075, %add3A_2110 : vector<16xf32>
        %add3A_2112 = arith.constant 19 : i32
        %add3A_2113 = arith.addi %mul3A_485, %add3A_2112 : i32
        %get3A_2114 = arith.index_cast %rem3A_430 : i32 to index
        %get3A_2115 = arith.index_cast %add3A_2113 : i32 to index
        %get3A_2116 = arith.constant 80 : index
        %get3A_2117 = tpu.vector_load %arg8[%get3A_2114, %get3A_2115, %get3A_2116] {strides = array<i32>} : memref<2x128x128xf32, #tpu.memory_space<vmem>>, vector<1x1x16xf32>,
        %get3A_2118 = vector.shape_cast %get3A_2117 : vector<1x1x16xf32> to vector<16xf32>
        %add3A_2119 = arith.addf %add3A_2083, %get3A_2118 : vector<16xf32>
        %add3A_2120 = arith.addf %add3A_2084, %add3A_2119 : vector<16xf32>
        %add3A_2121 = arith.constant 19 : i32
        %add3A_2122 = arith.addi %mul3A_485, %add3A_2121 : i32
        %get3A_2123 = arith.index_cast %rem3A_430 : i32 to index
        %get3A_2124 = arith.index_cast %add3A_2122 : i32 to index
        %get3A_2125 = arith.constant 96 : index
        %get3A_2126 = tpu.vector_load %arg8[%get3A_2123, %get3A_2124, %get3A_2125] {strides = array<i32>} : memref<2x128x128xf32, #tpu.memory_space<vmem>>, vector<1x1x16xf32>,
        %get3A_2127 = vector.shape_cast %get3A_2126 : vector<1x1x16xf32> to vector<16xf32>
        %add3A_2128 = arith.addf %add3A_2092, %get3A_2127 : vector<16xf32>
        %add3A_2129 = arith.addf %add3A_2093, %add3A_2128 : vector<16xf32>
        %add3A_2130 = arith.constant 19 : i32
        %add3A_2131 = arith.addi %mul3A_485, %add3A_2130 : i32
        %get3A_2132 = arith.index_cast %rem3A_430 : i32 to index
        %get3A_2133 = arith.index_cast %add3A_2131 : i32 to index
        %get3A_2134 = arith.constant 112 : index
        %get3A_2135 = tpu.vector_load %arg8[%get3A_2132, %get3A_2133, %get3A_2134] {strides = array<i32>} : memref<2x128x128xf32, #tpu.memory_space<vmem>>, vector<1x1x16xf32>,
        %get3A_2136 = vector.shape_cast %get3A_2135 : vector<1x1x16xf32> to vector<16xf32>
        %add3A_2137 = arith.addf %add3A_2101, %get3A_2136 : vector<16xf32>
        %add3A_2138 = arith.addf %add3A_2102, %add3A_2137 : vector<16xf32>
        %add3A_2139 = arith.constant 18 : i32
        %add3A_2140 = arith.addi %mul3A_485, %add3A_2139 : i32
        %get3A_2141 = arith.index_cast %rem3A_430 : i32 to index
        %get3A_2142 = arith.index_cast %add3A_2140 : i32 to index
        %get3A_2143 = arith.constant 64 : index
        %get3A_2144 = tpu.vector_load %arg8[%get3A_2141, %get3A_2142, %get3A_2143] {strides = array<i32>} : memref<2x128x128xf32, #tpu.memory_space<vmem>>, vector<1x1x16xf32>,
        %get3A_2145 = vector.shape_cast %get3A_2144 : vector<1x1x16xf32> to vector<16xf32>
        %add3A_2146 = arith.addf %add3A_2110, %get3A_2145 : vector<16xf32>
        %add3A_2147 = arith.addf %add3A_2111, %add3A_2146 : vector<16xf32>
        %add3A_2148 = arith.constant 18 : i32
        %add3A_2149 = arith.addi %mul3A_485, %add3A_2148 : i32
        %get3A_2150 = arith.index_cast %rem3A_430 : i32 to index
        %get3A_2151 = arith.index_cast %add3A_2149 : i32 to index
        %get3A_2152 = arith.constant 80 : index
        %get3A_2153 = tpu.vector_load %arg8[%get3A_2150, %get3A_2151, %get3A_2152] {strides = array<i32>} : memref<2x128x128xf32, #tpu.memory_space<vmem>>, vector<1x1x16xf32>,
        %get3A_2154 = vector.shape_cast %get3A_2153 : vector<1x1x16xf32> to vector<16xf32>
        %add3A_2155 = arith.addf %add3A_2119, %get3A_2154 : vector<16xf32>
        %add3A_2156 = arith.addf %add3A_2120, %add3A_2155 : vector<16xf32>
        %add3A_2157 = arith.constant 18 : i32
        %add3A_2158 = arith.addi %mul3A_485, %add3A_2157 : i32
        %get3A_2159 = arith.index_cast %rem3A_430 : i32 to index
        %get3A_2160 = arith.index_cast %add3A_2158 : i32 to index
        %get3A_2161 = arith.constant 96 : index
        %get3A_2162 = tpu.vector_load %arg8[%get3A_2159, %get3A_2160, %get3A_2161] {strides = array<i32>} : memref<2x128x128xf32, #tpu.memory_space<vmem>>, vector<1x1x16xf32>,
        %get3A_2163 = vector.shape_cast %get3A_2162 : vector<1x1x16xf32> to vector<16xf32>
        %add3A_2164 = arith.addf %add3A_2128, %get3A_2163 : vector<16xf32>
        %add3A_2165 = arith.addf %add3A_2129, %add3A_2164 : vector<16xf32>
        %add3A_2166 = arith.constant 18 : i32
        %add3A_2167 = arith.addi %mul3A_485, %add3A_2166 : i32
        %get3A_2168 = arith.index_cast %rem3A_430 : i32 to index
        %get3A_2169 = arith.index_cast %add3A_2167 : i32 to index
        %get3A_2170 = arith.constant 112 : index
        %get3A_2171 = tpu.vector_load %arg8[%get3A_2168, %get3A_2169, %get3A_2170] {strides = array<i32>} : memref<2x128x128xf32, #tpu.memory_space<vmem>>, vector<1x1x16xf32>,
        %get3A_2172 = vector.shape_cast %get3A_2171 : vector<1x1x16xf32> to vector<16xf32>
        %add3A_2173 = arith.addf %add3A_2137, %get3A_2172 : vector<16xf32>
        %add3A_2174 = arith.addf %add3A_2138, %add3A_2173 : vector<16xf32>
        %add3A_2175 = arith.constant 17 : i32
        %add3A_2176 = arith.addi %mul3A_485, %add3A_2175 : i32
        %get3A_2177 = arith.index_cast %rem3A_430 : i32 to index
        %get3A_2178 = arith.index_cast %add3A_2176 : i32 to index
        %get3A_2179 = arith.constant 64 : index
        %get3A_2180 = tpu.vector_load %arg8[%get3A_2177, %get3A_2178, %get3A_2179] {strides = array<i32>} : memref<2x128x128xf32, #tpu.memory_space<vmem>>, vector<1x1x16xf32>,
        %get3A_2181 = vector.shape_cast %get3A_2180 : vector<1x1x16xf32> to vector<16xf32>
        %add3A_2182 = arith.addf %add3A_2146, %get3A_2181 : vector<16xf32>
        %add3A_2183 = arith.addf %add3A_2147, %add3A_2182 : vector<16xf32>
        %add3A_2184 = arith.constant 17 : i32
        %add3A_2185 = arith.addi %mul3A_485, %add3A_2184 : i32
        %get3A_2186 = arith.index_cast %rem3A_430 : i32 to index
        %get3A_2187 = arith.index_cast %add3A_2185 : i32 to index
        %get3A_2188 = arith.constant 80 : index
        %get3A_2189 = tpu.vector_load %arg8[%get3A_2186, %get3A_2187, %get3A_2188] {strides = array<i32>} : memref<2x128x128xf32, #tpu.memory_space<vmem>>, vector<1x1x16xf32>,
        %get3A_2190 = vector.shape_cast %get3A_2189 : vector<1x1x16xf32> to vector<16xf32>
        %add3A_2191 = arith.addf %add3A_2155, %get3A_2190 : vector<16xf32>
        %add3A_2192 = arith.addf %add3A_2156, %add3A_2191 : vector<16xf32>
        %add3A_2193 = arith.constant 17 : i32
        %add3A_2194 = arith.addi %mul3A_485, %add3A_2193 : i32
        %get3A_2195 = arith.index_cast %rem3A_430 : i32 to index
        %get3A_2196 = arith.index_cast %add3A_2194 : i32 to index
        %get3A_2197 = arith.constant 96 : index
        %get3A_2198 = tpu.vector_load %arg8[%get3A_2195, %get3A_2196, %get3A_2197] {strides = array<i32>} : memref<2x128x128xf32, #tpu.memory_space<vmem>>, vector<1x1x16xf32>,
        %get3A_2199 = vector.shape_cast %get3A_2198 : vector<1x1x16xf32> to vector<16xf32>
        %add3A_2200 = arith.addf %add3A_2164, %get3A_2199 : vector<16xf32>
        %add3A_2201 = arith.addf %add3A_2165, %add3A_2200 : vector<16xf32>
        %add3A_2202 = arith.constant 17 : i32
        %add3A_2203 = arith.addi %mul3A_485, %add3A_2202 : i32
        %get3A_2204 = arith.index_cast %rem3A_430 : i32 to index
        %get3A_2205 = arith.index_cast %add3A_2203 : i32 to index
        %get3A_2206 = arith.constant 112 : index
        %get3A_2207 = tpu.vector_load %arg8[%get3A_2204, %get3A_2205, %get3A_2206] {strides = array<i32>} : memref<2x128x128xf32, #tpu.memory_space<vmem>>, vector<1x1x16xf32>,
        %get3A_2208 = vector.shape_cast %get3A_2207 : vector<1x1x16xf32> to vector<16xf32>
        %add3A_2209 = arith.addf %add3A_2173, %get3A_2208 : vector<16xf32>
        %add3A_2210 = arith.addf %add3A_2174, %add3A_2209 : vector<16xf32>
        %add3A_2211 = arith.constant 16 : i32
        %add3A_2212 = arith.addi %mul3A_485, %add3A_2211 : i32
        %get3A_2213 = arith.index_cast %rem3A_430 : i32 to index
        %get3A_2214 = arith.index_cast %add3A_2212 : i32 to index
        %get3A_2215 = arith.constant 64 : index
        %get3A_2216 = tpu.vector_load %arg8[%get3A_2213, %get3A_2214, %get3A_2215] {strides = array<i32>} : memref<2x128x128xf32, #tpu.memory_space<vmem>>, vector<1x1x16xf32>,
        %get3A_2217 = vector.shape_cast %get3A_2216 : vector<1x1x16xf32> to vector<16xf32>
        %add3A_2218 = arith.addf %add3A_2182, %get3A_2217 : vector<16xf32>
        %add3A_2219 = arith.addf %add3A_2183, %add3A_2218 : vector<16xf32>
        %add3A_2220 = arith.constant 16 : i32
        %add3A_2221 = arith.addi %mul3A_485, %add3A_2220 : i32
        %get3A_2222 = arith.index_cast %rem3A_430 : i32 to index
        %get3A_2223 = arith.index_cast %add3A_2221 : i32 to index
        %get3A_2224 = arith.constant 80 : index
        %get3A_2225 = tpu.vector_load %arg8[%get3A_2222, %get3A_2223, %get3A_2224] {strides = array<i32>} : memref<2x128x128xf32, #tpu.memory_space<vmem>>, vector<1x1x16xf32>,
        %get3A_2226 = vector.shape_cast %get3A_2225 : vector<1x1x16xf32> to vector<16xf32>
        %add3A_2227 = arith.addf %add3A_2191, %get3A_2226 : vector<16xf32>
        %add3A_2228 = arith.addf %add3A_2192, %add3A_2227 : vector<16xf32>
        %add3A_2229 = arith.constant 16 : i32
        %add3A_2230 = arith.addi %mul3A_485, %add3A_2229 : i32
        %get3A_2231 = arith.index_cast %rem3A_430 : i32 to index
        %get3A_2232 = arith.index_cast %add3A_2230 : i32 to index
        %get3A_2233 = arith.constant 96 : index
        %get3A_2234 = tpu.vector_load %arg8[%get3A_2231, %get3A_2232, %get3A_2233] {strides = array<i32>} : memref<2x128x128xf32, #tpu.memory_space<vmem>>, vector<1x1x16xf32>,
        %get3A_2235 = vector.shape_cast %get3A_2234 : vector<1x1x16xf32> to vector<16xf32>
        %add3A_2236 = arith.addf %add3A_2200, %get3A_2235 : vector<16xf32>
        %add3A_2237 = arith.addf %add3A_2201, %add3A_2236 : vector<16xf32>
        %add3A_2238 = arith.constant 16 : i32
        %add3A_2239 = arith.addi %mul3A_485, %add3A_2238 : i32
        %get3A_2240 = arith.index_cast %rem3A_430 : i32 to index
        %get3A_2241 = arith.index_cast %add3A_2239 : i32 to index
        %get3A_2242 = arith.constant 112 : index
        %get3A_2243 = tpu.vector_load %arg8[%get3A_2240, %get3A_2241, %get3A_2242] {strides = array<i32>} : memref<2x128x128xf32, #tpu.memory_space<vmem>>, vector<1x1x16xf32>,
        %get3A_2244 = vector.shape_cast %get3A_2243 : vector<1x1x16xf32> to vector<16xf32>
        %add3A_2245 = arith.addf %add3A_2209, %get3A_2244 : vector<16xf32>
        %add3A_2246 = arith.addf %add3A_2210, %add3A_2245 : vector<16xf32>
        %add3A_2247 = arith.constant 15 : i32
        %add3A_2248 = arith.addi %mul3A_485, %add3A_2247 : i32
        %get3A_2249 = arith.index_cast %rem3A_430 : i32 to index
        %get3A_2250 = arith.index_cast %add3A_2248 : i32 to index
        %get3A_2251 = arith.constant 64 : index
        %get3A_2252 = tpu.vector_load %arg8[%get3A_2249, %get3A_2250, %get3A_2251] {strides = array<i32>} : memref<2x128x128xf32, #tpu.memory_space<vmem>>, vector<1x1x16xf32>,
        %get3A_2253 = vector.shape_cast %get3A_2252 : vector<1x1x16xf32> to vector<16xf32>
        %add3A_2254 = arith.addf %add3A_2218, %get3A_2253 : vector<16xf32>
        %add3A_2255 = arith.addf %add3A_2219, %add3A_2254 : vector<16xf32>
        %add3A_2256 = arith.constant 15 : i32
        %add3A_2257 = arith.addi %mul3A_485, %add3A_2256 : i32
        %get3A_2258 = arith.index_cast %rem3A_430 : i32 to index
        %get3A_2259 = arith.index_cast %add3A_2257 : i32 to index
        %get3A_2260 = arith.constant 80 : index
        %get3A_2261 = tpu.vector_load %arg8[%get3A_2258, %get3A_2259, %get3A_2260] {strides = array<i32>} : memref<2x128x128xf32, #tpu.memory_space<vmem>>, vector<1x1x16xf32>,
        %get3A_2262 = vector.shape_cast %get3A_2261 : vector<1x1x16xf32> to vector<16xf32>
        %add3A_2263 = arith.addf %add3A_2227, %get3A_2262 : vector<16xf32>
        %add3A_2264 = arith.addf %add3A_2228, %add3A_2263 : vector<16xf32>
        %add3A_2265 = arith.constant 15 : i32
        %add3A_2266 = arith.addi %mul3A_485, %add3A_2265 : i32
        %get3A_2267 = arith.index_cast %rem3A_430 : i32 to index
        %get3A_2268 = arith.index_cast %add3A_2266 : i32 to index
        %get3A_2269 = arith.constant 96 : index
        %get3A_2270 = tpu.vector_load %arg8[%get3A_2267, %get3A_2268, %get3A_2269] {strides = array<i32>} : memref<2x128x128xf32, #tpu.memory_space<vmem>>, vector<1x1x16xf32>,
        %get3A_2271 = vector.shape_cast %get3A_2270 : vector<1x1x16xf32> to vector<16xf32>
        %add3A_2272 = arith.addf %add3A_2236, %get3A_2271 : vector<16xf32>
        %add3A_2273 = arith.addf %add3A_2237, %add3A_2272 : vector<16xf32>
        %add3A_2274 = arith.constant 15 : i32
        %add3A_2275 = arith.addi %mul3A_485, %add3A_2274 : i32
        %get3A_2276 = arith.index_cast %rem3A_430 : i32 to index
        %get3A_2277 = arith.index_cast %add3A_2275 : i32 to index
        %get3A_2278 = arith.constant 112 : index
        %get3A_2279 = tpu.vector_load %arg8[%get3A_2276, %get3A_2277, %get3A_2278] {strides = array<i32>} : memref<2x128x128xf32, #tpu.memory_space<vmem>>, vector<1x1x16xf32>,
        %get3A_2280 = vector.shape_cast %get3A_2279 : vector<1x1x16xf32> to vector<16xf32>
        %add3A_2281 = arith.addf %add3A_2245, %get3A_2280 : vector<16xf32>
        %add3A_2282 = arith.addf %add3A_2246, %add3A_2281 : vector<16xf32>
        %add3A_2283 = arith.constant 14 : i32
        %add3A_2284 = arith.addi %mul3A_485, %add3A_2283 : i32
        %get3A_2285 = arith.index_cast %rem3A_430 : i32 to index
        %get3A_2286 = arith.index_cast %add3A_2284 : i32 to index
        %get3A_2287 = arith.constant 64 : index
        %get3A_2288 = tpu.vector_load %arg8[%get3A_2285, %get3A_2286, %get3A_2287] {strides = array<i32>} : memref<2x128x128xf32, #tpu.memory_space<vmem>>, vector<1x1x16xf32>,
        %get3A_2289 = vector.shape_cast %get3A_2288 : vector<1x1x16xf32> to vector<16xf32>
        %add3A_2290 = arith.addf %add3A_2254, %get3A_2289 : vector<16xf32>
        %add3A_2291 = arith.addf %add3A_2255, %add3A_2290 : vector<16xf32>
        %add3A_2292 = arith.constant 14 : i32
        %add3A_2293 = arith.addi %mul3A_485, %add3A_2292 : i32
        %get3A_2294 = arith.index_cast %rem3A_430 : i32 to index
        %get3A_2295 = arith.index_cast %add3A_2293 : i32 to index
        %get3A_2296 = arith.constant 80 : index
        %get3A_2297 = tpu.vector_load %arg8[%get3A_2294, %get3A_2295, %get3A_2296] {strides = array<i32>} : memref<2x128x128xf32, #tpu.memory_space<vmem>>, vector<1x1x16xf32>,
        %get3A_2298 = vector.shape_cast %get3A_2297 : vector<1x1x16xf32> to vector<16xf32>
        %add3A_2299 = arith.addf %add3A_2263, %get3A_2298 : vector<16xf32>
        %add3A_2300 = arith.addf %add3A_2264, %add3A_2299 : vector<16xf32>
        %add3A_2301 = arith.constant 14 : i32
        %add3A_2302 = arith.addi %mul3A_485, %add3A_2301 : i32
        %get3A_2303 = arith.index_cast %rem3A_430 : i32 to index
        %get3A_2304 = arith.index_cast %add3A_2302 : i32 to index
        %get3A_2305 = arith.constant 96 : index
        %get3A_2306 = tpu.vector_load %arg8[%get3A_2303, %get3A_2304, %get3A_2305] {strides = array<i32>} : memref<2x128x128xf32, #tpu.memory_space<vmem>>, vector<1x1x16xf32>,
        %get3A_2307 = vector.shape_cast %get3A_2306 : vector<1x1x16xf32> to vector<16xf32>
        %add3A_2308 = arith.addf %add3A_2272, %get3A_2307 : vector<16xf32>
        %add3A_2309 = arith.addf %add3A_2273, %add3A_2308 : vector<16xf32>
        %add3A_2310 = arith.constant 14 : i32
        %add3A_2311 = arith.addi %mul3A_485, %add3A_2310 : i32
        %get3A_2312 = arith.index_cast %rem3A_430 : i32 to index
        %get3A_2313 = arith.index_cast %add3A_2311 : i32 to index
        %get3A_2314 = arith.constant 112 : index
        %get3A_2315 = tpu.vector_load %arg8[%get3A_2312, %get3A_2313, %get3A_2314] {strides = array<i32>} : memref<2x128x128xf32, #tpu.memory_space<vmem>>, vector<1x1x16xf32>,
        %get3A_2316 = vector.shape_cast %get3A_2315 : vector<1x1x16xf32> to vector<16xf32>
        %add3A_2317 = arith.addf %add3A_2281, %get3A_2316 : vector<16xf32>
        %add3A_2318 = arith.addf %add3A_2282, %add3A_2317 : vector<16xf32>
        %add3A_2319 = arith.constant 13 : i32
        %add3A_2320 = arith.addi %mul3A_485, %add3A_2319 : i32
        %get3A_2321 = arith.index_cast %rem3A_430 : i32 to index
        %get3A_2322 = arith.index_cast %add3A_2320 : i32 to index
        %get3A_2323 = arith.constant 64 : index
        %get3A_2324 = tpu.vector_load %arg8[%get3A_2321, %get3A_2322, %get3A_2323] {strides = array<i32>} : memref<2x128x128xf32, #tpu.memory_space<vmem>>, vector<1x1x16xf32>,
        %get3A_2325 = vector.shape_cast %get3A_2324 : vector<1x1x16xf32> to vector<16xf32>
        %add3A_2326 = arith.addf %add3A_2290, %get3A_2325 : vector<16xf32>
        %add3A_2327 = arith.addf %add3A_2291, %add3A_2326 : vector<16xf32>
        %add3A_2328 = arith.constant 13 : i32
        %add3A_2329 = arith.addi %mul3A_485, %add3A_2328 : i32
        %get3A_2330 = arith.index_cast %rem3A_430 : i32 to index
        %get3A_2331 = arith.index_cast %add3A_2329 : i32 to index
        %get3A_2332 = arith.constant 80 : index
        %get3A_2333 = tpu.vector_load %arg8[%get3A_2330, %get3A_2331, %get3A_2332] {strides = array<i32>} : memref<2x128x128xf32, #tpu.memory_space<vmem>>, vector<1x1x16xf32>,
        %get3A_2334 = vector.shape_cast %get3A_2333 : vector<1x1x16xf32> to vector<16xf32>
        %add3A_2335 = arith.addf %add3A_2299, %get3A_2334 : vector<16xf32>
        %add3A_2336 = arith.addf %add3A_2300, %add3A_2335 : vector<16xf32>
        %add3A_2337 = arith.constant 13 : i32
        %add3A_2338 = arith.addi %mul3A_485, %add3A_2337 : i32
        %get3A_2339 = arith.index_cast %rem3A_430 : i32 to index
        %get3A_2340 = arith.index_cast %add3A_2338 : i32 to index
        %get3A_2341 = arith.constant 96 : index
        %get3A_2342 = tpu.vector_load %arg8[%get3A_2339, %get3A_2340, %get3A_2341] {strides = array<i32>} : memref<2x128x128xf32, #tpu.memory_space<vmem>>, vector<1x1x16xf32>,
        %get3A_2343 = vector.shape_cast %get3A_2342 : vector<1x1x16xf32> to vector<16xf32>
        %add3A_2344 = arith.addf %add3A_2308, %get3A_2343 : vector<16xf32>
        %add3A_2345 = arith.addf %add3A_2309, %add3A_2344 : vector<16xf32>
        %add3A_2346 = arith.constant 13 : i32
        %add3A_2347 = arith.addi %mul3A_485, %add3A_2346 : i32
        %get3A_2348 = arith.index_cast %rem3A_430 : i32 to index
        %get3A_2349 = arith.index_cast %add3A_2347 : i32 to index
        %get3A_2350 = arith.constant 112 : index
        %get3A_2351 = tpu.vector_load %arg8[%get3A_2348, %get3A_2349, %get3A_2350] {strides = array<i32>} : memref<2x128x128xf32, #tpu.memory_space<vmem>>, vector<1x1x16xf32>,
        %get3A_2352 = vector.shape_cast %get3A_2351 : vector<1x1x16xf32> to vector<16xf32>
        %add3A_2353 = arith.addf %add3A_2317, %get3A_2352 : vector<16xf32>
        %add3A_2354 = arith.addf %add3A_2318, %add3A_2353 : vector<16xf32>
        %add3A_2355 = arith.constant 12 : i32
        %add3A_2356 = arith.addi %mul3A_485, %add3A_2355 : i32
        %get3A_2357 = arith.index_cast %rem3A_430 : i32 to index
        %get3A_2358 = arith.index_cast %add3A_2356 : i32 to index
        %get3A_2359 = arith.constant 64 : index
        %get3A_2360 = tpu.vector_load %arg8[%get3A_2357, %get3A_2358, %get3A_2359] {strides = array<i32>} : memref<2x128x128xf32, #tpu.memory_space<vmem>>, vector<1x1x16xf32>,
        %get3A_2361 = vector.shape_cast %get3A_2360 : vector<1x1x16xf32> to vector<16xf32>
        %add3A_2362 = arith.addf %add3A_2326, %get3A_2361 : vector<16xf32>
        %add3A_2363 = arith.addf %add3A_2327, %add3A_2362 : vector<16xf32>
        %add3A_2364 = arith.constant 12 : i32
        %add3A_2365 = arith.addi %mul3A_485, %add3A_2364 : i32
        %get3A_2366 = arith.index_cast %rem3A_430 : i32 to index
        %get3A_2367 = arith.index_cast %add3A_2365 : i32 to index
        %get3A_2368 = arith.constant 80 : index
        %get3A_2369 = tpu.vector_load %arg8[%get3A_2366, %get3A_2367, %get3A_2368] {strides = array<i32>} : memref<2x128x128xf32, #tpu.memory_space<vmem>>, vector<1x1x16xf32>,
        %get3A_2370 = vector.shape_cast %get3A_2369 : vector<1x1x16xf32> to vector<16xf32>
        %add3A_2371 = arith.addf %add3A_2335, %get3A_2370 : vector<16xf32>
        %add3A_2372 = arith.addf %add3A_2336, %add3A_2371 : vector<16xf32>
        %add3A_2373 = arith.constant 12 : i32
        %add3A_2374 = arith.addi %mul3A_485, %add3A_2373 : i32
        %get3A_2375 = arith.index_cast %rem3A_430 : i32 to index
        %get3A_2376 = arith.index_cast %add3A_2374 : i32 to index
        %get3A_2377 = arith.constant 96 : index
        %get3A_2378 = tpu.vector_load %arg8[%get3A_2375, %get3A_2376, %get3A_2377] {strides = array<i32>} : memref<2x128x128xf32, #tpu.memory_space<vmem>>, vector<1x1x16xf32>,
        %get3A_2379 = vector.shape_cast %get3A_2378 : vector<1x1x16xf32> to vector<16xf32>
        %add3A_2380 = arith.addf %add3A_2344, %get3A_2379 : vector<16xf32>
        %add3A_2381 = arith.addf %add3A_2345, %add3A_2380 : vector<16xf32>
        %add3A_2382 = arith.constant 12 : i32
        %add3A_2383 = arith.addi %mul3A_485, %add3A_2382 : i32
        %get3A_2384 = arith.index_cast %rem3A_430 : i32 to index
        %get3A_2385 = arith.index_cast %add3A_2383 : i32 to index
        %get3A_2386 = arith.constant 112 : index
        %get3A_2387 = tpu.vector_load %arg8[%get3A_2384, %get3A_2385, %get3A_2386] {strides = array<i32>} : memref<2x128x128xf32, #tpu.memory_space<vmem>>, vector<1x1x16xf32>,
        %get3A_2388 = vector.shape_cast %get3A_2387 : vector<1x1x16xf32> to vector<16xf32>
        %add3A_2389 = arith.addf %add3A_2353, %get3A_2388 : vector<16xf32>
        %add3A_2390 = arith.addf %add3A_2354, %add3A_2389 : vector<16xf32>
        %add3A_2391 = arith.constant 11 : i32
        %add3A_2392 = arith.addi %mul3A_485, %add3A_2391 : i32
        %get3A_2393 = arith.index_cast %rem3A_430 : i32 to index
        %get3A_2394 = arith.index_cast %add3A_2392 : i32 to index
        %get3A_2395 = arith.constant 64 : index
        %get3A_2396 = tpu.vector_load %arg8[%get3A_2393, %get3A_2394, %get3A_2395] {strides = array<i32>} : memref<2x128x128xf32, #tpu.memory_space<vmem>>, vector<1x1x16xf32>,
        %get3A_2397 = vector.shape_cast %get3A_2396 : vector<1x1x16xf32> to vector<16xf32>
        %add3A_2398 = arith.addf %add3A_2362, %get3A_2397 : vector<16xf32>
        %add3A_2399 = arith.addf %add3A_2363, %add3A_2398 : vector<16xf32>
        %add3A_2400 = arith.constant 11 : i32
        %add3A_2401 = arith.addi %mul3A_485, %add3A_2400 : i32
        %get3A_2402 = arith.index_cast %rem3A_430 : i32 to index
        %get3A_2403 = arith.index_cast %add3A_2401 : i32 to index
        %get3A_2404 = arith.constant 80 : index
        %get3A_2405 = tpu.vector_load %arg8[%get3A_2402, %get3A_2403, %get3A_2404] {strides = array<i32>} : memref<2x128x128xf32, #tpu.memory_space<vmem>>, vector<1x1x16xf32>,
        %get3A_2406 = vector.shape_cast %get3A_2405 : vector<1x1x16xf32> to vector<16xf32>
        %add3A_2407 = arith.addf %add3A_2371, %get3A_2406 : vector<16xf32>
        %add3A_2408 = arith.addf %add3A_2372, %add3A_2407 : vector<16xf32>
        %add3A_2409 = arith.constant 11 : i32
        %add3A_2410 = arith.addi %mul3A_485, %add3A_2409 : i32
        %get3A_2411 = arith.index_cast %rem3A_430 : i32 to index
        %get3A_2412 = arith.index_cast %add3A_2410 : i32 to index
        %get3A_2413 = arith.constant 96 : index
        %get3A_2414 = tpu.vector_load %arg8[%get3A_2411, %get3A_2412, %get3A_2413] {strides = array<i32>} : memref<2x128x128xf32, #tpu.memory_space<vmem>>, vector<1x1x16xf32>,
        %get3A_2415 = vector.shape_cast %get3A_2414 : vector<1x1x16xf32> to vector<16xf32>
        %add3A_2416 = arith.addf %add3A_2380, %get3A_2415 : vector<16xf32>
        %add3A_2417 = arith.addf %add3A_2381, %add3A_2416 : vector<16xf32>
        %add3A_2418 = arith.constant 11 : i32
        %add3A_2419 = arith.addi %mul3A_485, %add3A_2418 : i32
        %get3A_2420 = arith.index_cast %rem3A_430 : i32 to index
        %get3A_2421 = arith.index_cast %add3A_2419 : i32 to index
        %get3A_2422 = arith.constant 112 : index
        %get3A_2423 = tpu.vector_load %arg8[%get3A_2420, %get3A_2421, %get3A_2422] {strides = array<i32>} : memref<2x128x128xf32, #tpu.memory_space<vmem>>, vector<1x1x16xf32>,
        %get3A_2424 = vector.shape_cast %get3A_2423 : vector<1x1x16xf32> to vector<16xf32>
        %add3A_2425 = arith.addf %add3A_2389, %get3A_2424 : vector<16xf32>
        %add3A_2426 = arith.addf %add3A_2390, %add3A_2425 : vector<16xf32>
        %add3A_2427 = arith.constant 10 : i32
        %add3A_2428 = arith.addi %mul3A_485, %add3A_2427 : i32
        %get3A_2429 = arith.index_cast %rem3A_430 : i32 to index
        %get3A_2430 = arith.index_cast %add3A_2428 : i32 to index
        %get3A_2431 = arith.constant 64 : index
        %get3A_2432 = tpu.vector_load %arg8[%get3A_2429, %get3A_2430, %get3A_2431] {strides = array<i32>} : memref<2x128x128xf32, #tpu.memory_space<vmem>>, vector<1x1x16xf32>,
        %get3A_2433 = vector.shape_cast %get3A_2432 : vector<1x1x16xf32> to vector<16xf32>
        %add3A_2434 = arith.addf %add3A_2398, %get3A_2433 : vector<16xf32>
        %add3A_2435 = arith.addf %add3A_2399, %add3A_2434 : vector<16xf32>
        %add3A_2436 = arith.constant 10 : i32
        %add3A_2437 = arith.addi %mul3A_485, %add3A_2436 : i32
        %get3A_2438 = arith.index_cast %rem3A_430 : i32 to index
        %get3A_2439 = arith.index_cast %add3A_2437 : i32 to index
        %get3A_2440 = arith.constant 80 : index
        %get3A_2441 = tpu.vector_load %arg8[%get3A_2438, %get3A_2439, %get3A_2440] {strides = array<i32>} : memref<2x128x128xf32, #tpu.memory_space<vmem>>, vector<1x1x16xf32>,
        %get3A_2442 = vector.shape_cast %get3A_2441 : vector<1x1x16xf32> to vector<16xf32>
        %add3A_2443 = arith.addf %add3A_2407, %get3A_2442 : vector<16xf32>
        %add3A_2444 = arith.addf %add3A_2408, %add3A_2443 : vector<16xf32>
        %add3A_2445 = arith.constant 10 : i32
        %add3A_2446 = arith.addi %mul3A_485, %add3A_2445 : i32
        %get3A_2447 = arith.index_cast %rem3A_430 : i32 to index
        %get3A_2448 = arith.index_cast %add3A_2446 : i32 to index
        %get3A_2449 = arith.constant 96 : index
        %get3A_2450 = tpu.vector_load %arg8[%get3A_2447, %get3A_2448, %get3A_2449] {strides = array<i32>} : memref<2x128x128xf32, #tpu.memory_space<vmem>>, vector<1x1x16xf32>,
        %get3A_2451 = vector.shape_cast %get3A_2450 : vector<1x1x16xf32> to vector<16xf32>
        %add3A_2452 = arith.addf %add3A_2416, %get3A_2451 : vector<16xf32>
        %add3A_2453 = arith.addf %add3A_2417, %add3A_2452 : vector<16xf32>
        %add3A_2454 = arith.constant 10 : i32
        %add3A_2455 = arith.addi %mul3A_485, %add3A_2454 : i32
        %get3A_2456 = arith.index_cast %rem3A_430 : i32 to index
        %get3A_2457 = arith.index_cast %add3A_2455 : i32 to index
        %get3A_2458 = arith.constant 112 : index
        %get3A_2459 = tpu.vector_load %arg8[%get3A_2456, %get3A_2457, %get3A_2458] {strides = array<i32>} : memref<2x128x128xf32, #tpu.memory_space<vmem>>, vector<1x1x16xf32>,
        %get3A_2460 = vector.shape_cast %get3A_2459 : vector<1x1x16xf32> to vector<16xf32>
        %add3A_2461 = arith.addf %add3A_2425, %get3A_2460 : vector<16xf32>
        %add3A_2462 = arith.addf %add3A_2426, %add3A_2461 : vector<16xf32>
        %add3A_2463 = arith.constant 9 : i32
        %add3A_2464 = arith.addi %mul3A_485, %add3A_2463 : i32
        %get3A_2465 = arith.index_cast %rem3A_430 : i32 to index
        %get3A_2466 = arith.index_cast %add3A_2464 : i32 to index
        %get3A_2467 = arith.constant 64 : index
        %get3A_2468 = tpu.vector_load %arg8[%get3A_2465, %get3A_2466, %get3A_2467] {strides = array<i32>} : memref<2x128x128xf32, #tpu.memory_space<vmem>>, vector<1x1x16xf32>,
        %get3A_2469 = vector.shape_cast %get3A_2468 : vector<1x1x16xf32> to vector<16xf32>
        %add3A_2470 = arith.addf %add3A_2434, %get3A_2469 : vector<16xf32>
        %add3A_2471 = arith.addf %add3A_2435, %add3A_2470 : vector<16xf32>
        %add3A_2472 = arith.constant 9 : i32
        %add3A_2473 = arith.addi %mul3A_485, %add3A_2472 : i32
        %get3A_2474 = arith.index_cast %rem3A_430 : i32 to index
        %get3A_2475 = arith.index_cast %add3A_2473 : i32 to index
        %get3A_2476 = arith.constant 80 : index
        %get3A_2477 = tpu.vector_load %arg8[%get3A_2474, %get3A_2475, %get3A_2476] {strides = array<i32>} : memref<2x128x128xf32, #tpu.memory_space<vmem>>, vector<1x1x16xf32>,
        %get3A_2478 = vector.shape_cast %get3A_2477 : vector<1x1x16xf32> to vector<16xf32>
        %add3A_2479 = arith.addf %add3A_2443, %get3A_2478 : vector<16xf32>
        %add3A_2480 = arith.addf %add3A_2444, %add3A_2479 : vector<16xf32>
        %add3A_2481 = arith.constant 9 : i32
        %add3A_2482 = arith.addi %mul3A_485, %add3A_2481 : i32
        %get3A_2483 = arith.index_cast %rem3A_430 : i32 to index
        %get3A_2484 = arith.index_cast %add3A_2482 : i32 to index
        %get3A_2485 = arith.constant 96 : index
        %get3A_2486 = tpu.vector_load %arg8[%get3A_2483, %get3A_2484, %get3A_2485] {strides = array<i32>} : memref<2x128x128xf32, #tpu.memory_space<vmem>>, vector<1x1x16xf32>,
        %get3A_2487 = vector.shape_cast %get3A_2486 : vector<1x1x16xf32> to vector<16xf32>
        %add3A_2488 = arith.addf %add3A_2452, %get3A_2487 : vector<16xf32>
        %add3A_2489 = arith.addf %add3A_2453, %add3A_2488 : vector<16xf32>
        %add3A_2490 = arith.constant 9 : i32
        %add3A_2491 = arith.addi %mul3A_485, %add3A_2490 : i32
        %get3A_2492 = arith.index_cast %rem3A_430 : i32 to index
        %get3A_2493 = arith.index_cast %add3A_2491 : i32 to index
        %get3A_2494 = arith.constant 112 : index
        %get3A_2495 = tpu.vector_load %arg8[%get3A_2492, %get3A_2493, %get3A_2494] {strides = array<i32>} : memref<2x128x128xf32, #tpu.memory_space<vmem>>, vector<1x1x16xf32>,
        %get3A_2496 = vector.shape_cast %get3A_2495 : vector<1x1x16xf32> to vector<16xf32>
        %add3A_2497 = arith.addf %add3A_2461, %get3A_2496 : vector<16xf32>
        %add3A_2498 = arith.addf %add3A_2462, %add3A_2497 : vector<16xf32>
        %add3A_2499 = arith.constant 8 : i32
        %add3A_2500 = arith.addi %mul3A_485, %add3A_2499 : i32
        %get3A_2501 = arith.index_cast %rem3A_430 : i32 to index
        %get3A_2502 = arith.index_cast %add3A_2500 : i32 to index
        %get3A_2503 = arith.constant 64 : index
        %get3A_2504 = tpu.vector_load %arg8[%get3A_2501, %get3A_2502, %get3A_2503] {strides = array<i32>} : memref<2x128x128xf32, #tpu.memory_space<vmem>>, vector<1x1x16xf32>,
        %get3A_2505 = vector.shape_cast %get3A_2504 : vector<1x1x16xf32> to vector<16xf32>
        %add3A_2506 = arith.addf %add3A_2470, %get3A_2505 : vector<16xf32>
        %add3A_2507 = arith.addf %add3A_2471, %add3A_2506 : vector<16xf32>
        %add3A_2508 = arith.constant 8 : i32
        %add3A_2509 = arith.addi %mul3A_485, %add3A_2508 : i32
        %get3A_2510 = arith.index_cast %rem3A_430 : i32 to index
        %get3A_2511 = arith.index_cast %add3A_2509 : i32 to index
        %get3A_2512 = arith.constant 80 : index
        %get3A_2513 = tpu.vector_load %arg8[%get3A_2510, %get3A_2511, %get3A_2512] {strides = array<i32>} : memref<2x128x128xf32, #tpu.memory_space<vmem>>, vector<1x1x16xf32>,
        %get3A_2514 = vector.shape_cast %get3A_2513 : vector<1x1x16xf32> to vector<16xf32>
        %add3A_2515 = arith.addf %add3A_2479, %get3A_2514 : vector<16xf32>
        %add3A_2516 = arith.addf %add3A_2480, %add3A_2515 : vector<16xf32>
        %add3A_2517 = arith.constant 8 : i32
        %add3A_2518 = arith.addi %mul3A_485, %add3A_2517 : i32
        %get3A_2519 = arith.index_cast %rem3A_430 : i32 to index
        %get3A_2520 = arith.index_cast %add3A_2518 : i32 to index
        %get3A_2521 = arith.constant 96 : index
        %get3A_2522 = tpu.vector_load %arg8[%get3A_2519, %get3A_2520, %get3A_2521] {strides = array<i32>} : memref<2x128x128xf32, #tpu.memory_space<vmem>>, vector<1x1x16xf32>,
        %get3A_2523 = vector.shape_cast %get3A_2522 : vector<1x1x16xf32> to vector<16xf32>
        %add3A_2524 = arith.addf %add3A_2488, %get3A_2523 : vector<16xf32>
        %add3A_2525 = arith.addf %add3A_2489, %add3A_2524 : vector<16xf32>
        %add3A_2526 = arith.constant 8 : i32
        %add3A_2527 = arith.addi %mul3A_485, %add3A_2526 : i32
        %get3A_2528 = arith.index_cast %rem3A_430 : i32 to index
        %get3A_2529 = arith.index_cast %add3A_2527 : i32 to index
        %get3A_2530 = arith.constant 112 : index
        %get3A_2531 = tpu.vector_load %arg8[%get3A_2528, %get3A_2529, %get3A_2530] {strides = array<i32>} : memref<2x128x128xf32, #tpu.memory_space<vmem>>, vector<1x1x16xf32>,
        %get3A_2532 = vector.shape_cast %get3A_2531 : vector<1x1x16xf32> to vector<16xf32>
        %add3A_2533 = arith.addf %add3A_2497, %get3A_2532 : vector<16xf32>
        %add3A_2534 = arith.addf %add3A_2498, %add3A_2533 : vector<16xf32>
        %add3A_2535 = arith.constant 7 : i32
        %add3A_2536 = arith.addi %mul3A_485, %add3A_2535 : i32
        %get3A_2537 = arith.index_cast %rem3A_430 : i32 to index
        %get3A_2538 = arith.index_cast %add3A_2536 : i32 to index
        %get3A_2539 = arith.constant 64 : index
        %get3A_2540 = tpu.vector_load %arg8[%get3A_2537, %get3A_2538, %get3A_2539] {strides = array<i32>} : memref<2x128x128xf32, #tpu.memory_space<vmem>>, vector<1x1x16xf32>,
        %get3A_2541 = vector.shape_cast %get3A_2540 : vector<1x1x16xf32> to vector<16xf32>
        %add3A_2542 = arith.addf %add3A_2506, %get3A_2541 : vector<16xf32>
        %add3A_2543 = arith.addf %add3A_2507, %add3A_2542 : vector<16xf32>
        %add3A_2544 = arith.constant 7 : i32
        %add3A_2545 = arith.addi %mul3A_485, %add3A_2544 : i32
        %get3A_2546 = arith.index_cast %rem3A_430 : i32 to index
        %get3A_2547 = arith.index_cast %add3A_2545 : i32 to index
        %get3A_2548 = arith.constant 80 : index
        %get3A_2549 = tpu.vector_load %arg8[%get3A_2546, %get3A_2547, %get3A_2548] {strides = array<i32>} : memref<2x128x128xf32, #tpu.memory_space<vmem>>, vector<1x1x16xf32>,
        %get3A_2550 = vector.shape_cast %get3A_2549 : vector<1x1x16xf32> to vector<16xf32>
        %add3A_2551 = arith.addf %add3A_2515, %get3A_2550 : vector<16xf32>
        %add3A_2552 = arith.addf %add3A_2516, %add3A_2551 : vector<16xf32>
        %add3A_2553 = arith.constant 7 : i32
        %add3A_2554 = arith.addi %mul3A_485, %add3A_2553 : i32
        %get3A_2555 = arith.index_cast %rem3A_430 : i32 to index
        %get3A_2556 = arith.index_cast %add3A_2554 : i32 to index
        %get3A_2557 = arith.constant 96 : index
        %get3A_2558 = tpu.vector_load %arg8[%get3A_2555, %get3A_2556, %get3A_2557] {strides = array<i32>} : memref<2x128x128xf32, #tpu.memory_space<vmem>>, vector<1x1x16xf32>,
        %get3A_2559 = vector.shape_cast %get3A_2558 : vector<1x1x16xf32> to vector<16xf32>
        %add3A_2560 = arith.addf %add3A_2524, %get3A_2559 : vector<16xf32>
        %add3A_2561 = arith.addf %add3A_2525, %add3A_2560 : vector<16xf32>
        %add3A_2562 = arith.constant 7 : i32
        %add3A_2563 = arith.addi %mul3A_485, %add3A_2562 : i32
        %get3A_2564 = arith.index_cast %rem3A_430 : i32 to index
        %get3A_2565 = arith.index_cast %add3A_2563 : i32 to index
        %get3A_2566 = arith.constant 112 : index
        %get3A_2567 = tpu.vector_load %arg8[%get3A_2564, %get3A_2565, %get3A_2566] {strides = array<i32>} : memref<2x128x128xf32, #tpu.memory_space<vmem>>, vector<1x1x16xf32>,
        %get3A_2568 = vector.shape_cast %get3A_2567 : vector<1x1x16xf32> to vector<16xf32>
        %add3A_2569 = arith.addf %add3A_2533, %get3A_2568 : vector<16xf32>
        %add3A_2570 = arith.addf %add3A_2534, %add3A_2569 : vector<16xf32>
        %add3A_2571 = arith.constant 6 : i32
        %add3A_2572 = arith.addi %mul3A_485, %add3A_2571 : i32
        %get3A_2573 = arith.index_cast %rem3A_430 : i32 to index
        %get3A_2574 = arith.index_cast %add3A_2572 : i32 to index
        %get3A_2575 = arith.constant 64 : index
        %get3A_2576 = tpu.vector_load %arg8[%get3A_2573, %get3A_2574, %get3A_2575] {strides = array<i32>} : memref<2x128x128xf32, #tpu.memory_space<vmem>>, vector<1x1x16xf32>,
        %get3A_2577 = vector.shape_cast %get3A_2576 : vector<1x1x16xf32> to vector<16xf32>
        %add3A_2578 = arith.addf %add3A_2542, %get3A_2577 : vector<16xf32>
        %add3A_2579 = arith.addf %add3A_2543, %add3A_2578 : vector<16xf32>
        %add3A_2580 = arith.constant 6 : i32
        %add3A_2581 = arith.addi %mul3A_485, %add3A_2580 : i32
        %get3A_2582 = arith.index_cast %rem3A_430 : i32 to index
        %get3A_2583 = arith.index_cast %add3A_2581 : i32 to index
        %get3A_2584 = arith.constant 80 : index
        %get3A_2585 = tpu.vector_load %arg8[%get3A_2582, %get3A_2583, %get3A_2584] {strides = array<i32>} : memref<2x128x128xf32, #tpu.memory_space<vmem>>, vector<1x1x16xf32>,
        %get3A_2586 = vector.shape_cast %get3A_2585 : vector<1x1x16xf32> to vector<16xf32>
        %add3A_2587 = arith.addf %add3A_2551, %get3A_2586 : vector<16xf32>
        %add3A_2588 = arith.addf %add3A_2552, %add3A_2587 : vector<16xf32>
        %add3A_2589 = arith.constant 6 : i32
        %add3A_2590 = arith.addi %mul3A_485, %add3A_2589 : i32
        %get3A_2591 = arith.index_cast %rem3A_430 : i32 to index
        %get3A_2592 = arith.index_cast %add3A_2590 : i32 to index
        %get3A_2593 = arith.constant 96 : index
        %get3A_2594 = tpu.vector_load %arg8[%get3A_2591, %get3A_2592, %get3A_2593] {strides = array<i32>} : memref<2x128x128xf32, #tpu.memory_space<vmem>>, vector<1x1x16xf32>,
        %get3A_2595 = vector.shape_cast %get3A_2594 : vector<1x1x16xf32> to vector<16xf32>
        %add3A_2596 = arith.addf %add3A_2560, %get3A_2595 : vector<16xf32>
        %add3A_2597 = arith.addf %add3A_2561, %add3A_2596 : vector<16xf32>
        %add3A_2598 = arith.constant 6 : i32
        %add3A_2599 = arith.addi %mul3A_485, %add3A_2598 : i32
        %get3A_2600 = arith.index_cast %rem3A_430 : i32 to index
        %get3A_2601 = arith.index_cast %add3A_2599 : i32 to index
        %get3A_2602 = arith.constant 112 : index
        %get3A_2603 = tpu.vector_load %arg8[%get3A_2600, %get3A_2601, %get3A_2602] {strides = array<i32>} : memref<2x128x128xf32, #tpu.memory_space<vmem>>, vector<1x1x16xf32>,
        %get3A_2604 = vector.shape_cast %get3A_2603 : vector<1x1x16xf32> to vector<16xf32>
        %add3A_2605 = arith.addf %add3A_2569, %get3A_2604 : vector<16xf32>
        %add3A_2606 = arith.addf %add3A_2570, %add3A_2605 : vector<16xf32>
        %add3A_2607 = arith.constant 5 : i32
        %add3A_2608 = arith.addi %mul3A_485, %add3A_2607 : i32
        %get3A_2609 = arith.index_cast %rem3A_430 : i32 to index
        %get3A_2610 = arith.index_cast %add3A_2608 : i32 to index
        %get3A_2611 = arith.constant 64 : index
        %get3A_2612 = tpu.vector_load %arg8[%get3A_2609, %get3A_2610, %get3A_2611] {strides = array<i32>} : memref<2x128x128xf32, #tpu.memory_space<vmem>>, vector<1x1x16xf32>,
        %get3A_2613 = vector.shape_cast %get3A_2612 : vector<1x1x16xf32> to vector<16xf32>
        %add3A_2614 = arith.addf %add3A_2578, %get3A_2613 : vector<16xf32>
        %add3A_2615 = arith.addf %add3A_2579, %add3A_2614 : vector<16xf32>
        %add3A_2616 = arith.constant 5 : i32
        %add3A_2617 = arith.addi %mul3A_485, %add3A_2616 : i32
        %get3A_2618 = arith.index_cast %rem3A_430 : i32 to index
        %get3A_2619 = arith.index_cast %add3A_2617 : i32 to index
        %get3A_2620 = arith.constant 80 : index
        %get3A_2621 = tpu.vector_load %arg8[%get3A_2618, %get3A_2619, %get3A_2620] {strides = array<i32>} : memref<2x128x128xf32, #tpu.memory_space<vmem>>, vector<1x1x16xf32>,
        %get3A_2622 = vector.shape_cast %get3A_2621 : vector<1x1x16xf32> to vector<16xf32>
        %add3A_2623 = arith.addf %add3A_2587, %get3A_2622 : vector<16xf32>
        %add3A_2624 = arith.addf %add3A_2588, %add3A_2623 : vector<16xf32>
        %add3A_2625 = arith.constant 5 : i32
        %add3A_2626 = arith.addi %mul3A_485, %add3A_2625 : i32
        %get3A_2627 = arith.index_cast %rem3A_430 : i32 to index
        %get3A_2628 = arith.index_cast %add3A_2626 : i32 to index
        %get3A_2629 = arith.constant 96 : index
        %get3A_2630 = tpu.vector_load %arg8[%get3A_2627, %get3A_2628, %get3A_2629] {strides = array<i32>} : memref<2x128x128xf32, #tpu.memory_space<vmem>>, vector<1x1x16xf32>,
        %get3A_2631 = vector.shape_cast %get3A_2630 : vector<1x1x16xf32> to vector<16xf32>
        %add3A_2632 = arith.addf %add3A_2596, %get3A_2631 : vector<16xf32>
        %add3A_2633 = arith.addf %add3A_2597, %add3A_2632 : vector<16xf32>
        %add3A_2634 = arith.constant 5 : i32
        %add3A_2635 = arith.addi %mul3A_485, %add3A_2634 : i32
        %get3A_2636 = arith.index_cast %rem3A_430 : i32 to index
        %get3A_2637 = arith.index_cast %add3A_2635 : i32 to index
        %get3A_2638 = arith.constant 112 : index
        %get3A_2639 = tpu.vector_load %arg8[%get3A_2636, %get3A_2637, %get3A_2638] {strides = array<i32>} : memref<2x128x128xf32, #tpu.memory_space<vmem>>, vector<1x1x16xf32>,
        %get3A_2640 = vector.shape_cast %get3A_2639 : vector<1x1x16xf32> to vector<16xf32>
        %add3A_2641 = arith.addf %add3A_2605, %get3A_2640 : vector<16xf32>
        %add3A_2642 = arith.addf %add3A_2606, %add3A_2641 : vector<16xf32>
        %add3A_2643 = arith.constant 4 : i32
        %add3A_2644 = arith.addi %mul3A_485, %add3A_2643 : i32
        %get3A_2645 = arith.index_cast %rem3A_430 : i32 to index
        %get3A_2646 = arith.index_cast %add3A_2644 : i32 to index
        %get3A_2647 = arith.constant 64 : index
        %get3A_2648 = tpu.vector_load %arg8[%get3A_2645, %get3A_2646, %get3A_2647] {strides = array<i32>} : memref<2x128x128xf32, #tpu.memory_space<vmem>>, vector<1x1x16xf32>,
        %get3A_2649 = vector.shape_cast %get3A_2648 : vector<1x1x16xf32> to vector<16xf32>
        %add3A_2650 = arith.addf %add3A_2614, %get3A_2649 : vector<16xf32>
        %add3A_2651 = arith.addf %add3A_2615, %add3A_2650 : vector<16xf32>
        %add3A_2652 = arith.constant 4 : i32
        %add3A_2653 = arith.addi %mul3A_485, %add3A_2652 : i32
        %get3A_2654 = arith.index_cast %rem3A_430 : i32 to index
        %get3A_2655 = arith.index_cast %add3A_2653 : i32 to index
        %get3A_2656 = arith.constant 80 : index
        %get3A_2657 = tpu.vector_load %arg8[%get3A_2654, %get3A_2655, %get3A_2656] {strides = array<i32>} : memref<2x128x128xf32, #tpu.memory_space<vmem>>, vector<1x1x16xf32>,
        %get3A_2658 = vector.shape_cast %get3A_2657 : vector<1x1x16xf32> to vector<16xf32>
        %add3A_2659 = arith.addf %add3A_2623, %get3A_2658 : vector<16xf32>
        %add3A_2660 = arith.addf %add3A_2624, %add3A_2659 : vector<16xf32>
        %add3A_2661 = arith.constant 4 : i32
        %add3A_2662 = arith.addi %mul3A_485, %add3A_2661 : i32
        %get3A_2663 = arith.index_cast %rem3A_430 : i32 to index
        %get3A_2664 = arith.index_cast %add3A_2662 : i32 to index
        %get3A_2665 = arith.constant 96 : index
        %get3A_2666 = tpu.vector_load %arg8[%get3A_2663, %get3A_2664, %get3A_2665] {strides = array<i32>} : memref<2x128x128xf32, #tpu.memory_space<vmem>>, vector<1x1x16xf32>,
        %get3A_2667 = vector.shape_cast %get3A_2666 : vector<1x1x16xf32> to vector<16xf32>
        %add3A_2668 = arith.addf %add3A_2632, %get3A_2667 : vector<16xf32>
        %add3A_2669 = arith.addf %add3A_2633, %add3A_2668 : vector<16xf32>
        %add3A_2670 = arith.constant 4 : i32
        %add3A_2671 = arith.addi %mul3A_485, %add3A_2670 : i32
        %get3A_2672 = arith.index_cast %rem3A_430 : i32 to index
        %get3A_2673 = arith.index_cast %add3A_2671 : i32 to index
        %get3A_2674 = arith.constant 112 : index
        %get3A_2675 = tpu.vector_load %arg8[%get3A_2672, %get3A_2673, %get3A_2674] {strides = array<i32>} : memref<2x128x128xf32, #tpu.memory_space<vmem>>, vector<1x1x16xf32>,
        %get3A_2676 = vector.shape_cast %get3A_2675 : vector<1x1x16xf32> to vector<16xf32>
        %add3A_2677 = arith.addf %add3A_2641, %get3A_2676 : vector<16xf32>
        %add3A_2678 = arith.addf %add3A_2642, %add3A_2677 : vector<16xf32>
        %add3A_2679 = arith.constant 3 : i32
        %add3A_2680 = arith.addi %mul3A_485, %add3A_2679 : i32
        %get3A_2681 = arith.index_cast %rem3A_430 : i32 to index
        %get3A_2682 = arith.index_cast %add3A_2680 : i32 to index
        %get3A_2683 = arith.constant 64 : index
        %get3A_2684 = tpu.vector_load %arg8[%get3A_2681, %get3A_2682, %get3A_2683] {strides = array<i32>} : memref<2x128x128xf32, #tpu.memory_space<vmem>>, vector<1x1x16xf32>,
        %get3A_2685 = vector.shape_cast %get3A_2684 : vector<1x1x16xf32> to vector<16xf32>
        %add3A_2686 = arith.addf %add3A_2650, %get3A_2685 : vector<16xf32>
        %add3A_2687 = arith.addf %add3A_2651, %add3A_2686 : vector<16xf32>
        %add3A_2688 = arith.constant 3 : i32
        %add3A_2689 = arith.addi %mul3A_485, %add3A_2688 : i32
        %get3A_2690 = arith.index_cast %rem3A_430 : i32 to index
        %get3A_2691 = arith.index_cast %add3A_2689 : i32 to index
        %get3A_2692 = arith.constant 80 : index
        %get3A_2693 = tpu.vector_load %arg8[%get3A_2690, %get3A_2691, %get3A_2692] {strides = array<i32>} : memref<2x128x128xf32, #tpu.memory_space<vmem>>, vector<1x1x16xf32>,
        %get3A_2694 = vector.shape_cast %get3A_2693 : vector<1x1x16xf32> to vector<16xf32>
        %add3A_2695 = arith.addf %add3A_2659, %get3A_2694 : vector<16xf32>
        %add3A_2696 = arith.addf %add3A_2660, %add3A_2695 : vector<16xf32>
        %add3A_2697 = arith.constant 3 : i32
        %add3A_2698 = arith.addi %mul3A_485, %add3A_2697 : i32
        %get3A_2699 = arith.index_cast %rem3A_430 : i32 to index
        %get3A_2700 = arith.index_cast %add3A_2698 : i32 to index
        %get3A_2701 = arith.constant 96 : index
        %get3A_2702 = tpu.vector_load %arg8[%get3A_2699, %get3A_2700, %get3A_2701] {strides = array<i32>} : memref<2x128x128xf32, #tpu.memory_space<vmem>>, vector<1x1x16xf32>,
        %get3A_2703 = vector.shape_cast %get3A_2702 : vector<1x1x16xf32> to vector<16xf32>
        %add3A_2704 = arith.addf %add3A_2668, %get3A_2703 : vector<16xf32>
        %add3A_2705 = arith.addf %add3A_2669, %add3A_2704 : vector<16xf32>
        %add3A_2706 = arith.constant 3 : i32
        %add3A_2707 = arith.addi %mul3A_485, %add3A_2706 : i32
        %get3A_2708 = arith.index_cast %rem3A_430 : i32 to index
        %get3A_2709 = arith.index_cast %add3A_2707 : i32 to index
        %get3A_2710 = arith.constant 112 : index
        %get3A_2711 = tpu.vector_load %arg8[%get3A_2708, %get3A_2709, %get3A_2710] {strides = array<i32>} : memref<2x128x128xf32, #tpu.memory_space<vmem>>, vector<1x1x16xf32>,
        %get3A_2712 = vector.shape_cast %get3A_2711 : vector<1x1x16xf32> to vector<16xf32>
        %add3A_2713 = arith.addf %add3A_2677, %get3A_2712 : vector<16xf32>
        %add3A_2714 = arith.addf %add3A_2678, %add3A_2713 : vector<16xf32>
        %add3A_2715 = arith.constant 2 : i32
        %add3A_2716 = arith.addi %mul3A_485, %add3A_2715 : i32
        %get3A_2717 = arith.index_cast %rem3A_430 : i32 to index
        %get3A_2718 = arith.index_cast %add3A_2716 : i32 to index
        %get3A_2719 = arith.constant 64 : index
        %get3A_2720 = tpu.vector_load %arg8[%get3A_2717, %get3A_2718, %get3A_2719] {strides = array<i32>} : memref<2x128x128xf32, #tpu.memory_space<vmem>>, vector<1x1x16xf32>,
        %get3A_2721 = vector.shape_cast %get3A_2720 : vector<1x1x16xf32> to vector<16xf32>
        %add3A_2722 = arith.addf %add3A_2686, %get3A_2721 : vector<16xf32>
        %add3A_2723 = arith.addf %add3A_2687, %add3A_2722 : vector<16xf32>
        %add3A_2724 = arith.constant 2 : i32
        %add3A_2725 = arith.addi %mul3A_485, %add3A_2724 : i32
        %get3A_2726 = arith.index_cast %rem3A_430 : i32 to index
        %get3A_2727 = arith.index_cast %add3A_2725 : i32 to index
        %get3A_2728 = arith.constant 80 : index
        %get3A_2729 = tpu.vector_load %arg8[%get3A_2726, %get3A_2727, %get3A_2728] {strides = array<i32>} : memref<2x128x128xf32, #tpu.memory_space<vmem>>, vector<1x1x16xf32>,
        %get3A_2730 = vector.shape_cast %get3A_2729 : vector<1x1x16xf32> to vector<16xf32>
        %add3A_2731 = arith.addf %add3A_2695, %get3A_2730 : vector<16xf32>
        %add3A_2732 = arith.addf %add3A_2696, %add3A_2731 : vector<16xf32>
        %add3A_2733 = arith.constant 2 : i32
        %add3A_2734 = arith.addi %mul3A_485, %add3A_2733 : i32
        %get3A_2735 = arith.index_cast %rem3A_430 : i32 to index
        %get3A_2736 = arith.index_cast %add3A_2734 : i32 to index
        %get3A_2737 = arith.constant 96 : index
        %get3A_2738 = tpu.vector_load %arg8[%get3A_2735, %get3A_2736, %get3A_2737] {strides = array<i32>} : memref<2x128x128xf32, #tpu.memory_space<vmem>>, vector<1x1x16xf32>,
        %get3A_2739 = vector.shape_cast %get3A_2738 : vector<1x1x16xf32> to vector<16xf32>
        %add3A_2740 = arith.addf %add3A_2704, %get3A_2739 : vector<16xf32>
        %add3A_2741 = arith.addf %add3A_2705, %add3A_2740 : vector<16xf32>
        %add3A_2742 = arith.constant 2 : i32
        %add3A_2743 = arith.addi %mul3A_485, %add3A_2742 : i32
        %get3A_2744 = arith.index_cast %rem3A_430 : i32 to index
        %get3A_2745 = arith.index_cast %add3A_2743 : i32 to index
        %get3A_2746 = arith.constant 112 : index
        %get3A_2747 = tpu.vector_load %arg8[%get3A_2744, %get3A_2745, %get3A_2746] {strides = array<i32>} : memref<2x128x128xf32, #tpu.memory_space<vmem>>, vector<1x1x16xf32>,
        %get3A_2748 = vector.shape_cast %get3A_2747 : vector<1x1x16xf32> to vector<16xf32>
        %add3A_2749 = arith.addf %add3A_2713, %get3A_2748 : vector<16xf32>
        %add3A_2750 = arith.addf %add3A_2714, %add3A_2749 : vector<16xf32>
        %add3A_2751 = arith.constant 1 : i32
        %add3A_2752 = arith.addi %mul3A_485, %add3A_2751 : i32
        %get3A_2753 = arith.index_cast %rem3A_430 : i32 to index
        %get3A_2754 = arith.index_cast %add3A_2752 : i32 to index
        %get3A_2755 = arith.constant 64 : index
        %get3A_2756 = tpu.vector_load %arg8[%get3A_2753, %get3A_2754, %get3A_2755] {strides = array<i32>} : memref<2x128x128xf32, #tpu.memory_space<vmem>>, vector<1x1x16xf32>,
        %get3A_2757 = vector.shape_cast %get3A_2756 : vector<1x1x16xf32> to vector<16xf32>
        %add3A_2758 = arith.addf %add3A_2722, %get3A_2757 : vector<16xf32>
        %add3A_2759 = arith.addf %add3A_2723, %add3A_2758 : vector<16xf32>
        %add3A_2760 = arith.constant 1 : i32
        %add3A_2761 = arith.addi %mul3A_485, %add3A_2760 : i32
        %get3A_2762 = arith.index_cast %rem3A_430 : i32 to index
        %get3A_2763 = arith.index_cast %add3A_2761 : i32 to index
        %get3A_2764 = arith.constant 80 : index
        %get3A_2765 = tpu.vector_load %arg8[%get3A_2762, %get3A_2763, %get3A_2764] {strides = array<i32>} : memref<2x128x128xf32, #tpu.memory_space<vmem>>, vector<1x1x16xf32>,
        %get3A_2766 = vector.shape_cast %get3A_2765 : vector<1x1x16xf32> to vector<16xf32>
        %add3A_2767 = arith.addf %add3A_2731, %get3A_2766 : vector<16xf32>
        %add3A_2768 = arith.addf %add3A_2732, %add3A_2767 : vector<16xf32>
        %add3A_2769 = arith.constant 1 : i32
        %add3A_2770 = arith.addi %mul3A_485, %add3A_2769 : i32
        %get3A_2771 = arith.index_cast %rem3A_430 : i32 to index
        %get3A_2772 = arith.index_cast %add3A_2770 : i32 to index
        %get3A_2773 = arith.constant 96 : index
        %get3A_2774 = tpu.vector_load %arg8[%get3A_2771, %get3A_2772, %get3A_2773] {strides = array<i32>} : memref<2x128x128xf32, #tpu.memory_space<vmem>>, vector<1x1x16xf32>,
        %get3A_2775 = vector.shape_cast %get3A_2774 : vector<1x1x16xf32> to vector<16xf32>
        %add3A_2776 = arith.addf %add3A_2740, %get3A_2775 : vector<16xf32>
        %add3A_2777 = arith.addf %add3A_2741, %add3A_2776 : vector<16xf32>
        %add3A_2778 = arith.constant 1 : i32
        %add3A_2779 = arith.addi %mul3A_485, %add3A_2778 : i32
        %get3A_2780 = arith.index_cast %rem3A_430 : i32 to index
        %get3A_2781 = arith.index_cast %add3A_2779 : i32 to index
        %get3A_2782 = arith.constant 112 : index
        %get3A_2783 = tpu.vector_load %arg8[%get3A_2780, %get3A_2781, %get3A_2782] {strides = array<i32>} : memref<2x128x128xf32, #tpu.memory_space<vmem>>, vector<1x1x16xf32>,
        %get3A_2784 = vector.shape_cast %get3A_2783 : vector<1x1x16xf32> to vector<16xf32>
        %add3A_2785 = arith.addf %add3A_2749, %get3A_2784 : vector<16xf32>
        %add3A_2786 = arith.addf %add3A_2750, %add3A_2785 : vector<16xf32>
        %get3A_2787 = arith.index_cast %rem3A_430 : i32 to index
        %get3A_2788 = arith.index_cast %mul3A_485 : i32 to index
        %get3A_2789 = arith.constant 64 : index
        %get3A_2790 = tpu.vector_load %arg8[%get3A_2787, %get3A_2788, %get3A_2789] {strides = array<i32>} : memref<2x128x128xf32, #tpu.memory_space<vmem>>, vector<1x1x16xf32>,
        %get3A_2791 = vector.shape_cast %get3A_2790 : vector<1x1x16xf32> to vector<16xf32>
        %add3A_2792 = arith.addf %add3A_2758, %get3A_2791 : vector<16xf32>
        %mul3A_2793 = arith.constant 0.0322580636 : f32
        %mul3A_2794 = vector.broadcast %mul3A_2793 : f32 to vector<16xf32>
        %mul3A_2795 = arith.mulf %add3A_2759, %mul3A_2794 : vector<16xf32>
        %sub3A_2796 = arith.subf %add3A_2792, %mul3A_2795 : vector<16xf32>
        %swap3A_2797 = arith.index_cast %rem3A_432 : i32 to index
        %swap3A_2798 = arith.index_cast %add3A_483 : i32 to index
        %swap3A_2799 = arith.constant 64 : index
        %swap3A_2800 = tpu.vector_load %arg9[%swap3A_2797, %swap3A_2798, %swap3A_2799] {strides = array<i32>} : memref<4x4x128xf32, #tpu.memory_space<vmem>>, vector<1x1x16xf32>,
        %swap3A_2801 = vector.shape_cast %swap3A_2800 : vector<1x1x16xf32> to vector<16xf32>
        %swap3A_2802 = vector.shape_cast %sub3A_2796 : vector<16xf32> to vector<1x1x16xf32>
        tpu.vector_store %arg9[%swap3A_2797, %swap3A_2798, %swap3A_2799], %swap3A_2802 {strides = array<i32>} : memref<4x4x128xf32, #tpu.memory_space<vmem>>, vector<1x1x16xf32>,
        %swap3A_2803 = arith.index_cast %rem3A_432 : i32 to index
        %swap3A_2804 = arith.index_cast %add3A_483 : i32 to index
        %swap3A_2805 = arith.constant 64 : index
        %swap3A_2806 = tpu.vector_load %arg10[%swap3A_2803, %swap3A_2804, %swap3A_2805] {strides = array<i32>} : memref<4x4x128xf32, #tpu.memory_space<vmem>>, vector<1x1x16xf32>,
        %swap3A_2807 = vector.shape_cast %swap3A_2806 : vector<1x1x16xf32> to vector<16xf32>
        %swap3A_2808 = vector.shape_cast %mul3A_2795 : vector<16xf32> to vector<1x1x16xf32>
        tpu.vector_store %arg10[%swap3A_2803, %swap3A_2804, %swap3A_2805], %swap3A_2808 {strides = array<i32>} : memref<4x4x128xf32, #tpu.memory_space<vmem>>, vector<1x1x16xf32>,
        %get3A_2809 = arith.index_cast %rem3A_430 : i32 to index
        %get3A_2810 = arith.index_cast %mul3A_485 : i32 to index
        %get3A_2811 = arith.constant 80 : index
        %get3A_2812 = tpu.vector_load %arg8[%get3A_2809, %get3A_2810, %get3A_2811] {strides = array<i32>} : memref<2x128x128xf32, #tpu.memory_space<vmem>>, vector<1x1x16xf32>,
        %get3A_2813 = vector.shape_cast %get3A_2812 : vector<1x1x16xf32> to vector<16xf32>
        %add3A_2814 = arith.addf %add3A_2767, %get3A_2813 : vector<16xf32>
        %mul3A_2815 = arith.constant 0.0322580636 : f32
        %mul3A_2816 = vector.broadcast %mul3A_2815 : f32 to vector<16xf32>
        %mul3A_2817 = arith.mulf %add3A_2768, %mul3A_2816 : vector<16xf32>
        %sub3A_2818 = arith.subf %add3A_2814, %mul3A_2817 : vector<16xf32>
        %swap3A_2819 = arith.index_cast %rem3A_432 : i32 to index
        %swap3A_2820 = arith.index_cast %add3A_483 : i32 to index
        %swap3A_2821 = arith.constant 80 : index
        %swap3A_2822 = tpu.vector_load %arg9[%swap3A_2819, %swap3A_2820, %swap3A_2821] {strides = array<i32>} : memref<4x4x128xf32, #tpu.memory_space<vmem>>, vector<1x1x16xf32>,
        %swap3A_2823 = vector.shape_cast %swap3A_2822 : vector<1x1x16xf32> to vector<16xf32>
        %swap3A_2824 = vector.shape_cast %sub3A_2818 : vector<16xf32> to vector<1x1x16xf32>
        tpu.vector_store %arg9[%swap3A_2819, %swap3A_2820, %swap3A_2821], %swap3A_2824 {strides = array<i32>} : memref<4x4x128xf32, #tpu.memory_space<vmem>>, vector<1x1x16xf32>,
        %swap3A_2825 = arith.index_cast %rem3A_432 : i32 to index
        %swap3A_2826 = arith.index_cast %add3A_483 : i32 to index
        %swap3A_2827 = arith.constant 80 : index
        %swap3A_2828 = tpu.vector_load %arg10[%swap3A_2825, %swap3A_2826, %swap3A_2827] {strides = array<i32>} : memref<4x4x128xf32, #tpu.memory_space<vmem>>, vector<1x1x16xf32>,
        %swap3A_2829 = vector.shape_cast %swap3A_2828 : vector<1x1x16xf32> to vector<16xf32>
        %swap3A_2830 = vector.shape_cast %mul3A_2817 : vector<16xf32> to vector<1x1x16xf32>
        tpu.vector_store %arg10[%swap3A_2825, %swap3A_2826, %swap3A_2827], %swap3A_2830 {strides = array<i32>} : memref<4x4x128xf32, #tpu.memory_space<vmem>>, vector<1x1x16xf32>,
        %get3A_2831 = arith.index_cast %rem3A_430 : i32 to index
        %get3A_2832 = arith.index_cast %mul3A_485 : i32 to index
        %get3A_2833 = arith.constant 96 : index
        %get3A_2834 = tpu.vector_load %arg8[%get3A_2831, %get3A_2832, %get3A_2833] {strides = array<i32>} : memref<2x128x128xf32, #tpu.memory_space<vmem>>, vector<1x1x16xf32>,
        %get3A_2835 = vector.shape_cast %get3A_2834 : vector<1x1x16xf32> to vector<16xf32>
        %add3A_2836 = arith.addf %add3A_2776, %get3A_2835 : vector<16xf32>
        %mul3A_2837 = arith.constant 0.0322580636 : f32
        %mul3A_2838 = vector.broadcast %mul3A_2837 : f32 to vector<16xf32>
        %mul3A_2839 = arith.mulf %add3A_2777, %mul3A_2838 : vector<16xf32>
        %sub3A_2840 = arith.subf %add3A_2836, %mul3A_2839 : vector<16xf32>
        %swap3A_2841 = arith.index_cast %rem3A_432 : i32 to index
        %swap3A_2842 = arith.index_cast %add3A_483 : i32 to index
        %swap3A_2843 = arith.constant 96 : index
        %swap3A_2844 = tpu.vector_load %arg9[%swap3A_2841, %swap3A_2842, %swap3A_2843] {strides = array<i32>} : memref<4x4x128xf32, #tpu.memory_space<vmem>>, vector<1x1x16xf32>,
        %swap3A_2845 = vector.shape_cast %swap3A_2844 : vector<1x1x16xf32> to vector<16xf32>
        %swap3A_2846 = vector.shape_cast %sub3A_2840 : vector<16xf32> to vector<1x1x16xf32>
        tpu.vector_store %arg9[%swap3A_2841, %swap3A_2842, %swap3A_2843], %swap3A_2846 {strides = array<i32>} : memref<4x4x128xf32, #tpu.memory_space<vmem>>, vector<1x1x16xf32>,
        %swap3A_2847 = arith.index_cast %rem3A_432 : i32 to index
        %swap3A_2848 = arith.index_cast %add3A_483 : i32 to index
        %swap3A_2849 = arith.constant 96 : index
        %swap3A_2850 = tpu.vector_load %arg10[%swap3A_2847, %swap3A_2848, %swap3A_2849] {strides = array<i32>} : memref<4x4x128xf32, #tpu.memory_space<vmem>>, vector<1x1x16xf32>,
        %swap3A_2851 = vector.shape_cast %swap3A_2850 : vector<1x1x16xf32> to vector<16xf32>
        %swap3A_2852 = vector.shape_cast %mul3A_2839 : vector<16xf32> to vector<1x1x16xf32>
        tpu.vector_store %arg10[%swap3A_2847, %swap3A_2848, %swap3A_2849], %swap3A_2852 {strides = array<i32>} : memref<4x4x128xf32, #tpu.memory_space<vmem>>, vector<1x1x16xf32>,
        %get3A_2853 = arith.index_cast %rem3A_430 : i32 to index
        %get3A_2854 = arith.index_cast %mul3A_485 : i32 to index
        %get3A_2855 = arith.constant 112 : index
        %get3A_2856 = tpu.vector_load %arg8[%get3A_2853, %get3A_2854, %get3A_2855] {strides = array<i32>} : memref<2x128x128xf32, #tpu.memory_space<vmem>>, vector<1x1x16xf32>,
        %get3A_2857 = vector.shape_cast %get3A_2856 : vector<1x1x16xf32> to vector<16xf32>
        %add3A_2858 = arith.addf %add3A_2785, %get3A_2857 : vector<16xf32>
        %mul3A_2859 = arith.constant 0.0322580636 : f32
        %mul3A_2860 = vector.broadcast %mul3A_2859 : f32 to vector<16xf32>
        %mul3A_2861 = arith.mulf %add3A_2786, %mul3A_2860 : vector<16xf32>
        %sub3A_2862 = arith.subf %add3A_2858, %mul3A_2861 : vector<16xf32>
        %swap3A_2863 = arith.index_cast %rem3A_432 : i32 to index
        %swap3A_2864 = arith.index_cast %add3A_483 : i32 to index
        %swap3A_2865 = arith.constant 112 : index
        %swap3A_2866 = tpu.vector_load %arg9[%swap3A_2863, %swap3A_2864, %swap3A_2865] {strides = array<i32>} : memref<4x4x128xf32, #tpu.memory_space<vmem>>, vector<1x1x16xf32>,
        %swap3A_2867 = vector.shape_cast %swap3A_2866 : vector<1x1x16xf32> to vector<16xf32>
        %swap3A_2868 = vector.shape_cast %sub3A_2862 : vector<16xf32> to vector<1x1x16xf32>
        tpu.vector_store %arg9[%swap3A_2863, %swap3A_2864, %swap3A_2865], %swap3A_2868 {strides = array<i32>} : memref<4x4x128xf32, #tpu.memory_space<vmem>>, vector<1x1x16xf32>,
        %swap3A_2869 = arith.index_cast %rem3A_432 : i32 to index
        %swap3A_2870 = arith.index_cast %add3A_483 : i32 to index
        %swap3A_2871 = arith.constant 112 : index
        %swap3A_2872 = tpu.vector_load %arg10[%swap3A_2869, %swap3A_2870, %swap3A_2871] {strides = array<i32>} : memref<4x4x128xf32, #tpu.memory_space<vmem>>, vector<1x1x16xf32>,
        %swap3A_2873 = vector.shape_cast %swap3A_2872 : vector<1x1x16xf32> to vector<16xf32>
        %swap3A_2874 = vector.shape_cast %mul3A_2861 : vector<16xf32> to vector<1x1x16xf32>
        tpu.vector_store %arg10[%swap3A_2869, %swap3A_2870, %swap3A_2871], %swap3A_2874 {strides = array<i32>} : memref<4x4x128xf32, #tpu.memory_space<vmem>>, vector<1x1x16xf32>,
      }
      %scan3A_451 = arith.constant 4 : i32
      %eq3A_452 = arith.constant 0 : i32
      %eq3A_453 = arith.cmpi eq, %rem3A_432, %eq3A_452 : i32
      %convert_element_type3A_454 = arith.extui %eq3A_453 : i1 to i32
      %cond3A_455 = arith.constant 0 : i32
      %cond3A_456 = arith.cmpi ne, %convert_element_type3A_454, %cond3A_455 : i32
      scf.if %cond3A_456 {
        %mul3A_479 = arith.constant 4 : i32
        %mul3A_480 = arith.muli %add3A_429, %mul3A_479 : i32
        %add3A_481 = arith.addi %mul3A_2, %mul3A_480 : i32
        %dma_start3A_482 = arith.constant 0 : i32
        %dma_start3A_483 = arith.constant 0 : i32
        %dma_start3A_484 = arith.constant 0 : i32
        %dma_start3A_485 = tpu.memref_slice %arg9[%dma_start3A_482, %dma_start3A_483, %dma_start3A_484] : memref<4x4x128xf32, #tpu.memory_space<vmem>> -> memref<1x4x128xf32, #tpu.memory_space<vmem>>
        %dma_start3A_486 = tpu.memref_squeeze %dma_start3A_485 : memref<1x4x128xf32, #tpu.memory_space<vmem>> -> memref<4x128xf32, #tpu.memory_space<vmem>>
        %dma_start3A_487 = arith.constant 0 : i32
        %dma_start3A_488 = tpu.memref_slice %arg4[%add3A_481, %dma_start3A_487] : memref<10240x128xf32, #tpu.memory_space<hbm>> -> memref<4x128xf32, #tpu.memory_space<hbm>>
        %dma_start3A_489 = arith.constant 0 : i32
        %dma_start3A_490 = tpu.memref_slice %arg4[%add3A_481, %dma_start3A_489] : memref<10240x128xf32, #tpu.memory_space<hbm>> -> memref<4x128xf32, #tpu.memory_space<hbm>>
        %dma_start3A_491 = arith.constant 0 : i32
        %dma_start3A_492 = arith.constant 0 : i32
        %dma_start3A_493 = tpu.memref_slice %arg9[%dma_start3A_482, %dma_start3A_491, %dma_start3A_492] : memref<4x4x128xf32, #tpu.memory_space<vmem>> -> memref<1x4x128xf32, #tpu.memory_space<vmem>>
        %dma_start3A_494 = tpu.memref_squeeze %dma_start3A_493 : memref<1x4x128xf32, #tpu.memory_space<vmem>> -> memref<4x128xf32, #tpu.memory_space<vmem>>
        tpu.enqueue_dma source(%dma_start3A_494 : memref<4x128xf32, #tpu.memory_space<vmem>>) target(%dma_start3A_490 : memref<4x128xf32, #tpu.memory_space<hbm>>) target_semaphore(%arg13 : memref<!tpu.dma_semaphore, #tpu.memory_space<semaphore_mem>>)
        %dma_start3A_495 = arith.constant 0 : i32
        %dma_start3A_496 = arith.constant 0 : i32
        %dma_start3A_497 = arith.constant 0 : i32
        %dma_start3A_498 = tpu.memref_slice %arg10[%dma_start3A_495, %dma_start3A_496, %dma_start3A_497] : memref<4x4x128xf32, #tpu.memory_space<vmem>> -> memref<1x4x128xf32, #tpu.memory_space<vmem>>
        %dma_start3A_499 = tpu.memref_squeeze %dma_start3A_498 : memref<1x4x128xf32, #tpu.memory_space<vmem>> -> memref<4x128xf32, #tpu.memory_space<vmem>>
        %dma_start3A_500 = arith.constant 0 : i32
        %dma_start3A_501 = tpu.memref_slice %arg5[%add3A_481, %dma_start3A_500] : memref<10240x128xf32, #tpu.memory_space<hbm>> -> memref<4x128xf32, #tpu.memory_space<hbm>>
        %dma_start3A_502 = arith.constant 0 : i32
        %dma_start3A_503 = tpu.memref_slice %arg5[%add3A_481, %dma_start3A_502] : memref<10240x128xf32, #tpu.memory_space<hbm>> -> memref<4x128xf32, #tpu.memory_space<hbm>>
        %dma_start3A_504 = arith.constant 0 : i32
        %dma_start3A_505 = arith.constant 0 : i32
        %dma_start3A_506 = tpu.memref_slice %arg10[%dma_start3A_495, %dma_start3A_504, %dma_start3A_505] : memref<4x4x128xf32, #tpu.memory_space<vmem>> -> memref<1x4x128xf32, #tpu.memory_space<vmem>>
        %dma_start3A_507 = tpu.memref_squeeze %dma_start3A_506 : memref<1x4x128xf32, #tpu.memory_space<vmem>> -> memref<4x128xf32, #tpu.memory_space<vmem>>
        tpu.enqueue_dma source(%dma_start3A_507 : memref<4x128xf32, #tpu.memory_space<vmem>>) target(%dma_start3A_503 : memref<4x128xf32, #tpu.memory_space<hbm>>) target_semaphore(%arg17 : memref<!tpu.dma_semaphore, #tpu.memory_space<semaphore_mem>>)
      } else {
      }
      %eq3A_457 = arith.constant 1 : i32
      %eq3A_458 = arith.cmpi eq, %rem3A_432, %eq3A_457 : i32
      %convert_element_type3A_459 = arith.extui %eq3A_458 : i1 to i32
      %cond3A_460 = arith.constant 0 : i32
      %cond3A_461 = arith.cmpi ne, %convert_element_type3A_459, %cond3A_460 : i32
      scf.if %cond3A_461 {
        %mul3A_479 = arith.constant 4 : i32
        %mul3A_480 = arith.muli %add3A_429, %mul3A_479 : i32
        %add3A_481 = arith.addi %mul3A_2, %mul3A_480 : i32
        %dma_start3A_482 = arith.constant 1 : i32
        %dma_start3A_483 = arith.constant 0 : i32
        %dma_start3A_484 = arith.constant 0 : i32
        %dma_start3A_485 = tpu.memref_slice %arg9[%dma_start3A_482, %dma_start3A_483, %dma_start3A_484] : memref<4x4x128xf32, #tpu.memory_space<vmem>> -> memref<1x4x128xf32, #tpu.memory_space<vmem>>
        %dma_start3A_486 = tpu.memref_squeeze %dma_start3A_485 : memref<1x4x128xf32, #tpu.memory_space<vmem>> -> memref<4x128xf32, #tpu.memory_space<vmem>>
        %dma_start3A_487 = arith.constant 0 : i32
        %dma_start3A_488 = tpu.memref_slice %arg4[%add3A_481, %dma_start3A_487] : memref<10240x128xf32, #tpu.memory_space<hbm>> -> memref<4x128xf32, #tpu.memory_space<hbm>>
        %dma_start3A_489 = arith.constant 0 : i32
        %dma_start3A_490 = tpu.memref_slice %arg4[%add3A_481, %dma_start3A_489] : memref<10240x128xf32, #tpu.memory_space<hbm>> -> memref<4x128xf32, #tpu.memory_space<hbm>>
        %dma_start3A_491 = arith.constant 0 : i32
        %dma_start3A_492 = arith.constant 0 : i32
        %dma_start3A_493 = tpu.memref_slice %arg9[%dma_start3A_482, %dma_start3A_491, %dma_start3A_492] : memref<4x4x128xf32, #tpu.memory_space<vmem>> -> memref<1x4x128xf32, #tpu.memory_space<vmem>>
        %dma_start3A_494 = tpu.memref_squeeze %dma_start3A_493 : memref<1x4x128xf32, #tpu.memory_space<vmem>> -> memref<4x128xf32, #tpu.memory_space<vmem>>
        tpu.enqueue_dma source(%dma_start3A_494 : memref<4x128xf32, #tpu.memory_space<vmem>>) target(%dma_start3A_490 : memref<4x128xf32, #tpu.memory_space<hbm>>) target_semaphore(%arg14 : memref<!tpu.dma_semaphore, #tpu.memory_space<semaphore_mem>>)
        %dma_start3A_495 = arith.constant 1 : i32
        %dma_start3A_496 = arith.constant 0 : i32
        %dma_start3A_497 = arith.constant 0 : i32
        %dma_start3A_498 = tpu.memref_slice %arg10[%dma_start3A_495, %dma_start3A_496, %dma_start3A_497] : memref<4x4x128xf32, #tpu.memory_space<vmem>> -> memref<1x4x128xf32, #tpu.memory_space<vmem>>
        %dma_start3A_499 = tpu.memref_squeeze %dma_start3A_498 : memref<1x4x128xf32, #tpu.memory_space<vmem>> -> memref<4x128xf32, #tpu.memory_space<vmem>>
        %dma_start3A_500 = arith.constant 0 : i32
        %dma_start3A_501 = tpu.memref_slice %arg5[%add3A_481, %dma_start3A_500] : memref<10240x128xf32, #tpu.memory_space<hbm>> -> memref<4x128xf32, #tpu.memory_space<hbm>>
        %dma_start3A_502 = arith.constant 0 : i32
        %dma_start3A_503 = tpu.memref_slice %arg5[%add3A_481, %dma_start3A_502] : memref<10240x128xf32, #tpu.memory_space<hbm>> -> memref<4x128xf32, #tpu.memory_space<hbm>>
        %dma_start3A_504 = arith.constant 0 : i32
        %dma_start3A_505 = arith.constant 0 : i32
        %dma_start3A_506 = tpu.memref_slice %arg10[%dma_start3A_495, %dma_start3A_504, %dma_start3A_505] : memref<4x4x128xf32, #tpu.memory_space<vmem>> -> memref<1x4x128xf32, #tpu.memory_space<vmem>>
        %dma_start3A_507 = tpu.memref_squeeze %dma_start3A_506 : memref<1x4x128xf32, #tpu.memory_space<vmem>> -> memref<4x128xf32, #tpu.memory_space<vmem>>
        tpu.enqueue_dma source(%dma_start3A_507 : memref<4x128xf32, #tpu.memory_space<vmem>>) target(%dma_start3A_503 : memref<4x128xf32, #tpu.memory_space<hbm>>) target_semaphore(%arg18 : memref<!tpu.dma_semaphore, #tpu.memory_space<semaphore_mem>>)
      } else {
      }
      %eq3A_462 = arith.constant 2 : i32
      %eq3A_463 = arith.cmpi eq, %rem3A_432, %eq3A_462 : i32
      %convert_element_type3A_464 = arith.extui %eq3A_463 : i1 to i32
      %cond3A_465 = arith.constant 0 : i32
      %cond3A_466 = arith.cmpi ne, %convert_element_type3A_464, %cond3A_465 : i32
      scf.if %cond3A_466 {
        %mul3A_479 = arith.constant 4 : i32
        %mul3A_480 = arith.muli %add3A_429, %mul3A_479 : i32
        %add3A_481 = arith.addi %mul3A_2, %mul3A_480 : i32
        %dma_start3A_482 = arith.constant 2 : i32
        %dma_start3A_483 = arith.constant 0 : i32
        %dma_start3A_484 = arith.constant 0 : i32
        %dma_start3A_485 = tpu.memref_slice %arg9[%dma_start3A_482, %dma_start3A_483, %dma_start3A_484] : memref<4x4x128xf32, #tpu.memory_space<vmem>> -> memref<1x4x128xf32, #tpu.memory_space<vmem>>
        %dma_start3A_486 = tpu.memref_squeeze %dma_start3A_485 : memref<1x4x128xf32, #tpu.memory_space<vmem>> -> memref<4x128xf32, #tpu.memory_space<vmem>>
        %dma_start3A_487 = arith.constant 0 : i32
        %dma_start3A_488 = tpu.memref_slice %arg4[%add3A_481, %dma_start3A_487] : memref<10240x128xf32, #tpu.memory_space<hbm>> -> memref<4x128xf32, #tpu.memory_space<hbm>>
        %dma_start3A_489 = arith.constant 0 : i32
        %dma_start3A_490 = tpu.memref_slice %arg4[%add3A_481, %dma_start3A_489] : memref<10240x128xf32, #tpu.memory_space<hbm>> -> memref<4x128xf32, #tpu.memory_space<hbm>>
        %dma_start3A_491 = arith.constant 0 : i32
        %dma_start3A_492 = arith.constant 0 : i32
        %dma_start3A_493 = tpu.memref_slice %arg9[%dma_start3A_482, %dma_start3A_491, %dma_start3A_492] : memref<4x4x128xf32, #tpu.memory_space<vmem>> -> memref<1x4x128xf32, #tpu.memory_space<vmem>>
        %dma_start3A_494 = tpu.memref_squeeze %dma_start3A_493 : memref<1x4x128xf32, #tpu.memory_space<vmem>> -> memref<4x128xf32, #tpu.memory_space<vmem>>
        tpu.enqueue_dma source(%dma_start3A_494 : memref<4x128xf32, #tpu.memory_space<vmem>>) target(%dma_start3A_490 : memref<4x128xf32, #tpu.memory_space<hbm>>) target_semaphore(%arg15 : memref<!tpu.dma_semaphore, #tpu.memory_space<semaphore_mem>>)
        %dma_start3A_495 = arith.constant 2 : i32
        %dma_start3A_496 = arith.constant 0 : i32
        %dma_start3A_497 = arith.constant 0 : i32
        %dma_start3A_498 = tpu.memref_slice %arg10[%dma_start3A_495, %dma_start3A_496, %dma_start3A_497] : memref<4x4x128xf32, #tpu.memory_space<vmem>> -> memref<1x4x128xf32, #tpu.memory_space<vmem>>
        %dma_start3A_499 = tpu.memref_squeeze %dma_start3A_498 : memref<1x4x128xf32, #tpu.memory_space<vmem>> -> memref<4x128xf32, #tpu.memory_space<vmem>>
        %dma_start3A_500 = arith.constant 0 : i32
        %dma_start3A_501 = tpu.memref_slice %arg5[%add3A_481, %dma_start3A_500] : memref<10240x128xf32, #tpu.memory_space<hbm>> -> memref<4x128xf32, #tpu.memory_space<hbm>>
        %dma_start3A_502 = arith.constant 0 : i32
        %dma_start3A_503 = tpu.memref_slice %arg5[%add3A_481, %dma_start3A_502] : memref<10240x128xf32, #tpu.memory_space<hbm>> -> memref<4x128xf32, #tpu.memory_space<hbm>>
        %dma_start3A_504 = arith.constant 0 : i32
        %dma_start3A_505 = arith.constant 0 : i32
        %dma_start3A_506 = tpu.memref_slice %arg10[%dma_start3A_495, %dma_start3A_504, %dma_start3A_505] : memref<4x4x128xf32, #tpu.memory_space<vmem>> -> memref<1x4x128xf32, #tpu.memory_space<vmem>>
        %dma_start3A_507 = tpu.memref_squeeze %dma_start3A_506 : memref<1x4x128xf32, #tpu.memory_space<vmem>> -> memref<4x128xf32, #tpu.memory_space<vmem>>
        tpu.enqueue_dma source(%dma_start3A_507 : memref<4x128xf32, #tpu.memory_space<vmem>>) target(%dma_start3A_503 : memref<4x128xf32, #tpu.memory_space<hbm>>) target_semaphore(%arg19 : memref<!tpu.dma_semaphore, #tpu.memory_space<semaphore_mem>>)
      } else {
      }
      %eq3A_467 = arith.constant 3 : i32
      %eq3A_468 = arith.cmpi eq, %rem3A_432, %eq3A_467 : i32
      %convert_element_type3A_469 = arith.extui %eq3A_468 : i1 to i32
      %cond3A_470 = arith.constant 0 : i32
      %cond3A_471 = arith.cmpi ne, %convert_element_type3A_469, %cond3A_470 : i32
      scf.if %cond3A_471 {
        %mul3A_479 = arith.constant 4 : i32
        %mul3A_480 = arith.muli %add3A_429, %mul3A_479 : i32
        %add3A_481 = arith.addi %mul3A_2, %mul3A_480 : i32
        %dma_start3A_482 = arith.constant 3 : i32
        %dma_start3A_483 = arith.constant 0 : i32
        %dma_start3A_484 = arith.constant 0 : i32
        %dma_start3A_485 = tpu.memref_slice %arg9[%dma_start3A_482, %dma_start3A_483, %dma_start3A_484] : memref<4x4x128xf32, #tpu.memory_space<vmem>> -> memref<1x4x128xf32, #tpu.memory_space<vmem>>
        %dma_start3A_486 = tpu.memref_squeeze %dma_start3A_485 : memref<1x4x128xf32, #tpu.memory_space<vmem>> -> memref<4x128xf32, #tpu.memory_space<vmem>>
        %dma_start3A_487 = arith.constant 0 : i32
        %dma_start3A_488 = tpu.memref_slice %arg4[%add3A_481, %dma_start3A_487] : memref<10240x128xf32, #tpu.memory_space<hbm>> -> memref<4x128xf32, #tpu.memory_space<hbm>>
        %dma_start3A_489 = arith.constant 0 : i32
        %dma_start3A_490 = tpu.memref_slice %arg4[%add3A_481, %dma_start3A_489] : memref<10240x128xf32, #tpu.memory_space<hbm>> -> memref<4x128xf32, #tpu.memory_space<hbm>>
        %dma_start3A_491 = arith.constant 0 : i32
        %dma_start3A_492 = arith.constant 0 : i32
        %dma_start3A_493 = tpu.memref_slice %arg9[%dma_start3A_482, %dma_start3A_491, %dma_start3A_492] : memref<4x4x128xf32, #tpu.memory_space<vmem>> -> memref<1x4x128xf32, #tpu.memory_space<vmem>>
        %dma_start3A_494 = tpu.memref_squeeze %dma_start3A_493 : memref<1x4x128xf32, #tpu.memory_space<vmem>> -> memref<4x128xf32, #tpu.memory_space<vmem>>
        tpu.enqueue_dma source(%dma_start3A_494 : memref<4x128xf32, #tpu.memory_space<vmem>>) target(%dma_start3A_490 : memref<4x128xf32, #tpu.memory_space<hbm>>) target_semaphore(%arg16 : memref<!tpu.dma_semaphore, #tpu.memory_space<semaphore_mem>>)
        %dma_start3A_495 = arith.constant 3 : i32
        %dma_start3A_496 = arith.constant 0 : i32
        %dma_start3A_497 = arith.constant 0 : i32
        %dma_start3A_498 = tpu.memref_slice %arg10[%dma_start3A_495, %dma_start3A_496, %dma_start3A_497] : memref<4x4x128xf32, #tpu.memory_space<vmem>> -> memref<1x4x128xf32, #tpu.memory_space<vmem>>
        %dma_start3A_499 = tpu.memref_squeeze %dma_start3A_498 : memref<1x4x128xf32, #tpu.memory_space<vmem>> -> memref<4x128xf32, #tpu.memory_space<vmem>>
        %dma_start3A_500 = arith.constant 0 : i32
        %dma_start3A_501 = tpu.memref_slice %arg5[%add3A_481, %dma_start3A_500] : memref<10240x128xf32, #tpu.memory_space<hbm>> -> memref<4x128xf32, #tpu.memory_space<hbm>>
        %dma_start3A_502 = arith.constant 0 : i32
        %dma_start3A_503 = tpu.memref_slice %arg5[%add3A_481, %dma_start3A_502] : memref<10240x128xf32, #tpu.memory_space<hbm>> -> memref<4x128xf32, #tpu.memory_space<hbm>>
        %dma_start3A_504 = arith.constant 0 : i32
        %dma_start3A_505 = arith.constant 0 : i32
        %dma_start3A_506 = tpu.memref_slice %arg10[%dma_start3A_495, %dma_start3A_504, %dma_start3A_505] : memref<4x4x128xf32, #tpu.memory_space<vmem>> -> memref<1x4x128xf32, #tpu.memory_space<vmem>>
        %dma_start3A_507 = tpu.memref_squeeze %dma_start3A_506 : memref<1x4x128xf32, #tpu.memory_space<vmem>> -> memref<4x128xf32, #tpu.memory_space<vmem>>
        tpu.enqueue_dma source(%dma_start3A_507 : memref<4x128xf32, #tpu.memory_space<vmem>>) target(%dma_start3A_503 : memref<4x128xf32, #tpu.memory_space<hbm>>) target_semaphore(%arg20 : memref<!tpu.dma_semaphore, #tpu.memory_space<semaphore_mem>>)
      } else {
      }
      %add3A_472 = arith.constant 2 : i32
      %add3A_473 = arith.addi %add3A_429, %add3A_472 : i32
      %lt3A_474 = arith.constant 80 : i32
      %lt3A_475 = arith.cmpi slt, %add3A_473, %lt3A_474 : i32
      %convert_element_type3A_476 = arith.extui %lt3A_475 : i1 to i32
      %cond3A_477 = arith.constant 0 : i32
      %cond3A_478 = arith.cmpi ne, %convert_element_type3A_476, %cond3A_477 : i32
      scf.if %cond3A_478 {
        %eq3A_479 = arith.constant 0 : i32
        %eq3A_480 = arith.cmpi eq, %rem3A_430, %eq3A_479 : i32
        %convert_element_type3A_481 = arith.extui %eq3A_480 : i1 to i32
        %cond3A_482 = arith.constant 0 : i32
        %cond3A_483 = arith.cmpi ne, %convert_element_type3A_481, %cond3A_482 : i32
        scf.if %cond3A_483 {
          %mul3A_489 = arith.constant 128 : i32
          %mul3A_490 = arith.muli %add3A_473, %mul3A_489 : i32
          %dma_start3A_491 = arith.constant 0 : i32
          %dma_start3A_492 = arith.constant 0 : i32
          %dma_start3A_493 = arith.constant 0 : i32
          %dma_start3A_494 = tpu.memref_slice %arg8[%dma_start3A_491, %dma_start3A_492, %dma_start3A_493] : memref<2x128x128xf32, #tpu.memory_space<vmem>> -> memref<1x128x128xf32, #tpu.memory_space<vmem>>
          %dma_start3A_495 = tpu.memref_squeeze %dma_start3A_494 : memref<1x128x128xf32, #tpu.memory_space<vmem>> -> memref<128x128xf32, #tpu.memory_space<vmem>>
          %dma_start3A_496 = tpu.memref_slice %arg7[%mul3A_490] : memref<10240xi32, #tpu.memory_space<vmem>> -> memref<128xi32, #tpu.memory_space<vmem>>
          %dma_start3A_497 = arith.constant 0 : i32
          %dma_start3A_498 = arith.constant 0 : i32
          %dma_start3A_499 = tpu.memref_slice %arg6[%dma_start3A_497, %dma_start3A_498] : memref<10240x128xf32, #tpu.memory_space<vmem_shared>> -> memref<10240x128xf32, #tpu.memory_space<vmem_shared>>
          tpu.enqueue_indirect_dma source(%dma_start3A_499 : memref<10240x128xf32, #tpu.memory_space<vmem_shared>>) target(%dma_start3A_495 : memref<128x128xf32, #tpu.memory_space<vmem>>) offsets(%dma_start3A_496 : memref<128xi32, #tpu.memory_space<vmem>>) semaphore(%arg11 : memref<!tpu.dma_semaphore, #tpu.memory_space<semaphore_mem>>)
        } else {
        }
        %eq3A_484 = arith.constant 1 : i32
        %eq3A_485 = arith.cmpi eq, %rem3A_430, %eq3A_484 : i32
        %convert_element_type3A_486 = arith.extui %eq3A_485 : i1 to i32
        %cond3A_487 = arith.constant 0 : i32
        %cond3A_488 = arith.cmpi ne, %convert_element_type3A_486, %cond3A_487 : i32
        scf.if %cond3A_488 {
          %mul3A_489 = arith.constant 128 : i32
          %mul3A_490 = arith.muli %add3A_473, %mul3A_489 : i32
          %dma_start3A_491 = arith.constant 1 : i32
          %dma_start3A_492 = arith.constant 0 : i32
          %dma_start3A_493 = arith.constant 0 : i32
          %dma_start3A_494 = tpu.memref_slice %arg8[%dma_start3A_491, %dma_start3A_492, %dma_start3A_493] : memref<2x128x128xf32, #tpu.memory_space<vmem>> -> memref<1x128x128xf32, #tpu.memory_space<vmem>>
          %dma_start3A_495 = tpu.memref_squeeze %dma_start3A_494 : memref<1x128x128xf32, #tpu.memory_space<vmem>> -> memref<128x128xf32, #tpu.memory_space<vmem>>
          %dma_start3A_496 = tpu.memref_slice %arg7[%mul3A_490] : memref<10240xi32, #tpu.memory_space<vmem>> -> memref<128xi32, #tpu.memory_space<vmem>>
          %dma_start3A_497 = arith.constant 0 : i32
          %dma_start3A_498 = arith.constant 0 : i32
          %dma_start3A_499 = tpu.memref_slice %arg6[%dma_start3A_497, %dma_start3A_498] : memref<10240x128xf32, #tpu.memory_space<vmem_shared>> -> memref<10240x128xf32, #tpu.memory_space<vmem_shared>>
          tpu.enqueue_indirect_dma source(%dma_start3A_499 : memref<10240x128xf32, #tpu.memory_space<vmem_shared>>) target(%dma_start3A_495 : memref<128x128xf32, #tpu.memory_space<vmem>>) offsets(%dma_start3A_496 : memref<128xi32, #tpu.memory_space<vmem>>) semaphore(%arg12 : memref<!tpu.dma_semaphore, #tpu.memory_space<semaphore_mem>>)
        } else {
        }
      } else {
      }
    }
    %scan3A_312 = arith.constant 80 : i32
    %add3A_313 = arith.constant 304 : i32
    %add3A_314 = arith.addi %mul3A_2, %add3A_313 : i32
    %dma_wait3A_315 = arith.constant 0 : i32
    %dma_wait3A_316 = arith.constant 0 : i32
    %dma_wait3A_317 = arith.constant 0 : i32
    %dma_wait3A_318 = tpu.memref_slice %arg9[%dma_wait3A_315, %dma_wait3A_316, %dma_wait3A_317] : memref<4x4x128xf32, #tpu.memory_space<vmem>> -> memref<1x4x128xf32, #tpu.memory_space<vmem>>
    %dma_wait3A_319 = tpu.memref_squeeze %dma_wait3A_318 : memref<1x4x128xf32, #tpu.memory_space<vmem>> -> memref<4x128xf32, #tpu.memory_space<vmem>>
    %dma_wait3A_320 = arith.constant 0 : i32
    %dma_wait3A_321 = tpu.memref_slice %arg4[%add3A_314, %dma_wait3A_320] : memref<10240x128xf32, #tpu.memory_space<hbm>> -> memref<4x128xf32, #tpu.memory_space<hbm>>
    %dma_wait3A_322 = arith.constant 0 : i32
    %dma_wait3A_323 = tpu.memref_slice %arg4[%add3A_314, %dma_wait3A_322] : memref<10240x128xf32, #tpu.memory_space<hbm>> -> memref<4x128xf32, #tpu.memory_space<hbm>>
    %dma_wait3A_324 = arith.constant 0 : i32
    %dma_wait3A_325 = arith.constant 0 : i32
    %dma_wait3A_326 = tpu.memref_slice %arg9[%dma_wait3A_315, %dma_wait3A_324, %dma_wait3A_325] : memref<4x4x128xf32, #tpu.memory_space<vmem>> -> memref<1x4x128xf32, #tpu.memory_space<vmem>>
    %dma_wait3A_327 = tpu.memref_squeeze %dma_wait3A_326 : memref<1x4x128xf32, #tpu.memory_space<vmem>> -> memref<4x128xf32, #tpu.memory_space<vmem>>
    tpu.wait_dma2 semaphore(%arg13 : memref<!tpu.dma_semaphore, #tpu.memory_space<semaphore_mem>>) src(%dma_wait3A_327 : memref<4x128xf32, #tpu.memory_space<vmem>>) dst(%dma_wait3A_323 : memref<4x128xf32, #tpu.memory_space<hbm>>)
    %dma_wait3A_328 = arith.constant 0 : i32
    %dma_wait3A_329 = arith.constant 0 : i32
    %dma_wait3A_330 = arith.constant 0 : i32
    %dma_wait3A_331 = tpu.memref_slice %arg10[%dma_wait3A_328, %dma_wait3A_329, %dma_wait3A_330] : memref<4x4x128xf32, #tpu.memory_space<vmem>> -> memref<1x4x128xf32, #tpu.memory_space<vmem>>
    %dma_wait3A_332 = tpu.memref_squeeze %dma_wait3A_331 : memref<1x4x128xf32, #tpu.memory_space<vmem>> -> memref<4x128xf32, #tpu.memory_space<vmem>>
    %dma_wait3A_333 = arith.constant 0 : i32
    %dma_wait3A_334 = tpu.memref_slice %arg5[%add3A_314, %dma_wait3A_333] : memref<10240x128xf32, #tpu.memory_space<hbm>> -> memref<4x128xf32, #tpu.memory_space<hbm>>
    %dma_wait3A_335 = arith.constant 0 : i32
    %dma_wait3A_336 = tpu.memref_slice %arg5[%add3A_314, %dma_wait3A_335] : memref<10240x128xf32, #tpu.memory_space<hbm>> -> memref<4x128xf32, #tpu.memory_space<hbm>>
    %dma_wait3A_337 = arith.constant 0 : i32
    %dma_wait3A_338 = arith.constant 0 : i32
    %dma_wait3A_339 = tpu.memref_slice %arg10[%dma_wait3A_328, %dma_wait3A_337, %dma_wait3A_338] : memref<4x4x128xf32, #tpu.memory_space<vmem>> -> memref<1x4x128xf32, #tpu.memory_space<vmem>>
    %dma_wait3A_340 = tpu.memref_squeeze %dma_wait3A_339 : memref<1x4x128xf32, #tpu.memory_space<vmem>> -> memref<4x128xf32, #tpu.memory_space<vmem>>
    tpu.wait_dma2 semaphore(%arg17 : memref<!tpu.dma_semaphore, #tpu.memory_space<semaphore_mem>>) src(%dma_wait3A_340 : memref<4x128xf32, #tpu.memory_space<vmem>>) dst(%dma_wait3A_336 : memref<4x128xf32, #tpu.memory_space<hbm>>)
    %add3A_341 = arith.constant 308 : i32
    %add3A_342 = arith.addi %mul3A_2, %add3A_341 : i32
    %dma_wait3A_343 = arith.constant 1 : i32
    %dma_wait3A_344 = arith.constant 0 : i32
    %dma_wait3A_345 = arith.constant 0 : i32
    %dma_wait3A_346 = tpu.memref_slice %arg9[%dma_wait3A_343, %dma_wait3A_344, %dma_wait3A_345] : memref<4x4x128xf32, #tpu.memory_space<vmem>> -> memref<1x4x128xf32, #tpu.memory_space<vmem>>
    %dma_wait3A_347 = tpu.memref_squeeze %dma_wait3A_346 : memref<1x4x128xf32, #tpu.memory_space<vmem>> -> memref<4x128xf32, #tpu.memory_space<vmem>>
    %dma_wait3A_348 = arith.constant 0 : i32
    %dma_wait3A_349 = tpu.memref_slice %arg4[%add3A_342, %dma_wait3A_348] : memref<10240x128xf32, #tpu.memory_space<hbm>> -> memref<4x128xf32, #tpu.memory_space<hbm>>
    %dma_wait3A_350 = arith.constant 0 : i32
    %dma_wait3A_351 = tpu.memref_slice %arg4[%add3A_342, %dma_wait3A_350] : memref<10240x128xf32, #tpu.memory_space<hbm>> -> memref<4x128xf32, #tpu.memory_space<hbm>>
    %dma_wait3A_352 = arith.constant 0 : i32
    %dma_wait3A_353 = arith.constant 0 : i32
    %dma_wait3A_354 = tpu.memref_slice %arg9[%dma_wait3A_343, %dma_wait3A_352, %dma_wait3A_353] : memref<4x4x128xf32, #tpu.memory_space<vmem>> -> memref<1x4x128xf32, #tpu.memory_space<vmem>>
    %dma_wait3A_355 = tpu.memref_squeeze %dma_wait3A_354 : memref<1x4x128xf32, #tpu.memory_space<vmem>> -> memref<4x128xf32, #tpu.memory_space<vmem>>
    tpu.wait_dma2 semaphore(%arg14 : memref<!tpu.dma_semaphore, #tpu.memory_space<semaphore_mem>>) src(%dma_wait3A_355 : memref<4x128xf32, #tpu.memory_space<vmem>>) dst(%dma_wait3A_351 : memref<4x128xf32, #tpu.memory_space<hbm>>)
    %dma_wait3A_356 = arith.constant 1 : i32
    %dma_wait3A_357 = arith.constant 0 : i32
    %dma_wait3A_358 = arith.constant 0 : i32
    %dma_wait3A_359 = tpu.memref_slice %arg10[%dma_wait3A_356, %dma_wait3A_357, %dma_wait3A_358] : memref<4x4x128xf32, #tpu.memory_space<vmem>> -> memref<1x4x128xf32, #tpu.memory_space<vmem>>
    %dma_wait3A_360 = tpu.memref_squeeze %dma_wait3A_359 : memref<1x4x128xf32, #tpu.memory_space<vmem>> -> memref<4x128xf32, #tpu.memory_space<vmem>>
    %dma_wait3A_361 = arith.constant 0 : i32
    %dma_wait3A_362 = tpu.memref_slice %arg5[%add3A_342, %dma_wait3A_361] : memref<10240x128xf32, #tpu.memory_space<hbm>> -> memref<4x128xf32, #tpu.memory_space<hbm>>
    %dma_wait3A_363 = arith.constant 0 : i32
    %dma_wait3A_364 = tpu.memref_slice %arg5[%add3A_342, %dma_wait3A_363] : memref<10240x128xf32, #tpu.memory_space<hbm>> -> memref<4x128xf32, #tpu.memory_space<hbm>>
    %dma_wait3A_365 = arith.constant 0 : i32
    %dma_wait3A_366 = arith.constant 0 : i32
    %dma_wait3A_367 = tpu.memref_slice %arg10[%dma_wait3A_356, %dma_wait3A_365, %dma_wait3A_366] : memref<4x4x128xf32, #tpu.memory_space<vmem>> -> memref<1x4x128xf32, #tpu.memory_space<vmem>>
    %dma_wait3A_368 = tpu.memref_squeeze %dma_wait3A_367 : memref<1x4x128xf32, #tpu.memory_space<vmem>> -> memref<4x128xf32, #tpu.memory_space<vmem>>
    tpu.wait_dma2 semaphore(%arg18 : memref<!tpu.dma_semaphore, #tpu.memory_space<semaphore_mem>>) src(%dma_wait3A_368 : memref<4x128xf32, #tpu.memory_space<vmem>>) dst(%dma_wait3A_364 : memref<4x128xf32, #tpu.memory_space<hbm>>)
    %add3A_369 = arith.constant 312 : i32
    %add3A_370 = arith.addi %mul3A_2, %add3A_369 : i32
    %dma_wait3A_371 = arith.constant 2 : i32
    %dma_wait3A_372 = arith.constant 0 : i32
    %dma_wait3A_373 = arith.constant 0 : i32
    %dma_wait3A_374 = tpu.memref_slice %arg9[%dma_wait3A_371, %dma_wait3A_372, %dma_wait3A_373] : memref<4x4x128xf32, #tpu.memory_space<vmem>> -> memref<1x4x128xf32, #tpu.memory_space<vmem>>
    %dma_wait3A_375 = tpu.memref_squeeze %dma_wait3A_374 : memref<1x4x128xf32, #tpu.memory_space<vmem>> -> memref<4x128xf32, #tpu.memory_space<vmem>>
    %dma_wait3A_376 = arith.constant 0 : i32
    %dma_wait3A_377 = tpu.memref_slice %arg4[%add3A_370, %dma_wait3A_376] : memref<10240x128xf32, #tpu.memory_space<hbm>> -> memref<4x128xf32, #tpu.memory_space<hbm>>
    %dma_wait3A_378 = arith.constant 0 : i32
    %dma_wait3A_379 = tpu.memref_slice %arg4[%add3A_370, %dma_wait3A_378] : memref<10240x128xf32, #tpu.memory_space<hbm>> -> memref<4x128xf32, #tpu.memory_space<hbm>>
    %dma_wait3A_380 = arith.constant 0 : i32
    %dma_wait3A_381 = arith.constant 0 : i32
    %dma_wait3A_382 = tpu.memref_slice %arg9[%dma_wait3A_371, %dma_wait3A_380, %dma_wait3A_381] : memref<4x4x128xf32, #tpu.memory_space<vmem>> -> memref<1x4x128xf32, #tpu.memory_space<vmem>>
    %dma_wait3A_383 = tpu.memref_squeeze %dma_wait3A_382 : memref<1x4x128xf32, #tpu.memory_space<vmem>> -> memref<4x128xf32, #tpu.memory_space<vmem>>
    tpu.wait_dma2 semaphore(%arg15 : memref<!tpu.dma_semaphore, #tpu.memory_space<semaphore_mem>>) src(%dma_wait3A_383 : memref<4x128xf32, #tpu.memory_space<vmem>>) dst(%dma_wait3A_379 : memref<4x128xf32, #tpu.memory_space<hbm>>)
    %dma_wait3A_384 = arith.constant 2 : i32
    %dma_wait3A_385 = arith.constant 0 : i32
    %dma_wait3A_386 = arith.constant 0 : i32
    %dma_wait3A_387 = tpu.memref_slice %arg10[%dma_wait3A_384, %dma_wait3A_385, %dma_wait3A_386] : memref<4x4x128xf32, #tpu.memory_space<vmem>> -> memref<1x4x128xf32, #tpu.memory_space<vmem>>
    %dma_wait3A_388 = tpu.memref_squeeze %dma_wait3A_387 : memref<1x4x128xf32, #tpu.memory_space<vmem>> -> memref<4x128xf32, #tpu.memory_space<vmem>>
    %dma_wait3A_389 = arith.constant 0 : i32
    %dma_wait3A_390 = tpu.memref_slice %arg5[%add3A_370, %dma_wait3A_389] : memref<10240x128xf32, #tpu.memory_space<hbm>> -> memref<4x128xf32, #tpu.memory_space<hbm>>
    %dma_wait3A_391 = arith.constant 0 : i32
    %dma_wait3A_392 = tpu.memref_slice %arg5[%add3A_370, %dma_wait3A_391] : memref<10240x128xf32, #tpu.memory_space<hbm>> -> memref<4x128xf32, #tpu.memory_space<hbm>>
    %dma_wait3A_393 = arith.constant 0 : i32
    %dma_wait3A_394 = arith.constant 0 : i32
    %dma_wait3A_395 = tpu.memref_slice %arg10[%dma_wait3A_384, %dma_wait3A_393, %dma_wait3A_394] : memref<4x4x128xf32, #tpu.memory_space<vmem>> -> memref<1x4x128xf32, #tpu.memory_space<vmem>>
    %dma_wait3A_396 = tpu.memref_squeeze %dma_wait3A_395 : memref<1x4x128xf32, #tpu.memory_space<vmem>> -> memref<4x128xf32, #tpu.memory_space<vmem>>
    tpu.wait_dma2 semaphore(%arg19 : memref<!tpu.dma_semaphore, #tpu.memory_space<semaphore_mem>>) src(%dma_wait3A_396 : memref<4x128xf32, #tpu.memory_space<vmem>>) dst(%dma_wait3A_392 : memref<4x128xf32, #tpu.memory_space<hbm>>)
    %add3A_397 = arith.constant 316 : i32
    %add3A_398 = arith.addi %mul3A_2, %add3A_397 : i32
    %dma_wait3A_399 = arith.constant 3 : i32
    %dma_wait3A_400 = arith.constant 0 : i32
    %dma_wait3A_401 = arith.constant 0 : i32
    %dma_wait3A_402 = tpu.memref_slice %arg9[%dma_wait3A_399, %dma_wait3A_400, %dma_wait3A_401] : memref<4x4x128xf32, #tpu.memory_space<vmem>> -> memref<1x4x128xf32, #tpu.memory_space<vmem>>
    %dma_wait3A_403 = tpu.memref_squeeze %dma_wait3A_402 : memref<1x4x128xf32, #tpu.memory_space<vmem>> -> memref<4x128xf32, #tpu.memory_space<vmem>>
    %dma_wait3A_404 = arith.constant 0 : i32
    %dma_wait3A_405 = tpu.memref_slice %arg4[%add3A_398, %dma_wait3A_404] : memref<10240x128xf32, #tpu.memory_space<hbm>> -> memref<4x128xf32, #tpu.memory_space<hbm>>
    %dma_wait3A_406 = arith.constant 0 : i32
    %dma_wait3A_407 = tpu.memref_slice %arg4[%add3A_398, %dma_wait3A_406] : memref<10240x128xf32, #tpu.memory_space<hbm>> -> memref<4x128xf32, #tpu.memory_space<hbm>>
    %dma_wait3A_408 = arith.constant 0 : i32
    %dma_wait3A_409 = arith.constant 0 : i32
    %dma_wait3A_410 = tpu.memref_slice %arg9[%dma_wait3A_399, %dma_wait3A_408, %dma_wait3A_409] : memref<4x4x128xf32, #tpu.memory_space<vmem>> -> memref<1x4x128xf32, #tpu.memory_space<vmem>>
    %dma_wait3A_411 = tpu.memref_squeeze %dma_wait3A_410 : memref<1x4x128xf32, #tpu.memory_space<vmem>> -> memref<4x128xf32, #tpu.memory_space<vmem>>
    tpu.wait_dma2 semaphore(%arg16 : memref<!tpu.dma_semaphore, #tpu.memory_space<semaphore_mem>>) src(%dma_wait3A_411 : memref<4x128xf32, #tpu.memory_space<vmem>>) dst(%dma_wait3A_407 : memref<4x128xf32, #tpu.memory_space<hbm>>)
    %dma_wait3A_412 = arith.constant 3 : i32
    %dma_wait3A_413 = arith.constant 0 : i32
    %dma_wait3A_414 = arith.constant 0 : i32
    %dma_wait3A_415 = tpu.memref_slice %arg10[%dma_wait3A_412, %dma_wait3A_413, %dma_wait3A_414] : memref<4x4x128xf32, #tpu.memory_space<vmem>> -> memref<1x4x128xf32, #tpu.memory_space<vmem>>
    %dma_wait3A_416 = tpu.memref_squeeze %dma_wait3A_415 : memref<1x4x128xf32, #tpu.memory_space<vmem>> -> memref<4x128xf32, #tpu.memory_space<vmem>>
    %dma_wait3A_417 = arith.constant 0 : i32
    %dma_wait3A_418 = tpu.memref_slice %arg5[%add3A_398, %dma_wait3A_417] : memref<10240x128xf32, #tpu.memory_space<hbm>> -> memref<4x128xf32, #tpu.memory_space<hbm>>
    %dma_wait3A_419 = arith.constant 0 : i32
    %dma_wait3A_420 = tpu.memref_slice %arg5[%add3A_398, %dma_wait3A_419] : memref<10240x128xf32, #tpu.memory_space<hbm>> -> memref<4x128xf32, #tpu.memory_space<hbm>>
    %dma_wait3A_421 = arith.constant 0 : i32
    %dma_wait3A_422 = arith.constant 0 : i32
    %dma_wait3A_423 = tpu.memref_slice %arg10[%dma_wait3A_412, %dma_wait3A_421, %dma_wait3A_422] : memref<4x4x128xf32, #tpu.memory_space<vmem>> -> memref<1x4x128xf32, #tpu.memory_space<vmem>>
    %dma_wait3A_424 = tpu.memref_squeeze %dma_wait3A_423 : memref<1x4x128xf32, #tpu.memory_space<vmem>> -> memref<4x128xf32, #tpu.memory_space<vmem>>
    tpu.wait_dma2 semaphore(%arg20 : memref<!tpu.dma_semaphore, #tpu.memory_space<semaphore_mem>>) src(%dma_wait3A_424 : memref<4x128xf32, #tpu.memory_space<vmem>>) dst(%dma_wait3A_420 : memref<4x128xf32, #tpu.memory_space<hbm>>)
    return
  }
}

module attributes {stable_mosaic.version = 14 : i64} {
  func.func @body(%arg0: i32, %arg1: memref<2000x128xf32, #tpu.memory_space<vmem>>, %arg2: memref<2000x128xf32, #tpu.memory_space<vmem>>, %arg3: memref<2000x128xf32, #tpu.memory_space<vmem>>, %arg4: memref<128x128xf32, #tpu.memory_space<vmem>>, %arg5: memref<128x128xf32, #tpu.memory_space<vmem>>, %arg6: memref<128x128xf32, #tpu.memory_space<vmem>>, %arg7: memref<2000x128xf32, #tpu.memory_space<vmem>>) attributes {dimension_semantics = [#tpu.dimension_semantics<arbitrary>], iteration_bounds = array<i64: 5>, scalar_prefetch = 0 : i64, scratch_operands = 0 : i64, tpu.core_type = #tpu.core_type<tc>, window_params = [{transform_indices = @transform_0, window_bounds = array<i64: 2000, 128>}, {transform_indices = @transform_1, window_bounds = array<i64: 2000, 128>}, {transform_indices = @transform_2, window_bounds = array<i64: 2000, 128>}, {pipeline_mode = #tpu.pipeline_mode<synchronous>, transform_indices = @transform_3, window_bounds = array<i64: 128, 128>}, {pipeline_mode = #tpu.pipeline_mode<synchronous>, transform_indices = @transform_4, window_bounds = array<i64: 128, 128>}, {pipeline_mode = #tpu.pipeline_mode<synchronous>, transform_indices = @transform_5, window_bounds = array<i64: 128, 128>}, {transform_indices = @transform_6, window_bounds = array<i64: 2000, 128>}]} {
    %get3A = arith.constant 0 : index
    %get3A_0 = arith.constant 0 : index
    %get3A_1 = vector.load %arg1[%get3A, %get3A_0] : memref<2000x128xf32, #tpu.memory_space<vmem>>, vector<2000x128xf32>
    %get3A_2 = arith.constant 0 : index
    %get3A_3 = arith.constant 0 : index
    %get3A_4 = vector.load %arg4[%get3A_2, %get3A_3] : memref<128x128xf32, #tpu.memory_space<vmem>>, vector<128x128xf32>
    %dot_general3A = arith.constant dense<0.000000e+00> : vector<2000x128xf32>
    %dot_general3A_5 = tpu.matmul %get3A_1, %get3A_4, %dot_general3A {dimension_numbers = #tpu.dot_dimension_numbers<[1], [0], [0], [1], [0, 0, 1, 1], [], []>, transpose_lhs_hint = false} : vector<2000x128xf32>, vector<128x128xf32>, vector<2000x128xf32> -> vector<2000x128xf32>
    %get3A_6 = arith.constant 0 : index
    %get3A_7 = arith.constant 0 : index
    %get3A_8 = vector.load %arg2[%get3A_6, %get3A_7] : memref<2000x128xf32, #tpu.memory_space<vmem>>, vector<2000x128xf32>
    %get3A_9 = arith.constant 0 : index
    %get3A_10 = arith.constant 0 : index
    %get3A_11 = vector.load %arg5[%get3A_9, %get3A_10] : memref<128x128xf32, #tpu.memory_space<vmem>>, vector<128x128xf32>
    %dot_general3A_12 = arith.constant dense<0.000000e+00> : vector<2000x128xf32>
    %dot_general3A_13 = tpu.matmul %get3A_8, %get3A_11, %dot_general3A_12 {dimension_numbers = #tpu.dot_dimension_numbers<[1], [0], [0], [1], [0, 0, 1, 1], [], []>, transpose_lhs_hint = false} : vector<2000x128xf32>, vector<128x128xf32>, vector<2000x128xf32> -> vector<2000x128xf32>
    %add3A = arith.addf %dot_general3A_5, %dot_general3A_13 : vector<2000x128xf32>
    %get3A_14 = arith.constant 0 : index
    %get3A_15 = arith.constant 0 : index
    %get3A_16 = vector.load %arg3[%get3A_14, %get3A_15] : memref<2000x128xf32, #tpu.memory_space<vmem>>, vector<2000x128xf32>
    %get3A_17 = arith.constant 0 : index
    %get3A_18 = arith.constant 0 : index
    %get3A_19 = vector.load %arg6[%get3A_17, %get3A_18] : memref<128x128xf32, #tpu.memory_space<vmem>>, vector<128x128xf32>
    %dot_general3A_20 = arith.constant dense<0.000000e+00> : vector<2000x128xf32>
    %dot_general3A_21 = tpu.matmul %get3A_16, %get3A_19, %dot_general3A_20 {dimension_numbers = #tpu.dot_dimension_numbers<[1], [0], [0], [1], [0, 0, 1, 1], [], []>, transpose_lhs_hint = false} : vector<2000x128xf32>, vector<128x128xf32>, vector<2000x128xf32> -> vector<2000x128xf32>
    %add3A_22 = arith.addf %add3A, %dot_general3A_21 : vector<2000x128xf32>
    %swap3A = arith.constant 0 : index
    %swap3A_23 = arith.constant 0 : index
    %swap3A_24 = vector.load %arg7[%swap3A, %swap3A_23] : memref<2000x128xf32, #tpu.memory_space<vmem>>, vector<2000x128xf32>
    tpu.vector_store %arg7[%swap3A, %swap3A_23], %add3A_22 {strides = array<i32>} : memref<2000x128xf32, #tpu.memory_space<vmem>>, vector<2000x128xf32>,
    return
  }
  func.func @transform_0(%arg0: i32) -> (i32, i32) {
    %c0_i32 = arith.constant 0 : i32
    %c0_i32_0 = arith.constant 0 : i32
    return %arg0, %c0_i32 : i32, i32
  }
  func.func @transform_1(%arg0: i32) -> (i32, i32) {
    %c0_i32 = arith.constant 0 : i32
    %c0_i32_0 = arith.constant 0 : i32
    return %arg0, %c0_i32 : i32, i32
  }
  func.func @transform_2(%arg0: i32) -> (i32, i32) {
    %c0_i32 = arith.constant 0 : i32
    %c0_i32_0 = arith.constant 0 : i32
    return %arg0, %c0_i32 : i32, i32
  }
  func.func @transform_3(%arg0: i32) -> (i32, i32) {
    %c0_i32 = arith.constant 0 : i32
    %c0_i32_0 = arith.constant 0 : i32
    %c0_i32_1 = arith.constant 0 : i32
    return %c0_i32, %c0_i32_0 : i32, i32
  }
  func.func @transform_4(%arg0: i32) -> (i32, i32) {
    %c0_i32 = arith.constant 0 : i32
    %c0_i32_0 = arith.constant 0 : i32
    %c0_i32_1 = arith.constant 0 : i32
    return %c0_i32, %c0_i32_0 : i32, i32
  }
  func.func @transform_5(%arg0: i32) -> (i32, i32) {
    %c0_i32 = arith.constant 0 : i32
    %c0_i32_0 = arith.constant 0 : i32
    %c0_i32_1 = arith.constant 0 : i32
    return %c0_i32, %c0_i32_0 : i32, i32
  }
  func.func @transform_6(%arg0: i32) -> (i32, i32) {
    %c0_i32 = arith.constant 0 : i32
    %c0_i32_0 = arith.constant 0 : i32
    return %arg0, %c0_i32 : i32, i32
  }
}

</mosaic_0001>

<sc_bundles>
// kernel: kernel.4.cloned.1.call-start
scs
__scs_entry_jumppad:
0x0: {  	(pc) =	sbr.rel $0x88, $3  }
0x1: {  	(tag) =	ssettag $0x0;
	lr =	simm.s32 $0x1  }
0x2: {  	[smem:$0x3F9C] =	sst lr;
	_ =	strace $0xD0000000  }
0x3: {  	_ = 	snop  }
0x4: {  	_ = 	snop  }
0x5: {  	_ = 	snop  }
0x6: {  	_ = 	snop  }
0x7: {  	_ = 	snop  }
__scs_overlays_trampoline_lowered:
0x8: {  	[smem:$0x3FAB] =	sst s0  }
0x9: {  	[smem:$0x3FAC] =	sst s1  }
0xa: {  	[smem:$0x3FAD] =	sst s2  }
0xb: {  	[smem:$0x3FAE] =	sst s3  }
0xc: {  	[smem:$0x3FAF] =	sst s4  }
0xd: {  	[smem:$0x3FB0] =	sst s5  }
0xe: {  	[smem:$0x3FB1] =	sst s6  }
0xf: {  	[smem:$0x3FB2] =	sst s7  }
0x10: {  	[smem:$0x3FB3] =	sst s8  }
0x11: {  	[smem:$0x3FB4] =	sst s9;
	s0 =	simm.s32 @!p0 $0x0  }
0x12: {  	s1 =	sld [smem:$0x3F9A];
	s0 =	simm.s32 @p0 $0x1  }
0x13: {  	[smem:$0x3FB5] =	sst s0;
	s0 =	simm.s32 @!p1 $0x0  }
0x14: {  	s2 =	sld [smem:$0x3F99];
	s0 =	simm.s32 @p1 $0x1  }
0x15: {  	[smem:$0x3FB6] =	sst s0;
	s0 =	simm.s32 @!p2 $0x0  }
0x16: {  	s3 =	sld [smem:$0x3FDB];
	s0 =	simm.s32 @p2 $0x1  }
0x17: {  	s4 =	simm.s32 $0x1BF5;
	[smem:$0x3FB8] =	sst s0  }
0x18: {  	s0 =	sld [smem:$0x3F9B];
	_ =	swait.ge [sflag:s4], $0x0  }
0x19: {  	s7 =	sld [smem:$0x3F9C]  }
0x1a: {  	s8 =	sadd.s32 $0xFFFFE003, lr  }
0x1b: {  	s9 =	sadd.s32 $0xFFFFFEF7, lr;
	s5 =	simm.s32 $0xFFFFFFFF;
	p2 =	slt.u32 s8, $0xFFFFF086  }
0x1c: {  	p1 =	slt.u32 s9, $0xF7A;
	s5 =	simm.s32 @!p2 $0x0  }
0x1d: {  	s5 =	simm.s32 @p1 $0x1;
	p0 =	seq.s32 s7, s2  }
0x1e: {  	s7 =	smul.u32 @!p0 $0xF7A, s2;
	p2 =	seq.s32 @!p0 s5, $0x0  }
0x1f: {  	s9 =	smul.u32 $0xF7A, s1;
	s8 =	simm.s32 @!p0 $0x1BF5;
	p2 =	por !p2, p0  }
0x20: {  	[sflag:s8] =	ssyncset.s32 @!p0 $0xFFFFF086;
	s6 =	sadd.s32 @!p0 s3, s7;
	s7 =	simm.s32 @!p0 $0x108  }
0x21: {  	s3 =	sadd.s32 s3, s9;
	s6 =	sadd.s32 @!p0 $0x88, s6;
	s7 =	simm.s32 @p2 $0x1082  }
0x22: {  	[simem:s7], [sflag:s8] =	dma.local @!p0 [hbm:s6], $0xF7A  }
0x23: {  	s9 =	sor.u32 $0xD0000000, s2;
	s6 =	simm.s32 $0x108;
	_ =	swait.ge @!p0 [sflag:s8], $0x0  }
0x24: {  	s3 =	sadd.s32 $0x88, s3;
	s6 =	simm.s32 @!p1 $0x1082;
	[sflag:s4] =	ssyncset.s32 $0xFFFFF086  }
0x25: {  	[simem:s6], [sflag:s4] =	dma.local [hbm:s3], $0xF7A  }
0x26: {  	[smem:$0x3F9C] =	sst s1;
	(tag) =	ssettag s2;
	_ =	strace s9  }
0x27: {  	s1 =	sld [smem:$0x3FAC]  }
0x28: {  	s2 =	sld [smem:$0x3FAD]  }
0x29: {  	s4 =	sld [smem:$0x3FAF]  }
0x2a: {  	p0 =	seq.s32 s5, $0x0;
	s5 =	sld [smem:$0x3FB0]  }
0x2b: {  	s6 =	sld [smem:$0x3FB1]  }
0x2c: {  	s7 =	sld [smem:$0x3FB2]  }
0x2d: {  	s3 =	simm.s32 $0x108;
	s8 =	sld [smem:$0x3FB3]  }
0x2e: {  	s3 =	simm.s32 @!p0 $0x1082;
	s9 =	sld [smem:$0x3FB4]  }
0x2f: {  	lr =	sadd.s32 s0, s3;
	s0 =	sld [smem:$0x3FAB]  }
0x30: {  	s3 =	sld [smem:$0x3FAE]  }
0x31: {  	[smem:$0x3FB7] =	sst s10  }
0x32: {  	s10 =	sld [smem:$0x3FB5];
	_ =	sdelay $0x3  }
0x33: {  	p0 =	seq.s32 s10, $0x1;
	s10 =	sld [smem:$0x3FB7];
	_ =	sdelay $0x3  }
0x34: {  	[smem:$0x3FB7] =	sst s10  }
0x35: {  	s10 =	sld [smem:$0x3FB6];
	_ =	sdelay $0x3  }
0x36: {  	p1 =	seq.s32 s10, $0x1;
	s10 =	sld [smem:$0x3FB7];
	_ =	sdelay $0x3  }
0x37: {  	[smem:$0x3FB7] =	sst s10  }
0x38: {  	s10 =	sld [smem:$0x3FB8]  }
0x39: {  	_ = 	snop;
	(pc) =	sbr.ind lr, $3  }
0x3a: {  	_ = 	snop  }
0x3b: {  	_ = 	snop  }
0x3c: {  	p2 =	seq.s32 s10, $0x1;
	s10 =	sld [smem:$0x3FB7]  }
0x3d: {  	_ =	shalt  }
0x3e: {  	_ =	shalt  }
0x3f: {  	_ =	shalt  }
0x40: {  	_ =	shalt  }
0x41: {  	_ =	shalt  }
0x42: {  	_ =	shalt  }
0x43: {  	_ =	shalt  }
0x44: {  	_ =	shalt  }
0x45: {  	_ =	shalt  }
0x46: {  	_ =	shalt  }
0x47: {  	_ =	shalt  }
0x48: {  	_ =	shalt  }
0x49: {  	_ =	shalt  }
0x4a: {  	_ =	shalt  }
0x4b: {  	_ =	shalt  }
0x4c: {  	_ =	shalt  }
0x4d: {  	_ =	shalt  }
0x4e: {  	_ =	shalt  }
0x4f: {  	_ =	shalt  }
0x50: {  	_ =	shalt  }
0x51: {  	_ =	shalt  }
0x52: {  	_ =	shalt  }
0x53: {  	_ =	shalt  }
0x54: {  	_ =	shalt  }
0x55: {  	_ =	shalt  }
0x56: {  	_ =	shalt  }
0x57: {  	_ =	shalt  }
0x58: {  	_ =	shalt  }
0x59: {  	_ =	shalt  }
0x5a: {  	_ =	shalt  }
0x5b: {  	_ =	shalt  }
0x5c: {  	_ =	shalt  }
0x5d: {  	_ =	shalt  }
0x5e: {  	_ =	shalt  }
0x5f: {  	_ =	shalt  }
0x60: {  	_ =	shalt  }
0x61: {  	_ =	shalt  }
0x62: {  	_ =	shalt  }
0x63: {  	_ =	shalt  }
0x64: {  	_ =	shalt  }
0x65: {  	_ =	shalt  }
0x66: {  	_ =	shalt  }
0x67: {  	_ =	shalt  }
0x68: {  	_ =	shalt  }
0x69: {  	_ =	shalt  }
0x6a: {  	_ =	shalt  }
0x6b: {  	_ =	shalt  }
0x6c: {  	_ =	shalt  }
0x6d: {  	_ =	shalt  }
0x6e: {  	_ =	shalt  }
0x6f: {  	_ =	shalt  }
0x70: {  	_ =	shalt  }
0x71: {  	_ =	shalt  }
0x72: {  	_ =	shalt  }
0x73: {  	_ =	shalt  }
0x74: {  	_ =	shalt  }
0x75: {  	_ =	shalt  }
0x76: {  	_ =	shalt  }
0x77: {  	_ =	shalt  }
0x78: {  	_ =	shalt  }
0x79: {  	_ =	shalt  }
0x7a: {  	_ =	shalt  }
0x7b: {  	_ =	shalt  }
0x7c: {  	_ =	shalt  }
0x7d: {  	_ =	shalt  }
0x7e: {  	_ =	shalt  }
0x7f: {  	_ =	shalt  }
0x80: {  	_ =	shalt  }
0x81: {  	_ =	shalt  }
0x82: {  	_ =	shalt  }
0x83: {  	_ =	shalt  }
0x84: {  	_ =	shalt  }
0x85: {  	_ =	shalt  }
0x86: {  	_ =	shalt  }
0x87: {  	_ =	shalt  }
.Lfunc_end0:
.L_simem_size_0:
called_computation_lowered:
.L_overlay_start_0:
0x88: {  	s2 =	sld [smem:$0x3FD9]  }
0x89: {  	s3 =	sld [smem:$0x3FFE];
	_ =	sdelay $0x1  }
0x8a: {  	s1 =	srdreg.scid  }
0x8b: {  	s0 =	sand.u32 $0x1, s1  }
0x8c: {  	s17 =	sshll.u32 s0, $0xA;
	s2 =	sadd.s32 s3, s2  }
0x8d: {  	s2 =	sadd.s32 s2, s17  }
0x8e: {  	[smem:$0x3FC3] =	sst s2  }
0x8f: {  	_ = 	snop  }
0x90: {  	s2 =	sld [smem:$0x3FC9]  }
0x91: {  	s18 =	sld [smem:$0x3FD0];
	(tm) =	ssettm $0x1  }
0x92: {  	s4 =	sld [smem:$0x3FFB];
	_ =	sdelay $0x3  }
0x93: {  	_ =	strace s4  }
0x94: {  	s4 =	sld [smem:$0x3FFC];
	_ =	sdelay $0x3  }
0x95: {  	_ =	strace s4  }
0x96: {  	s4 =	sld [smem:$0x3FFD];
	_ =	sdelay $0x3  }
0x97: {  	_ =	strace s4  }
0x98: {  	_ =	strace $0x8FFFFFFF  }
0x99: {  	s19 =	sld [smem:$0x3FDB];
	_ =	sdelay $0x1  }
0x9a: {  	s5 =	simm.s32 $_scs_section_size  }
0x9b: {  	s6 =	simm.s32 $_size__tile_overlayer_lowered;
	s7 =	simm.s32 $_tile_overlayer_lowered  }
0x9c: {  	s22 =	simm.s32 $0x1BFF;
	s21 =	sshll.u32 s7, $0x1;
	s4 =	sadd.s32 s5, s19  }
0x9d: {  	s8 =	simm.s32 $0x0;
	s20 =	sshll.u32 s6, $0x1;
	s6 =	sadd.s32 s21, s4  }
0x9e: {  	[timem:s8], [sflag:s22] =	dma.local [hbm:s6], s20  }
0x9f: {  	_ =	swait.ge [sflag:s22], s20  }
0xa0: {  	s5 =	ssub.s32 $0x0, s20;
	[sflag:s22] =	ssyncset.done $0x0  }
0xa1: {  	[sflag:s22] =	ssyncadd.s32 s5;
	_ =	sdelay $0x1  }
0xa2: {  	s23 =	simm.s32 $0x1B8B  }
0xa3: {  	_ =	swait.ge [sflag:s23], $0x1  }
0xa4: {  	[sflag:s23] =	ssyncset.done $0x0  }
0xa5: {  	s25 =	simm.s32 $0x1B8E;
	s24 =	sld [smem:$0x3FFE];
	[sflag:s23] =	ssyncadd.s32 $0xFFFFFFFF  }
0xa6: {  	s26 =	simm.s32 $execute0_lowered;
	[smem:$0x3FD2] =	sst s25  }
0xa7: {  	s6 =	sshll.u32 s26, $0x1;
	_ =	strace $0x80000046;
	[dreg:$0x1] =	wrdreg $0xFFFFFFFF  }
0xa8: {  	s28 =	simm.s32 $_size_execute0_lowered;
	s4 =	sadd.s32 s4, s6;
	[dreg:$0x0] =	wrdreg $0x0  }
0xa9: {  	s6 =	sshll.u32 s28, $0x1;
	[dreg:$0x2] =	wrdreg s4  }
0xaa: {  	[dreg:$0x3] =	wrdreg s6  }
0xab: {  	[dreg:$0x4] =	wrdreg $0xC0  }
0xac: {  	_ =	task [dreg:s8], $0x5FFFF  }
0xad: {  	[dreg:$0x1] =	wrdreg $0xFFFFFFFF  }
0xae: {  	[dreg:$0x0] =	wrdreg $0x60  }
0xaf: {  	[dreg:$0x2] =	wrdreg s2  }
0xb0: {  	[dreg:$0x3] =	wrdreg s18  }
0xb1: {  	[dreg:$0x4] =	wrdreg s24  }
0xb2: {  	[dreg:$0x5] =	wrdreg $0x0  }
0xb3: {  	[dreg:$0x6] =	wrdreg $0x9  }
0xb4: {  	_ =	task.clear_ibuf [dreg:s8], $0x7FFFF;
	_ =	strace $0x90000046  }
0xb5: {  	s29 =	simm.s32 $0x9;
	_ =	strace $0x80000048  }
0xb6: {  	_ =	swait.ge [sflag:s29], $0x1  }
0xb7: {  	[sflag:s29] =	ssyncadd.s32 $0xFFFFFFFF  }
0xb8: {  	_ =	strace $0x90000048  }
0xb9: {  	_ =	sfence  }
0xba: {  	s30 =	sld [smem:$0x0];
	_ =	sdelay $0x2  }
0xbb: {  	s31 =	sshll.u32 s1, $0xD;
	s1 =	sshrl.u32 s1, $0x2  }
0xbc: {  	s3 =	sand.u32 $0x4000, s31;
	s1 =	sadd.s32 s1, s30  }
0xbd: {  	s0 =	sor.u32 s3, s0;
	s1 =	sshll.u32 s1, $0x11  }
0xbe: {  	s0 =	sor.u32 s1, s0  }
0xbf: {  	s0 =	sadd.s32 $0x8F2B, s0  }
0xc0: {  	[sflag:s0] =	ssyncadd.remote.s32 $0x1  }
0xc1: {  	_ =	sfence.sel $0xFFFF  }
0xc2: {  	[dreg:$0x0] =	wrdreg $0xFFFFFFFF;
	(pc) =	sbr.abs _section_cstart, $3  }
0xc3: {  	[dreg:$0x1] =	wrdreg $0xFFFFFFFF  }
0xc4: {  	_ =	task.clear_ibuf [dreg:s8], $0x2FFFF;
	_ =	strace $0x9FFFFFFF  }
0xc5: {  	(tm) =	ssettm $0x7FFFFFFF  }
tec
execute0_lowered:
.L_overlay_start_1:
0x0: {  	(tag) =	ssettag $0x1  }
0x1: {  	s0 =	rddreg [dreg:$0x0]  }
0x2: {  	s1 =	rddreg [dreg:$0x1]  }
0x3: {  	s5 =	rddreg [dreg:$0x2]  }
0x4: {  	s3 =	srdreg.scid;
	s11 =	stileid.u32  }
0x5: {  	s2 =	rddreg [dreg:$0x3];
	s28 =	simm.s32 $0x2;
	s29 =	simm.s32 $0x3  }
0x6: {  	s30 =	simm.s32 $0x4;
	s31 =	simm.s32 $0x80;
	s4 =	sand.u32 $0x1, s3  }
0x7: {  	s6 =	sshll.u32 s11, $0x1;
	s3 =	simm.s32 $0x0;
	s14 =	sshll.u32 s11, $0xB  }
0x8: {  	s15 =	sshll.u32 s11, $0x7;
	s16 =	sshll.u32 s11, $0xE;
	s24 =	sadd.s32 $0x27000, s0  }
0x9: {  	p1 =	sgt.u32 s11, $0xD;
	s6 =	sor.u32 s4, s6;
	[smem:$0x7FF] =	sst s3  }
0xa: {  	s7 =	ssub.s32 $0x2, s4;
	s4 =	sadd.s32 $0x1A00, s5;
	s5 =	sadd.s32 $0x29A00, s5  }
0xb: {  	s17 =	sor.u32 $0x800, s15;
	s20 =	sor.u32 $0x1000, s15;
	s10 =	sor.u32 $0x1800, s15  }
0xc: {  	p2 =	sne.s32 @p1 s11, $0xF;
	s8 =	smul.u32 $0x500, s6;
	_ =	strace $0x80000047  }
0xd: {  	s9 =	sshrl.u32 s7, $0x1;
	s18 =	sshll.u32 s17, $0x4;
	s21 =	sshll.u32 s20, $0x4  }
0xe: {  	s22 =	sshll.u32 s10, $0x4;
	s23 =	sshll.u32 s10, $0x7;
	[dreg:$0xf] =	wrdreg s24  }
0xf: {  	p0 =	seq.s32 s6, $0x1F;
	s24 =	simm.s32 $0x16800;
	p2 =	por p2, !p1  }
0x10: {  	s10 =	simm.s32 $0x0;
	s7 =	ssub.s32 s7, s9;
	s8 =	sadd.s32 s1, s8  }
0x11: {  	s9 =	sshll.u32 s17, $0x7;
	s1 =	sadd.s32 $0x9B00, s1;
	[dreg:$0x5] =	wrdreg s8  }
0x12: {  	s17 =	sadd.s32 $0x138000, s2;
	s19 =	sadd.s32 s9, s2;
	[dreg:$0x6] =	wrdreg s1  }
0x13: {  	s9 =	sadd.s32 s0, s21;
	s21 =	smax.u32 s7, $0x1;
	[dreg:$0xa] =	wrdreg s19  }
0x14: {  	s7 =	simm.s32 $0x5;
	s1 =	sadd.s32 s0, s14;
	[dreg:$0xb] =	wrdreg s9  }
0x15: {  	s8 =	sor.u32 $0x2000, s15;
	s14 =	simm.s32 $0x14000;
	s9 =	simm.s32 $0xA  }
0x16: {  	[dreg:$0x7] =	wrdreg s1;
	s1 =	sadd.s32 s16, s2;
	s25 =	sshll.u32 s8, $0x4  }
0x17: {  	s26 =	sshll.u32 s8, $0x7;
	s8 =	simm.s32 $0x6;
	[dreg:$0x8] =	wrdreg s1  }
0x18: {  	s1 =	sadd.s32 s0, s18;
	s18 =	sadd.s32 s0, s25;
	s19 =	sadd.s32 s26, s2  }
0x19: {  	s25 =	simm.s32 $0x1;
	[dreg:$0x9] =	wrdreg s1;
	s1 =	sshll.u32 s20, $0x7  }
0x1a: {  	s26 =	simm.s32 $0x1A800;
	s20 =	smul.u32 $0xA000, s6;
	s1 =	sadd.s32 s1, s2  }
0x1b: {  	s6 =	simm.s32 $0x8;
	[dreg:$0xc] =	wrdreg s1;
	s1 =	sadd.s32 s0, s22  }
0x1c: {  	s0 =	simm.s32 $0x7;
	[dreg:$0xd] =	wrdreg s1;
	s1 =	sadd.s32 s23, s2  }
0x1d: {  	v0 =	vimm.s32 $0x0;
	s23 =	simm.s32 $0xB;
	[dreg:$0xe] =	wrdreg s1;
	s1 =	simm.s32 $0x9  }
.LBB2_1:
.Ltmp0:
0x1e: {  	(pc) =	sbr.rel @!p0 .LBB2_2-.Ltmp0, $1  }
0x1f: {  	_ =	sdelay $0x3  }
0x20: {  	s12 =	simm.s32 $0x0;
	s11 =	rddreg [dreg:$0x6]  }
0x21: {  	[tilespmem:s14], [sflag:$0xB] =	stream.linear.gather [hbm4b:s11+s12], $0xA00, $0x38;
	[tilespmem:$0x1F800] =	vst v63  }
0x22: {  	_ =	swait.ge [sflag:s23], $0xA00  }
0x23: {  	[sflag:s23] =	ssyncset.done $0x0  }
0x24: {  	s11 =	simm.s32 $0x10;
	s12 =	sand.u32 $0x1FF0, s12;
	[sflag:s23] =	ssyncadd.s32 $0xFFFFF600  }
.LBB2_4:
0x25: {  	p3 =	sne.s32 s11, $0x1DF0;
	[tilespmem:s12+$0x14A00] =	vst v0;
	s12 =	smov.u32 s11;
	s11 =	sadd.s32 $0x10, s11  }
.Ltmp1:
0x26: {  	(pc) =	sbr.rel @p3 .LBB2_4-.Ltmp1, $2  }
0x27: {  	_ =	sdelay $0x2  }
0x28: {  	s12 =	sand.u32 $0x1FF0, s12  }
.Ltmp2:
0x29: {  	(pc) =	sbr.rel .LBB2_6-.Ltmp2, $2  }
0x2a: {  	_ =	sdelay $0x2  }
0x2b: {  	[tilespmem:s12+$0x14A00] =	vst v0  }
.LBB2_2:
0x2c: {  	s11 =	rddreg [dreg:$0x5]  }
0x2d: {  	[tilespmem:s14], [sflag:$0xB] =	stream.linear.gather [hbm4b:s11+s3], $0x2800, $0x38;
	[tilespmem:$0x1F800] =	vst v63  }
0x2e: {  	_ =	swait.ge [sflag:s23], $0x2800  }
0x2f: {  	[sflag:s23] =	ssyncset.done $0x0  }
0x30: {  	[sflag:s23] =	ssyncadd.s32 $0xFFFFD800  }
.LBB2_6:
0x31: {  	s11 =	rddreg [dreg:$0x7]  }
0x32: {  	[tilespmem:s24], [sflag:$0x1] =	stream.linear.gather [hbm4b:s11+s3], $0x4000, $0x38;
	[tilespmem:$0x1F800] =	vst v63  }
0x33: {  	_ =	swait.ge [sflag:s25], $0x4000  }
0x34: {  	[sflag:s25] =	ssyncset.done $0x0  }
0x35: {  	s15 =	rddreg [dreg:$0x8];
	[sflag:s25] =	ssyncadd.s32 $0xFFFFC000  }
0x36: {  	[spmem:s15] =	stream.linear.scatter [tilespmem:s24], [sflag:$0x3], $0x4000, $0x38;
	[tilespmem:$0x1F800] =	vst v63  }
0x37: {  	s16 =	rddreg [dreg:$0x9]  }
0x38: {  	[tilespmem:s26], [sflag:$0x2] =	stream.linear.gather [hbm4b:s16+s3], $0x4000, $0x38;
	[tilespmem:$0x1F800] =	vst v63  }
0x39: {  	_ =	swait.ge [sflag:s28], $0x4000  }
0x3a: {  	[sflag:s28] =	ssyncset.done $0x0  }
0x3b: {  	s22 =	rddreg [dreg:$0xa];
	[sflag:s28] =	ssyncadd.s32 $0xFFFFC000  }
0x3c: {  	[spmem:s22] =	stream.linear.scatter [tilespmem:s26], [sflag:$0x4], $0x4000, $0x38;
	[tilespmem:$0x1F800] =	vst v63  }
0x3d: {  	_ =	swait.ge [sflag:s29], $0x4000  }
0x3e: {  	[sflag:s29] =	ssyncset.done $0x0  }
0x3f: {  	s12 =	rddreg [dreg:$0xb];
	[sflag:s29] =	ssyncadd.s32 $0xFFFFC000  }
0x40: {  	[tilespmem:s24], [sflag:$0x1] =	stream.linear.gather [hbm4b:s12+s3], $0x4000, $0x38;
	[tilespmem:$0x1F800] =	vst v63  }
0x41: {  	_ =	swait.ge [sflag:s25], $0x4000  }
0x42: {  	[sflag:s25] =	ssyncset.done $0x0  }
0x43: {  	s13 =	rddreg [dreg:$0xc];
	[sflag:s25] =	ssyncadd.s32 $0xFFFFC000  }
0x44: {  	[spmem:s13] =	stream.linear.scatter [tilespmem:s24], [sflag:$0x3], $0x4000, $0x38;
	[tilespmem:$0x1F800] =	vst v63  }
0x45: {  	_ =	swait.ge [sflag:s30], $0x4000  }
0x46: {  	[sflag:s30] =	ssyncset.done $0x0  }
0x47: {  	s15 =	rddreg [dreg:$0xd];
	[sflag:s30] =	ssyncadd.s32 $0xFFFFC000  }
0x48: {  	[tilespmem:s26], [sflag:$0x2] =	stream.linear.gather [hbm4b:s15+s3], $0x4000, $0x38;
	[tilespmem:$0x1F800] =	vst v63  }
0x49: {  	_ =	swait.ge [sflag:s28], $0x4000  }
0x4a: {  	[sflag:s28] =	ssyncset.done $0x0  }
0x4b: {  	s16 =	rddreg [dreg:$0xe];
	[sflag:s28] =	ssyncadd.s32 $0xFFFFC000  }
0x4c: {  	[spmem:s16] =	stream.linear.scatter [tilespmem:s26], [sflag:$0x4], $0x4000, $0x38;
	[tilespmem:$0x1F800] =	vst v63  }
0x4d: {  	_ =	swait.ge [sflag:s29], $0x4000  }
0x4e: {  	[sflag:s29] =	ssyncset.done $0x0  }
0x4f: {  	[sflag:s29] =	ssyncadd.s32 $0xFFFFC000  }
0x50: {  	_ =	swait.ge [sflag:s30], $0x4000  }
0x51: {  	s11 =	simm.s32 @!p2 $0x0;
	[sflag:s30] =	ssyncset.done $0x0  }
0x52: {  	s12 =	simm.s32 @!p2 $0x16800;
	s13 =	rddreg [dreg:$0xf];
	[sflag:s30] =	ssyncadd.s32 $0xFFFFC000  }
0x53: {  	[tilespmem:s12], [sflag:$0xB] =	stream.linear.gather @!p2 [hbm4b:s13+s11], $0x800, $0x38;
	[tilespmem:$0x1F800] =	vst v63  }
0x54: {  	s11 =	simm.s32 @!p2 $0xB  }
0x55: {  	_ =	swait.ge @!p2 [sflag:s11], $0x800  }
0x56: {  	[sflag:s11] =	ssyncset.done @!p2 $0x0  }
0x57: {  	[sflag:s11] =	ssyncadd.s32 @!p2 $0xFFFFF800  }
0x58: {  	[spmem:s17] =	stream.linear.scatter @!p2 [tilespmem:s12], [sflag:$0xB], $0x800, $0x38;
	[tilespmem:$0x1F800] =	vst v63  }
0x59: {  	_ =	swait.ge @!p2 [sflag:s11], $0x800  }
0x5a: {  	[sflag:s11] =	ssyncset.done @!p2 $0x0  }
0x5b: {  	s12 =	simm.s32 @!p1 $0x16800;
	[sflag:s11] =	ssyncadd.s32 @!p2 $0xFFFFF800;
	s11 =	simm.s32 @!p1 $0x0  }
0x5c: {  	[tilespmem:s12], [sflag:$0xB] =	stream.linear.gather @!p1 [hbm4b:s18+s11], $0x4000, $0x38;
	[tilespmem:$0x1F800] =	vst v63  }
0x5d: {  	s11 =	simm.s32 @!p1 $0xB  }
0x5e: {  	_ =	swait.ge @!p1 [sflag:s11], $0x4000  }
0x5f: {  	[sflag:s11] =	ssyncset.done @!p1 $0x0  }
0x60: {  	[sflag:s11] =	ssyncadd.s32 @!p1 $0xFFFFC000  }
0x61: {  	[spmem:s19] =	stream.linear.scatter @!p1 [tilespmem:s12], [sflag:$0xB], $0x4000, $0x38;
	[tilespmem:$0x1F800] =	vst v63  }
0x62: {  	_ =	swait.ge @!p1 [sflag:s11], $0x4000  }
0x63: {  	[sflag:s11] =	ssyncset.done @!p1 $0x0  }
0x64: {  	[sflag:s11] =	ssyncadd.s32 @!p1 $0xFFFFC000  }
0x65: {  	[bflag:$0x0] =	sbarrier.arrive $0xFFFF  }
0x66: {  	[tilespmem:s24], [sflag:$0x1] =	stream.indirect.gather [spmem:s2], $0x80, s14, s31, $0xb8;
	[tilespmem:$0x1F800] =	vst v63  }
0x67: {  	s22 =	simm.s32 $0x14080;
	s11 =	simm.s32 $0x0  }
0x68: {  	[tilespmem:s26], [sflag:$0x2] =	stream.indirect.gather [spmem:s2], $0x80, s22, s31, $0xb8;
	[tilespmem:$0x1F800] =	vst v63  }
.LBB2_7:
0x69: {  	s22 =	sand.u32 $0x1, s11;
	p6 =	slt.u32 s11, $0x4  }
.Ltmp3:
0x6a: {  	s13 =	simm.s32 $0x1;
	p3 =	seq.s32 s22, $0x0;
	(pc) =	sbr.rel @p6 .LBB2_9-.Ltmp3, $4  }
0x6b: {  	s13 =	simm.s32 @!p3 $0x2  }
0x6c: {  	s12 =	sand.u32 $0x3, s11;
	_ =	swait.ge [sflag:s13], $0x4000  }
0x6d: {  	p3 =	sgt.s32 s12, $0x1;
	[sflag:s13] =	ssyncset.done $0x0  }
0x6e: {  	p5 =	seq.s32 @p3 s12, $0x2;
	p4 =	seq.s32 @!p3 s12, $0x0;
	[sflag:s13] =	ssyncadd.s32 $0xFFFFC000  }
0x6f: {  	p6 =	por !p5, !p3  }
0x70: {  	s14 =	simm.s32 $0x3;
	s15 =	simm.s32 @!p6 $0x9;
	s16 =	simm.s32 @!p6 $0x5  }
0x71: {  	s16 =	simm.s32 @p6 $0x6;
	s15 =	simm.s32 @p6 $0xA;
	p6 =	por !p4, p3  }
0x72: {  	s14 =	simm.s32 @p6 $0x4  }
0x73: {  	s14 =	smov.u32 @p3 s16  }
0x74: {  	s13 =	simm.s32 $0x7;
	_ =	swait.ge [sflag:s14], $0x200  }
0x75: {  	s13 =	simm.s32 @p6 $0x8;
	[sflag:s14] =	ssyncset.done $0x0  }
0x76: {  	s13 =	smov.u32 @p3 s15;
	[sflag:s14] =	ssyncadd.s32 $0xFFFFFE00  }
0x77: {  	_ =	swait.ge [sflag:s13], $0x200  }
0x78: {  	[sflag:s13] =	ssyncset.done $0x0  }
0x79: {  	[sflag:s13] =	ssyncadd.s32 $0xFFFFFE00  }
.LBB2_9:
0x7a: {  	s13 =	sshll.u32 s22, $0xE  }
0x7b: {  	s13 =	sadd.s32 $0x16800, s13  }
0x7c: {  	v1 =	vmov s13  }
0x7d: {  	s14 =	sshll.u32 s12, $0x9  }
0x7e: {  	s12 =	simm.s32 $0x0;
	v2 =	vmov s14  }
.LBB2_10:
0x7f: {  	s13 =	sshll.u32 s12, $0xE  }
0x80: {  	s13 =	sshra.s32 s13, $0x2  }
0x81: {  	v3 =	vld.idx.msk [tilespmem:v1+s13+$0xF80 ss:$0x1], $0xffff  }
0x82: {  	v4 =	vld.idx.msk [tilespmem:v1+s13+$0xF90 ss:$0x1], $0xffff  }
0x83: {  	v5 =	vld.idx.msk [tilespmem:v1+s13+$0xFA0 ss:$0x1], $0xffff  }
0x84: {  	v6 =	vld.idx.msk [tilespmem:v1+s13+$0xFB0 ss:$0x1], $0xffff  }
0x85: {  	v7 =	vld.idx.msk [tilespmem:v1+s13+$0xF00 ss:$0x1], $0xffff  }
0x86: {  	v8 =	vld.idx.msk [tilespmem:v1+s13+$0xF10 ss:$0x1], $0xffff  }
0x87: {  	v9 =	vld.idx.msk [tilespmem:v1+s13+$0xF20 ss:$0x1], $0xffff  }
0x88: {  	v10 =	vld.idx.msk [tilespmem:v1+s13+$0xF30 ss:$0x1], $0xffff  }
0x89: {  	v11 =	vld.idx.msk [tilespmem:v1+s13+$0xE80 ss:$0x1], $0xffff  }
0x8a: {  	v12 =	vld.idx.msk [tilespmem:v1+s13+$0xE90 ss:$0x1], $0xffff  }
0x8b: {  	v13 =	vld.idx.msk [tilespmem:v1+s13+$0xEA0 ss:$0x1], $0xffff  }
0x8c: {  	v14 =	vld.idx.msk [tilespmem:v1+s13+$0xEB0 ss:$0x1], $0xffff  }
0x8d: {  	v15 =	vld.idx.msk [tilespmem:v1+s13+$0xE00 ss:$0x1], $0xffff  }
0x8e: {  	v16 =	vld.idx.msk [tilespmem:v1+s13+$0xE10 ss:$0x1], $0xffff  }
0x8f: {  	v17 =	vld.idx.msk [tilespmem:v1+s13+$0xE20 ss:$0x1], $0xffff  }
0x90: {  	v18 =	vld.idx.msk [tilespmem:v1+s13+$0xE30 ss:$0x1], $0xffff  }
0x91: {  	v19 =	vld.idx.msk [tilespmem:v1+s13+$0xD80 ss:$0x1], $0xffff  }
0x92: {  	v20 =	vld.idx.msk [tilespmem:v1+s13+$0xD90 ss:$0x1], $0xffff  }
0x93: {  	v21 =	vld.idx.msk [tilespmem:v1+s13+$0xDA0 ss:$0x1], $0xffff  }
0x94: {  	v22 =	vld.idx.msk [tilespmem:v1+s13+$0xDB0 ss:$0x1], $0xffff  }
0x95: {  	v23 =	vld.idx.msk [tilespmem:v1+s13+$0xD00 ss:$0x1], $0xffff  }
0x96: {  	v24 =	vld.idx.msk [tilespmem:v1+s13+$0xD10 ss:$0x1], $0xffff  }
0x97: {  	v25 =	vld.idx.msk [tilespmem:v1+s13+$0xD20 ss:$0x1], $0xffff  }
0x98: {  	v26 =	vld.idx.msk [tilespmem:v1+s13+$0xD30 ss:$0x1], $0xffff  }
0x99: {  	v27 =	vld.idx.msk [tilespmem:v1+s13+$0xC80 ss:$0x1], $0xffff;
	v7 =	vadd.f32 v7, v3;
	v8 =	vadd.f32 v8, v4  }
0x9a: {  	v28 =	vld.idx.msk [tilespmem:v1+s13+$0xC90 ss:$0x1], $0xffff;
	v9 =	vadd.f32 v9, v5;
	v10 =	vadd.f32 v10, v6  }
0x9b: {  	v29 =	vld.idx.msk [tilespmem:v1+s13+$0xCA0 ss:$0x1], $0xffff;
	v3 =	vadd.f32 v7, v3;
	v4 =	vadd.f32 v8, v4  }
0x9c: {  	v30 =	vld.idx.msk [tilespmem:v1+s13+$0xCB0 ss:$0x1], $0xffff;
	v5 =	vadd.f32 v9, v5;
	v7 =	vadd.f32 v11, v7  }
0x9d: {  	v43 =	vld.idx.msk [tilespmem:v1+s13+$0xC00 ss:$0x1], $0xffff;
	v6 =	vadd.f32 v10, v6;
	v8 =	vadd.f32 v12, v8  }
0x9e: {  	v44 =	vld.idx.msk [tilespmem:v1+s13+$0xC10 ss:$0x1], $0xffff;
	v9 =	vadd.f32 v13, v9;
	v10 =	vadd.f32 v14, v10  }
0x9f: {  	v45 =	vld.idx.msk [tilespmem:v1+s13+$0xC20 ss:$0x1], $0xffff;
	v3 =	vadd.f32 v7, v3;
	v4 =	vadd.f32 v8, v4  }
0xa0: {  	v46 =	vld.idx.msk [tilespmem:v1+s13+$0xC30 ss:$0x1], $0xffff;
	v5 =	vadd.f32 v9, v5;
	v7 =	vadd.f32 v15, v7  }
0xa1: {  	v47 =	vld.idx.msk [tilespmem:v1+s13+$0xB80 ss:$0x1], $0xffff;
	v6 =	vadd.f32 v10, v6;
	v8 =	vadd.f32 v16, v8  }
0xa2: {  	v48 =	vld.idx.msk [tilespmem:v1+s13+$0xB90 ss:$0x1], $0xffff;
	v9 =	vadd.f32 v17, v9;
	v10 =	vadd.f32 v18, v10  }
0xa3: {  	v49 =	vld.idx.msk [tilespmem:v1+s13+$0xBA0 ss:$0x1], $0xffff;
	v3 =	vadd.f32 v7, v3;
	v4 =	vadd.f32 v8, v4  }
0xa4: {  	v50 =	vld.idx.msk [tilespmem:v1+s13+$0xBB0 ss:$0x1], $0xffff;
	v5 =	vadd.f32 v9, v5;
	v7 =	vadd.f32 v19, v7  }
0xa5: {  	v51 =	vld.idx.msk [tilespmem:v1+s13+$0xB00 ss:$0x1], $0xffff;
	v6 =	vadd.f32 v10, v6;
	v8 =	vadd.f32 v20, v8  }
0xa6: {  	v52 =	vld.idx.msk [tilespmem:v1+s13+$0xB10 ss:$0x1], $0xffff;
	v9 =	vadd.f32 v21, v9;
	v10 =	vadd.f32 v22, v10  }
0xa7: {  	v53 =	vld.idx.msk [tilespmem:v1+s13+$0xB20 ss:$0x1], $0xffff;
	v3 =	vadd.f32 v7, v3;
	v4 =	vadd.f32 v8, v4  }
0xa8: {  	v54 =	vld.idx.msk [tilespmem:v1+s13+$0xB30 ss:$0x1], $0xffff;
	v5 =	vadd.f32 v9, v5;
	v7 =	vadd.f32 v23, v7  }
0xa9: {  	v55 =	vld.idx.msk [tilespmem:v1+s13+$0xA80 ss:$0x1], $0xffff;
	v6 =	vadd.f32 v10, v6;
	v8 =	vadd.f32 v24, v8  }
0xaa: {  	v56 =	vld.idx.msk [tilespmem:v1+s13+$0xA90 ss:$0x1], $0xffff;
	v9 =	vadd.f32 v25, v9;
	v10 =	vadd.f32 v26, v10  }
0xab: {  	v57 =	vld.idx.msk [tilespmem:v1+s13+$0xAA0 ss:$0x1], $0xffff;
	v3 =	vadd.f32 v7, v3;
	v4 =	vadd.f32 v8, v4  }
0xac: {  	v58 =	vld.idx.msk [tilespmem:v1+s13+$0xAB0 ss:$0x1], $0xffff;
	v5 =	vadd.f32 v9, v5;
	v7 =	vadd.f32 v27, v7  }
0xad: {  	v59 =	vld.idx.msk [tilespmem:v1+s13+$0xA00 ss:$0x1], $0xffff;
	v6 =	vadd.f32 v10, v6;
	v8 =	vadd.f32 v28, v8  }
0xae: {  	v60 =	vld.idx.msk [tilespmem:v1+s13+$0xA10 ss:$0x1], $0xffff;
	v9 =	vadd.f32 v29, v9;
	v10 =	vadd.f32 v30, v10  }
0xaf: {  	v61 =	vld.idx.msk [tilespmem:v1+s13+$0xA20 ss:$0x1], $0xffff;
	v3 =	vadd.f32 v7, v3;
	v4 =	vadd.f32 v8, v4  }
0xb0: {  	v62 =	vld.idx.msk [tilespmem:v1+s13+$0xA30 ss:$0x1], $0xffff;
	v5 =	vadd.f32 v9, v5;
	v7 =	vadd.f32 v43, v7  }
0xb1: {  	v63 =	vld.idx.msk [tilespmem:v1+s13+$0x980 ss:$0x1], $0xffff;
	v6 =	vadd.f32 v10, v6;
	v8 =	vadd.f32 v44, v8  }
0xb2: {  	v33 =	vld.idx.msk [tilespmem:v1+s13+$0x990 ss:$0x1], $0xffff;
	v9 =	vadd.f32 v45, v9;
	v10 =	vadd.f32 v46, v10  }
0xb3: {  	v34 =	vld.idx.msk [tilespmem:v1+s13+$0x9A0 ss:$0x1], $0xffff;
	v3 =	vadd.f32 v7, v3;
	v4 =	vadd.f32 v8, v4  }
0xb4: {  	v35 =	vld.idx.msk [tilespmem:v1+s13+$0x9B0 ss:$0x1], $0xffff;
	v5 =	vadd.f32 v9, v5;
	v7 =	vadd.f32 v47, v7  }
0xb5: {  	v36 =	vld.idx.msk [tilespmem:v1+s13+$0x900 ss:$0x1], $0xffff;
	v6 =	vadd.f32 v10, v6;
	v8 =	vadd.f32 v48, v8  }
0xb6: {  	v37 =	vld.idx.msk [tilespmem:v1+s13+$0x910 ss:$0x1], $0xffff;
	v9 =	vadd.f32 v49, v9;
	v10 =	vadd.f32 v50, v10  }
0xb7: {  	v38 =	vld.idx.msk [tilespmem:v1+s13+$0x920 ss:$0x1], $0xffff;
	v3 =	vadd.f32 v7, v3;
	v4 =	vadd.f32 v8, v4  }
0xb8: {  	v39 =	vld.idx.msk [tilespmem:v1+s13+$0x930 ss:$0x1], $0xffff;
	v5 =	vadd.f32 v9, v5;
	v7 =	vadd.f32 v51, v7  }
0xb9: {  	v40 =	vld.idx.msk [tilespmem:v1+s13+$0x880 ss:$0x1], $0xffff;
	v6 =	vadd.f32 v10, v6;
	v8 =	vadd.f32 v52, v8  }
0xba: {  	v41 =	vld.idx.msk [tilespmem:v1+s13+$0x890 ss:$0x1], $0xffff;
	v9 =	vadd.f32 v53, v9;
	v10 =	vadd.f32 v54, v10  }
0xbb: {  	v42 =	vld.idx.msk [tilespmem:v1+s13+$0x8A0 ss:$0x1], $0xffff;
	v3 =	vadd.f32 v7, v3;
	v4 =	vadd.f32 v8, v4  }
0xbc: {  	v32 =	vld.idx.msk [tilespmem:v1+s13+$0x230 ss:$0x1], $0xffff;
	v5 =	vadd.f32 v9, v5;
	v7 =	vadd.f32 v55, v7  }
0xbd: {  	v14 =	vld.idx.msk [tilespmem:v1+s13+$0x4B0 ss:$0x1], $0xffff;
	v6 =	vadd.f32 v10, v6;
	v8 =	vadd.f32 v56, v8  }
0xbe: {  	v19 =	vld.idx.msk [tilespmem:v1+s13+$0x430 ss:$0x1], $0xffff;
	v9 =	vadd.f32 v57, v9;
	v10 =	vadd.f32 v58, v10  }
0xbf: {  	v30 =	vld.idx.msk [tilespmem:v1+s13+$0x530 ss:$0x1], $0xffff;
	v3 =	vadd.f32 v7, v3;
	v4 =	vadd.f32 v8, v4  }
0xc0: {  	v43 =	vld.idx.msk [tilespmem:v1+s13+$0x8B0 ss:$0x1], $0xffff;
	v5 =	vadd.f32 v9, v5;
	v7 =	vadd.f32 v59, v7  }
0xc1: {  	v44 =	vld.idx.msk [tilespmem:v1+s13+$0x800 ss:$0x1], $0xffff;
	v6 =	vadd.f32 v10, v6;
	v8 =	vadd.f32 v60, v8  }
0xc2: {  	v45 =	vld.idx.msk [tilespmem:v1+s13+$0x810 ss:$0x1], $0xffff;
	v9 =	vadd.f32 v61, v9;
	v10 =	vadd.f32 v62, v10  }
0xc3: {  	v46 =	vld.idx.msk [tilespmem:v1+s13+$0x820 ss:$0x1], $0xffff;
	v3 =	vadd.f32 v7, v3;
	v4 =	vadd.f32 v8, v4  }
0xc4: {  	v47 =	vld.idx.msk [tilespmem:v1+s13+$0x830 ss:$0x1], $0xffff;
	v5 =	vadd.f32 v9, v5;
	v7 =	vadd.f32 v63, v7  }
0xc5: {  	v48 =	vld.idx.msk [tilespmem:v1+s13+$0x780 ss:$0x1], $0xffff;
	v6 =	vadd.f32 v10, v6;
	v8 =	vadd.f32 v33, v8  }
0xc6: {  	v49 =	vld.idx.msk [tilespmem:v1+s13+$0x790 ss:$0x1], $0xffff;
	v9 =	vadd.f32 v34, v9;
	v10 =	vadd.f32 v35, v10  }
0xc7: {  	v50 =	vld.idx.msk [tilespmem:v1+s13+$0x7A0 ss:$0x1], $0xffff;
	v3 =	vadd.f32 v7, v3;
	v4 =	vadd.f32 v8, v4  }
0xc8: {  	v51 =	vld.idx.msk [tilespmem:v1+s13+$0x7B0 ss:$0x1], $0xffff;
	v5 =	vadd.f32 v9, v5;
	v7 =	vadd.f32 v36, v7  }
0xc9: {  	v52 =	vld.idx.msk [tilespmem:v1+s13+$0x700 ss:$0x1], $0xffff;
	v6 =	vadd.f32 v10, v6;
	v8 =	vadd.f32 v37, v8  }
0xca: {  	v53 =	vld.idx.msk [tilespmem:v1+s13+$0x710 ss:$0x1], $0xffff;
	v9 =	vadd.f32 v38, v9;
	v10 =	vadd.f32 v39, v10  }
0xcb: {  	v54 =	vld.idx.msk [tilespmem:v1+s13+$0x720 ss:$0x1], $0xffff;
	v3 =	vadd.f32 v7, v3;
	v4 =	vadd.f32 v8, v4  }
0xcc: {  	v55 =	vld.idx.msk [tilespmem:v1+s13+$0x730 ss:$0x1], $0xffff;
	v5 =	vadd.f32 v9, v5;
	v7 =	vadd.f32 v40, v7  }
0xcd: {  	v56 =	vld.idx.msk [tilespmem:v1+s13+$0x680 ss:$0x1], $0xffff;
	v6 =	vadd.f32 v10, v6;
	v8 =	vadd.f32 v41, v8  }
0xce: {  	v57 =	vld.idx.msk [tilespmem:v1+s13+$0x690 ss:$0x1], $0xffff;
	v9 =	vadd.f32 v42, v9;
	v10 =	vadd.f32 v43, v10  }
0xcf: {  	v58 =	vld.idx.msk [tilespmem:v1+s13+$0x6A0 ss:$0x1], $0xffff;
	v3 =	vadd.f32 v7, v3;
	v4 =	vadd.f32 v8, v4  }
0xd0: {  	v59 =	vld.idx.msk [tilespmem:v1+s13+$0x6B0 ss:$0x1], $0xffff;
	v5 =	vadd.f32 v9, v5;
	v7 =	vadd.f32 v44, v7  }
0xd1: {  	v60 =	vld.idx.msk [tilespmem:v1+s13+$0x600 ss:$0x1], $0xffff;
	v6 =	vadd.f32 v10, v6;
	v8 =	vadd.f32 v45, v8  }
0xd2: {  	v61 =	vld.idx.msk [tilespmem:v1+s13+$0x610 ss:$0x1], $0xffff;
	v9 =	vadd.f32 v46, v9;
	v10 =	vadd.f32 v47, v10  }
0xd3: {  	v62 =	vld.idx.msk [tilespmem:v1+s13+$0x620 ss:$0x1], $0xffff;
	v3 =	vadd.f32 v7, v3;
	v4 =	vadd.f32 v8, v4  }
0xd4: {  	v63 =	vld.idx.msk [tilespmem:v1+s13+$0x630 ss:$0x1], $0xffff;
	v5 =	vadd.f32 v9, v5;
	v7 =	vadd.f32 v48, v7  }
0xd5: {  	v33 =	vld.idx.msk [tilespmem:v1+s13+$0x580 ss:$0x1], $0xffff;
	v6 =	vadd.f32 v10, v6;
	v8 =	vadd.f32 v49, v8  }
0xd6: {  	v34 =	vld.idx.msk [tilespmem:v1+s13+$0x590 ss:$0x1], $0xffff;
	v9 =	vadd.f32 v50, v9;
	v10 =	vadd.f32 v51, v10  }
0xd7: {  	v35 =	vld.idx.msk [tilespmem:v1+s13+$0x5A0 ss:$0x1], $0xffff;
	v3 =	vadd.f32 v7, v3;
	v4 =	vadd.f32 v8, v4  }
0xd8: {  	v36 =	vld.idx.msk [tilespmem:v1+s13+$0x5B0 ss:$0x1], $0xffff;
	v5 =	vadd.f32 v9, v5;
	v7 =	vadd.f32 v52, v7  }
0xd9: {  	v37 =	vld.idx.msk [tilespmem:v1+s13+$0x500 ss:$0x1], $0xffff;
	v6 =	vadd.f32 v10, v6;
	v8 =	vadd.f32 v53, v8  }
0xda: {  	v38 =	vld.idx.msk [tilespmem:v1+s13+$0x510 ss:$0x1], $0xffff;
	v9 =	vadd.f32 v54, v9;
	v10 =	vadd.f32 v55, v10  }
0xdb: {  	v39 =	vld.idx.msk [tilespmem:v1+s13+$0x520 ss:$0x1], $0xffff;
	v3 =	vadd.f32 v7, v3;
	v4 =	vadd.f32 v8, v4  }
0xdc: {  	v40 =	vld.idx.msk [tilespmem:v1+s13+$0x480 ss:$0x1], $0xffff;
	v5 =	vadd.f32 v9, v5;
	v7 =	vadd.f32 v56, v7  }
0xdd: {  	v41 =	vld.idx.msk [tilespmem:v1+s13+$0x490 ss:$0x1], $0xffff;
	v6 =	vadd.f32 v10, v6;
	v8 =	vadd.f32 v57, v8  }
0xde: {  	v42 =	vld.idx.msk [tilespmem:v1+s13+$0x4A0 ss:$0x1], $0xffff;
	v9 =	vadd.f32 v58, v9;
	v10 =	vadd.f32 v59, v10  }
0xdf: {  	v43 =	vld.idx.msk [tilespmem:v1+s13+$0x400 ss:$0x1], $0xffff;
	v3 =	vadd.f32 v7, v3;
	v7 =	vadd.f32 v60, v7  }
0xe0: {  	v44 =	vld.idx.msk [tilespmem:v1+s13+$0x410 ss:$0x1], $0xffff;
	v4 =	vadd.f32 v8, v4;
	v5 =	vadd.f32 v9, v5  }
0xe1: {  	v45 =	vld.idx.msk [tilespmem:v1+s13+$0x420 ss:$0x1], $0xffff;
	v3 =	vadd.f32 v7, v3;
	v7 =	vadd.f32 v33, v7  }
0xe2: {  	v46 =	vld.idx.msk [tilespmem:v1+s13+$0x380 ss:$0x1], $0xffff;
	v6 =	vadd.f32 v10, v6;
	v8 =	vadd.f32 v61, v8  }
0xe3: {  	v47 =	vld.idx.msk [tilespmem:v1+s13+$0x390 ss:$0x1], $0xffff;
	v3 =	vadd.f32 v7, v3;
	v7 =	vadd.f32 v37, v7  }
0xe4: {  	v48 =	vld.idx.msk [tilespmem:v1+s13+$0x3A0 ss:$0x1], $0xffff;
	v9 =	vadd.f32 v62, v9;
	v10 =	vadd.f32 v63, v10  }
0xe5: {  	v49 =	vld.idx.msk [tilespmem:v1+s13+$0x3B0 ss:$0x1], $0xffff;
	v3 =	vadd.f32 v7, v3;
	v7 =	vadd.f32 v40, v7  }
0xe6: {  	v50 =	vld.idx.msk [tilespmem:v1+s13+$0x300 ss:$0x1], $0xffff;
	v4 =	vadd.f32 v8, v4;
	v5 =	vadd.f32 v9, v5  }
0xe7: {  	v51 =	vld.idx.msk [tilespmem:v1+s13+$0x310 ss:$0x1], $0xffff;
	v3 =	vadd.f32 v7, v3;
	v7 =	vadd.f32 v43, v7  }
0xe8: {  	v54 =	vld.idx.msk [tilespmem:v1+s13+$0x280 ss:$0x1], $0xffff;
	v6 =	vadd.f32 v10, v6;
	v8 =	vadd.f32 v34, v8  }
0xe9: {  	v52 =	vld.idx.msk [tilespmem:v1+s13+$0x320 ss:$0x1], $0xffff;
	v3 =	vadd.f32 v7, v3;
	v7 =	vadd.f32 v46, v7  }
0xea: {  	v56 =	vld.idx.msk [tilespmem:v1+s13+$0x200 ss:$0x1], $0xffff;
	v9 =	vadd.f32 v35, v9;
	v10 =	vadd.f32 v36, v10  }
0xeb: {  	v53 =	vld.idx.msk [tilespmem:v1+s13+$0x330 ss:$0x1], $0xffff;
	v3 =	vadd.f32 v7, v3;
	v7 =	vadd.f32 v50, v7  }
0xec: {  	v58 =	vld.idx.msk [tilespmem:v1+s13+$0x180 ss:$0x1], $0xffff;
	v4 =	vadd.f32 v8, v4;
	v5 =	vadd.f32 v9, v5  }
0xed: {  	v55 =	vld.idx.msk [tilespmem:v1+s13+$0x290 ss:$0x1], $0xffff;
	v3 =	vadd.f32 v7, v3;
	v7 =	vadd.f32 v54, v7  }
0xee: {  	v60 =	vld.idx.msk [tilespmem:v1+s13+$0x100 ss:$0x1], $0xffff;
	v6 =	vadd.f32 v10, v6;
	v8 =	vadd.f32 v38, v8  }
0xef: {  	v57 =	vld.idx.msk [tilespmem:v1+s13+$0x2A0 ss:$0x1], $0xffff;
	v3 =	vadd.f32 v7, v3;
	v7 =	vadd.f32 v56, v7  }
0xf0: {  	v62 =	vld.idx.msk [tilespmem:v1+s13+$0x80 ss:$0x1], $0xffff;
	v4 =	vadd.f32 v8, v4;
	v8 =	vadd.f32 v41, v8  }
0xf1: {  	v59 =	vld.idx.msk [tilespmem:v1+s13+$0x2B0 ss:$0x1], $0xffff;
	v3 =	vadd.f32 v7, v3;
	v7 =	vadd.f32 v58, v7  }
0xf2: {  	v61 =	vld.idx.msk [tilespmem:v1+s13+$0x210 ss:$0x1], $0xffff;
	v4 =	vadd.f32 v8, v4;
	v8 =	vadd.f32 v44, v8  }
0xf3: {  	v63 =	vld.idx.msk [tilespmem:v1+s13+$0x220 ss:$0x1], $0xffff;
	v3 =	vadd.f32 v7, v3;
	v7 =	vadd.f32 v60, v7  }
0xf4: {  	v34 =	vld.idx.msk [tilespmem:v1+s13+$0x0 ss:$0x1], $0xffff;
	v4 =	vadd.f32 v8, v4;
	v8 =	vadd.f32 v47, v8  }
0xf5: {  	v33 =	vld.idx.msk [tilespmem:v1+s13+$0x190 ss:$0x1], $0xffff;
	v3 =	vadd.f32 v7, v3;
	v7 =	vadd.f32 v62, v7  }
0xf6: {  	v35 =	vld.idx.msk [tilespmem:v1+s13+$0x1A0 ss:$0x1], $0xffff;
	v4 =	vadd.f32 v8, v4;
	v8 =	vadd.f32 v51, v8  }
0xf7: {  	v36 =	vld.idx.msk [tilespmem:v1+s13+$0x1B0 ss:$0x1], $0xffff;
	v9 =	vadd.f32 v39, v9;
	v3 =	vadd.f32 v7, v3  }
0xf8: {  	v37 =	vld.idx.msk [tilespmem:v1+s13+$0x110 ss:$0x1], $0xffff;
	v4 =	vadd.f32 v8, v4;
	v8 =	vadd.f32 v55, v8  }
0xf9: {  	v38 =	vld.idx.msk [tilespmem:v1+s13+$0x120 ss:$0x1], $0xffff;
	v5 =	vadd.f32 v9, v5;
	v7 =	vadd.f32 v34, v7;
	v3 =	vmul.f32 $3.225806360e-02, v3  }
0xfa: {  	v39 =	vld.idx.msk [tilespmem:v1+s13+$0x130 ss:$0x1], $0xffff;
	v4 =	vadd.f32 v8, v4;
	v8 =	vadd.f32 v61, v8  }
0xfb: {  	v40 =	vld.idx.msk [tilespmem:v1+s13+$0x90 ss:$0x1], $0xffff;
	v9 =	vadd.f32 v42, v9;
	v7 =	vsub.f32 v7, v3  }
0xfc: {  	s14 =	sshll.u32 s12, $0x7;
	v41 =	vld.idx.msk [tilespmem:v1+s13+$0xA0 ss:$0x1], $0xffff;
	v4 =	vadd.f32 v8, v4;
	v8 =	vadd.f32 v33, v8  }
0xfd: {  	v42 =	vld.idx.msk [tilespmem:v1+s13+$0xB0 ss:$0x1], $0xffff;
	v5 =	vadd.f32 v9, v5;
	v9 =	vadd.f32 v45, v9;
	[tilespmem:v2+s14+$0x1E800 ss:$0x1] =	vst.idx.msk $0xffff, v7  }
0xfe: {  	v4 =	vadd.f32 v8, v4;
	v43 =	vadd.f32 v37, v8;
	[tilespmem:v2+s14+$0x1F000 ss:$0x1] =	vst.idx.msk $0xffff, v3  }
0xff: {  	v44 =	vadd.f32 v48, v9;
	v3 =	vadd.f32 v9, v5;
	v45 =	vld.idx.msk [tilespmem:v1+s13+$0x10 ss:$0x1], $0xffff  }
0x100: {  	v4 =	vadd.f32 v43, v4;
	v7 =	vadd.f32 v40, v43  }
0x101: {  	v5 =	vadd.f32 v52, v44;
	v3 =	vadd.f32 v44, v3  }
0x102: {  	v46 =	vadd.f32 v30, v10;
	v4 =	vadd.f32 v7, v4  }
0x103: {  	v3 =	vadd.f32 v5, v3;
	v5 =	vadd.f32 v57, v5  }
0x104: {  	v6 =	vadd.f32 v46, v6;
	v4 =	vmul.f32 $3.225806360e-02, v4;
	v7 =	vadd.f32 v45, v7  }
0x105: {  	v3 =	vadd.f32 v5, v3;
	v5 =	vadd.f32 v63, v5  }
0x106: {  	v47 =	vadd.f32 v14, v46;
	v7 =	vsub.f32 v7, v4  }
0x107: {  	v3 =	vadd.f32 v5, v3;
	v5 =	vadd.f32 v35, v5  }
0x108: {  	v6 =	vadd.f32 v47, v6;
	v8 =	vadd.f32 v19, v47;
	[tilespmem:v2+s14+$0x1E810 ss:$0x1] =	vst.idx.msk $0xffff, v7  }
0x109: {  	v3 =	vadd.f32 v5, v3;
	v5 =	vadd.f32 v38, v5;
	[tilespmem:v2+s14+$0x1F010 ss:$0x1] =	vst.idx.msk $0xffff, v4  }
0x10a: {  	v48 =	vadd.f32 v8, v6;
	v49 =	vadd.f32 v49, v8;
	v7 =	vld.idx.msk [tilespmem:v1+s13+$0x20 ss:$0x1], $0xffff  }
0x10b: {  	v3 =	vadd.f32 v5, v3;
	v5 =	vadd.f32 v41, v5  }
0x10c: {  	v6 =	vadd.f32 v53, v49;
	v4 =	vadd.f32 v49, v48  }
0x10d: {  	v3 =	vadd.f32 v5, v3  }
0x10e: {  	v4 =	vadd.f32 v6, v4;
	v6 =	vadd.f32 v59, v6  }
0x10f: {  	v3 =	vmul.f32 $3.225806360e-02, v3;
	v5 =	vadd.f32 v7, v5  }
0x110: {  	v4 =	vadd.f32 v6, v4;
	v6 =	vadd.f32 v32, v6  }
0x111: {  	v5 =	vsub.f32 v5, v3  }
0x112: {  	v4 =	vadd.f32 v6, v4;
	v6 =	vadd.f32 v36, v6  }
0x113: {  	[tilespmem:v2+s14+$0x1E820 ss:$0x1] =	vst.idx.msk $0xffff, v5  }
0x114: {  	v4 =	vadd.f32 v6, v4;
	v50 =	vadd.f32 v39, v6;
	[tilespmem:v2+s14+$0x1F020 ss:$0x1] =	vst.idx.msk $0xffff, v3  }
0x115: {  	v3 =	vld.idx.msk [tilespmem:v1+s13+$0x30 ss:$0x1], $0xffff  }
0x116: {  	v4 =	vadd.f32 v50, v4;
	v5 =	vadd.f32 v42, v50;
	_ =	sdelay $0x1  }
0x117: {  	v4 =	vadd.f32 v5, v4;
	_ =	sdelay $0x1  }
0x118: {  	v4 =	vmul.f32 $3.225806360e-02, v4;
	v3 =	vadd.f32 v3, v5;
	_ =	sdelay $0x1  }
0x119: {  	v3 =	vsub.f32 v3, v4;
	_ =	sdelay $0x1  }
0x11a: {  	[tilespmem:v2+s14+$0x1E830 ss:$0x1] =	vst.idx.msk $0xffff, v3  }
0x11b: {  	[tilespmem:v2+s14+$0x1F030 ss:$0x1] =	vst.idx.msk $0xffff, v4  }
0x11c: {  	v3 =	vld.idx.msk [tilespmem:v1+s13+$0xFC0 ss:$0x1], $0xffff  }
0x11d: {  	v4 =	vld.idx.msk [tilespmem:v1+s13+$0xFD0 ss:$0x1], $0xffff  }
0x11e: {  	v51 =	vld.idx.msk [tilespmem:v1+s13+$0xFE0 ss:$0x1], $0xffff  }
0x11f: {  	v52 =	vld.idx.msk [tilespmem:v1+s13+$0xFF0 ss:$0x1], $0xffff  }
0x120: {  	v53 =	vld.idx.msk [tilespmem:v1+s13+$0xF40 ss:$0x1], $0xffff  }
0x121: {  	v54 =	vld.idx.msk [tilespmem:v1+s13+$0xF50 ss:$0x1], $0xffff  }
0x122: {  	v55 =	vld.idx.msk [tilespmem:v1+s13+$0xF60 ss:$0x1], $0xffff  }
0x123: {  	v56 =	vld.idx.msk [tilespmem:v1+s13+$0xF70 ss:$0x1], $0xffff  }
0x124: {  	v57 =	vld.idx.msk [tilespmem:v1+s13+$0xEC0 ss:$0x1], $0xffff  }
0x125: {  	v58 =	vld.idx.msk [tilespmem:v1+s13+$0xED0 ss:$0x1], $0xffff  }
0x126: {  	v59 =	vld.idx.msk [tilespmem:v1+s13+$0xEE0 ss:$0x1], $0xffff  }
0x127: {  	v60 =	vld.idx.msk [tilespmem:v1+s13+$0xEF0 ss:$0x1], $0xffff  }
0x128: {  	v61 =	vld.idx.msk [tilespmem:v1+s13+$0xE40 ss:$0x1], $0xffff  }
0x129: {  	v62 =	vld.idx.msk [tilespmem:v1+s13+$0xE50 ss:$0x1], $0xffff  }
0x12a: {  	v63 =	vld.idx.msk [tilespmem:v1+s13+$0xE60 ss:$0x1], $0xffff  }
0x12b: {  	v33 =	vld.idx.msk [tilespmem:v1+s13+$0xE70 ss:$0x1], $0xffff  }
0x12c: {  	v34 =	vld.idx.msk [tilespmem:v1+s13+$0xDC0 ss:$0x1], $0xffff  }
0x12d: {  	v35 =	vld.idx.msk [tilespmem:v1+s13+$0xDD0 ss:$0x1], $0xffff  }
0x12e: {  	v36 =	vld.idx.msk [tilespmem:v1+s13+$0xDE0 ss:$0x1], $0xffff  }
0x12f: {  	v37 =	vld.idx.msk [tilespmem:v1+s13+$0xDF0 ss:$0x1], $0xffff  }
0x130: {  	v38 =	vld.idx.msk [tilespmem:v1+s13+$0xD40 ss:$0x1], $0xffff  }
0x131: {  	v39 =	vld.idx.msk [tilespmem:v1+s13+$0xD50 ss:$0x1], $0xffff  }
0x132: {  	v40 =	vld.idx.msk [tilespmem:v1+s13+$0xD60 ss:$0x1], $0xffff  }
0x133: {  	v41 =	vld.idx.msk [tilespmem:v1+s13+$0xD70 ss:$0x1], $0xffff;
	v7 =	vadd.f32 v53, v3  }
0x134: {  	v42 =	vld.idx.msk [tilespmem:v1+s13+$0xCC0 ss:$0x1], $0xffff;
	v8 =	vadd.f32 v54, v4;
	v9 =	vadd.f32 v55, v51  }
0x135: {  	v43 =	vld.idx.msk [tilespmem:v1+s13+$0xCD0 ss:$0x1], $0xffff;
	v10 =	vadd.f32 v56, v52;
	v3 =	vadd.f32 v7, v3  }
0x136: {  	v44 =	vld.idx.msk [tilespmem:v1+s13+$0xCE0 ss:$0x1], $0xffff;
	v4 =	vadd.f32 v8, v4;
	v5 =	vadd.f32 v9, v51  }
0x137: {  	v45 =	vld.idx.msk [tilespmem:v1+s13+$0xCF0 ss:$0x1], $0xffff;
	v7 =	vadd.f32 v57, v7;
	v6 =	vadd.f32 v10, v52  }
0x138: {  	v46 =	vld.idx.msk [tilespmem:v1+s13+$0xC40 ss:$0x1], $0xffff;
	v8 =	vadd.f32 v58, v8;
	v9 =	vadd.f32 v59, v9  }
0x139: {  	v47 =	vld.idx.msk [tilespmem:v1+s13+$0xC50 ss:$0x1], $0xffff;
	v10 =	vadd.f32 v60, v10;
	v3 =	vadd.f32 v7, v3  }
0x13a: {  	v48 =	vld.idx.msk [tilespmem:v1+s13+$0xC60 ss:$0x1], $0xffff;
	v4 =	vadd.f32 v8, v4;
	v5 =	vadd.f32 v9, v5  }
0x13b: {  	v49 =	vld.idx.msk [tilespmem:v1+s13+$0xC70 ss:$0x1], $0xffff;
	v7 =	vadd.f32 v61, v7;
	v6 =	vadd.f32 v10, v6  }
0x13c: {  	v50 =	vld.idx.msk [tilespmem:v1+s13+$0xBC0 ss:$0x1], $0xffff;
	v8 =	vadd.f32 v62, v8;
	v9 =	vadd.f32 v63, v9  }
0x13d: {  	v14 =	vld.idx.msk [tilespmem:v1+s13+$0x4F0 ss:$0x1], $0xffff;
	v10 =	vadd.f32 v33, v10;
	v3 =	vadd.f32 v7, v3  }
0x13e: {  	v19 =	vld.idx.msk [tilespmem:v1+s13+$0x470 ss:$0x1], $0xffff;
	v4 =	vadd.f32 v8, v4;
	v5 =	vadd.f32 v9, v5  }
0x13f: {  	v27 =	vld.idx.msk [tilespmem:v1+s13+$0x3F0 ss:$0x1], $0xffff;
	v7 =	vadd.f32 v34, v7;
	v6 =	vadd.f32 v10, v6  }
0x140: {  	v15 =	vld.idx.msk [tilespmem:v1+s13+$0x370 ss:$0x1], $0xffff;
	v8 =	vadd.f32 v35, v8;
	v9 =	vadd.f32 v36, v9  }
0x141: {  	v32 =	vld.idx.msk [tilespmem:v1+s13+$0x1C0 ss:$0x1], $0xffff;
	v10 =	vadd.f32 v37, v10;
	v3 =	vadd.f32 v7, v3  }
0x142: {  	v53 =	vld.idx.msk [tilespmem:v1+s13+$0xBF0 ss:$0x1], $0xffff;
	v4 =	vadd.f32 v8, v4;
	v5 =	vadd.f32 v9, v5  }
0x143: {  	v54 =	vld.idx.msk [tilespmem:v1+s13+$0xB40 ss:$0x1], $0xffff;
	v7 =	vadd.f32 v38, v7;
	v6 =	vadd.f32 v10, v6  }
0x144: {  	v55 =	vld.idx.msk [tilespmem:v1+s13+$0xB50 ss:$0x1], $0xffff;
	v8 =	vadd.f32 v39, v8;
	v9 =	vadd.f32 v40, v9  }
0x145: {  	v56 =	vld.idx.msk [tilespmem:v1+s13+$0xB60 ss:$0x1], $0xffff;
	v10 =	vadd.f32 v41, v10;
	v3 =	vadd.f32 v7, v3  }
0x146: {  	v51 =	vld.idx.msk [tilespmem:v1+s13+$0xBD0 ss:$0x1], $0xffff;
	v4 =	vadd.f32 v8, v4;
	v5 =	vadd.f32 v9, v5  }
0x147: {  	v52 =	vld.idx.msk [tilespmem:v1+s13+$0xBE0 ss:$0x1], $0xffff;
	v7 =	vadd.f32 v42, v7;
	v6 =	vadd.f32 v10, v6  }
0x148: {  	v57 =	vld.idx.msk [tilespmem:v1+s13+$0xB70 ss:$0x1], $0xffff;
	v8 =	vadd.f32 v43, v8;
	v9 =	vadd.f32 v44, v9  }
0x149: {  	v58 =	vld.idx.msk [tilespmem:v1+s13+$0xAC0 ss:$0x1], $0xffff;
	v10 =	vadd.f32 v45, v10;
	v3 =	vadd.f32 v7, v3  }
0x14a: {  	v59 =	vld.idx.msk [tilespmem:v1+s13+$0xAD0 ss:$0x1], $0xffff;
	v4 =	vadd.f32 v8, v4;
	v5 =	vadd.f32 v9, v5  }
0x14b: {  	v60 =	vld.idx.msk [tilespmem:v1+s13+$0xAE0 ss:$0x1], $0xffff;
	v7 =	vadd.f32 v46, v7;
	v6 =	vadd.f32 v10, v6  }
0x14c: {  	v61 =	vld.idx.msk [tilespmem:v1+s13+$0xAF0 ss:$0x1], $0xffff;
	v8 =	vadd.f32 v47, v8;
	v9 =	vadd.f32 v48, v9  }
0x14d: {  	v62 =	vld.idx.msk [tilespmem:v1+s13+$0xA40 ss:$0x1], $0xffff;
	v10 =	vadd.f32 v49, v10;
	v3 =	vadd.f32 v7, v3  }
0x14e: {  	v63 =	vld.idx.msk [tilespmem:v1+s13+$0xA50 ss:$0x1], $0xffff;
	v4 =	vadd.f32 v8, v4;
	v5 =	vadd.f32 v9, v5  }
0x14f: {  	v33 =	vld.idx.msk [tilespmem:v1+s13+$0xA60 ss:$0x1], $0xffff;
	v7 =	vadd.f32 v50, v7;
	v6 =	vadd.f32 v10, v6  }
0x150: {  	v34 =	vld.idx.msk [tilespmem:v1+s13+$0xA70 ss:$0x1], $0xffff;
	v8 =	vadd.f32 v51, v8;
	v9 =	vadd.f32 v52, v9  }
0x151: {  	v35 =	vld.idx.msk [tilespmem:v1+s13+$0x9C0 ss:$0x1], $0xffff;
	v10 =	vadd.f32 v53, v10;
	v3 =	vadd.f32 v7, v3  }
0x152: {  	v36 =	vld.idx.msk [tilespmem:v1+s13+$0x9D0 ss:$0x1], $0xffff;
	v4 =	vadd.f32 v8, v4;
	v5 =	vadd.f32 v9, v5  }
0x153: {  	v37 =	vld.idx.msk [tilespmem:v1+s13+$0x9E0 ss:$0x1], $0xffff;
	v7 =	vadd.f32 v54, v7;
	v6 =	vadd.f32 v10, v6  }
0x154: {  	v38 =	vld.idx.msk [tilespmem:v1+s13+$0x9F0 ss:$0x1], $0xffff;
	v8 =	vadd.f32 v55, v8;
	v9 =	vadd.f32 v56, v9  }
0x155: {  	v39 =	vld.idx.msk [tilespmem:v1+s13+$0x940 ss:$0x1], $0xffff;
	v10 =	vadd.f32 v57, v10;
	v3 =	vadd.f32 v7, v3  }
0x156: {  	v40 =	vld.idx.msk [tilespmem:v1+s13+$0x950 ss:$0x1], $0xffff;
	v4 =	vadd.f32 v8, v4;
	v5 =	vadd.f32 v9, v5  }
0x157: {  	v41 =	vld.idx.msk [tilespmem:v1+s13+$0x960 ss:$0x1], $0xffff;
	v7 =	vadd.f32 v58, v7;
	v6 =	vadd.f32 v10, v6  }
0x158: {  	v42 =	vld.idx.msk [tilespmem:v1+s13+$0x970 ss:$0x1], $0xffff;
	v8 =	vadd.f32 v59, v8;
	v9 =	vadd.f32 v60, v9  }
0x159: {  	v43 =	vld.idx.msk [tilespmem:v1+s13+$0x8C0 ss:$0x1], $0xffff;
	v10 =	vadd.f32 v61, v10;
	v3 =	vadd.f32 v7, v3  }
0x15a: {  	v44 =	vld.idx.msk [tilespmem:v1+s13+$0x8D0 ss:$0x1], $0xffff;
	v4 =	vadd.f32 v8, v4;
	v5 =	vadd.f32 v9, v5  }
0x15b: {  	v45 =	vld.idx.msk [tilespmem:v1+s13+$0x8E0 ss:$0x1], $0xffff;
	v7 =	vadd.f32 v62, v7;
	v6 =	vadd.f32 v10, v6  }
0x15c: {  	v46 =	vld.idx.msk [tilespmem:v1+s13+$0x8F0 ss:$0x1], $0xffff;
	v8 =	vadd.f32 v63, v8;
	v9 =	vadd.f32 v33, v9  }
0x15d: {  	v47 =	vld.idx.msk [tilespmem:v1+s13+$0x840 ss:$0x1], $0xffff;
	v10 =	vadd.f32 v34, v10;
	v3 =	vadd.f32 v7, v3  }
0x15e: {  	v48 =	vld.idx.msk [tilespmem:v1+s13+$0x850 ss:$0x1], $0xffff;
	v4 =	vadd.f32 v8, v4;
	v5 =	vadd.f32 v9, v5  }
0x15f: {  	v49 =	vld.idx.msk [tilespmem:v1+s13+$0x860 ss:$0x1], $0xffff;
	v7 =	vadd.f32 v35, v7;
	v6 =	vadd.f32 v10, v6  }
0x160: {  	v50 =	vld.idx.msk [tilespmem:v1+s13+$0x870 ss:$0x1], $0xffff;
	v8 =	vadd.f32 v36, v8;
	v9 =	vadd.f32 v37, v9  }
0x161: {  	v51 =	vld.idx.msk [tilespmem:v1+s13+$0x7C0 ss:$0x1], $0xffff;
	v10 =	vadd.f32 v38, v10;
	v3 =	vadd.f32 v7, v3  }
0x162: {  	v52 =	vld.idx.msk [tilespmem:v1+s13+$0x7D0 ss:$0x1], $0xffff;
	v4 =	vadd.f32 v8, v4;
	v5 =	vadd.f32 v9, v5  }
0x163: {  	v53 =	vld.idx.msk [tilespmem:v1+s13+$0x7E0 ss:$0x1], $0xffff;
	v7 =	vadd.f32 v39, v7;
	v6 =	vadd.f32 v10, v6  }
0x164: {  	v54 =	vld.idx.msk [tilespmem:v1+s13+$0x7F0 ss:$0x1], $0xffff;
	v8 =	vadd.f32 v40, v8;
	v9 =	vadd.f32 v41, v9  }
0x165: {  	v55 =	vld.idx.msk [tilespmem:v1+s13+$0x740 ss:$0x1], $0xffff;
	v10 =	vadd.f32 v42, v10;
	v3 =	vadd.f32 v7, v3  }
0x166: {  	v56 =	vld.idx.msk [tilespmem:v1+s13+$0x750 ss:$0x1], $0xffff;
	v4 =	vadd.f32 v8, v4;
	v5 =	vadd.f32 v9, v5  }
0x167: {  	v57 =	vld.idx.msk [tilespmem:v1+s13+$0x760 ss:$0x1], $0xffff;
	v7 =	vadd.f32 v43, v7;
	v6 =	vadd.f32 v10, v6  }
0x168: {  	v58 =	vld.idx.msk [tilespmem:v1+s13+$0x770 ss:$0x1], $0xffff;
	v8 =	vadd.f32 v44, v8;
	v9 =	vadd.f32 v45, v9  }
0x169: {  	v59 =	vld.idx.msk [tilespmem:v1+s13+$0x6C0 ss:$0x1], $0xffff;
	v10 =	vadd.f32 v46, v10;
	v31 =	vadd.f32 v7, v3  }
0x16a: {  	v60 =	vld.idx.msk [tilespmem:v1+s13+$0x6D0 ss:$0x1], $0xffff;
	v4 =	vadd.f32 v8, v4;
	v5 =	vadd.f32 v9, v5  }
0x16b: {  	v61 =	vld.idx.msk [tilespmem:v1+s13+$0x6E0 ss:$0x1], $0xffff;
	v7 =	vadd.f32 v47, v7;
	v6 =	vadd.f32 v10, v6  }
0x16c: {  	v62 =	vld.idx.msk [tilespmem:v1+s13+$0x6F0 ss:$0x1], $0xffff;
	v8 =	vadd.f32 v48, v8;
	v9 =	vadd.f32 v49, v9  }
0x16d: {  	v63 =	vld.idx.msk [tilespmem:v1+s13+$0x640 ss:$0x1], $0xffff;
	v10 =	vadd.f32 v50, v10;
	v37 =	vadd.f32 v7, v31  }
0x16e: {  	v33 =	vld.idx.msk [tilespmem:v1+s13+$0x650 ss:$0x1], $0xffff;
	v39 =	vadd.f32 v8, v4;
	v40 =	vadd.f32 v9, v5  }
0x16f: {  	v34 =	vld.idx.msk [tilespmem:v1+s13+$0x660 ss:$0x1], $0xffff;
	v7 =	vadd.f32 v51, v7;
	v6 =	vadd.f32 v10, v6  }
0x170: {  	v35 =	vld.idx.msk [tilespmem:v1+s13+$0x5C0 ss:$0x1], $0xffff;
	v8 =	vadd.f32 v52, v8;
	v9 =	vadd.f32 v53, v9  }
0x171: {  	v36 =	vld.idx.msk [tilespmem:v1+s13+$0x5D0 ss:$0x1], $0xffff;
	v10 =	vadd.f32 v54, v10;
	v24 =	vadd.f32 v7, v37  }
0x172: {  	v38 =	vld.idx.msk [tilespmem:v1+s13+$0x5E0 ss:$0x1], $0xffff;
	v31 =	vadd.f32 v8, v39;
	v26 =	vadd.f32 v9, v40  }
0x173: {  	v41 =	vld.idx.msk [tilespmem:v1+s13+$0x540 ss:$0x1], $0xffff;
	v7 =	vadd.f32 v55, v7;
	v6 =	vadd.f32 v10, v6  }
0x174: {  	v42 =	vld.idx.msk [tilespmem:v1+s13+$0x550 ss:$0x1], $0xffff;
	v8 =	vadd.f32 v56, v8;
	v9 =	vadd.f32 v57, v9  }
0x175: {  	v43 =	vld.idx.msk [tilespmem:v1+s13+$0x560 ss:$0x1], $0xffff;
	v10 =	vadd.f32 v58, v10;
	v24 =	vadd.f32 v7, v24  }
0x176: {  	v44 =	vld.idx.msk [tilespmem:v1+s13+$0x4C0 ss:$0x1], $0xffff;
	v47 =	vadd.f32 v8, v31;
	v26 =	vadd.f32 v9, v26  }
0x177: {  	v45 =	vld.idx.msk [tilespmem:v1+s13+$0x4D0 ss:$0x1], $0xffff;
	v7 =	vadd.f32 v59, v7;
	v6 =	vadd.f32 v10, v6  }
0x178: {  	v46 =	vld.idx.msk [tilespmem:v1+s13+$0x4E0 ss:$0x1], $0xffff;
	v8 =	vadd.f32 v60, v8;
	v9 =	vadd.f32 v61, v9  }
0x179: {  	v3 =	vld.idx.msk [tilespmem:v1+s13+$0x670 ss:$0x1], $0xffff;
	v10 =	vadd.f32 v62, v10;
	v24 =	vadd.f32 v7, v24  }
0x17a: {  	v48 =	vld.idx.msk [tilespmem:v1+s13+$0x440 ss:$0x1], $0xffff;
	v30 =	vadd.f32 v8, v47;
	v7 =	vadd.f32 v63, v7  }
0x17b: {  	v49 =	vld.idx.msk [tilespmem:v1+s13+$0x450 ss:$0x1], $0xffff;
	v26 =	vadd.f32 v9, v26;
	v8 =	vadd.f32 v33, v8  }
0x17c: {  	v50 =	vld.idx.msk [tilespmem:v1+s13+$0x460 ss:$0x1], $0xffff;
	v24 =	vadd.f32 v7, v24;
	v7 =	vadd.f32 v35, v7  }
0x17d: {  	v4 =	vld.idx.msk [tilespmem:v1+s13+$0x5F0 ss:$0x1], $0xffff;
	v9 =	vadd.f32 v34, v9;
	v6 =	vadd.f32 v10, v6  }
0x17e: {  	v5 =	vld.idx.msk [tilespmem:v1+s13+$0x570 ss:$0x1], $0xffff;
	v24 =	vadd.f32 v7, v24;
	v7 =	vadd.f32 v41, v7  }
0x17f: {  	v51 =	vld.idx.msk [tilespmem:v1+s13+$0x3C0 ss:$0x1], $0xffff;
	v3 =	vadd.f32 v3, v10;
	v53 =	vadd.f32 v8, v30  }
0x180: {  	v52 =	vld.idx.msk [tilespmem:v1+s13+$0x3D0 ss:$0x1], $0xffff;
	v56 =	vadd.f32 v7, v24;
	v7 =	vadd.f32 v44, v7  }
0x181: {  	v55 =	vld.idx.msk [tilespmem:v1+s13+$0x340 ss:$0x1], $0xffff;
	v8 =	vadd.f32 v36, v8;
	v58 =	vadd.f32 v9, v26  }
0x182: {  	v54 =	vld.idx.msk [tilespmem:v1+s13+$0x3E0 ss:$0x1], $0xffff;
	v23 =	vadd.f32 v7, v56;
	v7 =	vadd.f32 v48, v7  }
0x183: {  	v60 =	vld.idx.msk [tilespmem:v1+s13+$0x2C0 ss:$0x1], $0xffff;
	v9 =	vadd.f32 v38, v9;
	v6 =	vadd.f32 v3, v6  }
0x184: {  	v57 =	vld.idx.msk [tilespmem:v1+s13+$0x350 ss:$0x1], $0xffff;
	v23 =	vadd.f32 v7, v23;
	v7 =	vadd.f32 v51, v7  }
0x185: {  	v62 =	vld.idx.msk [tilespmem:v1+s13+$0x240 ss:$0x1], $0xffff;
	v3 =	vadd.f32 v4, v3;
	v18 =	vadd.f32 v8, v53  }
0x186: {  	v40 =	vld.idx.msk [tilespmem:v1+s13+$0x270 ss:$0x1], $0xffff;
	v23 =	vadd.f32 v7, v23;
	v7 =	vadd.f32 v55, v7  }
0x187: {  	v59 =	vld.idx.msk [tilespmem:v1+s13+$0x360 ss:$0x1], $0xffff;
	v8 =	vadd.f32 v42, v8;
	v24 =	vadd.f32 v9, v58  }
0x188: {  	v61 =	vld.idx.msk [tilespmem:v1+s13+$0x2D0 ss:$0x1], $0xffff;
	v23 =	vadd.f32 v7, v23;
	v7 =	vadd.f32 v60, v7  }
0x189: {  	v34 =	vld.idx.msk [tilespmem:v1+s13+$0x140 ss:$0x1], $0xffff;
	v18 =	vadd.f32 v8, v18;
	v9 =	vadd.f32 v43, v9  }
0x18a: {  	v63 =	vld.idx.msk [tilespmem:v1+s13+$0x2E0 ss:$0x1], $0xffff;
	v23 =	vadd.f32 v7, v23;
	v7 =	vadd.f32 v62, v7  }
0x18b: {  	v36 =	vld.idx.msk [tilespmem:v1+s13+$0xC0 ss:$0x1], $0xffff;
	v8 =	vadd.f32 v45, v8;
	v24 =	vadd.f32 v9, v24  }
0x18c: {  	v33 =	vld.idx.msk [tilespmem:v1+s13+$0x2F0 ss:$0x1], $0xffff;
	v37 =	vadd.f32 v7, v23;
	v7 =	vadd.f32 v32, v7  }
0x18d: {  	v47 =	vld.idx.msk [tilespmem:v1+s13+$0x160 ss:$0x1], $0xffff;
	v18 =	vadd.f32 v8, v18;
	v8 =	vadd.f32 v49, v8  }
0x18e: {  	v35 =	vld.idx.msk [tilespmem:v1+s13+$0x250 ss:$0x1], $0xffff;
	v16 =	vadd.f32 v7, v37;
	v7 =	vadd.f32 v34, v7  }
0x18f: {  	v42 =	vld.idx.msk [tilespmem:v1+s13+$0x40 ss:$0x1], $0xffff;
	v39 =	vadd.f32 v8, v18;
	v8 =	vadd.f32 v52, v8  }
0x190: {  	v38 =	vld.idx.msk [tilespmem:v1+s13+$0x260 ss:$0x1], $0xffff;
	v16 =	vadd.f32 v7, v16;
	v7 =	vadd.f32 v36, v7  }
0x191: {  	v41 =	vld.idx.msk [tilespmem:v1+s13+$0x1D0 ss:$0x1], $0xffff;
	v12 =	vadd.f32 v8, v39;
	v8 =	vadd.f32 v57, v8  }
0x192: {  	v43 =	vld.idx.msk [tilespmem:v1+s13+$0x1E0 ss:$0x1], $0xffff;
	v9 =	vadd.f32 v46, v9;
	v16 =	vadd.f32 v7, v16  }
0x193: {  	v44 =	vld.idx.msk [tilespmem:v1+s13+$0x1F0 ss:$0x1], $0xffff;
	v12 =	vadd.f32 v8, v12;
	v8 =	vadd.f32 v61, v8  }
0x194: {  	v46 =	vld.idx.msk [tilespmem:v1+s13+$0x150 ss:$0x1], $0xffff;
	v45 =	vadd.f32 v9, v24;
	v7 =	vadd.f32 v42, v7;
	v49 =	vmul.f32 $3.225806360e-02, v16  }
0x195: {  	v48 =	vld.idx.msk [tilespmem:v1+s13+$0x170 ss:$0x1], $0xffff;
	v12 =	vadd.f32 v8, v12;
	v8 =	vadd.f32 v35, v8  }
0x196: {  	v9 =	vadd.f32 v50, v9;
	v50 =	vld.idx.msk [tilespmem:v1+s13+$0xD0 ss:$0x1], $0xffff;
	v7 =	vsub.f32 v7, v49  }
0x197: {  	v51 =	vld.idx.msk [tilespmem:v1+s13+$0xE0 ss:$0x1], $0xffff;
	v12 =	vadd.f32 v8, v12;
	v8 =	vadd.f32 v41, v8  }
0x198: {  	v6 =	vadd.f32 v3, v6;
	v52 =	vld.idx.msk [tilespmem:v1+s13+$0xF0 ss:$0x1], $0xffff;
	[tilespmem:v2+s14+$0x1E840 ss:$0x1] =	vst.idx.msk $0xffff, v7  }
0x199: {  	v12 =	vadd.f32 v8, v12;
	v8 =	vadd.f32 v46, v8;
	[tilespmem:v2+s14+$0x1F040 ss:$0x1] =	vst.idx.msk $0xffff, v49  }
0x19a: {  	v20 =	vadd.f32 v9, v45;
	v9 =	vadd.f32 v54, v9;
	v11 =	vld.idx.msk [tilespmem:v1+s13+$0x50 ss:$0x1], $0xffff  }
0x19b: {  	v54 =	vadd.f32 v8, v12;
	v8 =	vadd.f32 v50, v8  }
0x19c: {  	v53 =	vadd.f32 v9, v20;
	v9 =	vadd.f32 v59, v9  }
0x19d: {  	v3 =	vadd.f32 v5, v3;
	v57 =	vadd.f32 v8, v54  }
0x19e: {  	v55 =	vadd.f32 v9, v53;
	v56 =	vadd.f32 v63, v9  }
0x19f: {  	v6 =	vadd.f32 v3, v6;
	v59 =	vmul.f32 $3.225806360e-02, v57;
	v58 =	vadd.f32 v11, v8  }
0x1a0: {  	v4 =	vadd.f32 v56, v55;
	v7 =	vadd.f32 v38, v56  }
0x1a1: {  	v3 =	vadd.f32 v14, v3;
	v5 =	vsub.f32 v58, v59  }
0x1a2: {  	v4 =	vadd.f32 v7, v4;
	v7 =	vadd.f32 v43, v7  }
0x1a3: {  	v6 =	vadd.f32 v3, v6;
	v3 =	vadd.f32 v19, v3;
	[tilespmem:v2+s14+$0x1E850 ss:$0x1] =	vst.idx.msk $0xffff, v5  }
0x1a4: {  	v4 =	vadd.f32 v7, v4;
	v60 =	vadd.f32 v47, v7;
	[tilespmem:v2+s14+$0x1F050 ss:$0x1] =	vst.idx.msk $0xffff, v59  }
0x1a5: {  	v6 =	vadd.f32 v3, v6;
	v3 =	vadd.f32 v27, v3;
	v61 =	vld.idx.msk [tilespmem:v1+s13+$0x60 ss:$0x1], $0xffff  }
0x1a6: {  	v4 =	vadd.f32 v60, v4;
	v5 =	vadd.f32 v51, v60  }
0x1a7: {  	v6 =	vadd.f32 v3, v6;
	v3 =	vadd.f32 v15, v3  }
0x1a8: {  	v4 =	vadd.f32 v5, v4  }
0x1a9: {  	v6 =	vadd.f32 v3, v6;
	v3 =	vadd.f32 v33, v3  }
0x1aa: {  	v4 =	vmul.f32 $3.225806360e-02, v4;
	v5 =	vadd.f32 v61, v5  }
0x1ab: {  	v6 =	vadd.f32 v3, v6;
	v3 =	vadd.f32 v40, v3  }
0x1ac: {  	v5 =	vsub.f32 v5, v4  }
0x1ad: {  	v6 =	vadd.f32 v3, v6;
	v3 =	vadd.f32 v44, v3  }
0x1ae: {  	[tilespmem:v2+s14+$0x1E860 ss:$0x1] =	vst.idx.msk $0xffff, v5  }
0x1af: {  	v62 =	vadd.f32 v3, v6;
	v3 =	vadd.f32 v48, v3;
	[tilespmem:v2+s14+$0x1F060 ss:$0x1] =	vst.idx.msk $0xffff, v4  }
0x1b0: {  	v4 =	vld.idx.msk [tilespmem:v1+s13+$0x70 ss:$0x1], $0xffff  }
0x1b1: {  	v5 =	vadd.f32 v3, v62;
	v3 =	vadd.f32 v52, v3;
	_ =	sdelay $0x1  }
0x1b2: {  	v5 =	vadd.f32 v3, v5;
	_ =	sdelay $0x1  }
0x1b3: {  	p6 =	sne.s32 s12, $0x3;
	v63 =	vmul.f32 $3.225806360e-02, v5;
	v3 =	vadd.f32 v4, v3  }
.Ltmp4:
0x1b4: {  	_ = 	snop;
	(pc) =	sbr.rel @p6 .LBB2_10-.Ltmp4, $3  }
0x1b5: {  	v3 =	vsub.f32 v3, v63;
	_ =	sdelay $0x1  }
0x1b6: {  	[tilespmem:v2+s14+$0x1E870 ss:$0x1] =	vst.idx.msk $0xffff, v3  }
0x1b7: {  	s12 =	sadd.s32 $0x1, s12;
	[tilespmem:v2+s14+$0x1F070 ss:$0x1] =	vst.idx.msk $0xffff, v63  }
0x1b8: {  	s12 =	sshll.u32 s11, $0x9  }
0x1b9: {  	s13 =	sadd.s32 s20, s12  }
0x1ba: {  	s14 =	sand.u32 $0x200, s12;
	s13 =	sand.u32 $0x3FFC00, s13  }
0x1bb: {  	s13 =	sor.u32 s14, s13  }
0x1bc: {  	p6 =	por !p5, !p3;
	s13 =	sshrl.u32 s13, $0x3  }
0x1bd: {  	s15 =	simm.s32 @!p6 $0x0;
	s16 =	simm.s32 @!p6 $0x1EC00;
	s14 =	sadd.s32 s4, s13  }
0x1be: {  	[hbm4b:s14+s15] =	stream.linear.scatter @!p6 [tilespmem:s16], [sflag:$0x5], $0x200, $0x38;
	[tilespmem:$0x1F800] =	vst v63  }
0x1bf: {  	p5 =	por p5, !p3;
	s13 =	sadd.s32 s5, s13;
	s16 =	simm.s32 @!p6 $0x1F400  }
0x1c0: {  	[hbm4b:s13+s15] =	stream.linear.scatter @!p6 [tilespmem:s16], [sflag:$0x9], $0x200, $0x38;
	[tilespmem:$0x1F800] =	vst v63  }
0x1c1: {  	s15 =	simm.s32 @!p5 $0x0;
	s16 =	simm.s32 @!p5 $0x1EE00  }
0x1c2: {  	[hbm4b:s14+s15] =	stream.linear.scatter @!p5 [tilespmem:s16], [sflag:$0x6], $0x200, $0x38;
	[tilespmem:$0x1F800] =	vst v63  }
0x1c3: {  	s16 =	simm.s32 @!p5 $0x1F600  }
0x1c4: {  	[hbm4b:s13+s15] =	stream.linear.scatter @!p5 [tilespmem:s16], [sflag:$0xA], $0x200, $0x38;
	[tilespmem:$0x1F800] =	vst v63  }
0x1c5: {  	p5 =	por !p4, p3  }
0x1c6: {  	s15 =	simm.s32 @!p5 $0x0;
	s16 =	simm.s32 @!p5 $0x1E800  }
0x1c7: {  	[hbm4b:s14+s15] =	stream.linear.scatter @!p5 [tilespmem:s16], [sflag:$0x3], $0x200, $0x38;
	[tilespmem:$0x1F800] =	vst v63  }
0x1c8: {  	p3 =	por p4, p3;
	s16 =	simm.s32 @!p5 $0x1F000  }
0x1c9: {  	[hbm4b:s13+s15] =	stream.linear.scatter @!p5 [tilespmem:s16], [sflag:$0x7], $0x200, $0x38;
	[tilespmem:$0x1F800] =	vst v63  }
0x1ca: {  	s15 =	simm.s32 @!p3 $0x0;
	s16 =	simm.s32 @!p3 $0x1EA00  }
0x1cb: {  	[hbm4b:s14+s15] =	stream.linear.scatter @!p3 [tilespmem:s16], [sflag:$0x4], $0x200, $0x38;
	[tilespmem:$0x1F800] =	vst v63  }
0x1cc: {  	s14 =	simm.s32 @!p3 $0x1F200  }
0x1cd: {  	[hbm4b:s13+s15] =	stream.linear.scatter @!p3 [tilespmem:s14], [sflag:$0x8], $0x200, $0x38;
	[tilespmem:$0x1F800] =	vst v63  }
0x1ce: {  	p3 =	sgt.u32 s11, $0x4D  }
0x1cf: {  	p4 =	sne.s32 @!p3 s22, $0x0;
	s12 =	sshrl.u32 @!p3 s12, $0x2  }
0x1d0: {  	p5 =	por !p4, p3;
	s12 =	sadd.s32 @!p3 $0x14100, s12  }
0x1d1: {  	p3 =	por p4, p3;
	s13 =	simm.s32 @!p5 $0x80;
	s14 =	simm.s32 @!p5 $0x1A800  }
0x1d2: {  	[tilespmem:s14], [sflag:$0x2] =	stream.indirect.gather @!p5 [spmem:s2], $0x80, s12, s13, $0xb8;
	[tilespmem:$0x1F800] =	vst v63  }
0x1d3: {  	s11 =	sadd.s32 $0x1, s11;
	s13 =	simm.s32 @!p3 $0x80;
	s14 =	simm.s32 @!p3 $0x16800  }
0x1d4: {  	[tilespmem:s14], [sflag:$0x1] =	stream.indirect.gather @!p3 [spmem:s2], $0x80, s12, s13, $0xb8;
	[tilespmem:$0x1F800] =	vst v63  }
0x1d5: {  	p3 =	sne.s32 s11, $0x50  }
.Ltmp5:
0x1d6: {  	_ = 	snop;
	(pc) =	sbr.rel @p3 .LBB2_7-.Ltmp5, $1  }
0x1d7: {  	_ =	sdelay $0x3  }
0x1d8: {  	_ =	swait.ge [sflag:s29], $0x200  }
0x1d9: {  	[sflag:s29] =	ssyncset.done $0x0  }
0x1da: {  	[sflag:s29] =	ssyncadd.s32 $0xFFFFFE00  }
0x1db: {  	_ =	swait.ge [sflag:s0], $0x200  }
0x1dc: {  	[sflag:s0] =	ssyncset.done $0x0  }
0x1dd: {  	[sflag:s0] =	ssyncadd.s32 $0xFFFFFE00  }
0x1de: {  	_ =	swait.ge [sflag:s30], $0x200  }
0x1df: {  	[sflag:s30] =	ssyncset.done $0x0  }
0x1e0: {  	[sflag:s30] =	ssyncadd.s32 $0xFFFFFE00  }
0x1e1: {  	_ =	swait.ge [sflag:s6], $0x200  }
0x1e2: {  	[sflag:s6] =	ssyncset.done $0x0  }
0x1e3: {  	[sflag:s6] =	ssyncadd.s32 $0xFFFFFE00  }
0x1e4: {  	_ =	swait.ge [sflag:s7], $0x200  }
0x1e5: {  	[sflag:s7] =	ssyncset.done $0x0  }
0x1e6: {  	[sflag:s7] =	ssyncadd.s32 $0xFFFFFE00  }
0x1e7: {  	_ =	swait.ge [sflag:s1], $0x200  }
0x1e8: {  	[sflag:s1] =	ssyncset.done $0x0  }
0x1e9: {  	s10 =	sadd.s32 $0x1, s10;
	[sflag:s1] =	ssyncadd.s32 $0xFFFFFE00  }
0x1ea: {  	p3 =	sne.s32 s10, s21;
	_ =	swait.ge [sflag:s8], $0x200  }
.Ltmp6:
0x1eb: {  	[sflag:s8] =	ssyncset.done $0x0;
	(pc) =	sbr.rel @p3 .LBB2_1-.Ltmp6, $4  }
0x1ec: {  	[sflag:s8] =	ssyncadd.s32 $0xFFFFFE00  }
0x1ed: {  	_ =	swait.ge [sflag:s9], $0x200  }
0x1ee: {  	[sflag:s9] =	ssyncset.done $0x0  }
0x1ef: {  	s14 =	simm.s32 $0x14000;
	[sflag:s9] =	ssyncadd.s32 $0xFFFFFE00  }
0x1f0: {  	_ =	sfence.sel $0x180000  }
0x1f1: {  	[bflag:$0x0] =	sbarrier.arrive $0xFFFF  }
0x1f2: {  	_ =	strace $0x90000047  }
0x1f3: {  	s0 =	stileid.u32;
	[bflag:$0x2] =	sbarrier.arrive $0xFFFF  }
0x1f4: {  	p0 =	sne.s32 s0, $0x0;
	s0 =	rddreg [dreg:$0x4]  }
0x1f5: {  	s0 =	sadd.s32 @!p0 $0x100000, s0  }
0x1f6: {  	[sflag:s0] =	ssyncadd.tile.s32 @!p0 $0x1;
	_ =	shalt  }
.Lfunc_end2:
_tile_overlayer_lowered:
.L_overlay_start_2:
0x1f7: {  	(tag) =	ssettag $0x2  }
0x1f8: {  	s0 =	rddreg [dreg:$0x0];
	s2 =	stileid.u32  }
0x1f9: {  	s1 =	rddreg [dreg:$0x1];
	p0 =	sne.s32 s2, $0x0  }
0x1fa: {  	s3 =	rddreg [dreg:$0x2];
	[bflag:$0x3] =	sbarrier.arrive $0xFFFF;
	s2 =	simm.s32 @!p0 $0x1C0B  }
0x1fb: {  	[timem:s3], [sflag:s2] =	dma.local @!p0 [hbm:s0], s1  }
0x1fc: {  	s0 =	simm.s32 @!p0 $0xB  }
0x1fd: {  	_ =	swait.ge @!p0 [sflag:s0], s1  }
0x1fe: {  	s1 =	ssub.s32 @!p0 $0x0, s1;
	[sflag:s0] =	ssyncset.done @!p0 $0x0  }
0x1ff: {  	[sflag:s0] =	ssyncadd.s32 @!p0 s1  }
0x200: {  	[bflag:$0x3] =	sbarrier.arrive $0xFFFF  }
0x201: {  	_ =	shalt  }

</sc_bundles>
